<compile_context>
chip_gen: v7x
topology: tpu7x:2x2x1
jax: 0.10.2.dev20260603
libtpu: 0.0.44.dev20260713+nightly
codegen_flags: <defaults>
</compile_context>

<pallas_src>
import functools

import numpy as np
import jax
import jax.numpy as jnp
from jax import lax
from jax.experimental import pallas as pl
from jax.experimental.pallas import tpu as pltpu
from jax.experimental.pallas import tpu_sc as plsc

N_NODES = 10000
D = 128
DH = D // 2

NC = 2
NS = 16
NW = NC * NS
CH = 64
N_PAD = 10240
RPT = N_PAD // NS

_COLS_A = (np.arange(DH) // 16) * 32 + np.arange(DH) % 16
_COLS_B = _COLS_A + 16

_RPT_CHUNKS = [(t * CH, CH) for t in range(RPT // CH)]
if RPT % CH:
    _RPT_CHUNKS.append(((RPT // CH) * CH, RPT % CH))

_LOG2 = 0.6931471805599453


def _softplus(x):
    return jnp.logaddexp(x, 0.0)


def _node_body(emb_ref, wiT_ref, bi_ref, wjT_ref, bj_ref, xi_ref, y_ref):
    x = _softplus(emb_ref[...]) - _LOG2
    xi_ref[...] = _softplus(
        jnp.dot(x, wiT_ref[...], preferred_element_type=jnp.float32) + bi_ref[...])
    y_ref[...] = _softplus(
        jnp.dot(x, wjT_ref[...], preferred_element_type=jnp.float32) + bj_ref[...])


def _node_stage(emb, wiT, bi2, wjT, bj2):
    nb = 1000
    return pl.pallas_call(
        _node_body,
        grid=(N_NODES // nb,),
        in_specs=[
            pl.BlockSpec((nb, D), lambda i: (i, 0)),
            pl.BlockSpec((D, D), lambda i: (0, 0)),
            pl.BlockSpec((1, D), lambda i: (0, 0)),
            pl.BlockSpec((D, D), lambda i: (0, 0)),
            pl.BlockSpec((1, D), lambda i: (0, 0)),
        ],
        out_specs=[pl.BlockSpec((nb, D), lambda i: (i, 0)),
                   pl.BlockSpec((nb, D), lambda i: (i, 0))],
        out_shape=[jax.ShapeDtypeStruct((N_NODES, D), jnp.float32),
                   jax.ShapeDtypeStruct((N_NODES, D), jnp.float32)],
    )(emb, wiT, bi2, wjT, bj2)


_FPB = 512


def _fp_stage(f_wide, wa, wb, e_pad):
    nrows = f_wide.shape[0]
    last_blk = (nrows - 1) // _FPB

    def body(f_ref, wa_ref, wb_ref, out_ref):
        i = pl.program_id(0)
        fb = f_ref[...]
        ma = jnp.dot(fb, wa_ref[...], preferred_element_type=jnp.float32)
        mb = jnp.dot(fb, wb_ref[...], preferred_element_type=jnp.float32)
        au = lax.bitcast_convert_type(ma, jnp.uint32) + 0x8000
        bu = lax.bitcast_convert_type(mb, jnp.uint32) + 0x8000
        out_ref[...] = (bu & jnp.uint32(0xFFFF0000)) | (au >> 16)

        @pl.when(i >= nrows // _FPB)
        def _mask_tail():
            row = lax.broadcasted_iota(jnp.int32, (_FPB, 8 * DH), 0) + i * _FPB
            out_ref[...] = jnp.where(row < nrows, out_ref[...], jnp.uint32(0))

    return pl.pallas_call(
        body,
        grid=(e_pad // 8 // _FPB,),
        in_specs=[
            pl.BlockSpec((_FPB, D), lambda i: (jnp.minimum(i, last_blk), 0)),
            pl.BlockSpec((D, 8 * DH), lambda i: (0, 0)),
            pl.BlockSpec((D, 8 * DH), lambda i: (0, 0)),
        ],
        out_specs=pl.BlockSpec((_FPB, 8 * DH), lambda i: (i, 0)),
        out_shape=jax.ShapeDtypeStruct((e_pad // 8, 8 * DH), jnp.uint32),
    )(f_wide, wa, wb)


def _make_edge_stage(e_pad):
    epw = e_pad // NW
    nchunk = epw // CH
    cnt0 = max(2, int(2 * nchunk * 0.66) // 2 * 2)
    cnt1 = 2 * nchunk - cnt0

    mesh = plsc.VectorSubcoreMesh(core_axis_name="c", subcore_axis_name="s")

    @functools.partial(
        pl.kernel,
        out_type=jax.ShapeDtypeStruct((NC * N_PAD, D), jnp.float32),
        mesh=mesh,
        scratch_types=[
            pltpu.VMEM((cnt0 * CH,), jnp.uint32),
            pltpu.VMEM((2, CH), jnp.int32),
            pltpu.VMEM((2, CH), jnp.int32),
            pltpu.VMEM((CH, D), jnp.float32),
            pltpu.VMEM((CH, D), jnp.float32),
            pltpu.VMEM((2, CH // 8, 8 * DH), jnp.uint32),
            pltpu.VMEM_SHARED((N_PAD, D), jnp.float32),
            pltpu.SemaphoreType.DMA,
            pltpu.SemaphoreType.DMA,
        ],
    )
    def edge_kernel(y_hbm, idx_hbm, fp_hbm, zeros_hbm, out_hbm,
                    pidx_v, idxj_r, idxi_r, rows0_v, rows1_v, fp_r,
                    acc_sh, sem0, sem1):
        c = lax.axis_index("c")
        s = lax.axis_index("s")
        row0 = s * RPT
        nch = jnp.where(c == 0, cnt0, cnt1)
        base0 = jnp.where(c == 0, s * cnt0, NS * cnt0 + s * cnt1) * CH

        pltpu.sync_copy(zeros_hbm, rows0_v)
        for off, n in _RPT_CHUNKS:
            pltpu.sync_copy(rows0_v.at[pl.ds(0, n)],
                            acc_sh.at[pl.ds(row0 + off, n)])

        pltpu.sync_copy(idx_hbm.at[pl.ds(base0, cnt0 * CH)], pidx_v)
        plsc.subcore_barrier()

        bufs = ((rows0_v, sem0), (rows1_v, sem1))

        def unpack_idx(kb, b):
            off = jnp.minimum(kb, nch - 1) * CH
            for g in range(CH // 16):
                u = pidx_v[pl.ds(off + g * 16, 16)]
                sl = pl.ds(g * 16, 16)
                idxj_r[b, sl] = (u >> 16).astype(jnp.int32)
                idxi_r[b, sl] = (u & 0xFFFF).astype(jnp.int32)

        def issue(kb, b):
            kc = jnp.minimum(kb, nch - 1)
            rows, sem = bufs[b]
            pltpu.async_copy(y_hbm.at[idxj_r.at[b]], rows, sem)
            pltpu.async_copy(
                fp_hbm.at[pl.ds(pl.multiple_of((base0 + kc * CH) // 8, 8),
                                CH // 8)],
                fp_r.at[b], sem)

        def drain(kb, b):
            kc = jnp.minimum(kb, nch - 1)
            rows, sem = bufs[b]
            pltpu.make_async_copy(y_hbm.at[idxj_r.at[b]], rows, sem).wait()
            pltpu.make_async_copy(
                fp_hbm.at[pl.ds(pl.multiple_of((base0 + kc * CH) // 8, 8),
                                CH // 8)],
                fp_r.at[b], sem).wait()

        unpack_idx(0, 0)
        issue(0, 0)
        unpack_idx(1, 1)
        issue(1, 1)

        himask = jnp.uint32(0xFFFF0000)

        def pair_body(i, carry):
            k = i * 2
            for b in range(2):
                kb = k + b
                rows, sem = bufs[b]
                drain(kb, b)

                def mul_body(q, c2):
                    fr = q >> 3
                    fc = (q & 7) * DH
                    ng = D // 32
                    ufs = [fp_r[b, fr, pl.ds(fc + g * 16, 16)]
                           for g in range(ng)]
                    ylos = [rows[q, pl.ds(g * 32, 16)] for g in range(ng)]
                    yhis = [rows[q, pl.ds(g * 32 + 16, 16)] for g in range(ng)]
                    plos = [y * lax.bitcast_convert_type(u << 16, jnp.float32)
                            for y, u in zip(ylos, ufs)]
                    phis = [y * lax.bitcast_convert_type(u & himask, jnp.float32)
                            for y, u in zip(yhis, ufs)]
                    for g in range(ng):
                        rows[q, pl.ds(g * 32, 16)] = plos[g]
                        rows[q, pl.ds(g * 32 + 16, 16)] = phis[g]
                    return c2

                lax.fori_loop(0, CH, mul_body, 0, unroll=4)
                pltpu.sync_copy(rows, acc_sh.at[idxi_r.at[b]], add=True)
                unpack_idx(kb + 2, b)
                issue(kb + 2, b)
            return carry

        lax.fori_loop(0, nch // 2, pair_body, 0)
        drain(nch, 0)
        drain(nch + 1, 1)
        plsc.subcore_barrier()

        out0 = c * N_PAD + row0
        for off, n in _RPT_CHUNKS:
            pltpu.sync_copy(acc_sh.at[pl.ds(row0 + off, n)],
                            rows0_v.at[pl.ds(0, n)])
            pltpu.sync_copy(rows0_v.at[pl.ds(0, n)],
                            out_hbm.at[pl.ds(out0 + off, n)])

    return edge_kernel


def _out_body(xi_ref, part_ref, emb_ref, w1T_ref, b1_ref, w2T_ref, b2_ref,
              wvT_ref, bv_ref, gate_ref, out_ref):
    m = xi_ref[...] + part_ref[0] + part_ref[1]
    for r in range(3):
        h = _softplus(
            jnp.dot(m, w1T_ref[r], preferred_element_type=jnp.float32)
            + b1_ref[r:r + 1, :])
        h = jnp.dot(h, w2T_ref[r], preferred_element_type=jnp.float32) \
            + b2_ref[r:r + 1, :]
        m = m + h
    v = jnp.dot(_softplus(m), wvT_ref[...],
                preferred_element_type=jnp.float32) + bv_ref[...]
    out_ref[...] = jax.nn.sigmoid(gate_ref[...]) * emb_ref[...] + v


def _out_stage(xi, parts3, emb, w1T, b1, w2T, b2, wvT, bv2, gate2):
    nb = 1000
    return pl.pallas_call(
        _out_body,
        grid=(N_NODES // nb,),
        in_specs=[
            pl.BlockSpec((nb, D), lambda i: (i, 0)),
            pl.BlockSpec((NC, nb, D), lambda i: (0, i, 0)),
            pl.BlockSpec((nb, D), lambda i: (i, 0)),
            pl.BlockSpec((3, D, D), lambda i: (0, 0, 0)),
            pl.BlockSpec((3, D), lambda i: (0, 0)),
            pl.BlockSpec((3, D, D), lambda i: (0, 0, 0)),
            pl.BlockSpec((3, D), lambda i: (0, 0)),
            pl.BlockSpec((D, D), lambda i: (0, 0)),
            pl.BlockSpec((1, D), lambda i: (0, 0)),
            pl.BlockSpec((1, D), lambda i: (0, 0)),
        ],
        out_specs=pl.BlockSpec((nb, D), lambda i: (i, 0)),
        out_shape=jax.ShapeDtypeStruct((N_NODES, D), jnp.float32),
    )(xi, parts3, emb, w1T, b1, w2T, b2, wvT, bv2, gate2)


def kernel(atomic_embedding, pair_indices, f_ij, d_ij, G, Wi, bi, Wj, bj,
           Wv, bv, res_W1, res_b1, res_W2, res_b2, gate):
    e = pair_indices.shape[1]
    npc = -(-e // (NW * CH))
    npc += npc % 2
    e_pad = NW * CH * npc
    pad = e_pad - e
    npc0 = max(2, int(2 * npc * 0.66) // 2 * 2)
    packed_idx = jnp.pad(
        (pair_indices[1].astype(jnp.uint32) << 16)
        | pair_indices[0].astype(jnp.uint32),
        (0, pad + (2 * npc0 - 2 * npc) * CH))

    gT = G.T
    eye8 = jnp.eye(8, dtype=jnp.float32)
    wa = jnp.kron(eye8, gT[:, _COLS_A]).astype(jnp.bfloat16)
    wb = jnp.kron(eye8, gT[:, _COLS_B]).astype(jnp.bfloat16)
    xi, y = _node_stage(atomic_embedding, Wi.T, bi.reshape(1, D),
                        Wj.T, bj.reshape(1, D))
    fpu = _fp_stage(f_ij.reshape(e // 8, 8 * 16).astype(jnp.bfloat16),
                    wa, wb, e_pad)

    zeros = jnp.zeros((CH, D), jnp.float32)
    parts = _make_edge_stage(e_pad)(y, packed_idx, fpu, zeros)
    parts3 = parts.reshape(NC, N_PAD, D)

    return _out_stage(xi, parts3, atomic_embedding,
                      res_W1.transpose(0, 2, 1), res_b1,
                      res_W2.transpose(0, 2, 1), res_b2,
                      Wv.T, bv.reshape(1, D), gate.reshape(1, D))

# --- scband reference (transcript-rebuilt; emitter-appended) ---
"""Pipeline reference for scband-phys-net-interaction-module-22058952032829 (READ-ONLY COPY).

The authoritative reference and input builder live on the scoring server;
editing this copy changes nothing except your own understanding.
"""

import jax, jax.numpy as jnp
import numpy as np

N_NODES = 10000
N_EDGES = 320000
D = 128
RBF = 16
N_RES = 3


def _softplus(x):
    return jnp.logaddexp(x, 0.0)


def _shifted_softplus(x):
    return _softplus(x) - jnp.log(2.0)


def setup_inputs(seed: int = 0) -> dict:
    key = jax.random.key(seed)
    ks = jax.random.split(key, 16)
    s = 0.05
    inp = {}
    inp["atomic_embedding"] = jax.random.normal(ks[0], (N_NODES, D), dtype=jnp.float32)
    inp["pair_indices"] = jax.random.randint(ks[1], (2, N_EDGES), 0, N_NODES)
    inp["f_ij"] = jax.random.uniform(ks[2], (N_EDGES, RBF), dtype=jnp.float32)
    inp["d_ij"] = jax.random.uniform(ks[3], (N_EDGES,), dtype=jnp.float32)
    # parameters
    inp["G"] = jax.random.normal(ks[4], (D, RBF), dtype=jnp.float32)
    inp["Wi"] = jax.random.normal(ks[5], (D, D), dtype=jnp.float32) * s
    inp["bi"] = jnp.zeros((D,), dtype=jnp.float32)
    inp["Wj"] = jax.random.normal(ks[6], (D, D), dtype=jnp.float32) * s
    inp["bj"] = jnp.zeros((D,), dtype=jnp.float32)
    inp["Wv"] = jax.random.normal(ks[7], (D, D), dtype=jnp.float32) * s
    inp["bv"] = jnp.zeros((D,), dtype=jnp.float32)
    inp["res_W1"] = jax.random.normal(ks[8], (N_RES, D, D), dtype=jnp.float32) * s
    inp["res_b1"] = jnp.zeros((N_RES, D), dtype=jnp.float32)
    inp["res_W2"] = jax.random.normal(ks[9], (N_RES, D, D), dtype=jnp.float32) * s
    inp["res_b2"] = jnp.zeros((N_RES, D), dtype=jnp.float32)
    inp["gate"] = jax.random.normal(ks[10], (D,), dtype=jnp.float32)
    return inp


def reference(atomic_embedding, pair_indices, f_ij, d_ij, G, Wi, bi, Wj, bj, Wv, bv, res_W1, res_b1, res_W2, res_b2, gate):
    idx_i = pair_indices[0]
    idx_j = pair_indices[1]
    # ShiftedSoftplus activation on embeddings
    x = _shifted_softplus(atomic_embedding)
    # interaction_i: Linear -> Softplus
    x_i_prime = _softplus(x @ Wi.T + bi)
    # interaction_j on gathered neighbor embeddings
    x_j_prime = _softplus(x[idx_j] @ Wj.T + bj)
    # AttentionMask: f_ij @ G.T -> [E, D]
    f_ij_prime = f_ij @ G.T
    x_j_modulated = x_j_prime * f_ij_prime
    # scatter_add over destination nodes
    summed_contributions = jax.ops.segment_sum(
        x_j_modulated, idx_i, num_segments=atomic_embedding.shape[0]
    )
    m = x_i_prime + summed_contributions
    # residual stack (preactivation residual blocks)
    for r in range(res_W1.shape[0]):
        h = _softplus(m @ res_W1[r].T + res_b1[r])
        h = h @ res_W2[r].T + res_b2[r]
        m = m + h
    # process_v: Softplus -> Linear
    v = _softplus(m) @ Wv.T + bv
    # gating on input embedding (PhysNet eq. 5: u * x + v)
    out = jax.nn.sigmoid(gate) * atomic_embedding + v
    return out


if False:  # reference __main__ guard neutralized (emitter)
    out = reference(**setup_inputs())
    print(out.shape, out.dtype)

if __name__ == "__main__":
    import jax
    _d = setup_inputs()
    print(jax.jit(kernel)(*tuple(_d.values())))

</pallas_src>

<mosaic_0001>
#map = affine_map<(d0, d1) -> (0, 0)>
#map1 = affine_map<(d0, d1) -> (0)>
module attributes {stable_mosaic.version = 14 : i64} {
  func.func @edge_kernel(%arg0: i32, %arg1: i32, %arg2: memref<10000x128xf32, #tpu.memory_space<hbm>>, %arg3: memref<329984xi32, #tpu.memory_space<hbm>>, %arg4: memref<40448x512xi32, #tpu.memory_space<hbm>>, %arg5: memref<64x128xf32, #tpu.memory_space<hbm>>, %arg6: memref<20480x128xf32, #tpu.memory_space<hbm>>, %arg7: memref<13312xi32, #tpu.memory_space<vmem>>, %arg8: memref<2x64xi32, #tpu.memory_space<vmem>>, %arg9: memref<2x64xi32, #tpu.memory_space<vmem>>, %arg10: memref<64x128xf32, #tpu.memory_space<vmem>>, %arg11: memref<64x128xf32, #tpu.memory_space<vmem>>, %arg12: memref<2x8x512xi32, #tpu.memory_space<vmem>>, %arg13: memref<10240x128xf32, #tpu.memory_space<vmem_shared>>, %arg14: memref<!tpu.dma_semaphore, #tpu.memory_space<semaphore_mem>>, %arg15: memref<!tpu.dma_semaphore, #tpu.memory_space<semaphore_mem>>) attributes {dimension_semantics = [#tpu.dimension_semantics<core_parallel>, #tpu.dimension_semantics<subcore_parallel>], iteration_bounds = array<i64: 2, 16>, scalar_prefetch = 0 : i64, scratch_operands = 9 : i64, tpu.core_type = #tpu.core_type<sc_vector_subcore>, window_params = [{transform_indices = #map}, {transform_indices = #map1}, {transform_indices = #map}, {transform_indices = #map}, {transform_indices = #map}]} {
    %mul3A = arith.constant 640 : i32
    %mul3A_0 = arith.muli %arg1, %mul3A : i32
    %eq3A = arith.constant 0 : i32
    %eq3A_1 = arith.cmpi eq, %arg0, %eq3A : i32
    %jit3A = arith.constant 208 : i32
    %jit3A_2 = arith.constant 108 : i32
    %select_n3A = arith.select %eq3A_1, %jit3A, %jit3A_2 : i32
    %eq3A_3 = arith.constant 0 : i32
    %eq3A_4 = arith.cmpi eq, %arg0, %eq3A_3 : i32
    %mul3A_5 = arith.constant 208 : i32
    %mul3A_6 = arith.muli %arg1, %mul3A_5 : i32
    %mul3A_7 = arith.constant 108 : i32
    %mul3A_8 = arith.muli %arg1, %mul3A_7 : i32
    %add3A = arith.constant 3328 : i32
    %add3A_9 = arith.addi %add3A, %mul3A_8 : i32
    %select_n3A_10 = arith.select %eq3A_4, %mul3A_6, %add3A_9 : i32
    %mul3A_11 = arith.constant 64 : i32
    %mul3A_12 = arith.muli %select_n3A_10, %mul3A_11 : i32
    "tpu.region"() ({
      %run_scoped3A = tpu.sem_alloc : memref<!tpu.dma_semaphore, #tpu.memory_space<semaphore_mem>>
      tpu.enqueue_dma source(%arg5 : memref<64x128xf32, #tpu.memory_space<hbm>>) target(%arg10 : memref<64x128xf32, #tpu.memory_space<vmem>>) target_semaphore(%run_scoped3A : memref<!tpu.dma_semaphore, #tpu.memory_space<semaphore_mem>>)
      tpu.wait_dma2 semaphore(%run_scoped3A : memref<!tpu.dma_semaphore, #tpu.memory_space<semaphore_mem>>) src(%arg5 : memref<64x128xf32, #tpu.memory_space<hbm>>) dst(%arg10 : memref<64x128xf32, #tpu.memory_space<vmem>>)
      tpu.yield
    }) : () -> ()
    %add3A_13 = arith.constant 0 : i32
    %add3A_14 = arith.addi %mul3A_0, %add3A_13 : i32
    "tpu.region"() ({
      %run_scoped3A = tpu.sem_alloc : memref<!tpu.dma_semaphore, #tpu.memory_space<semaphore_mem>>
      %dma_start3A_502 = arith.constant 0 : i32
      %dma_start3A_503 = arith.constant 0 : i32
      %dma_start3A_504 = tpu.memref_slice %arg10[%dma_start3A_502, %dma_start3A_503] : memref<64x128xf32, #tpu.memory_space<vmem>> -> memref<64x128xf32, #tpu.memory_space<vmem>>
      %dma_start3A_505 = arith.constant 0 : i32
      %dma_start3A_506 = tpu.memref_slice %arg13[%add3A_14, %dma_start3A_505] : memref<10240x128xf32, #tpu.memory_space<vmem_shared>> -> memref<64x128xf32, #tpu.memory_space<vmem_shared>>
      %dma_start3A_507 = arith.constant 0 : i32
      %dma_start3A_508 = tpu.memref_slice %arg13[%add3A_14, %dma_start3A_507] : memref<10240x128xf32, #tpu.memory_space<vmem_shared>> -> memref<64x128xf32, #tpu.memory_space<vmem_shared>>
      %dma_start3A_509 = arith.constant 0 : i32
      %dma_start3A_510 = arith.constant 0 : i32
      %dma_start3A_511 = tpu.memref_slice %arg10[%dma_start3A_509, %dma_start3A_510] : memref<64x128xf32, #tpu.memory_space<vmem>> -> memref<64x128xf32, #tpu.memory_space<vmem>>
      tpu.enqueue_dma source(%dma_start3A_511 : memref<64x128xf32, #tpu.memory_space<vmem>>) target(%dma_start3A_508 : memref<64x128xf32, #tpu.memory_space<vmem_shared>>) target_semaphore(%run_scoped3A : memref<!tpu.dma_semaphore, #tpu.memory_space<semaphore_mem>>)
      %dma_wait3A_512 = arith.constant 0 : i32
      %dma_wait3A_513 = arith.constant 0 : i32
      %dma_wait3A_514 = tpu.memref_slice %arg10[%dma_wait3A_512, %dma_wait3A_513] : memref<64x128xf32, #tpu.memory_space<vmem>> -> memref<64x128xf32, #tpu.memory_space<vmem>>
      %dma_wait3A_515 = arith.constant 0 : i32
      %dma_wait3A_516 = tpu.memref_slice %arg13[%add3A_14, %dma_wait3A_515] : memref<10240x128xf32, #tpu.memory_space<vmem_shared>> -> memref<64x128xf32, #tpu.memory_space<vmem_shared>>
      %dma_wait3A_517 = arith.constant 0 : i32
      %dma_wait3A_518 = tpu.memref_slice %arg13[%add3A_14, %dma_wait3A_517] : memref<10240x128xf32, #tpu.memory_space<vmem_shared>> -> memref<64x128xf32, #tpu.memory_space<vmem_shared>>
      %dma_wait3A_519 = arith.constant 0 : i32
      %dma_wait3A_520 = arith.constant 0 : i32
      %dma_wait3A_521 = tpu.memref_slice %arg10[%dma_wait3A_519, %dma_wait3A_520] : memref<64x128xf32, #tpu.memory_space<vmem>> -> memref<64x128xf32, #tpu.memory_space<vmem>>
      tpu.wait_dma2 semaphore(%run_scoped3A : memref<!tpu.dma_semaphore, #tpu.memory_space<semaphore_mem>>) src(%dma_wait3A_521 : memref<64x128xf32, #tpu.memory_space<vmem>>) dst(%dma_wait3A_518 : memref<64x128xf32, #tpu.memory_space<vmem_shared>>)
      tpu.yield
    }) : () -> ()
    %add3A_15 = arith.constant 64 : i32
    %add3A_16 = arith.addi %mul3A_0, %add3A_15 : i32
    "tpu.region"() ({
      %run_scoped3A = tpu.sem_alloc : memref<!tpu.dma_semaphore, #tpu.memory_space<semaphore_mem>>
      %dma_start3A_502 = arith.constant 0 : i32
      %dma_start3A_503 = arith.constant 0 : i32
      %dma_start3A_504 = tpu.memref_slice %arg10[%dma_start3A_502, %dma_start3A_503] : memref<64x128xf32, #tpu.memory_space<vmem>> -> memref<64x128xf32, #tpu.memory_space<vmem>>
      %dma_start3A_505 = arith.constant 0 : i32
      %dma_start3A_506 = tpu.memref_slice %arg13[%add3A_16, %dma_start3A_505] : memref<10240x128xf32, #tpu.memory_space<vmem_shared>> -> memref<64x128xf32, #tpu.memory_space<vmem_shared>>
      %dma_start3A_507 = arith.constant 0 : i32
      %dma_start3A_508 = tpu.memref_slice %arg13[%add3A_16, %dma_start3A_507] : memref<10240x128xf32, #tpu.memory_space<vmem_shared>> -> memref<64x128xf32, #tpu.memory_space<vmem_shared>>
      %dma_start3A_509 = arith.constant 0 : i32
      %dma_start3A_510 = arith.constant 0 : i32
      %dma_start3A_511 = tpu.memref_slice %arg10[%dma_start3A_509, %dma_start3A_510] : memref<64x128xf32, #tpu.memory_space<vmem>> -> memref<64x128xf32, #tpu.memory_space<vmem>>
      tpu.enqueue_dma source(%dma_start3A_511 : memref<64x128xf32, #tpu.memory_space<vmem>>) target(%dma_start3A_508 : memref<64x128xf32, #tpu.memory_space<vmem_shared>>) target_semaphore(%run_scoped3A : memref<!tpu.dma_semaphore, #tpu.memory_space<semaphore_mem>>)
      %dma_wait3A_512 = arith.constant 0 : i32
      %dma_wait3A_513 = arith.constant 0 : i32
      %dma_wait3A_514 = tpu.memref_slice %arg10[%dma_wait3A_512, %dma_wait3A_513] : memref<64x128xf32, #tpu.memory_space<vmem>> -> memref<64x128xf32, #tpu.memory_space<vmem>>
      %dma_wait3A_515 = arith.constant 0 : i32
      %dma_wait3A_516 = tpu.memref_slice %arg13[%add3A_16, %dma_wait3A_515] : memref<10240x128xf32, #tpu.memory_space<vmem_shared>> -> memref<64x128xf32, #tpu.memory_space<vmem_shared>>
      %dma_wait3A_517 = arith.constant 0 : i32
      %dma_wait3A_518 = tpu.memref_slice %arg13[%add3A_16, %dma_wait3A_517] : memref<10240x128xf32, #tpu.memory_space<vmem_shared>> -> memref<64x128xf32, #tpu.memory_space<vmem_shared>>
      %dma_wait3A_519 = arith.constant 0 : i32
      %dma_wait3A_520 = arith.constant 0 : i32
      %dma_wait3A_521 = tpu.memref_slice %arg10[%dma_wait3A_519, %dma_wait3A_520] : memref<64x128xf32, #tpu.memory_space<vmem>> -> memref<64x128xf32, #tpu.memory_space<vmem>>
      tpu.wait_dma2 semaphore(%run_scoped3A : memref<!tpu.dma_semaphore, #tpu.memory_space<semaphore_mem>>) src(%dma_wait3A_521 : memref<64x128xf32, #tpu.memory_space<vmem>>) dst(%dma_wait3A_518 : memref<64x128xf32, #tpu.memory_space<vmem_shared>>)
      tpu.yield
    }) : () -> ()
    %add3A_17 = arith.constant 128 : i32
    %add3A_18 = arith.addi %mul3A_0, %add3A_17 : i32
    "tpu.region"() ({
      %run_scoped3A = tpu.sem_alloc : memref<!tpu.dma_semaphore, #tpu.memory_space<semaphore_mem>>
      %dma_start3A_502 = arith.constant 0 : i32
      %dma_start3A_503 = arith.constant 0 : i32
      %dma_start3A_504 = tpu.memref_slice %arg10[%dma_start3A_502, %dma_start3A_503] : memref<64x128xf32, #tpu.memory_space<vmem>> -> memref<64x128xf32, #tpu.memory_space<vmem>>
      %dma_start3A_505 = arith.constant 0 : i32
      %dma_start3A_506 = tpu.memref_slice %arg13[%add3A_18, %dma_start3A_505] : memref<10240x128xf32, #tpu.memory_space<vmem_shared>> -> memref<64x128xf32, #tpu.memory_space<vmem_shared>>
      %dma_start3A_507 = arith.constant 0 : i32
      %dma_start3A_508 = tpu.memref_slice %arg13[%add3A_18, %dma_start3A_507] : memref<10240x128xf32, #tpu.memory_space<vmem_shared>> -> memref<64x128xf32, #tpu.memory_space<vmem_shared>>
      %dma_start3A_509 = arith.constant 0 : i32
      %dma_start3A_510 = arith.constant 0 : i32
      %dma_start3A_511 = tpu.memref_slice %arg10[%dma_start3A_509, %dma_start3A_510] : memref<64x128xf32, #tpu.memory_space<vmem>> -> memref<64x128xf32, #tpu.memory_space<vmem>>
      tpu.enqueue_dma source(%dma_start3A_511 : memref<64x128xf32, #tpu.memory_space<vmem>>) target(%dma_start3A_508 : memref<64x128xf32, #tpu.memory_space<vmem_shared>>) target_semaphore(%run_scoped3A : memref<!tpu.dma_semaphore, #tpu.memory_space<semaphore_mem>>)
      %dma_wait3A_512 = arith.constant 0 : i32
      %dma_wait3A_513 = arith.constant 0 : i32
      %dma_wait3A_514 = tpu.memref_slice %arg10[%dma_wait3A_512, %dma_wait3A_513] : memref<64x128xf32, #tpu.memory_space<vmem>> -> memref<64x128xf32, #tpu.memory_space<vmem>>
      %dma_wait3A_515 = arith.constant 0 : i32
      %dma_wait3A_516 = tpu.memref_slice %arg13[%add3A_18, %dma_wait3A_515] : memref<10240x128xf32, #tpu.memory_space<vmem_shared>> -> memref<64x128xf32, #tpu.memory_space<vmem_shared>>
      %dma_wait3A_517 = arith.constant 0 : i32
      %dma_wait3A_518 = tpu.memref_slice %arg13[%add3A_18, %dma_wait3A_517] : memref<10240x128xf32, #tpu.memory_space<vmem_shared>> -> memref<64x128xf32, #tpu.memory_space<vmem_shared>>
      %dma_wait3A_519 = arith.constant 0 : i32
      %dma_wait3A_520 = arith.constant 0 : i32
      %dma_wait3A_521 = tpu.memref_slice %arg10[%dma_wait3A_519, %dma_wait3A_520] : memref<64x128xf32, #tpu.memory_space<vmem>> -> memref<64x128xf32, #tpu.memory_space<vmem>>
      tpu.wait_dma2 semaphore(%run_scoped3A : memref<!tpu.dma_semaphore, #tpu.memory_space<semaphore_mem>>) src(%dma_wait3A_521 : memref<64x128xf32, #tpu.memory_space<vmem>>) dst(%dma_wait3A_518 : memref<64x128xf32, #tpu.memory_space<vmem_shared>>)
      tpu.yield
    }) : () -> ()
    %add3A_19 = arith.constant 192 : i32
    %add3A_20 = arith.addi %mul3A_0, %add3A_19 : i32
    "tpu.region"() ({
      %run_scoped3A = tpu.sem_alloc : memref<!tpu.dma_semaphore, #tpu.memory_space<semaphore_mem>>
      %dma_start3A_502 = arith.constant 0 : i32
      %dma_start3A_503 = arith.constant 0 : i32
      %dma_start3A_504 = tpu.memref_slice %arg10[%dma_start3A_502, %dma_start3A_503] : memref<64x128xf32, #tpu.memory_space<vmem>> -> memref<64x128xf32, #tpu.memory_space<vmem>>
      %dma_start3A_505 = arith.constant 0 : i32
      %dma_start3A_506 = tpu.memref_slice %arg13[%add3A_20, %dma_start3A_505] : memref<10240x128xf32, #tpu.memory_space<vmem_shared>> -> memref<64x128xf32, #tpu.memory_space<vmem_shared>>
      %dma_start3A_507 = arith.constant 0 : i32
      %dma_start3A_508 = tpu.memref_slice %arg13[%add3A_20, %dma_start3A_507] : memref<10240x128xf32, #tpu.memory_space<vmem_shared>> -> memref<64x128xf32, #tpu.memory_space<vmem_shared>>
      %dma_start3A_509 = arith.constant 0 : i32
      %dma_start3A_510 = arith.constant 0 : i32
      %dma_start3A_511 = tpu.memref_slice %arg10[%dma_start3A_509, %dma_start3A_510] : memref<64x128xf32, #tpu.memory_space<vmem>> -> memref<64x128xf32, #tpu.memory_space<vmem>>
      tpu.enqueue_dma source(%dma_start3A_511 : memref<64x128xf32, #tpu.memory_space<vmem>>) target(%dma_start3A_508 : memref<64x128xf32, #tpu.memory_space<vmem_shared>>) target_semaphore(%run_scoped3A : memref<!tpu.dma_semaphore, #tpu.memory_space<semaphore_mem>>)
      %dma_wait3A_512 = arith.constant 0 : i32
      %dma_wait3A_513 = arith.constant 0 : i32
      %dma_wait3A_514 = tpu.memref_slice %arg10[%dma_wait3A_512, %dma_wait3A_513] : memref<64x128xf32, #tpu.memory_space<vmem>> -> memref<64x128xf32, #tpu.memory_space<vmem>>
      %dma_wait3A_515 = arith.constant 0 : i32
      %dma_wait3A_516 = tpu.memref_slice %arg13[%add3A_20, %dma_wait3A_515] : memref<10240x128xf32, #tpu.memory_space<vmem_shared>> -> memref<64x128xf32, #tpu.memory_space<vmem_shared>>
      %dma_wait3A_517 = arith.constant 0 : i32
      %dma_wait3A_518 = tpu.memref_slice %arg13[%add3A_20, %dma_wait3A_517] : memref<10240x128xf32, #tpu.memory_space<vmem_shared>> -> memref<64x128xf32, #tpu.memory_space<vmem_shared>>
      %dma_wait3A_519 = arith.constant 0 : i32
      %dma_wait3A_520 = arith.constant 0 : i32
      %dma_wait3A_521 = tpu.memref_slice %arg10[%dma_wait3A_519, %dma_wait3A_520] : memref<64x128xf32, #tpu.memory_space<vmem>> -> memref<64x128xf32, #tpu.memory_space<vmem>>
      tpu.wait_dma2 semaphore(%run_scoped3A : memref<!tpu.dma_semaphore, #tpu.memory_space<semaphore_mem>>) src(%dma_wait3A_521 : memref<64x128xf32, #tpu.memory_space<vmem>>) dst(%dma_wait3A_518 : memref<64x128xf32, #tpu.memory_space<vmem_shared>>)
      tpu.yield
    }) : () -> ()
    %add3A_21 = arith.constant 256 : i32
    %add3A_22 = arith.addi %mul3A_0, %add3A_21 : i32
    "tpu.region"() ({
      %run_scoped3A = tpu.sem_alloc : memref<!tpu.dma_semaphore, #tpu.memory_space<semaphore_mem>>
      %dma_start3A_502 = arith.constant 0 : i32
      %dma_start3A_503 = arith.constant 0 : i32
      %dma_start3A_504 = tpu.memref_slice %arg10[%dma_start3A_502, %dma_start3A_503] : memref<64x128xf32, #tpu.memory_space<vmem>> -> memref<64x128xf32, #tpu.memory_space<vmem>>
      %dma_start3A_505 = arith.constant 0 : i32
      %dma_start3A_506 = tpu.memref_slice %arg13[%add3A_22, %dma_start3A_505] : memref<10240x128xf32, #tpu.memory_space<vmem_shared>> -> memref<64x128xf32, #tpu.memory_space<vmem_shared>>
      %dma_start3A_507 = arith.constant 0 : i32
      %dma_start3A_508 = tpu.memref_slice %arg13[%add3A_22, %dma_start3A_507] : memref<10240x128xf32, #tpu.memory_space<vmem_shared>> -> memref<64x128xf32, #tpu.memory_space<vmem_shared>>
      %dma_start3A_509 = arith.constant 0 : i32
      %dma_start3A_510 = arith.constant 0 : i32
      %dma_start3A_511 = tpu.memref_slice %arg10[%dma_start3A_509, %dma_start3A_510] : memref<64x128xf32, #tpu.memory_space<vmem>> -> memref<64x128xf32, #tpu.memory_space<vmem>>
      tpu.enqueue_dma source(%dma_start3A_511 : memref<64x128xf32, #tpu.memory_space<vmem>>) target(%dma_start3A_508 : memref<64x128xf32, #tpu.memory_space<vmem_shared>>) target_semaphore(%run_scoped3A : memref<!tpu.dma_semaphore, #tpu.memory_space<semaphore_mem>>)
      %dma_wait3A_512 = arith.constant 0 : i32
      %dma_wait3A_513 = arith.constant 0 : i32
      %dma_wait3A_514 = tpu.memref_slice %arg10[%dma_wait3A_512, %dma_wait3A_513] : memref<64x128xf32, #tpu.memory_space<vmem>> -> memref<64x128xf32, #tpu.memory_space<vmem>>
      %dma_wait3A_515 = arith.constant 0 : i32
      %dma_wait3A_516 = tpu.memref_slice %arg13[%add3A_22, %dma_wait3A_515] : memref<10240x128xf32, #tpu.memory_space<vmem_shared>> -> memref<64x128xf32, #tpu.memory_space<vmem_shared>>
      %dma_wait3A_517 = arith.constant 0 : i32
      %dma_wait3A_518 = tpu.memref_slice %arg13[%add3A_22, %dma_wait3A_517] : memref<10240x128xf32, #tpu.memory_space<vmem_shared>> -> memref<64x128xf32, #tpu.memory_space<vmem_shared>>
      %dma_wait3A_519 = arith.constant 0 : i32
      %dma_wait3A_520 = arith.constant 0 : i32
      %dma_wait3A_521 = tpu.memref_slice %arg10[%dma_wait3A_519, %dma_wait3A_520] : memref<64x128xf32, #tpu.memory_space<vmem>> -> memref<64x128xf32, #tpu.memory_space<vmem>>
      tpu.wait_dma2 semaphore(%run_scoped3A : memref<!tpu.dma_semaphore, #tpu.memory_space<semaphore_mem>>) src(%dma_wait3A_521 : memref<64x128xf32, #tpu.memory_space<vmem>>) dst(%dma_wait3A_518 : memref<64x128xf32, #tpu.memory_space<vmem_shared>>)
      tpu.yield
    }) : () -> ()
    %add3A_23 = arith.constant 320 : i32
    %add3A_24 = arith.addi %mul3A_0, %add3A_23 : i32
    "tpu.region"() ({
      %run_scoped3A = tpu.sem_alloc : memref<!tpu.dma_semaphore, #tpu.memory_space<semaphore_mem>>
      %dma_start3A_502 = arith.constant 0 : i32
      %dma_start3A_503 = arith.constant 0 : i32
      %dma_start3A_504 = tpu.memref_slice %arg10[%dma_start3A_502, %dma_start3A_503] : memref<64x128xf32, #tpu.memory_space<vmem>> -> memref<64x128xf32, #tpu.memory_space<vmem>>
      %dma_start3A_505 = arith.constant 0 : i32
      %dma_start3A_506 = tpu.memref_slice %arg13[%add3A_24, %dma_start3A_505] : memref<10240x128xf32, #tpu.memory_space<vmem_shared>> -> memref<64x128xf32, #tpu.memory_space<vmem_shared>>
      %dma_start3A_507 = arith.constant 0 : i32
      %dma_start3A_508 = tpu.memref_slice %arg13[%add3A_24, %dma_start3A_507] : memref<10240x128xf32, #tpu.memory_space<vmem_shared>> -> memref<64x128xf32, #tpu.memory_space<vmem_shared>>
      %dma_start3A_509 = arith.constant 0 : i32
      %dma_start3A_510 = arith.constant 0 : i32
      %dma_start3A_511 = tpu.memref_slice %arg10[%dma_start3A_509, %dma_start3A_510] : memref<64x128xf32, #tpu.memory_space<vmem>> -> memref<64x128xf32, #tpu.memory_space<vmem>>
      tpu.enqueue_dma source(%dma_start3A_511 : memref<64x128xf32, #tpu.memory_space<vmem>>) target(%dma_start3A_508 : memref<64x128xf32, #tpu.memory_space<vmem_shared>>) target_semaphore(%run_scoped3A : memref<!tpu.dma_semaphore, #tpu.memory_space<semaphore_mem>>)
      %dma_wait3A_512 = arith.constant 0 : i32
      %dma_wait3A_513 = arith.constant 0 : i32
      %dma_wait3A_514 = tpu.memref_slice %arg10[%dma_wait3A_512, %dma_wait3A_513] : memref<64x128xf32, #tpu.memory_space<vmem>> -> memref<64x128xf32, #tpu.memory_space<vmem>>
      %dma_wait3A_515 = arith.constant 0 : i32
      %dma_wait3A_516 = tpu.memref_slice %arg13[%add3A_24, %dma_wait3A_515] : memref<10240x128xf32, #tpu.memory_space<vmem_shared>> -> memref<64x128xf32, #tpu.memory_space<vmem_shared>>
      %dma_wait3A_517 = arith.constant 0 : i32
      %dma_wait3A_518 = tpu.memref_slice %arg13[%add3A_24, %dma_wait3A_517] : memref<10240x128xf32, #tpu.memory_space<vmem_shared>> -> memref<64x128xf32, #tpu.memory_space<vmem_shared>>
      %dma_wait3A_519 = arith.constant 0 : i32
      %dma_wait3A_520 = arith.constant 0 : i32
      %dma_wait3A_521 = tpu.memref_slice %arg10[%dma_wait3A_519, %dma_wait3A_520] : memref<64x128xf32, #tpu.memory_space<vmem>> -> memref<64x128xf32, #tpu.memory_space<vmem>>
      tpu.wait_dma2 semaphore(%run_scoped3A : memref<!tpu.dma_semaphore, #tpu.memory_space<semaphore_mem>>) src(%dma_wait3A_521 : memref<64x128xf32, #tpu.memory_space<vmem>>) dst(%dma_wait3A_518 : memref<64x128xf32, #tpu.memory_space<vmem_shared>>)
      tpu.yield
    }) : () -> ()
    %add3A_25 = arith.constant 384 : i32
    %add3A_26 = arith.addi %mul3A_0, %add3A_25 : i32
    "tpu.region"() ({
      %run_scoped3A = tpu.sem_alloc : memref<!tpu.dma_semaphore, #tpu.memory_space<semaphore_mem>>
      %dma_start3A_502 = arith.constant 0 : i32
      %dma_start3A_503 = arith.constant 0 : i32
      %dma_start3A_504 = tpu.memref_slice %arg10[%dma_start3A_502, %dma_start3A_503] : memref<64x128xf32, #tpu.memory_space<vmem>> -> memref<64x128xf32, #tpu.memory_space<vmem>>
      %dma_start3A_505 = arith.constant 0 : i32
      %dma_start3A_506 = tpu.memref_slice %arg13[%add3A_26, %dma_start3A_505] : memref<10240x128xf32, #tpu.memory_space<vmem_shared>> -> memref<64x128xf32, #tpu.memory_space<vmem_shared>>
      %dma_start3A_507 = arith.constant 0 : i32
      %dma_start3A_508 = tpu.memref_slice %arg13[%add3A_26, %dma_start3A_507] : memref<10240x128xf32, #tpu.memory_space<vmem_shared>> -> memref<64x128xf32, #tpu.memory_space<vmem_shared>>
      %dma_start3A_509 = arith.constant 0 : i32
      %dma_start3A_510 = arith.constant 0 : i32
      %dma_start3A_511 = tpu.memref_slice %arg10[%dma_start3A_509, %dma_start3A_510] : memref<64x128xf32, #tpu.memory_space<vmem>> -> memref<64x128xf32, #tpu.memory_space<vmem>>
      tpu.enqueue_dma source(%dma_start3A_511 : memref<64x128xf32, #tpu.memory_space<vmem>>) target(%dma_start3A_508 : memref<64x128xf32, #tpu.memory_space<vmem_shared>>) target_semaphore(%run_scoped3A : memref<!tpu.dma_semaphore, #tpu.memory_space<semaphore_mem>>)
      %dma_wait3A_512 = arith.constant 0 : i32
      %dma_wait3A_513 = arith.constant 0 : i32
      %dma_wait3A_514 = tpu.memref_slice %arg10[%dma_wait3A_512, %dma_wait3A_513] : memref<64x128xf32, #tpu.memory_space<vmem>> -> memref<64x128xf32, #tpu.memory_space<vmem>>
      %dma_wait3A_515 = arith.constant 0 : i32
      %dma_wait3A_516 = tpu.memref_slice %arg13[%add3A_26, %dma_wait3A_515] : memref<10240x128xf32, #tpu.memory_space<vmem_shared>> -> memref<64x128xf32, #tpu.memory_space<vmem_shared>>
      %dma_wait3A_517 = arith.constant 0 : i32
      %dma_wait3A_518 = tpu.memref_slice %arg13[%add3A_26, %dma_wait3A_517] : memref<10240x128xf32, #tpu.memory_space<vmem_shared>> -> memref<64x128xf32, #tpu.memory_space<vmem_shared>>
      %dma_wait3A_519 = arith.constant 0 : i32
      %dma_wait3A_520 = arith.constant 0 : i32
      %dma_wait3A_521 = tpu.memref_slice %arg10[%dma_wait3A_519, %dma_wait3A_520] : memref<64x128xf32, #tpu.memory_space<vmem>> -> memref<64x128xf32, #tpu.memory_space<vmem>>
      tpu.wait_dma2 semaphore(%run_scoped3A : memref<!tpu.dma_semaphore, #tpu.memory_space<semaphore_mem>>) src(%dma_wait3A_521 : memref<64x128xf32, #tpu.memory_space<vmem>>) dst(%dma_wait3A_518 : memref<64x128xf32, #tpu.memory_space<vmem_shared>>)
      tpu.yield
    }) : () -> ()
    %add3A_27 = arith.constant 448 : i32
    %add3A_28 = arith.addi %mul3A_0, %add3A_27 : i32
    "tpu.region"() ({
      %run_scoped3A = tpu.sem_alloc : memref<!tpu.dma_semaphore, #tpu.memory_space<semaphore_mem>>
      %dma_start3A_502 = arith.constant 0 : i32
      %dma_start3A_503 = arith.constant 0 : i32
      %dma_start3A_504 = tpu.memref_slice %arg10[%dma_start3A_502, %dma_start3A_503] : memref<64x128xf32, #tpu.memory_space<vmem>> -> memref<64x128xf32, #tpu.memory_space<vmem>>
      %dma_start3A_505 = arith.constant 0 : i32
      %dma_start3A_506 = tpu.memref_slice %arg13[%add3A_28, %dma_start3A_505] : memref<10240x128xf32, #tpu.memory_space<vmem_shared>> -> memref<64x128xf32, #tpu.memory_space<vmem_shared>>
      %dma_start3A_507 = arith.constant 0 : i32
      %dma_start3A_508 = tpu.memref_slice %arg13[%add3A_28, %dma_start3A_507] : memref<10240x128xf32, #tpu.memory_space<vmem_shared>> -> memref<64x128xf32, #tpu.memory_space<vmem_shared>>
      %dma_start3A_509 = arith.constant 0 : i32
      %dma_start3A_510 = arith.constant 0 : i32
      %dma_start3A_511 = tpu.memref_slice %arg10[%dma_start3A_509, %dma_start3A_510] : memref<64x128xf32, #tpu.memory_space<vmem>> -> memref<64x128xf32, #tpu.memory_space<vmem>>
      tpu.enqueue_dma source(%dma_start3A_511 : memref<64x128xf32, #tpu.memory_space<vmem>>) target(%dma_start3A_508 : memref<64x128xf32, #tpu.memory_space<vmem_shared>>) target_semaphore(%run_scoped3A : memref<!tpu.dma_semaphore, #tpu.memory_space<semaphore_mem>>)
      %dma_wait3A_512 = arith.constant 0 : i32
      %dma_wait3A_513 = arith.constant 0 : i32
      %dma_wait3A_514 = tpu.memref_slice %arg10[%dma_wait3A_512, %dma_wait3A_513] : memref<64x128xf32, #tpu.memory_space<vmem>> -> memref<64x128xf32, #tpu.memory_space<vmem>>
      %dma_wait3A_515 = arith.constant 0 : i32
      %dma_wait3A_516 = tpu.memref_slice %arg13[%add3A_28, %dma_wait3A_515] : memref<10240x128xf32, #tpu.memory_space<vmem_shared>> -> memref<64x128xf32, #tpu.memory_space<vmem_shared>>
      %dma_wait3A_517 = arith.constant 0 : i32
      %dma_wait3A_518 = tpu.memref_slice %arg13[%add3A_28, %dma_wait3A_517] : memref<10240x128xf32, #tpu.memory_space<vmem_shared>> -> memref<64x128xf32, #tpu.memory_space<vmem_shared>>
      %dma_wait3A_519 = arith.constant 0 : i32
      %dma_wait3A_520 = arith.constant 0 : i32
      %dma_wait3A_521 = tpu.memref_slice %arg10[%dma_wait3A_519, %dma_wait3A_520] : memref<64x128xf32, #tpu.memory_space<vmem>> -> memref<64x128xf32, #tpu.memory_space<vmem>>
      tpu.wait_dma2 semaphore(%run_scoped3A : memref<!tpu.dma_semaphore, #tpu.memory_space<semaphore_mem>>) src(%dma_wait3A_521 : memref<64x128xf32, #tpu.memory_space<vmem>>) dst(%dma_wait3A_518 : memref<64x128xf32, #tpu.memory_space<vmem_shared>>)
      tpu.yield
    }) : () -> ()
    %add3A_29 = arith.constant 512 : i32
    %add3A_30 = arith.addi %mul3A_0, %add3A_29 : i32
    "tpu.region"() ({
      %run_scoped3A = tpu.sem_alloc : memref<!tpu.dma_semaphore, #tpu.memory_space<semaphore_mem>>
      %dma_start3A_502 = arith.constant 0 : i32
      %dma_start3A_503 = arith.constant 0 : i32
      %dma_start3A_504 = tpu.memref_slice %arg10[%dma_start3A_502, %dma_start3A_503] : memref<64x128xf32, #tpu.memory_space<vmem>> -> memref<64x128xf32, #tpu.memory_space<vmem>>
      %dma_start3A_505 = arith.constant 0 : i32
      %dma_start3A_506 = tpu.memref_slice %arg13[%add3A_30, %dma_start3A_505] : memref<10240x128xf32, #tpu.memory_space<vmem_shared>> -> memref<64x128xf32, #tpu.memory_space<vmem_shared>>
      %dma_start3A_507 = arith.constant 0 : i32
      %dma_start3A_508 = tpu.memref_slice %arg13[%add3A_30, %dma_start3A_507] : memref<10240x128xf32, #tpu.memory_space<vmem_shared>> -> memref<64x128xf32, #tpu.memory_space<vmem_shared>>
      %dma_start3A_509 = arith.constant 0 : i32
      %dma_start3A_510 = arith.constant 0 : i32
      %dma_start3A_511 = tpu.memref_slice %arg10[%dma_start3A_509, %dma_start3A_510] : memref<64x128xf32, #tpu.memory_space<vmem>> -> memref<64x128xf32, #tpu.memory_space<vmem>>
      tpu.enqueue_dma source(%dma_start3A_511 : memref<64x128xf32, #tpu.memory_space<vmem>>) target(%dma_start3A_508 : memref<64x128xf32, #tpu.memory_space<vmem_shared>>) target_semaphore(%run_scoped3A : memref<!tpu.dma_semaphore, #tpu.memory_space<semaphore_mem>>)
      %dma_wait3A_512 = arith.constant 0 : i32
      %dma_wait3A_513 = arith.constant 0 : i32
      %dma_wait3A_514 = tpu.memref_slice %arg10[%dma_wait3A_512, %dma_wait3A_513] : memref<64x128xf32, #tpu.memory_space<vmem>> -> memref<64x128xf32, #tpu.memory_space<vmem>>
      %dma_wait3A_515 = arith.constant 0 : i32
      %dma_wait3A_516 = tpu.memref_slice %arg13[%add3A_30, %dma_wait3A_515] : memref<10240x128xf32, #tpu.memory_space<vmem_shared>> -> memref<64x128xf32, #tpu.memory_space<vmem_shared>>
      %dma_wait3A_517 = arith.constant 0 : i32
      %dma_wait3A_518 = tpu.memref_slice %arg13[%add3A_30, %dma_wait3A_517] : memref<10240x128xf32, #tpu.memory_space<vmem_shared>> -> memref<64x128xf32, #tpu.memory_space<vmem_shared>>
      %dma_wait3A_519 = arith.constant 0 : i32
      %dma_wait3A_520 = arith.constant 0 : i32
      %dma_wait3A_521 = tpu.memref_slice %arg10[%dma_wait3A_519, %dma_wait3A_520] : memref<64x128xf32, #tpu.memory_space<vmem>> -> memref<64x128xf32, #tpu.memory_space<vmem>>
      tpu.wait_dma2 semaphore(%run_scoped3A : memref<!tpu.dma_semaphore, #tpu.memory_space<semaphore_mem>>) src(%dma_wait3A_521 : memref<64x128xf32, #tpu.memory_space<vmem>>) dst(%dma_wait3A_518 : memref<64x128xf32, #tpu.memory_space<vmem_shared>>)
      tpu.yield
    }) : () -> ()
    %add3A_31 = arith.constant 576 : i32
    %add3A_32 = arith.addi %mul3A_0, %add3A_31 : i32
    "tpu.region"() ({
      %run_scoped3A = tpu.sem_alloc : memref<!tpu.dma_semaphore, #tpu.memory_space<semaphore_mem>>
      %dma_start3A_502 = arith.constant 0 : i32
      %dma_start3A_503 = arith.constant 0 : i32
      %dma_start3A_504 = tpu.memref_slice %arg10[%dma_start3A_502, %dma_start3A_503] : memref<64x128xf32, #tpu.memory_space<vmem>> -> memref<64x128xf32, #tpu.memory_space<vmem>>
      %dma_start3A_505 = arith.constant 0 : i32
      %dma_start3A_506 = tpu.memref_slice %arg13[%add3A_32, %dma_start3A_505] : memref<10240x128xf32, #tpu.memory_space<vmem_shared>> -> memref<64x128xf32, #tpu.memory_space<vmem_shared>>
      %dma_start3A_507 = arith.constant 0 : i32
      %dma_start3A_508 = tpu.memref_slice %arg13[%add3A_32, %dma_start3A_507] : memref<10240x128xf32, #tpu.memory_space<vmem_shared>> -> memref<64x128xf32, #tpu.memory_space<vmem_shared>>
      %dma_start3A_509 = arith.constant 0 : i32
      %dma_start3A_510 = arith.constant 0 : i32
      %dma_start3A_511 = tpu.memref_slice %arg10[%dma_start3A_509, %dma_start3A_510] : memref<64x128xf32, #tpu.memory_space<vmem>> -> memref<64x128xf32, #tpu.memory_space<vmem>>
      tpu.enqueue_dma source(%dma_start3A_511 : memref<64x128xf32, #tpu.memory_space<vmem>>) target(%dma_start3A_508 : memref<64x128xf32, #tpu.memory_space<vmem_shared>>) target_semaphore(%run_scoped3A : memref<!tpu.dma_semaphore, #tpu.memory_space<semaphore_mem>>)
      %dma_wait3A_512 = arith.constant 0 : i32
      %dma_wait3A_513 = arith.constant 0 : i32
      %dma_wait3A_514 = tpu.memref_slice %arg10[%dma_wait3A_512, %dma_wait3A_513] : memref<64x128xf32, #tpu.memory_space<vmem>> -> memref<64x128xf32, #tpu.memory_space<vmem>>
      %dma_wait3A_515 = arith.constant 0 : i32
      %dma_wait3A_516 = tpu.memref_slice %arg13[%add3A_32, %dma_wait3A_515] : memref<10240x128xf32, #tpu.memory_space<vmem_shared>> -> memref<64x128xf32, #tpu.memory_space<vmem_shared>>
      %dma_wait3A_517 = arith.constant 0 : i32
      %dma_wait3A_518 = tpu.memref_slice %arg13[%add3A_32, %dma_wait3A_517] : memref<10240x128xf32, #tpu.memory_space<vmem_shared>> -> memref<64x128xf32, #tpu.memory_space<vmem_shared>>
      %dma_wait3A_519 = arith.constant 0 : i32
      %dma_wait3A_520 = arith.constant 0 : i32
      %dma_wait3A_521 = tpu.memref_slice %arg10[%dma_wait3A_519, %dma_wait3A_520] : memref<64x128xf32, #tpu.memory_space<vmem>> -> memref<64x128xf32, #tpu.memory_space<vmem>>
      tpu.wait_dma2 semaphore(%run_scoped3A : memref<!tpu.dma_semaphore, #tpu.memory_space<semaphore_mem>>) src(%dma_wait3A_521 : memref<64x128xf32, #tpu.memory_space<vmem>>) dst(%dma_wait3A_518 : memref<64x128xf32, #tpu.memory_space<vmem_shared>>)
      tpu.yield
    }) : () -> ()
    "tpu.region"() ({
      %run_scoped3A = tpu.sem_alloc : memref<!tpu.dma_semaphore, #tpu.memory_space<semaphore_mem>>
      %dma_start3A_502 = tpu.memref_slice %arg3[%mul3A_12] : memref<329984xi32, #tpu.memory_space<hbm>> -> memref<13312xi32, #tpu.memory_space<hbm>>
      %dma_start3A_503 = tpu.memref_slice %arg3[%mul3A_12] : memref<329984xi32, #tpu.memory_space<hbm>> -> memref<13312xi32, #tpu.memory_space<hbm>>
      tpu.enqueue_dma source(%dma_start3A_503 : memref<13312xi32, #tpu.memory_space<hbm>>) target(%arg7 : memref<13312xi32, #tpu.memory_space<vmem>>) target_semaphore(%run_scoped3A : memref<!tpu.dma_semaphore, #tpu.memory_space<semaphore_mem>>)
      %dma_wait3A_504 = tpu.memref_slice %arg3[%mul3A_12] : memref<329984xi32, #tpu.memory_space<hbm>> -> memref<13312xi32, #tpu.memory_space<hbm>>
      %dma_wait3A_505 = tpu.memref_slice %arg3[%mul3A_12] : memref<329984xi32, #tpu.memory_space<hbm>> -> memref<13312xi32, #tpu.memory_space<hbm>>
      tpu.wait_dma2 semaphore(%run_scoped3A : memref<!tpu.dma_semaphore, #tpu.memory_space<semaphore_mem>>) src(%dma_wait3A_505 : memref<13312xi32, #tpu.memory_space<hbm>>) dst(%arg7 : memref<13312xi32, #tpu.memory_space<vmem>>)
      tpu.yield
    }) : () -> ()
    %barrier3A = arith.constant 0 : index
    tpu.barrier barrier_id(%barrier3A)
    %sub3A = arith.constant 1 : i32
    %sub3A_33 = arith.subi %select_n3A, %sub3A : i32
    %min3A = arith.constant 0 : i32
    %min3A_34 = arith.minsi %min3A, %sub3A_33 : i32
    %mul3A_35 = arith.constant 64 : i32
    %mul3A_36 = arith.muli %min3A_34, %mul3A_35 : i32
    %add3A_37 = arith.constant 0 : i32
    %add3A_38 = arith.addi %mul3A_36, %add3A_37 : i32
    %get3A = arith.index_cast %add3A_38 : i32 to index
    %get3A_39 = tpu.vector_load %arg7[%get3A] {strides = array<i32>} : memref<13312xi32, #tpu.memory_space<vmem>>, vector<16xi32>,
    %get3A_40 = vector.shape_cast %get3A_39 : vector<16xi32> to vector<16xi32>
    %shift_right_logical3A = arith.constant 16 : i32
    %shift_right_logical3A_41 = vector.broadcast %shift_right_logical3A : i32 to vector<16xi32>
    %shift_right_logical3A_42 = arith.shrui %get3A_40, %shift_right_logical3A_41 : vector<16xi32>
    %swap3A = arith.constant 0 : i32
    %swap3A_43 = arith.index_cast %swap3A : i32 to index
    %swap3A_44 = arith.constant 0 : index
    %swap3A_45 = tpu.vector_load %arg8[%swap3A_43, %swap3A_44] {strides = array<i32>} : memref<2x64xi32, #tpu.memory_space<vmem>>, vector<1x16xi32>,
    %swap3A_46 = vector.shape_cast %swap3A_45 : vector<1x16xi32> to vector<16xi32>
    %swap3A_47 = vector.shape_cast %shift_right_logical3A_42 : vector<16xi32> to vector<1x16xi32>
    tpu.vector_store %arg8[%swap3A_43, %swap3A_44], %swap3A_47 {strides = array<i32>} : memref<2x64xi32, #tpu.memory_space<vmem>>, vector<1x16xi32>,
    %and3A = arith.constant 65535 : i32
    %and3A_48 = vector.broadcast %and3A : i32 to vector<16xi32>
    %and3A_49 = arith.andi %get3A_40, %and3A_48 : vector<16xi32>
    %swap3A_50 = arith.constant 0 : i32
    %swap3A_51 = arith.index_cast %swap3A_50 : i32 to index
    %swap3A_52 = arith.constant 0 : index
    %swap3A_53 = tpu.vector_load %arg9[%swap3A_51, %swap3A_52] {strides = array<i32>} : memref<2x64xi32, #tpu.memory_space<vmem>>, vector<1x16xi32>,
    %swap3A_54 = vector.shape_cast %swap3A_53 : vector<1x16xi32> to vector<16xi32>
    %swap3A_55 = vector.shape_cast %and3A_49 : vector<16xi32> to vector<1x16xi32>
    tpu.vector_store %arg9[%swap3A_51, %swap3A_52], %swap3A_55 {strides = array<i32>} : memref<2x64xi32, #tpu.memory_space<vmem>>, vector<1x16xi32>,
    %add3A_56 = arith.constant 16 : i32
    %add3A_57 = arith.addi %mul3A_36, %add3A_56 : i32
    %get3A_58 = arith.index_cast %add3A_57 : i32 to index
    %get3A_59 = tpu.vector_load %arg7[%get3A_58] {strides = array<i32>} : memref<13312xi32, #tpu.memory_space<vmem>>, vector<16xi32>,
    %get3A_60 = vector.shape_cast %get3A_59 : vector<16xi32> to vector<16xi32>
    %shift_right_logical3A_61 = arith.constant 16 : i32
    %shift_right_logical3A_62 = vector.broadcast %shift_right_logical3A_61 : i32 to vector<16xi32>
    %shift_right_logical3A_63 = arith.shrui %get3A_60, %shift_right_logical3A_62 : vector<16xi32>
    %swap3A_64 = arith.constant 0 : i32
    %swap3A_65 = arith.index_cast %swap3A_64 : i32 to index
    %swap3A_66 = arith.constant 16 : index
    %swap3A_67 = tpu.vector_load %arg8[%swap3A_65, %swap3A_66] {strides = array<i32>} : memref<2x64xi32, #tpu.memory_space<vmem>>, vector<1x16xi32>,
    %swap3A_68 = vector.shape_cast %swap3A_67 : vector<1x16xi32> to vector<16xi32>
    %swap3A_69 = vector.shape_cast %shift_right_logical3A_63 : vector<16xi32> to vector<1x16xi32>
    tpu.vector_store %arg8[%swap3A_65, %swap3A_66], %swap3A_69 {strides = array<i32>} : memref<2x64xi32, #tpu.memory_space<vmem>>, vector<1x16xi32>,
    %and3A_70 = arith.constant 65535 : i32
    %and3A_71 = vector.broadcast %and3A_70 : i32 to vector<16xi32>
    %and3A_72 = arith.andi %get3A_60, %and3A_71 : vector<16xi32>
    %swap3A_73 = arith.constant 0 : i32
    %swap3A_74 = arith.index_cast %swap3A_73 : i32 to index
    %swap3A_75 = arith.constant 16 : index
    %swap3A_76 = tpu.vector_load %arg9[%swap3A_74, %swap3A_75] {strides = array<i32>} : memref<2x64xi32, #tpu.memory_space<vmem>>, vector<1x16xi32>,
    %swap3A_77 = vector.shape_cast %swap3A_76 : vector<1x16xi32> to vector<16xi32>
    %swap3A_78 = vector.shape_cast %and3A_72 : vector<16xi32> to vector<1x16xi32>
    tpu.vector_store %arg9[%swap3A_74, %swap3A_75], %swap3A_78 {strides = array<i32>} : memref<2x64xi32, #tpu.memory_space<vmem>>, vector<1x16xi32>,
    %add3A_79 = arith.constant 32 : i32
    %add3A_80 = arith.addi %mul3A_36, %add3A_79 : i32
    %get3A_81 = arith.index_cast %add3A_80 : i32 to index
    %get3A_82 = tpu.vector_load %arg7[%get3A_81] {strides = array<i32>} : memref<13312xi32, #tpu.memory_space<vmem>>, vector<16xi32>,
    %get3A_83 = vector.shape_cast %get3A_82 : vector<16xi32> to vector<16xi32>
    %shift_right_logical3A_84 = arith.constant 16 : i32
    %shift_right_logical3A_85 = vector.broadcast %shift_right_logical3A_84 : i32 to vector<16xi32>
    %shift_right_logical3A_86 = arith.shrui %get3A_83, %shift_right_logical3A_85 : vector<16xi32>
    %swap3A_87 = arith.constant 0 : i32
    %swap3A_88 = arith.index_cast %swap3A_87 : i32 to index
    %swap3A_89 = arith.constant 32 : index
    %swap3A_90 = tpu.vector_load %arg8[%swap3A_88, %swap3A_89] {strides = array<i32>} : memref<2x64xi32, #tpu.memory_space<vmem>>, vector<1x16xi32>,
    %swap3A_91 = vector.shape_cast %swap3A_90 : vector<1x16xi32> to vector<16xi32>
    %swap3A_92 = vector.shape_cast %shift_right_logical3A_86 : vector<16xi32> to vector<1x16xi32>
    tpu.vector_store %arg8[%swap3A_88, %swap3A_89], %swap3A_92 {strides = array<i32>} : memref<2x64xi32, #tpu.memory_space<vmem>>, vector<1x16xi32>,
    %and3A_93 = arith.constant 65535 : i32
    %and3A_94 = vector.broadcast %and3A_93 : i32 to vector<16xi32>
    %and3A_95 = arith.andi %get3A_83, %and3A_94 : vector<16xi32>
    %swap3A_96 = arith.constant 0 : i32
    %swap3A_97 = arith.index_cast %swap3A_96 : i32 to index
    %swap3A_98 = arith.constant 32 : index
    %swap3A_99 = tpu.vector_load %arg9[%swap3A_97, %swap3A_98] {strides = array<i32>} : memref<2x64xi32, #tpu.memory_space<vmem>>, vector<1x16xi32>,
    %swap3A_100 = vector.shape_cast %swap3A_99 : vector<1x16xi32> to vector<16xi32>
    %swap3A_101 = vector.shape_cast %and3A_95 : vector<16xi32> to vector<1x16xi32>
    tpu.vector_store %arg9[%swap3A_97, %swap3A_98], %swap3A_101 {strides = array<i32>} : memref<2x64xi32, #tpu.memory_space<vmem>>, vector<1x16xi32>,
    %add3A_102 = arith.constant 48 : i32
    %add3A_103 = arith.addi %mul3A_36, %add3A_102 : i32
    %get3A_104 = arith.index_cast %add3A_103 : i32 to index
    %get3A_105 = tpu.vector_load %arg7[%get3A_104] {strides = array<i32>} : memref<13312xi32, #tpu.memory_space<vmem>>, vector<16xi32>,
    %get3A_106 = vector.shape_cast %get3A_105 : vector<16xi32> to vector<16xi32>
    %shift_right_logical3A_107 = arith.constant 16 : i32
    %shift_right_logical3A_108 = vector.broadcast %shift_right_logical3A_107 : i32 to vector<16xi32>
    %shift_right_logical3A_109 = arith.shrui %get3A_106, %shift_right_logical3A_108 : vector<16xi32>
    %swap3A_110 = arith.constant 0 : i32
    %swap3A_111 = arith.index_cast %swap3A_110 : i32 to index
    %swap3A_112 = arith.constant 48 : index
    %swap3A_113 = tpu.vector_load %arg8[%swap3A_111, %swap3A_112] {strides = array<i32>} : memref<2x64xi32, #tpu.memory_space<vmem>>, vector<1x16xi32>,
    %swap3A_114 = vector.shape_cast %swap3A_113 : vector<1x16xi32> to vector<16xi32>
    %swap3A_115 = vector.shape_cast %shift_right_logical3A_109 : vector<16xi32> to vector<1x16xi32>
    tpu.vector_store %arg8[%swap3A_111, %swap3A_112], %swap3A_115 {strides = array<i32>} : memref<2x64xi32, #tpu.memory_space<vmem>>, vector<1x16xi32>,
    %and3A_116 = arith.constant 65535 : i32
    %and3A_117 = vector.broadcast %and3A_116 : i32 to vector<16xi32>
    %and3A_118 = arith.andi %get3A_106, %and3A_117 : vector<16xi32>
    %swap3A_119 = arith.constant 0 : i32
    %swap3A_120 = arith.index_cast %swap3A_119 : i32 to index
    %swap3A_121 = arith.constant 48 : index
    %swap3A_122 = tpu.vector_load %arg9[%swap3A_120, %swap3A_121] {strides = array<i32>} : memref<2x64xi32, #tpu.memory_space<vmem>>, vector<1x16xi32>,
    %swap3A_123 = vector.shape_cast %swap3A_122 : vector<1x16xi32> to vector<16xi32>
    %swap3A_124 = vector.shape_cast %and3A_118 : vector<16xi32> to vector<1x16xi32>
    tpu.vector_store %arg9[%swap3A_120, %swap3A_121], %swap3A_124 {strides = array<i32>} : memref<2x64xi32, #tpu.memory_space<vmem>>, vector<1x16xi32>,
    %sub3A_125 = arith.constant 1 : i32
    %sub3A_126 = arith.subi %select_n3A, %sub3A_125 : i32
    %min3A_127 = arith.constant 0 : i32
    %min3A_128 = arith.minsi %min3A_127, %sub3A_126 : i32
    %dma_start3A = arith.constant 0 : i32
    %dma_start3A_129 = arith.constant 0 : i32
    %dma_start3A_130 = tpu.memref_slice %arg8[%dma_start3A, %dma_start3A_129] : memref<2x64xi32, #tpu.memory_space<vmem>> -> memref<1x64xi32, #tpu.memory_space<vmem>>
    %dma_start3A_131 = tpu.memref_squeeze %dma_start3A_130 : memref<1x64xi32, #tpu.memory_space<vmem>> -> memref<64xi32, #tpu.memory_space<vmem>>
    %dma_start3A_132 = arith.constant 0 : i32
    %dma_start3A_133 = arith.constant 0 : i32
    %dma_start3A_134 = tpu.memref_slice %arg2[%dma_start3A_132, %dma_start3A_133] : memref<10000x128xf32, #tpu.memory_space<hbm>> -> memref<10000x128xf32, #tpu.memory_space<hbm>>
    tpu.enqueue_indirect_dma source(%dma_start3A_134 : memref<10000x128xf32, #tpu.memory_space<hbm>>) target(%arg10 : memref<64x128xf32, #tpu.memory_space<vmem>>) offsets(%dma_start3A_131 : memref<64xi32, #tpu.memory_space<vmem>>) semaphore(%arg14 : memref<!tpu.dma_semaphore, #tpu.memory_space<semaphore_mem>>)
    %mul3A_135 = arith.constant 64 : i32
    %mul3A_136 = arith.muli %min3A_128, %mul3A_135 : i32
    %add3A_137 = arith.addi %mul3A_12, %mul3A_136 : i32
    %jit3A_138 = arith.constant 8 : i32
    %div3A = arith.divsi %add3A_137, %jit3A_138 : i32
    %sign3A = arith.constant 0 : i32
    %sign3A_139 = arith.cmpi sgt, %add3A_137, %sign3A : i32
    %sign3A_140 = arith.extui %sign3A_139 : i1 to i32
    %sign3A_141 = arith.constant 0 : i32
    %sign3A_142 = arith.cmpi slt, %add3A_137, %sign3A_141 : i32
    %sign3A_143 = arith.extui %sign3A_142 : i1 to i32
    %sign3A_144 = arith.subi %sign3A_140, %sign3A_143 : i32
    %sign3A_145 = arith.constant 0 : i32
    %sign3A_146 = arith.cmpi sgt, %jit3A_138, %sign3A_145 : i32
    %sign3A_147 = arith.extui %sign3A_146 : i1 to i32
    %sign3A_148 = arith.constant 0 : i32
    %sign3A_149 = arith.cmpi slt, %jit3A_138, %sign3A_148 : i32
    %sign3A_150 = arith.extui %sign3A_149 : i1 to i32
    %sign3A_151 = arith.subi %sign3A_147, %sign3A_150 : i32
    %ne3A = arith.cmpi ne, %sign3A_144, %sign3A_151 : i32
    %rem3A = arith.remsi %add3A_137, %jit3A_138 : i32
    %ne3A_152 = arith.constant 0 : i32
    %ne3A_153 = arith.cmpi ne, %rem3A, %ne3A_152 : i32
    %and3A_154 = arith.andi %ne3A, %ne3A_153 : i1
    %sub3A_155 = arith.constant 1 : i32
    %sub3A_156 = arith.subi %div3A, %sub3A_155 : i32
    %select_n3A_157 = arith.select %and3A_154, %sub3A_156, %div3A : i32
    %multiple_of3A = tpu.assume_multiple %select_n3A_157, 8 : i32
    %dma_start3A_158 = arith.constant 0 : i32
    %dma_start3A_159 = arith.constant 0 : i32
    %dma_start3A_160 = arith.constant 0 : i32
    %dma_start3A_161 = tpu.memref_slice %arg12[%dma_start3A_158, %dma_start3A_159, %dma_start3A_160] : memref<2x8x512xi32, #tpu.memory_space<vmem>> -> memref<1x8x512xi32, #tpu.memory_space<vmem>>
    %dma_start3A_162 = tpu.memref_squeeze %dma_start3A_161 : memref<1x8x512xi32, #tpu.memory_space<vmem>> -> memref<8x512xi32, #tpu.memory_space<vmem>>
    %dma_start3A_163 = arith.constant 0 : i32
    %dma_start3A_164 = tpu.memref_slice %arg4[%multiple_of3A, %dma_start3A_163] : memref<40448x512xi32, #tpu.memory_space<hbm>> -> memref<8x512xi32, #tpu.memory_space<hbm>>
    %dma_start3A_165 = arith.constant 0 : i32
    %dma_start3A_166 = arith.constant 0 : i32
    %dma_start3A_167 = tpu.memref_slice %arg12[%dma_start3A_158, %dma_start3A_165, %dma_start3A_166] : memref<2x8x512xi32, #tpu.memory_space<vmem>> -> memref<1x8x512xi32, #tpu.memory_space<vmem>>
    %dma_start3A_168 = tpu.memref_squeeze %dma_start3A_167 : memref<1x8x512xi32, #tpu.memory_space<vmem>> -> memref<8x512xi32, #tpu.memory_space<vmem>>
    %dma_start3A_169 = arith.constant 0 : i32
    %dma_start3A_170 = tpu.memref_slice %arg4[%multiple_of3A, %dma_start3A_169] : memref<40448x512xi32, #tpu.memory_space<hbm>> -> memref<8x512xi32, #tpu.memory_space<hbm>>
    tpu.enqueue_dma source(%dma_start3A_170 : memref<8x512xi32, #tpu.memory_space<hbm>>) target(%dma_start3A_168 : memref<8x512xi32, #tpu.memory_space<vmem>>) target_semaphore(%arg14 : memref<!tpu.dma_semaphore, #tpu.memory_space<semaphore_mem>>)
    %sub3A_171 = arith.constant 1 : i32
    %sub3A_172 = arith.subi %select_n3A, %sub3A_171 : i32
    %min3A_173 = arith.constant 1 : i32
    %min3A_174 = arith.minsi %min3A_173, %sub3A_172 : i32
    %mul3A_175 = arith.constant 64 : i32
    %mul3A_176 = arith.muli %min3A_174, %mul3A_175 : i32
    %add3A_177 = arith.constant 0 : i32
    %add3A_178 = arith.addi %mul3A_176, %add3A_177 : i32
    %get3A_179 = arith.index_cast %add3A_178 : i32 to index
    %get3A_180 = tpu.vector_load %arg7[%get3A_179] {strides = array<i32>} : memref<13312xi32, #tpu.memory_space<vmem>>, vector<16xi32>,
    %get3A_181 = vector.shape_cast %get3A_180 : vector<16xi32> to vector<16xi32>
    %shift_right_logical3A_182 = arith.constant 16 : i32
    %shift_right_logical3A_183 = vector.broadcast %shift_right_logical3A_182 : i32 to vector<16xi32>
    %shift_right_logical3A_184 = arith.shrui %get3A_181, %shift_right_logical3A_183 : vector<16xi32>
    %swap3A_185 = arith.constant 1 : i32
    %swap3A_186 = arith.index_cast %swap3A_185 : i32 to index
    %swap3A_187 = arith.constant 0 : index
    %swap3A_188 = tpu.vector_load %arg8[%swap3A_186, %swap3A_187] {strides = array<i32>} : memref<2x64xi32, #tpu.memory_space<vmem>>, vector<1x16xi32>,
    %swap3A_189 = vector.shape_cast %swap3A_188 : vector<1x16xi32> to vector<16xi32>
    %swap3A_190 = vector.shape_cast %shift_right_logical3A_184 : vector<16xi32> to vector<1x16xi32>
    tpu.vector_store %arg8[%swap3A_186, %swap3A_187], %swap3A_190 {strides = array<i32>} : memref<2x64xi32, #tpu.memory_space<vmem>>, vector<1x16xi32>,
    %and3A_191 = arith.constant 65535 : i32
    %and3A_192 = vector.broadcast %and3A_191 : i32 to vector<16xi32>
    %and3A_193 = arith.andi %get3A_181, %and3A_192 : vector<16xi32>
    %swap3A_194 = arith.constant 1 : i32
    %swap3A_195 = arith.index_cast %swap3A_194 : i32 to index
    %swap3A_196 = arith.constant 0 : index
    %swap3A_197 = tpu.vector_load %arg9[%swap3A_195, %swap3A_196] {strides = array<i32>} : memref<2x64xi32, #tpu.memory_space<vmem>>, vector<1x16xi32>,
    %swap3A_198 = vector.shape_cast %swap3A_197 : vector<1x16xi32> to vector<16xi32>
    %swap3A_199 = vector.shape_cast %and3A_193 : vector<16xi32> to vector<1x16xi32>
    tpu.vector_store %arg9[%swap3A_195, %swap3A_196], %swap3A_199 {strides = array<i32>} : memref<2x64xi32, #tpu.memory_space<vmem>>, vector<1x16xi32>,
    %add3A_200 = arith.constant 16 : i32
    %add3A_201 = arith.addi %mul3A_176, %add3A_200 : i32
    %get3A_202 = arith.index_cast %add3A_201 : i32 to index
    %get3A_203 = tpu.vector_load %arg7[%get3A_202] {strides = array<i32>} : memref<13312xi32, #tpu.memory_space<vmem>>, vector<16xi32>,
    %get3A_204 = vector.shape_cast %get3A_203 : vector<16xi32> to vector<16xi32>
    %shift_right_logical3A_205 = arith.constant 16 : i32
    %shift_right_logical3A_206 = vector.broadcast %shift_right_logical3A_205 : i32 to vector<16xi32>
    %shift_right_logical3A_207 = arith.shrui %get3A_204, %shift_right_logical3A_206 : vector<16xi32>
    %swap3A_208 = arith.constant 1 : i32
    %swap3A_209 = arith.index_cast %swap3A_208 : i32 to index
    %swap3A_210 = arith.constant 16 : index
    %swap3A_211 = tpu.vector_load %arg8[%swap3A_209, %swap3A_210] {strides = array<i32>} : memref<2x64xi32, #tpu.memory_space<vmem>>, vector<1x16xi32>,
    %swap3A_212 = vector.shape_cast %swap3A_211 : vector<1x16xi32> to vector<16xi32>
    %swap3A_213 = vector.shape_cast %shift_right_logical3A_207 : vector<16xi32> to vector<1x16xi32>
    tpu.vector_store %arg8[%swap3A_209, %swap3A_210], %swap3A_213 {strides = array<i32>} : memref<2x64xi32, #tpu.memory_space<vmem>>, vector<1x16xi32>,
    %and3A_214 = arith.constant 65535 : i32
    %and3A_215 = vector.broadcast %and3A_214 : i32 to vector<16xi32>
    %and3A_216 = arith.andi %get3A_204, %and3A_215 : vector<16xi32>
    %swap3A_217 = arith.constant 1 : i32
    %swap3A_218 = arith.index_cast %swap3A_217 : i32 to index
    %swap3A_219 = arith.constant 16 : index
    %swap3A_220 = tpu.vector_load %arg9[%swap3A_218, %swap3A_219] {strides = array<i32>} : memref<2x64xi32, #tpu.memory_space<vmem>>, vector<1x16xi32>,
    %swap3A_221 = vector.shape_cast %swap3A_220 : vector<1x16xi32> to vector<16xi32>
    %swap3A_222 = vector.shape_cast %and3A_216 : vector<16xi32> to vector<1x16xi32>
    tpu.vector_store %arg9[%swap3A_218, %swap3A_219], %swap3A_222 {strides = array<i32>} : memref<2x64xi32, #tpu.memory_space<vmem>>, vector<1x16xi32>,
    %add3A_223 = arith.constant 32 : i32
    %add3A_224 = arith.addi %mul3A_176, %add3A_223 : i32
    %get3A_225 = arith.index_cast %add3A_224 : i32 to index
    %get3A_226 = tpu.vector_load %arg7[%get3A_225] {strides = array<i32>} : memref<13312xi32, #tpu.memory_space<vmem>>, vector<16xi32>,
    %get3A_227 = vector.shape_cast %get3A_226 : vector<16xi32> to vector<16xi32>
    %shift_right_logical3A_228 = arith.constant 16 : i32
    %shift_right_logical3A_229 = vector.broadcast %shift_right_logical3A_228 : i32 to vector<16xi32>
    %shift_right_logical3A_230 = arith.shrui %get3A_227, %shift_right_logical3A_229 : vector<16xi32>
    %swap3A_231 = arith.constant 1 : i32
    %swap3A_232 = arith.index_cast %swap3A_231 : i32 to index
    %swap3A_233 = arith.constant 32 : index
    %swap3A_234 = tpu.vector_load %arg8[%swap3A_232, %swap3A_233] {strides = array<i32>} : memref<2x64xi32, #tpu.memory_space<vmem>>, vector<1x16xi32>,
    %swap3A_235 = vector.shape_cast %swap3A_234 : vector<1x16xi32> to vector<16xi32>
    %swap3A_236 = vector.shape_cast %shift_right_logical3A_230 : vector<16xi32> to vector<1x16xi32>
    tpu.vector_store %arg8[%swap3A_232, %swap3A_233], %swap3A_236 {strides = array<i32>} : memref<2x64xi32, #tpu.memory_space<vmem>>, vector<1x16xi32>,
    %and3A_237 = arith.constant 65535 : i32
    %and3A_238 = vector.broadcast %and3A_237 : i32 to vector<16xi32>
    %and3A_239 = arith.andi %get3A_227, %and3A_238 : vector<16xi32>
    %swap3A_240 = arith.constant 1 : i32
    %swap3A_241 = arith.index_cast %swap3A_240 : i32 to index
    %swap3A_242 = arith.constant 32 : index
    %swap3A_243 = tpu.vector_load %arg9[%swap3A_241, %swap3A_242] {strides = array<i32>} : memref<2x64xi32, #tpu.memory_space<vmem>>, vector<1x16xi32>,
    %swap3A_244 = vector.shape_cast %swap3A_243 : vector<1x16xi32> to vector<16xi32>
    %swap3A_245 = vector.shape_cast %and3A_239 : vector<16xi32> to vector<1x16xi32>
    tpu.vector_store %arg9[%swap3A_241, %swap3A_242], %swap3A_245 {strides = array<i32>} : memref<2x64xi32, #tpu.memory_space<vmem>>, vector<1x16xi32>,
    %add3A_246 = arith.constant 48 : i32
    %add3A_247 = arith.addi %mul3A_176, %add3A_246 : i32
    %get3A_248 = arith.index_cast %add3A_247 : i32 to index
    %get3A_249 = tpu.vector_load %arg7[%get3A_248] {strides = array<i32>} : memref<13312xi32, #tpu.memory_space<vmem>>, vector<16xi32>,
    %get3A_250 = vector.shape_cast %get3A_249 : vector<16xi32> to vector<16xi32>
    %shift_right_logical3A_251 = arith.constant 16 : i32
    %shift_right_logical3A_252 = vector.broadcast %shift_right_logical3A_251 : i32 to vector<16xi32>
    %shift_right_logical3A_253 = arith.shrui %get3A_250, %shift_right_logical3A_252 : vector<16xi32>
    %swap3A_254 = arith.constant 1 : i32
    %swap3A_255 = arith.index_cast %swap3A_254 : i32 to index
    %swap3A_256 = arith.constant 48 : index
    %swap3A_257 = tpu.vector_load %arg8[%swap3A_255, %swap3A_256] {strides = array<i32>} : memref<2x64xi32, #tpu.memory_space<vmem>>, vector<1x16xi32>,
    %swap3A_258 = vector.shape_cast %swap3A_257 : vector<1x16xi32> to vector<16xi32>
    %swap3A_259 = vector.shape_cast %shift_right_logical3A_253 : vector<16xi32> to vector<1x16xi32>
    tpu.vector_store %arg8[%swap3A_255, %swap3A_256], %swap3A_259 {strides = array<i32>} : memref<2x64xi32, #tpu.memory_space<vmem>>, vector<1x16xi32>,
    %and3A_260 = arith.constant 65535 : i32
    %and3A_261 = vector.broadcast %and3A_260 : i32 to vector<16xi32>
    %and3A_262 = arith.andi %get3A_250, %and3A_261 : vector<16xi32>
    %swap3A_263 = arith.constant 1 : i32
    %swap3A_264 = arith.index_cast %swap3A_263 : i32 to index
    %swap3A_265 = arith.constant 48 : index
    %swap3A_266 = tpu.vector_load %arg9[%swap3A_264, %swap3A_265] {strides = array<i32>} : memref<2x64xi32, #tpu.memory_space<vmem>>, vector<1x16xi32>,
    %swap3A_267 = vector.shape_cast %swap3A_266 : vector<1x16xi32> to vector<16xi32>
    %swap3A_268 = vector.shape_cast %and3A_262 : vector<16xi32> to vector<1x16xi32>
    tpu.vector_store %arg9[%swap3A_264, %swap3A_265], %swap3A_268 {strides = array<i32>} : memref<2x64xi32, #tpu.memory_space<vmem>>, vector<1x16xi32>,
    %sub3A_269 = arith.constant 1 : i32
    %sub3A_270 = arith.subi %select_n3A, %sub3A_269 : i32
    %min3A_271 = arith.constant 1 : i32
    %min3A_272 = arith.minsi %min3A_271, %sub3A_270 : i32
    %dma_start3A_273 = arith.constant 1 : i32
    %dma_start3A_274 = arith.constant 0 : i32
    %dma_start3A_275 = tpu.memref_slice %arg8[%dma_start3A_273, %dma_start3A_274] : memref<2x64xi32, #tpu.memory_space<vmem>> -> memref<1x64xi32, #tpu.memory_space<vmem>>
    %dma_start3A_276 = tpu.memref_squeeze %dma_start3A_275 : memref<1x64xi32, #tpu.memory_space<vmem>> -> memref<64xi32, #tpu.memory_space<vmem>>
    %dma_start3A_277 = arith.constant 0 : i32
    %dma_start3A_278 = arith.constant 0 : i32
    %dma_start3A_279 = tpu.memref_slice %arg2[%dma_start3A_277, %dma_start3A_278] : memref<10000x128xf32, #tpu.memory_space<hbm>> -> memref<10000x128xf32, #tpu.memory_space<hbm>>
    tpu.enqueue_indirect_dma source(%dma_start3A_279 : memref<10000x128xf32, #tpu.memory_space<hbm>>) target(%arg11 : memref<64x128xf32, #tpu.memory_space<vmem>>) offsets(%dma_start3A_276 : memref<64xi32, #tpu.memory_space<vmem>>) semaphore(%arg15 : memref<!tpu.dma_semaphore, #tpu.memory_space<semaphore_mem>>)
    %mul3A_280 = arith.constant 64 : i32
    %mul3A_281 = arith.muli %min3A_272, %mul3A_280 : i32
    %add3A_282 = arith.addi %mul3A_12, %mul3A_281 : i32
    %jit3A_283 = arith.constant 8 : i32
    %div3A_284 = arith.divsi %add3A_282, %jit3A_283 : i32
    %sign3A_285 = arith.constant 0 : i32
    %sign3A_286 = arith.cmpi sgt, %add3A_282, %sign3A_285 : i32
    %sign3A_287 = arith.extui %sign3A_286 : i1 to i32
    %sign3A_288 = arith.constant 0 : i32
    %sign3A_289 = arith.cmpi slt, %add3A_282, %sign3A_288 : i32
    %sign3A_290 = arith.extui %sign3A_289 : i1 to i32
    %sign3A_291 = arith.subi %sign3A_287, %sign3A_290 : i32
    %sign3A_292 = arith.constant 0 : i32
    %sign3A_293 = arith.cmpi sgt, %jit3A_283, %sign3A_292 : i32
    %sign3A_294 = arith.extui %sign3A_293 : i1 to i32
    %sign3A_295 = arith.constant 0 : i32
    %sign3A_296 = arith.cmpi slt, %jit3A_283, %sign3A_295 : i32
    %sign3A_297 = arith.extui %sign3A_296 : i1 to i32
    %sign3A_298 = arith.subi %sign3A_294, %sign3A_297 : i32
    %ne3A_299 = arith.cmpi ne, %sign3A_291, %sign3A_298 : i32
    %rem3A_300 = arith.remsi %add3A_282, %jit3A_283 : i32
    %ne3A_301 = arith.constant 0 : i32
    %ne3A_302 = arith.cmpi ne, %rem3A_300, %ne3A_301 : i32
    %and3A_303 = arith.andi %ne3A_299, %ne3A_302 : i1
    %sub3A_304 = arith.constant 1 : i32
    %sub3A_305 = arith.subi %div3A_284, %sub3A_304 : i32
    %select_n3A_306 = arith.select %and3A_303, %sub3A_305, %div3A_284 : i32
    %multiple_of3A_307 = tpu.assume_multiple %select_n3A_306, 8 : i32
    %dma_start3A_308 = arith.constant 1 : i32
    %dma_start3A_309 = arith.constant 0 : i32
    %dma_start3A_310 = arith.constant 0 : i32
    %dma_start3A_311 = tpu.memref_slice %arg12[%dma_start3A_308, %dma_start3A_309, %dma_start3A_310] : memref<2x8x512xi32, #tpu.memory_space<vmem>> -> memref<1x8x512xi32, #tpu.memory_space<vmem>>
    %dma_start3A_312 = tpu.memref_squeeze %dma_start3A_311 : memref<1x8x512xi32, #tpu.memory_space<vmem>> -> memref<8x512xi32, #tpu.memory_space<vmem>>
    %dma_start3A_313 = arith.constant 0 : i32
    %dma_start3A_314 = tpu.memref_slice %arg4[%multiple_of3A_307, %dma_start3A_313] : memref<40448x512xi32, #tpu.memory_space<hbm>> -> memref<8x512xi32, #tpu.memory_space<hbm>>
    %dma_start3A_315 = arith.constant 0 : i32
    %dma_start3A_316 = arith.constant 0 : i32
    %dma_start3A_317 = tpu.memref_slice %arg12[%dma_start3A_308, %dma_start3A_315, %dma_start3A_316] : memref<2x8x512xi32, #tpu.memory_space<vmem>> -> memref<1x8x512xi32, #tpu.memory_space<vmem>>
    %dma_start3A_318 = tpu.memref_squeeze %dma_start3A_317 : memref<1x8x512xi32, #tpu.memory_space<vmem>> -> memref<8x512xi32, #tpu.memory_space<vmem>>
    %dma_start3A_319 = arith.constant 0 : i32
    %dma_start3A_320 = tpu.memref_slice %arg4[%multiple_of3A_307, %dma_start3A_319] : memref<40448x512xi32, #tpu.memory_space<hbm>> -> memref<8x512xi32, #tpu.memory_space<hbm>>
    tpu.enqueue_dma source(%dma_start3A_320 : memref<8x512xi32, #tpu.memory_space<hbm>>) target(%dma_start3A_318 : memref<8x512xi32, #tpu.memory_space<vmem>>) target_semaphore(%arg15 : memref<!tpu.dma_semaphore, #tpu.memory_space<semaphore_mem>>)
    %jit3A_321 = arith.constant 2 : i32
    %div3A_322 = arith.divsi %select_n3A, %jit3A_321 : i32
    %sign3A_323 = arith.constant 0 : i32
    %sign3A_324 = arith.cmpi sgt, %select_n3A, %sign3A_323 : i32
    %sign3A_325 = arith.extui %sign3A_324 : i1 to i32
    %sign3A_326 = arith.constant 0 : i32
    %sign3A_327 = arith.cmpi slt, %select_n3A, %sign3A_326 : i32
    %sign3A_328 = arith.extui %sign3A_327 : i1 to i32
    %sign3A_329 = arith.subi %sign3A_325, %sign3A_328 : i32
    %sign3A_330 = arith.constant 0 : i32
    %sign3A_331 = arith.cmpi sgt, %jit3A_321, %sign3A_330 : i32
    %sign3A_332 = arith.extui %sign3A_331 : i1 to i32
    %sign3A_333 = arith.constant 0 : i32
    %sign3A_334 = arith.cmpi slt, %jit3A_321, %sign3A_333 : i32
    %sign3A_335 = arith.extui %sign3A_334 : i1 to i32
    %sign3A_336 = arith.subi %sign3A_332, %sign3A_335 : i32
    %ne3A_337 = arith.cmpi ne, %sign3A_329, %sign3A_336 : i32
    %rem3A_338 = arith.remsi %select_n3A, %jit3A_321 : i32
    %ne3A_339 = arith.constant 0 : i32
    %ne3A_340 = arith.cmpi ne, %rem3A_338, %ne3A_339 : i32
    %and3A_341 = arith.andi %ne3A_337, %ne3A_340 : i1
    %sub3A_342 = arith.constant 1 : i32
    %sub3A_343 = arith.subi %div3A_322, %sub3A_342 : i32
    %select_n3A_344 = arith.select %and3A_341, %sub3A_343, %div3A_322 : i32
    %while3A = arith.constant 0 : i32
    %while3A_345 = arith.constant -65536 : i32
    %while3A_346 = arith.constant 0 : i32
    %while3A_347 = arith.subi %select_n3A_344, %while3A_346 : i32
    %while3A_348 = arith.addi %while3A_346, %while3A_347 : i32
    %while3A_349 = arith.constant 1 : i32
    %while3A_350 = arith.divsi %while3A_347, %while3A_349 : i32
    %while3A_351 = arith.muli %while3A_350, %while3A_349 : i32
    %while3A_352 = arith.addi %while3A_346, %while3A_351 : i32
    %while3A_353 = arith.constant 1 : i32
    scf.for %while3A_502 = %while3A_346 to %while3A_352 step %while3A_353  : i32 {
      %mul3A_503 = arith.constant 2 : i32
      %mul3A_504 = arith.muli %while3A_502, %mul3A_503 : i32
      %add3A_505 = arith.constant 0 : i32
      %add3A_506 = arith.addi %mul3A_504, %add3A_505 : i32
      %sub3A_507 = arith.constant 1 : i32
      %sub3A_508 = arith.subi %select_n3A, %sub3A_507 : i32
      %min3A_509 = arith.minsi %add3A_506, %sub3A_508 : i32
      %dma_wait3A_510 = arith.constant 0 : i32
      %dma_wait3A_511 = arith.constant 0 : i32
      %dma_wait3A_512 = tpu.memref_slice %arg8[%dma_wait3A_510, %dma_wait3A_511] : memref<2x64xi32, #tpu.memory_space<vmem>> -> memref<1x64xi32, #tpu.memory_space<vmem>>
      %dma_wait3A_513 = tpu.memref_squeeze %dma_wait3A_512 : memref<1x64xi32, #tpu.memory_space<vmem>> -> memref<64xi32, #tpu.memory_space<vmem>>
      %dma_wait3A_514 = arith.constant 0 : i32
      %dma_wait3A_515 = arith.constant 0 : i32
      %dma_wait3A_516 = tpu.memref_slice %arg2[%dma_wait3A_514, %dma_wait3A_515] : memref<10000x128xf32, #tpu.memory_space<hbm>> -> memref<10000x128xf32, #tpu.memory_space<hbm>>
      tpu.wait_indirect_dma semaphore(%arg14 : memref<!tpu.dma_semaphore, #tpu.memory_space<semaphore_mem>>) src(%dma_wait3A_516 : memref<10000x128xf32, #tpu.memory_space<hbm>>) dst(%arg10 : memref<64x128xf32, #tpu.memory_space<vmem>>)
      %mul3A_517 = arith.constant 64 : i32
      %mul3A_518 = arith.muli %min3A_509, %mul3A_517 : i32
      %add3A_519 = arith.addi %mul3A_12, %mul3A_518 : i32
      %jit3A_520 = arith.constant 8 : i32
      %div3A_521 = arith.divsi %add3A_519, %jit3A_520 : i32
      %sign3A_522 = arith.constant 0 : i32
      %sign3A_523 = arith.cmpi sgt, %add3A_519, %sign3A_522 : i32
      %sign3A_524 = arith.extui %sign3A_523 : i1 to i32
      %sign3A_525 = arith.constant 0 : i32
      %sign3A_526 = arith.cmpi slt, %add3A_519, %sign3A_525 : i32
      %sign3A_527 = arith.extui %sign3A_526 : i1 to i32
      %sign3A_528 = arith.subi %sign3A_524, %sign3A_527 : i32
      %sign3A_529 = arith.constant 0 : i32
      %sign3A_530 = arith.cmpi sgt, %jit3A_520, %sign3A_529 : i32
      %sign3A_531 = arith.extui %sign3A_530 : i1 to i32
      %sign3A_532 = arith.constant 0 : i32
      %sign3A_533 = arith.cmpi slt, %jit3A_520, %sign3A_532 : i32
      %sign3A_534 = arith.extui %sign3A_533 : i1 to i32
      %sign3A_535 = arith.subi %sign3A_531, %sign3A_534 : i32
      %ne3A_536 = arith.cmpi ne, %sign3A_528, %sign3A_535 : i32
      %rem3A_537 = arith.remsi %add3A_519, %jit3A_520 : i32
      %ne3A_538 = arith.constant 0 : i32
      %ne3A_539 = arith.cmpi ne, %rem3A_537, %ne3A_538 : i32
      %and3A_540 = arith.andi %ne3A_536, %ne3A_539 : i1
      %sub3A_541 = arith.constant 1 : i32
      %sub3A_542 = arith.subi %div3A_521, %sub3A_541 : i32
      %select_n3A_543 = arith.select %and3A_540, %sub3A_542, %div3A_521 : i32
      %multiple_of3A_544 = tpu.assume_multiple %select_n3A_543, 8 : i32
      %dma_wait3A_545 = arith.constant 0 : i32
      %dma_wait3A_546 = arith.constant 0 : i32
      %dma_wait3A_547 = arith.constant 0 : i32
      %dma_wait3A_548 = tpu.memref_slice %arg12[%dma_wait3A_545, %dma_wait3A_546, %dma_wait3A_547] : memref<2x8x512xi32, #tpu.memory_space<vmem>> -> memref<1x8x512xi32, #tpu.memory_space<vmem>>
      %dma_wait3A_549 = tpu.memref_squeeze %dma_wait3A_548 : memref<1x8x512xi32, #tpu.memory_space<vmem>> -> memref<8x512xi32, #tpu.memory_space<vmem>>
      %dma_wait3A_550 = arith.constant 0 : i32
      %dma_wait3A_551 = tpu.memref_slice %arg4[%multiple_of3A_544, %dma_wait3A_550] : memref<40448x512xi32, #tpu.memory_space<hbm>> -> memref<8x512xi32, #tpu.memory_space<hbm>>
      %dma_wait3A_552 = arith.constant 0 : i32
      %dma_wait3A_553 = arith.constant 0 : i32
      %dma_wait3A_554 = tpu.memref_slice %arg12[%dma_wait3A_545, %dma_wait3A_552, %dma_wait3A_553] : memref<2x8x512xi32, #tpu.memory_space<vmem>> -> memref<1x8x512xi32, #tpu.memory_space<vmem>>
      %dma_wait3A_555 = tpu.memref_squeeze %dma_wait3A_554 : memref<1x8x512xi32, #tpu.memory_space<vmem>> -> memref<8x512xi32, #tpu.memory_space<vmem>>
      %dma_wait3A_556 = arith.constant 0 : i32
      %dma_wait3A_557 = tpu.memref_slice %arg4[%multiple_of3A_544, %dma_wait3A_556] : memref<40448x512xi32, #tpu.memory_space<hbm>> -> memref<8x512xi32, #tpu.memory_space<hbm>>
      tpu.wait_dma2 semaphore(%arg14 : memref<!tpu.dma_semaphore, #tpu.memory_space<semaphore_mem>>) src(%dma_wait3A_557 : memref<8x512xi32, #tpu.memory_space<hbm>>) dst(%dma_wait3A_555 : memref<8x512xi32, #tpu.memory_space<vmem>>)
      %scan3A = arith.constant 0 : i32
      %scan3A_558 = arith.constant 0 : i32
      %scan3A_559 = arith.constant 64 : i32
      %scan3A_560 = arith.addi %scan3A_558, %scan3A_559 : i32
      %scan3A_561 = arith.constant 4 : i32
      scf.for %scan3A_927 = %scan3A_558 to %scan3A_560 step %scan3A_561  : i32 {
        %shift_right_arithmetic3A = arith.constant 3 : i32
        %shift_right_arithmetic3A_928 = arith.shrsi %scan3A_927, %shift_right_arithmetic3A : i32
        %and3A_929 = arith.constant 7 : i32
        %and3A_930 = arith.andi %scan3A_927, %and3A_929 : i32
        %mul3A_931 = arith.constant 64 : i32
        %mul3A_932 = arith.muli %and3A_930, %mul3A_931 : i32
        %add3A_933 = arith.constant 0 : i32
        %add3A_934 = arith.addi %mul3A_932, %add3A_933 : i32
        %get3A_935 = arith.constant 0 : i32
        %get3A_936 = arith.index_cast %get3A_935 : i32 to index
        %get3A_937 = arith.index_cast %shift_right_arithmetic3A_928 : i32 to index
        %get3A_938 = arith.index_cast %add3A_934 : i32 to index
        %get3A_939 = tpu.vector_load %arg12[%get3A_936, %get3A_937, %get3A_938] {strides = array<i32>} : memref<2x8x512xi32, #tpu.memory_space<vmem>>, vector<1x1x16xi32>,
        %get3A_940 = vector.shape_cast %get3A_939 : vector<1x1x16xi32> to vector<16xi32>
        %add3A_941 = arith.constant 16 : i32
        %add3A_942 = arith.addi %mul3A_932, %add3A_941 : i32
        %get3A_943 = arith.constant 0 : i32
        %get3A_944 = arith.index_cast %get3A_943 : i32 to index
        %get3A_945 = arith.index_cast %shift_right_arithmetic3A_928 : i32 to index
        %get3A_946 = arith.index_cast %add3A_942 : i32 to index
        %get3A_947 = tpu.vector_load %arg12[%get3A_944, %get3A_945, %get3A_946] {strides = array<i32>} : memref<2x8x512xi32, #tpu.memory_space<vmem>>, vector<1x1x16xi32>,
        %get3A_948 = vector.shape_cast %get3A_947 : vector<1x1x16xi32> to vector<16xi32>
        %add3A_949 = arith.constant 32 : i32
        %add3A_950 = arith.addi %mul3A_932, %add3A_949 : i32
        %get3A_951 = arith.constant 0 : i32
        %get3A_952 = arith.index_cast %get3A_951 : i32 to index
        %get3A_953 = arith.index_cast %shift_right_arithmetic3A_928 : i32 to index
        %get3A_954 = arith.index_cast %add3A_950 : i32 to index
        %get3A_955 = tpu.vector_load %arg12[%get3A_952, %get3A_953, %get3A_954] {strides = array<i32>} : memref<2x8x512xi32, #tpu.memory_space<vmem>>, vector<1x1x16xi32>,
        %get3A_956 = vector.shape_cast %get3A_955 : vector<1x1x16xi32> to vector<16xi32>
        %add3A_957 = arith.constant 48 : i32
        %add3A_958 = arith.addi %mul3A_932, %add3A_957 : i32
        %get3A_959 = arith.constant 0 : i32
        %get3A_960 = arith.index_cast %get3A_959 : i32 to index
        %get3A_961 = arith.index_cast %shift_right_arithmetic3A_928 : i32 to index
        %get3A_962 = arith.index_cast %add3A_958 : i32 to index
        %get3A_963 = tpu.vector_load %arg12[%get3A_960, %get3A_961, %get3A_962] {strides = array<i32>} : memref<2x8x512xi32, #tpu.memory_space<vmem>>, vector<1x1x16xi32>,
        %get3A_964 = vector.shape_cast %get3A_963 : vector<1x1x16xi32> to vector<16xi32>
        %get3A_965 = arith.index_cast %scan3A_927 : i32 to index
        %get3A_966 = arith.constant 0 : index
        %get3A_967 = tpu.vector_load %arg10[%get3A_965, %get3A_966] {strides = array<i32>} : memref<64x128xf32, #tpu.memory_space<vmem>>, vector<1x16xf32>,
        %get3A_968 = vector.shape_cast %get3A_967 : vector<1x16xf32> to vector<16xf32>
        %get3A_969 = arith.index_cast %scan3A_927 : i32 to index
        %get3A_970 = arith.constant 32 : index
        %get3A_971 = tpu.vector_load %arg10[%get3A_969, %get3A_970] {strides = array<i32>} : memref<64x128xf32, #tpu.memory_space<vmem>>, vector<1x16xf32>,
        %get3A_972 = vector.shape_cast %get3A_971 : vector<1x16xf32> to vector<16xf32>
        %get3A_973 = arith.index_cast %scan3A_927 : i32 to index
        %get3A_974 = arith.constant 64 : index
        %get3A_975 = tpu.vector_load %arg10[%get3A_973, %get3A_974] {strides = array<i32>} : memref<64x128xf32, #tpu.memory_space<vmem>>, vector<1x16xf32>,
        %get3A_976 = vector.shape_cast %get3A_975 : vector<1x16xf32> to vector<16xf32>
        %get3A_977 = arith.index_cast %scan3A_927 : i32 to index
        %get3A_978 = arith.constant 96 : index
        %get3A_979 = tpu.vector_load %arg10[%get3A_977, %get3A_978] {strides = array<i32>} : memref<64x128xf32, #tpu.memory_space<vmem>>, vector<1x16xf32>,
        %get3A_980 = vector.shape_cast %get3A_979 : vector<1x16xf32> to vector<16xf32>
        %get3A_981 = arith.index_cast %scan3A_927 : i32 to index
        %get3A_982 = arith.constant 16 : index
        %get3A_983 = tpu.vector_load %arg10[%get3A_981, %get3A_982] {strides = array<i32>} : memref<64x128xf32, #tpu.memory_space<vmem>>, vector<1x16xf32>,
        %get3A_984 = vector.shape_cast %get3A_983 : vector<1x16xf32> to vector<16xf32>
        %get3A_985 = arith.index_cast %scan3A_927 : i32 to index
        %get3A_986 = arith.constant 48 : index
        %get3A_987 = tpu.vector_load %arg10[%get3A_985, %get3A_986] {strides = array<i32>} : memref<64x128xf32, #tpu.memory_space<vmem>>, vector<1x16xf32>,
        %get3A_988 = vector.shape_cast %get3A_987 : vector<1x16xf32> to vector<16xf32>
        %get3A_989 = arith.index_cast %scan3A_927 : i32 to index
        %get3A_990 = arith.constant 80 : index
        %get3A_991 = tpu.vector_load %arg10[%get3A_989, %get3A_990] {strides = array<i32>} : memref<64x128xf32, #tpu.memory_space<vmem>>, vector<1x16xf32>,
        %get3A_992 = vector.shape_cast %get3A_991 : vector<1x16xf32> to vector<16xf32>
        %get3A_993 = arith.index_cast %scan3A_927 : i32 to index
        %get3A_994 = arith.constant 112 : index
        %get3A_995 = tpu.vector_load %arg10[%get3A_993, %get3A_994] {strides = array<i32>} : memref<64x128xf32, #tpu.memory_space<vmem>>, vector<1x16xf32>,
        %get3A_996 = vector.shape_cast %get3A_995 : vector<1x16xf32> to vector<16xf32>
        %shift_left3A = arith.constant 16 : i32
        %shift_left3A_997 = vector.broadcast %shift_left3A : i32 to vector<16xi32>
        %shift_left3A_998 = arith.shli %get3A_940, %shift_left3A_997 : vector<16xi32>
        %bitcast_convert_type3A = tpu.bitcast %shift_left3A_998 : vector<16xi32> -> vector<16xf32>
        %mul3A_999 = arith.mulf %get3A_968, %bitcast_convert_type3A : vector<16xf32>
        %shift_left3A_1000 = arith.constant 16 : i32
        %shift_left3A_1001 = vector.broadcast %shift_left3A_1000 : i32 to vector<16xi32>
        %shift_left3A_1002 = arith.shli %get3A_948, %shift_left3A_1001 : vector<16xi32>
        %bitcast_convert_type3A_1003 = tpu.bitcast %shift_left3A_1002 : vector<16xi32> -> vector<16xf32>
        %mul3A_1004 = arith.mulf %get3A_972, %bitcast_convert_type3A_1003 : vector<16xf32>
        %shift_left3A_1005 = arith.constant 16 : i32
        %shift_left3A_1006 = vector.broadcast %shift_left3A_1005 : i32 to vector<16xi32>
        %shift_left3A_1007 = arith.shli %get3A_956, %shift_left3A_1006 : vector<16xi32>
        %bitcast_convert_type3A_1008 = tpu.bitcast %shift_left3A_1007 : vector<16xi32> -> vector<16xf32>
        %mul3A_1009 = arith.mulf %get3A_976, %bitcast_convert_type3A_1008 : vector<16xf32>
        %shift_left3A_1010 = arith.constant 16 : i32
        %shift_left3A_1011 = vector.broadcast %shift_left3A_1010 : i32 to vector<16xi32>
        %shift_left3A_1012 = arith.shli %get3A_964, %shift_left3A_1011 : vector<16xi32>
        %bitcast_convert_type3A_1013 = tpu.bitcast %shift_left3A_1012 : vector<16xi32> -> vector<16xf32>
        %mul3A_1014 = arith.mulf %get3A_980, %bitcast_convert_type3A_1013 : vector<16xf32>
        %and3A_1015 = vector.broadcast %while3A_345 : i32 to vector<16xi32>
        %and3A_1016 = arith.andi %get3A_940, %and3A_1015 : vector<16xi32>
        %bitcast_convert_type3A_1017 = tpu.bitcast %and3A_1016 : vector<16xi32> -> vector<16xf32>
        %mul3A_1018 = arith.mulf %get3A_984, %bitcast_convert_type3A_1017 : vector<16xf32>
        %and3A_1019 = vector.broadcast %while3A_345 : i32 to vector<16xi32>
        %and3A_1020 = arith.andi %get3A_948, %and3A_1019 : vector<16xi32>
        %bitcast_convert_type3A_1021 = tpu.bitcast %and3A_1020 : vector<16xi32> -> vector<16xf32>
        %mul3A_1022 = arith.mulf %get3A_988, %bitcast_convert_type3A_1021 : vector<16xf32>
        %and3A_1023 = vector.broadcast %while3A_345 : i32 to vector<16xi32>
        %and3A_1024 = arith.andi %get3A_956, %and3A_1023 : vector<16xi32>
        %bitcast_convert_type3A_1025 = tpu.bitcast %and3A_1024 : vector<16xi32> -> vector<16xf32>
        %mul3A_1026 = arith.mulf %get3A_992, %bitcast_convert_type3A_1025 : vector<16xf32>
        %and3A_1027 = vector.broadcast %while3A_345 : i32 to vector<16xi32>
        %and3A_1028 = arith.andi %get3A_964, %and3A_1027 : vector<16xi32>
        %bitcast_convert_type3A_1029 = tpu.bitcast %and3A_1028 : vector<16xi32> -> vector<16xf32>
        %mul3A_1030 = arith.mulf %get3A_996, %bitcast_convert_type3A_1029 : vector<16xf32>
        %swap3A_1031 = arith.index_cast %scan3A_927 : i32 to index
        %swap3A_1032 = arith.constant 0 : index
        %swap3A_1033 = tpu.vector_load %arg10[%swap3A_1031, %swap3A_1032] {strides = array<i32>} : memref<64x128xf32, #tpu.memory_space<vmem>>, vector<1x16xf32>,
        %swap3A_1034 = vector.shape_cast %swap3A_1033 : vector<1x16xf32> to vector<16xf32>
        %swap3A_1035 = vector.shape_cast %mul3A_999 : vector<16xf32> to vector<1x16xf32>
        tpu.vector_store %arg10[%swap3A_1031, %swap3A_1032], %swap3A_1035 {strides = array<i32>} : memref<64x128xf32, #tpu.memory_space<vmem>>, vector<1x16xf32>,
        %swap3A_1036 = arith.index_cast %scan3A_927 : i32 to index
        %swap3A_1037 = arith.constant 16 : index
        %swap3A_1038 = tpu.vector_load %arg10[%swap3A_1036, %swap3A_1037] {strides = array<i32>} : memref<64x128xf32, #tpu.memory_space<vmem>>, vector<1x16xf32>,
        %swap3A_1039 = vector.shape_cast %swap3A_1038 : vector<1x16xf32> to vector<16xf32>
        %swap3A_1040 = vector.shape_cast %mul3A_1018 : vector<16xf32> to vector<1x16xf32>
        tpu.vector_store %arg10[%swap3A_1036, %swap3A_1037], %swap3A_1040 {strides = array<i32>} : memref<64x128xf32, #tpu.memory_space<vmem>>, vector<1x16xf32>,
        %swap3A_1041 = arith.index_cast %scan3A_927 : i32 to index
        %swap3A_1042 = arith.constant 32 : index
        %swap3A_1043 = tpu.vector_load %arg10[%swap3A_1041, %swap3A_1042] {strides = array<i32>} : memref<64x128xf32, #tpu.memory_space<vmem>>, vector<1x16xf32>,
        %swap3A_1044 = vector.shape_cast %swap3A_1043 : vector<1x16xf32> to vector<16xf32>
        %swap3A_1045 = vector.shape_cast %mul3A_1004 : vector<16xf32> to vector<1x16xf32>
        tpu.vector_store %arg10[%swap3A_1041, %swap3A_1042], %swap3A_1045 {strides = array<i32>} : memref<64x128xf32, #tpu.memory_space<vmem>>, vector<1x16xf32>,
        %swap3A_1046 = arith.index_cast %scan3A_927 : i32 to index
        %swap3A_1047 = arith.constant 48 : index
        %swap3A_1048 = tpu.vector_load %arg10[%swap3A_1046, %swap3A_1047] {strides = array<i32>} : memref<64x128xf32, #tpu.memory_space<vmem>>, vector<1x16xf32>,
        %swap3A_1049 = vector.shape_cast %swap3A_1048 : vector<1x16xf32> to vector<16xf32>
        %swap3A_1050 = vector.shape_cast %mul3A_1022 : vector<16xf32> to vector<1x16xf32>
        tpu.vector_store %arg10[%swap3A_1046, %swap3A_1047], %swap3A_1050 {strides = array<i32>} : memref<64x128xf32, #tpu.memory_space<vmem>>, vector<1x16xf32>,
        %swap3A_1051 = arith.index_cast %scan3A_927 : i32 to index
        %swap3A_1052 = arith.constant 64 : index
        %swap3A_1053 = tpu.vector_load %arg10[%swap3A_1051, %swap3A_1052] {strides = array<i32>} : memref<64x128xf32, #tpu.memory_space<vmem>>, vector<1x16xf32>,
        %swap3A_1054 = vector.shape_cast %swap3A_1053 : vector<1x16xf32> to vector<16xf32>
        %swap3A_1055 = vector.shape_cast %mul3A_1009 : vector<16xf32> to vector<1x16xf32>
        tpu.vector_store %arg10[%swap3A_1051, %swap3A_1052], %swap3A_1055 {strides = array<i32>} : memref<64x128xf32, #tpu.memory_space<vmem>>, vector<1x16xf32>,
        %swap3A_1056 = arith.index_cast %scan3A_927 : i32 to index
        %swap3A_1057 = arith.constant 80 : index
        %swap3A_1058 = tpu.vector_load %arg10[%swap3A_1056, %swap3A_1057] {strides = array<i32>} : memref<64x128xf32, #tpu.memory_space<vmem>>, vector<1x16xf32>,
        %swap3A_1059 = vector.shape_cast %swap3A_1058 : vector<1x16xf32> to vector<16xf32>
        %swap3A_1060 = vector.shape_cast %mul3A_1026 : vector<16xf32> to vector<1x16xf32>
        tpu.vector_store %arg10[%swap3A_1056, %swap3A_1057], %swap3A_1060 {strides = array<i32>} : memref<64x128xf32, #tpu.memory_space<vmem>>, vector<1x16xf32>,
        %swap3A_1061 = arith.index_cast %scan3A_927 : i32 to index
        %swap3A_1062 = arith.constant 96 : index
        %swap3A_1063 = tpu.vector_load %arg10[%swap3A_1061, %swap3A_1062] {strides = array<i32>} : memref<64x128xf32, #tpu.memory_space<vmem>>, vector<1x16xf32>,
        %swap3A_1064 = vector.shape_cast %swap3A_1063 : vector<1x16xf32> to vector<16xf32>
        %swap3A_1065 = vector.shape_cast %mul3A_1014 : vector<16xf32> to vector<1x16xf32>
        tpu.vector_store %arg10[%swap3A_1061, %swap3A_1062], %swap3A_1065 {strides = array<i32>} : memref<64x128xf32, #tpu.memory_space<vmem>>, vector<1x16xf32>,
        %swap3A_1066 = arith.index_cast %scan3A_927 : i32 to index
        %swap3A_1067 = arith.constant 112 : index
        %swap3A_1068 = tpu.vector_load %arg10[%swap3A_1066, %swap3A_1067] {strides = array<i32>} : memref<64x128xf32, #tpu.memory_space<vmem>>, vector<1x16xf32>,
        %swap3A_1069 = vector.shape_cast %swap3A_1068 : vector<1x16xf32> to vector<16xf32>
        %swap3A_1070 = vector.shape_cast %mul3A_1030 : vector<16xf32> to vector<1x16xf32>
        tpu.vector_store %arg10[%swap3A_1066, %swap3A_1067], %swap3A_1070 {strides = array<i32>} : memref<64x128xf32, #tpu.memory_space<vmem>>, vector<1x16xf32>,
        %scan3A_1071 = arith.constant 1 : i32
        %scan3A_1072 = arith.addi %scan3A_927, %scan3A_1071 : i32
        %shift_right_arithmetic3A_1073 = arith.constant 3 : i32
        %shift_right_arithmetic3A_1074 = arith.shrsi %scan3A_1072, %shift_right_arithmetic3A_1073 : i32
        %and3A_1075 = arith.constant 7 : i32
        %and3A_1076 = arith.andi %scan3A_1072, %and3A_1075 : i32
        %mul3A_1077 = arith.constant 64 : i32
        %mul3A_1078 = arith.muli %and3A_1076, %mul3A_1077 : i32
        %add3A_1079 = arith.constant 0 : i32
        %add3A_1080 = arith.addi %mul3A_1078, %add3A_1079 : i32
        %get3A_1081 = arith.constant 0 : i32
        %get3A_1082 = arith.index_cast %get3A_1081 : i32 to index
        %get3A_1083 = arith.index_cast %shift_right_arithmetic3A_1074 : i32 to index
        %get3A_1084 = arith.index_cast %add3A_1080 : i32 to index
        %get3A_1085 = tpu.vector_load %arg12[%get3A_1082, %get3A_1083, %get3A_1084] {strides = array<i32>} : memref<2x8x512xi32, #tpu.memory_space<vmem>>, vector<1x1x16xi32>,
        %get3A_1086 = vector.shape_cast %get3A_1085 : vector<1x1x16xi32> to vector<16xi32>
        %add3A_1087 = arith.constant 16 : i32
        %add3A_1088 = arith.addi %mul3A_1078, %add3A_1087 : i32
        %get3A_1089 = arith.constant 0 : i32
        %get3A_1090 = arith.index_cast %get3A_1089 : i32 to index
        %get3A_1091 = arith.index_cast %shift_right_arithmetic3A_1074 : i32 to index
        %get3A_1092 = arith.index_cast %add3A_1088 : i32 to index
        %get3A_1093 = tpu.vector_load %arg12[%get3A_1090, %get3A_1091, %get3A_1092] {strides = array<i32>} : memref<2x8x512xi32, #tpu.memory_space<vmem>>, vector<1x1x16xi32>,
        %get3A_1094 = vector.shape_cast %get3A_1093 : vector<1x1x16xi32> to vector<16xi32>
        %add3A_1095 = arith.constant 32 : i32
        %add3A_1096 = arith.addi %mul3A_1078, %add3A_1095 : i32
        %get3A_1097 = arith.constant 0 : i32
        %get3A_1098 = arith.index_cast %get3A_1097 : i32 to index
        %get3A_1099 = arith.index_cast %shift_right_arithmetic3A_1074 : i32 to index
        %get3A_1100 = arith.index_cast %add3A_1096 : i32 to index
        %get3A_1101 = tpu.vector_load %arg12[%get3A_1098, %get3A_1099, %get3A_1100] {strides = array<i32>} : memref<2x8x512xi32, #tpu.memory_space<vmem>>, vector<1x1x16xi32>,
        %get3A_1102 = vector.shape_cast %get3A_1101 : vector<1x1x16xi32> to vector<16xi32>
        %add3A_1103 = arith.constant 48 : i32
        %add3A_1104 = arith.addi %mul3A_1078, %add3A_1103 : i32
        %get3A_1105 = arith.constant 0 : i32
        %get3A_1106 = arith.index_cast %get3A_1105 : i32 to index
        %get3A_1107 = arith.index_cast %shift_right_arithmetic3A_1074 : i32 to index
        %get3A_1108 = arith.index_cast %add3A_1104 : i32 to index
        %get3A_1109 = tpu.vector_load %arg12[%get3A_1106, %get3A_1107, %get3A_1108] {strides = array<i32>} : memref<2x8x512xi32, #tpu.memory_space<vmem>>, vector<1x1x16xi32>,
        %get3A_1110 = vector.shape_cast %get3A_1109 : vector<1x1x16xi32> to vector<16xi32>
        %get3A_1111 = arith.index_cast %scan3A_1072 : i32 to index
        %get3A_1112 = arith.constant 0 : index
        %get3A_1113 = tpu.vector_load %arg10[%get3A_1111, %get3A_1112] {strides = array<i32>} : memref<64x128xf32, #tpu.memory_space<vmem>>, vector<1x16xf32>,
        %get3A_1114 = vector.shape_cast %get3A_1113 : vector<1x16xf32> to vector<16xf32>
        %get3A_1115 = arith.index_cast %scan3A_1072 : i32 to index
        %get3A_1116 = arith.constant 32 : index
        %get3A_1117 = tpu.vector_load %arg10[%get3A_1115, %get3A_1116] {strides = array<i32>} : memref<64x128xf32, #tpu.memory_space<vmem>>, vector<1x16xf32>,
        %get3A_1118 = vector.shape_cast %get3A_1117 : vector<1x16xf32> to vector<16xf32>
        %get3A_1119 = arith.index_cast %scan3A_1072 : i32 to index
        %get3A_1120 = arith.constant 64 : index
        %get3A_1121 = tpu.vector_load %arg10[%get3A_1119, %get3A_1120] {strides = array<i32>} : memref<64x128xf32, #tpu.memory_space<vmem>>, vector<1x16xf32>,
        %get3A_1122 = vector.shape_cast %get3A_1121 : vector<1x16xf32> to vector<16xf32>
        %get3A_1123 = arith.index_cast %scan3A_1072 : i32 to index
        %get3A_1124 = arith.constant 96 : index
        %get3A_1125 = tpu.vector_load %arg10[%get3A_1123, %get3A_1124] {strides = array<i32>} : memref<64x128xf32, #tpu.memory_space<vmem>>, vector<1x16xf32>,
        %get3A_1126 = vector.shape_cast %get3A_1125 : vector<1x16xf32> to vector<16xf32>
        %get3A_1127 = arith.index_cast %scan3A_1072 : i32 to index
        %get3A_1128 = arith.constant 16 : index
        %get3A_1129 = tpu.vector_load %arg10[%get3A_1127, %get3A_1128] {strides = array<i32>} : memref<64x128xf32, #tpu.memory_space<vmem>>, vector<1x16xf32>,
        %get3A_1130 = vector.shape_cast %get3A_1129 : vector<1x16xf32> to vector<16xf32>
        %get3A_1131 = arith.index_cast %scan3A_1072 : i32 to index
        %get3A_1132 = arith.constant 48 : index
        %get3A_1133 = tpu.vector_load %arg10[%get3A_1131, %get3A_1132] {strides = array<i32>} : memref<64x128xf32, #tpu.memory_space<vmem>>, vector<1x16xf32>,
        %get3A_1134 = vector.shape_cast %get3A_1133 : vector<1x16xf32> to vector<16xf32>
        %get3A_1135 = arith.index_cast %scan3A_1072 : i32 to index
        %get3A_1136 = arith.constant 80 : index
        %get3A_1137 = tpu.vector_load %arg10[%get3A_1135, %get3A_1136] {strides = array<i32>} : memref<64x128xf32, #tpu.memory_space<vmem>>, vector<1x16xf32>,
        %get3A_1138 = vector.shape_cast %get3A_1137 : vector<1x16xf32> to vector<16xf32>
        %get3A_1139 = arith.index_cast %scan3A_1072 : i32 to index
        %get3A_1140 = arith.constant 112 : index
        %get3A_1141 = tpu.vector_load %arg10[%get3A_1139, %get3A_1140] {strides = array<i32>} : memref<64x128xf32, #tpu.memory_space<vmem>>, vector<1x16xf32>,
        %get3A_1142 = vector.shape_cast %get3A_1141 : vector<1x16xf32> to vector<16xf32>
        %shift_left3A_1143 = arith.constant 16 : i32
        %shift_left3A_1144 = vector.broadcast %shift_left3A_1143 : i32 to vector<16xi32>
        %shift_left3A_1145 = arith.shli %get3A_1086, %shift_left3A_1144 : vector<16xi32>
        %bitcast_convert_type3A_1146 = tpu.bitcast %shift_left3A_1145 : vector<16xi32> -> vector<16xf32>
        %mul3A_1147 = arith.mulf %get3A_1114, %bitcast_convert_type3A_1146 : vector<16xf32>
        %shift_left3A_1148 = arith.constant 16 : i32
        %shift_left3A_1149 = vector.broadcast %shift_left3A_1148 : i32 to vector<16xi32>
        %shift_left3A_1150 = arith.shli %get3A_1094, %shift_left3A_1149 : vector<16xi32>
        %bitcast_convert_type3A_1151 = tpu.bitcast %shift_left3A_1150 : vector<16xi32> -> vector<16xf32>
        %mul3A_1152 = arith.mulf %get3A_1118, %bitcast_convert_type3A_1151 : vector<16xf32>
        %shift_left3A_1153 = arith.constant 16 : i32
        %shift_left3A_1154 = vector.broadcast %shift_left3A_1153 : i32 to vector<16xi32>
        %shift_left3A_1155 = arith.shli %get3A_1102, %shift_left3A_1154 : vector<16xi32>
        %bitcast_convert_type3A_1156 = tpu.bitcast %shift_left3A_1155 : vector<16xi32> -> vector<16xf32>
        %mul3A_1157 = arith.mulf %get3A_1122, %bitcast_convert_type3A_1156 : vector<16xf32>
        %shift_left3A_1158 = arith.constant 16 : i32
        %shift_left3A_1159 = vector.broadcast %shift_left3A_1158 : i32 to vector<16xi32>
        %shift_left3A_1160 = arith.shli %get3A_1110, %shift_left3A_1159 : vector<16xi32>
        %bitcast_convert_type3A_1161 = tpu.bitcast %shift_left3A_1160 : vector<16xi32> -> vector<16xf32>
        %mul3A_1162 = arith.mulf %get3A_1126, %bitcast_convert_type3A_1161 : vector<16xf32>
        %and3A_1163 = vector.broadcast %while3A_345 : i32 to vector<16xi32>
        %and3A_1164 = arith.andi %get3A_1086, %and3A_1163 : vector<16xi32>
        %bitcast_convert_type3A_1165 = tpu.bitcast %and3A_1164 : vector<16xi32> -> vector<16xf32>
        %mul3A_1166 = arith.mulf %get3A_1130, %bitcast_convert_type3A_1165 : vector<16xf32>
        %and3A_1167 = vector.broadcast %while3A_345 : i32 to vector<16xi32>
        %and3A_1168 = arith.andi %get3A_1094, %and3A_1167 : vector<16xi32>
        %bitcast_convert_type3A_1169 = tpu.bitcast %and3A_1168 : vector<16xi32> -> vector<16xf32>
        %mul3A_1170 = arith.mulf %get3A_1134, %bitcast_convert_type3A_1169 : vector<16xf32>
        %and3A_1171 = vector.broadcast %while3A_345 : i32 to vector<16xi32>
        %and3A_1172 = arith.andi %get3A_1102, %and3A_1171 : vector<16xi32>
        %bitcast_convert_type3A_1173 = tpu.bitcast %and3A_1172 : vector<16xi32> -> vector<16xf32>
        %mul3A_1174 = arith.mulf %get3A_1138, %bitcast_convert_type3A_1173 : vector<16xf32>
        %and3A_1175 = vector.broadcast %while3A_345 : i32 to vector<16xi32>
        %and3A_1176 = arith.andi %get3A_1110, %and3A_1175 : vector<16xi32>
        %bitcast_convert_type3A_1177 = tpu.bitcast %and3A_1176 : vector<16xi32> -> vector<16xf32>
        %mul3A_1178 = arith.mulf %get3A_1142, %bitcast_convert_type3A_1177 : vector<16xf32>
        %swap3A_1179 = arith.index_cast %scan3A_1072 : i32 to index
        %swap3A_1180 = arith.constant 0 : index
        %swap3A_1181 = tpu.vector_load %arg10[%swap3A_1179, %swap3A_1180] {strides = array<i32>} : memref<64x128xf32, #tpu.memory_space<vmem>>, vector<1x16xf32>,
        %swap3A_1182 = vector.shape_cast %swap3A_1181 : vector<1x16xf32> to vector<16xf32>
        %swap3A_1183 = vector.shape_cast %mul3A_1147 : vector<16xf32> to vector<1x16xf32>
        tpu.vector_store %arg10[%swap3A_1179, %swap3A_1180], %swap3A_1183 {strides = array<i32>} : memref<64x128xf32, #tpu.memory_space<vmem>>, vector<1x16xf32>,
        %swap3A_1184 = arith.index_cast %scan3A_1072 : i32 to index
        %swap3A_1185 = arith.constant 16 : index
        %swap3A_1186 = tpu.vector_load %arg10[%swap3A_1184, %swap3A_1185] {strides = array<i32>} : memref<64x128xf32, #tpu.memory_space<vmem>>, vector<1x16xf32>,
        %swap3A_1187 = vector.shape_cast %swap3A_1186 : vector<1x16xf32> to vector<16xf32>
        %swap3A_1188 = vector.shape_cast %mul3A_1166 : vector<16xf32> to vector<1x16xf32>
        tpu.vector_store %arg10[%swap3A_1184, %swap3A_1185], %swap3A_1188 {strides = array<i32>} : memref<64x128xf32, #tpu.memory_space<vmem>>, vector<1x16xf32>,
        %swap3A_1189 = arith.index_cast %scan3A_1072 : i32 to index
        %swap3A_1190 = arith.constant 32 : index
        %swap3A_1191 = tpu.vector_load %arg10[%swap3A_1189, %swap3A_1190] {strides = array<i32>} : memref<64x128xf32, #tpu.memory_space<vmem>>, vector<1x16xf32>,
        %swap3A_1192 = vector.shape_cast %swap3A_1191 : vector<1x16xf32> to vector<16xf32>
        %swap3A_1193 = vector.shape_cast %mul3A_1152 : vector<16xf32> to vector<1x16xf32>
        tpu.vector_store %arg10[%swap3A_1189, %swap3A_1190], %swap3A_1193 {strides = array<i32>} : memref<64x128xf32, #tpu.memory_space<vmem>>, vector<1x16xf32>,
        %swap3A_1194 = arith.index_cast %scan3A_1072 : i32 to index
        %swap3A_1195 = arith.constant 48 : index
        %swap3A_1196 = tpu.vector_load %arg10[%swap3A_1194, %swap3A_1195] {strides = array<i32>} : memref<64x128xf32, #tpu.memory_space<vmem>>, vector<1x16xf32>,
        %swap3A_1197 = vector.shape_cast %swap3A_1196 : vector<1x16xf32> to vector<16xf32>
        %swap3A_1198 = vector.shape_cast %mul3A_1170 : vector<16xf32> to vector<1x16xf32>
        tpu.vector_store %arg10[%swap3A_1194, %swap3A_1195], %swap3A_1198 {strides = array<i32>} : memref<64x128xf32, #tpu.memory_space<vmem>>, vector<1x16xf32>,
        %swap3A_1199 = arith.index_cast %scan3A_1072 : i32 to index
        %swap3A_1200 = arith.constant 64 : index
        %swap3A_1201 = tpu.vector_load %arg10[%swap3A_1199, %swap3A_1200] {strides = array<i32>} : memref<64x128xf32, #tpu.memory_space<vmem>>, vector<1x16xf32>,
        %swap3A_1202 = vector.shape_cast %swap3A_1201 : vector<1x16xf32> to vector<16xf32>
        %swap3A_1203 = vector.shape_cast %mul3A_1157 : vector<16xf32> to vector<1x16xf32>
        tpu.vector_store %arg10[%swap3A_1199, %swap3A_1200], %swap3A_1203 {strides = array<i32>} : memref<64x128xf32, #tpu.memory_space<vmem>>, vector<1x16xf32>,
        %swap3A_1204 = arith.index_cast %scan3A_1072 : i32 to index
        %swap3A_1205 = arith.constant 80 : index
        %swap3A_1206 = tpu.vector_load %arg10[%swap3A_1204, %swap3A_1205] {strides = array<i32>} : memref<64x128xf32, #tpu.memory_space<vmem>>, vector<1x16xf32>,
        %swap3A_1207 = vector.shape_cast %swap3A_1206 : vector<1x16xf32> to vector<16xf32>
        %swap3A_1208 = vector.shape_cast %mul3A_1174 : vector<16xf32> to vector<1x16xf32>
        tpu.vector_store %arg10[%swap3A_1204, %swap3A_1205], %swap3A_1208 {strides = array<i32>} : memref<64x128xf32, #tpu.memory_space<vmem>>, vector<1x16xf32>,
        %swap3A_1209 = arith.index_cast %scan3A_1072 : i32 to index
        %swap3A_1210 = arith.constant 96 : index
        %swap3A_1211 = tpu.vector_load %arg10[%swap3A_1209, %swap3A_1210] {strides = array<i32>} : memref<64x128xf32, #tpu.memory_space<vmem>>, vector<1x16xf32>,
        %swap3A_1212 = vector.shape_cast %swap3A_1211 : vector<1x16xf32> to vector<16xf32>
        %swap3A_1213 = vector.shape_cast %mul3A_1162 : vector<16xf32> to vector<1x16xf32>
        tpu.vector_store %arg10[%swap3A_1209, %swap3A_1210], %swap3A_1213 {strides = array<i32>} : memref<64x128xf32, #tpu.memory_space<vmem>>, vector<1x16xf32>,
        %swap3A_1214 = arith.index_cast %scan3A_1072 : i32 to index
        %swap3A_1215 = arith.constant 112 : index
        %swap3A_1216 = tpu.vector_load %arg10[%swap3A_1214, %swap3A_1215] {strides = array<i32>} : memref<64x128xf32, #tpu.memory_space<vmem>>, vector<1x16xf32>,
        %swap3A_1217 = vector.shape_cast %swap3A_1216 : vector<1x16xf32> to vector<16xf32>
        %swap3A_1218 = vector.shape_cast %mul3A_1178 : vector<16xf32> to vector<1x16xf32>
        tpu.vector_store %arg10[%swap3A_1214, %swap3A_1215], %swap3A_1218 {strides = array<i32>} : memref<64x128xf32, #tpu.memory_space<vmem>>, vector<1x16xf32>,
        %scan3A_1219 = arith.constant 2 : i32
        %scan3A_1220 = arith.addi %scan3A_927, %scan3A_1219 : i32
        %shift_right_arithmetic3A_1221 = arith.constant 3 : i32
        %shift_right_arithmetic3A_1222 = arith.shrsi %scan3A_1220, %shift_right_arithmetic3A_1221 : i32
        %and3A_1223 = arith.constant 7 : i32
        %and3A_1224 = arith.andi %scan3A_1220, %and3A_1223 : i32
        %mul3A_1225 = arith.constant 64 : i32
        %mul3A_1226 = arith.muli %and3A_1224, %mul3A_1225 : i32
        %add3A_1227 = arith.constant 0 : i32
        %add3A_1228 = arith.addi %mul3A_1226, %add3A_1227 : i32
        %get3A_1229 = arith.constant 0 : i32
        %get3A_1230 = arith.index_cast %get3A_1229 : i32 to index
        %get3A_1231 = arith.index_cast %shift_right_arithmetic3A_1222 : i32 to index
        %get3A_1232 = arith.index_cast %add3A_1228 : i32 to index
        %get3A_1233 = tpu.vector_load %arg12[%get3A_1230, %get3A_1231, %get3A_1232] {strides = array<i32>} : memref<2x8x512xi32, #tpu.memory_space<vmem>>, vector<1x1x16xi32>,
        %get3A_1234 = vector.shape_cast %get3A_1233 : vector<1x1x16xi32> to vector<16xi32>
        %add3A_1235 = arith.constant 16 : i32
        %add3A_1236 = arith.addi %mul3A_1226, %add3A_1235 : i32
        %get3A_1237 = arith.constant 0 : i32
        %get3A_1238 = arith.index_cast %get3A_1237 : i32 to index
        %get3A_1239 = arith.index_cast %shift_right_arithmetic3A_1222 : i32 to index
        %get3A_1240 = arith.index_cast %add3A_1236 : i32 to index
        %get3A_1241 = tpu.vector_load %arg12[%get3A_1238, %get3A_1239, %get3A_1240] {strides = array<i32>} : memref<2x8x512xi32, #tpu.memory_space<vmem>>, vector<1x1x16xi32>,
        %get3A_1242 = vector.shape_cast %get3A_1241 : vector<1x1x16xi32> to vector<16xi32>
        %add3A_1243 = arith.constant 32 : i32
        %add3A_1244 = arith.addi %mul3A_1226, %add3A_1243 : i32
        %get3A_1245 = arith.constant 0 : i32
        %get3A_1246 = arith.index_cast %get3A_1245 : i32 to index
        %get3A_1247 = arith.index_cast %shift_right_arithmetic3A_1222 : i32 to index
        %get3A_1248 = arith.index_cast %add3A_1244 : i32 to index
        %get3A_1249 = tpu.vector_load %arg12[%get3A_1246, %get3A_1247, %get3A_1248] {strides = array<i32>} : memref<2x8x512xi32, #tpu.memory_space<vmem>>, vector<1x1x16xi32>,
        %get3A_1250 = vector.shape_cast %get3A_1249 : vector<1x1x16xi32> to vector<16xi32>
        %add3A_1251 = arith.constant 48 : i32
        %add3A_1252 = arith.addi %mul3A_1226, %add3A_1251 : i32
        %get3A_1253 = arith.constant 0 : i32
        %get3A_1254 = arith.index_cast %get3A_1253 : i32 to index
        %get3A_1255 = arith.index_cast %shift_right_arithmetic3A_1222 : i32 to index
        %get3A_1256 = arith.index_cast %add3A_1252 : i32 to index
        %get3A_1257 = tpu.vector_load %arg12[%get3A_1254, %get3A_1255, %get3A_1256] {strides = array<i32>} : memref<2x8x512xi32, #tpu.memory_space<vmem>>, vector<1x1x16xi32>,
        %get3A_1258 = vector.shape_cast %get3A_1257 : vector<1x1x16xi32> to vector<16xi32>
        %get3A_1259 = arith.index_cast %scan3A_1220 : i32 to index
        %get3A_1260 = arith.constant 0 : index
        %get3A_1261 = tpu.vector_load %arg10[%get3A_1259, %get3A_1260] {strides = array<i32>} : memref<64x128xf32, #tpu.memory_space<vmem>>, vector<1x16xf32>,
        %get3A_1262 = vector.shape_cast %get3A_1261 : vector<1x16xf32> to vector<16xf32>
        %get3A_1263 = arith.index_cast %scan3A_1220 : i32 to index
        %get3A_1264 = arith.constant 32 : index
        %get3A_1265 = tpu.vector_load %arg10[%get3A_1263, %get3A_1264] {strides = array<i32>} : memref<64x128xf32, #tpu.memory_space<vmem>>, vector<1x16xf32>,
        %get3A_1266 = vector.shape_cast %get3A_1265 : vector<1x16xf32> to vector<16xf32>
        %get3A_1267 = arith.index_cast %scan3A_1220 : i32 to index
        %get3A_1268 = arith.constant 64 : index
        %get3A_1269 = tpu.vector_load %arg10[%get3A_1267, %get3A_1268] {strides = array<i32>} : memref<64x128xf32, #tpu.memory_space<vmem>>, vector<1x16xf32>,
        %get3A_1270 = vector.shape_cast %get3A_1269 : vector<1x16xf32> to vector<16xf32>
        %get3A_1271 = arith.index_cast %scan3A_1220 : i32 to index
        %get3A_1272 = arith.constant 96 : index
        %get3A_1273 = tpu.vector_load %arg10[%get3A_1271, %get3A_1272] {strides = array<i32>} : memref<64x128xf32, #tpu.memory_space<vmem>>, vector<1x16xf32>,
        %get3A_1274 = vector.shape_cast %get3A_1273 : vector<1x16xf32> to vector<16xf32>
        %get3A_1275 = arith.index_cast %scan3A_1220 : i32 to index
        %get3A_1276 = arith.constant 16 : index
        %get3A_1277 = tpu.vector_load %arg10[%get3A_1275, %get3A_1276] {strides = array<i32>} : memref<64x128xf32, #tpu.memory_space<vmem>>, vector<1x16xf32>,
        %get3A_1278 = vector.shape_cast %get3A_1277 : vector<1x16xf32> to vector<16xf32>
        %get3A_1279 = arith.index_cast %scan3A_1220 : i32 to index
        %get3A_1280 = arith.constant 48 : index
        %get3A_1281 = tpu.vector_load %arg10[%get3A_1279, %get3A_1280] {strides = array<i32>} : memref<64x128xf32, #tpu.memory_space<vmem>>, vector<1x16xf32>,
        %get3A_1282 = vector.shape_cast %get3A_1281 : vector<1x16xf32> to vector<16xf32>
        %get3A_1283 = arith.index_cast %scan3A_1220 : i32 to index
        %get3A_1284 = arith.constant 80 : index
        %get3A_1285 = tpu.vector_load %arg10[%get3A_1283, %get3A_1284] {strides = array<i32>} : memref<64x128xf32, #tpu.memory_space<vmem>>, vector<1x16xf32>,
        %get3A_1286 = vector.shape_cast %get3A_1285 : vector<1x16xf32> to vector<16xf32>
        %get3A_1287 = arith.index_cast %scan3A_1220 : i32 to index
        %get3A_1288 = arith.constant 112 : index
        %get3A_1289 = tpu.vector_load %arg10[%get3A_1287, %get3A_1288] {strides = array<i32>} : memref<64x128xf32, #tpu.memory_space<vmem>>, vector<1x16xf32>,
        %get3A_1290 = vector.shape_cast %get3A_1289 : vector<1x16xf32> to vector<16xf32>
        %shift_left3A_1291 = arith.constant 16 : i32
        %shift_left3A_1292 = vector.broadcast %shift_left3A_1291 : i32 to vector<16xi32>
        %shift_left3A_1293 = arith.shli %get3A_1234, %shift_left3A_1292 : vector<16xi32>
        %bitcast_convert_type3A_1294 = tpu.bitcast %shift_left3A_1293 : vector<16xi32> -> vector<16xf32>
        %mul3A_1295 = arith.mulf %get3A_1262, %bitcast_convert_type3A_1294 : vector<16xf32>
        %shift_left3A_1296 = arith.constant 16 : i32
        %shift_left3A_1297 = vector.broadcast %shift_left3A_1296 : i32 to vector<16xi32>
        %shift_left3A_1298 = arith.shli %get3A_1242, %shift_left3A_1297 : vector<16xi32>
        %bitcast_convert_type3A_1299 = tpu.bitcast %shift_left3A_1298 : vector<16xi32> -> vector<16xf32>
        %mul3A_1300 = arith.mulf %get3A_1266, %bitcast_convert_type3A_1299 : vector<16xf32>
        %shift_left3A_1301 = arith.constant 16 : i32
        %shift_left3A_1302 = vector.broadcast %shift_left3A_1301 : i32 to vector<16xi32>
        %shift_left3A_1303 = arith.shli %get3A_1250, %shift_left3A_1302 : vector<16xi32>
        %bitcast_convert_type3A_1304 = tpu.bitcast %shift_left3A_1303 : vector<16xi32> -> vector<16xf32>
        %mul3A_1305 = arith.mulf %get3A_1270, %bitcast_convert_type3A_1304 : vector<16xf32>
        %shift_left3A_1306 = arith.constant 16 : i32
        %shift_left3A_1307 = vector.broadcast %shift_left3A_1306 : i32 to vector<16xi32>
        %shift_left3A_1308 = arith.shli %get3A_1258, %shift_left3A_1307 : vector<16xi32>
        %bitcast_convert_type3A_1309 = tpu.bitcast %shift_left3A_1308 : vector<16xi32> -> vector<16xf32>
        %mul3A_1310 = arith.mulf %get3A_1274, %bitcast_convert_type3A_1309 : vector<16xf32>
        %and3A_1311 = vector.broadcast %while3A_345 : i32 to vector<16xi32>
        %and3A_1312 = arith.andi %get3A_1234, %and3A_1311 : vector<16xi32>
        %bitcast_convert_type3A_1313 = tpu.bitcast %and3A_1312 : vector<16xi32> -> vector<16xf32>
        %mul3A_1314 = arith.mulf %get3A_1278, %bitcast_convert_type3A_1313 : vector<16xf32>
        %and3A_1315 = vector.broadcast %while3A_345 : i32 to vector<16xi32>
        %and3A_1316 = arith.andi %get3A_1242, %and3A_1315 : vector<16xi32>
        %bitcast_convert_type3A_1317 = tpu.bitcast %and3A_1316 : vector<16xi32> -> vector<16xf32>
        %mul3A_1318 = arith.mulf %get3A_1282, %bitcast_convert_type3A_1317 : vector<16xf32>
        %and3A_1319 = vector.broadcast %while3A_345 : i32 to vector<16xi32>
        %and3A_1320 = arith.andi %get3A_1250, %and3A_1319 : vector<16xi32>
        %bitcast_convert_type3A_1321 = tpu.bitcast %and3A_1320 : vector<16xi32> -> vector<16xf32>
        %mul3A_1322 = arith.mulf %get3A_1286, %bitcast_convert_type3A_1321 : vector<16xf32>
        %and3A_1323 = vector.broadcast %while3A_345 : i32 to vector<16xi32>
        %and3A_1324 = arith.andi %get3A_1258, %and3A_1323 : vector<16xi32>
        %bitcast_convert_type3A_1325 = tpu.bitcast %and3A_1324 : vector<16xi32> -> vector<16xf32>
        %mul3A_1326 = arith.mulf %get3A_1290, %bitcast_convert_type3A_1325 : vector<16xf32>
        %swap3A_1327 = arith.index_cast %scan3A_1220 : i32 to index
        %swap3A_1328 = arith.constant 0 : index
        %swap3A_1329 = tpu.vector_load %arg10[%swap3A_1327, %swap3A_1328] {strides = array<i32>} : memref<64x128xf32, #tpu.memory_space<vmem>>, vector<1x16xf32>,
        %swap3A_1330 = vector.shape_cast %swap3A_1329 : vector<1x16xf32> to vector<16xf32>
        %swap3A_1331 = vector.shape_cast %mul3A_1295 : vector<16xf32> to vector<1x16xf32>
        tpu.vector_store %arg10[%swap3A_1327, %swap3A_1328], %swap3A_1331 {strides = array<i32>} : memref<64x128xf32, #tpu.memory_space<vmem>>, vector<1x16xf32>,
        %swap3A_1332 = arith.index_cast %scan3A_1220 : i32 to index
        %swap3A_1333 = arith.constant 16 : index
        %swap3A_1334 = tpu.vector_load %arg10[%swap3A_1332, %swap3A_1333] {strides = array<i32>} : memref<64x128xf32, #tpu.memory_space<vmem>>, vector<1x16xf32>,
        %swap3A_1335 = vector.shape_cast %swap3A_1334 : vector<1x16xf32> to vector<16xf32>
        %swap3A_1336 = vector.shape_cast %mul3A_1314 : vector<16xf32> to vector<1x16xf32>
        tpu.vector_store %arg10[%swap3A_1332, %swap3A_1333], %swap3A_1336 {strides = array<i32>} : memref<64x128xf32, #tpu.memory_space<vmem>>, vector<1x16xf32>,
        %swap3A_1337 = arith.index_cast %scan3A_1220 : i32 to index
        %swap3A_1338 = arith.constant 32 : index
        %swap3A_1339 = tpu.vector_load %arg10[%swap3A_1337, %swap3A_1338] {strides = array<i32>} : memref<64x128xf32, #tpu.memory_space<vmem>>, vector<1x16xf32>,
        %swap3A_1340 = vector.shape_cast %swap3A_1339 : vector<1x16xf32> to vector<16xf32>
        %swap3A_1341 = vector.shape_cast %mul3A_1300 : vector<16xf32> to vector<1x16xf32>
        tpu.vector_store %arg10[%swap3A_1337, %swap3A_1338], %swap3A_1341 {strides = array<i32>} : memref<64x128xf32, #tpu.memory_space<vmem>>, vector<1x16xf32>,
        %swap3A_1342 = arith.index_cast %scan3A_1220 : i32 to index
        %swap3A_1343 = arith.constant 48 : index
        %swap3A_1344 = tpu.vector_load %arg10[%swap3A_1342, %swap3A_1343] {strides = array<i32>} : memref<64x128xf32, #tpu.memory_space<vmem>>, vector<1x16xf32>,
        %swap3A_1345 = vector.shape_cast %swap3A_1344 : vector<1x16xf32> to vector<16xf32>
        %swap3A_1346 = vector.shape_cast %mul3A_1318 : vector<16xf32> to vector<1x16xf32>
        tpu.vector_store %arg10[%swap3A_1342, %swap3A_1343], %swap3A_1346 {strides = array<i32>} : memref<64x128xf32, #tpu.memory_space<vmem>>, vector<1x16xf32>,
        %swap3A_1347 = arith.index_cast %scan3A_1220 : i32 to index
        %swap3A_1348 = arith.constant 64 : index
        %swap3A_1349 = tpu.vector_load %arg10[%swap3A_1347, %swap3A_1348] {strides = array<i32>} : memref<64x128xf32, #tpu.memory_space<vmem>>, vector<1x16xf32>,
        %swap3A_1350 = vector.shape_cast %swap3A_1349 : vector<1x16xf32> to vector<16xf32>
        %swap3A_1351 = vector.shape_cast %mul3A_1305 : vector<16xf32> to vector<1x16xf32>
        tpu.vector_store %arg10[%swap3A_1347, %swap3A_1348], %swap3A_1351 {strides = array<i32>} : memref<64x128xf32, #tpu.memory_space<vmem>>, vector<1x16xf32>,
        %swap3A_1352 = arith.index_cast %scan3A_1220 : i32 to index
        %swap3A_1353 = arith.constant 80 : index
        %swap3A_1354 = tpu.vector_load %arg10[%swap3A_1352, %swap3A_1353] {strides = array<i32>} : memref<64x128xf32, #tpu.memory_space<vmem>>, vector<1x16xf32>,
        %swap3A_1355 = vector.shape_cast %swap3A_1354 : vector<1x16xf32> to vector<16xf32>
        %swap3A_1356 = vector.shape_cast %mul3A_1322 : vector<16xf32> to vector<1x16xf32>
        tpu.vector_store %arg10[%swap3A_1352, %swap3A_1353], %swap3A_1356 {strides = array<i32>} : memref<64x128xf32, #tpu.memory_space<vmem>>, vector<1x16xf32>,
        %swap3A_1357 = arith.index_cast %scan3A_1220 : i32 to index
        %swap3A_1358 = arith.constant 96 : index
        %swap3A_1359 = tpu.vector_load %arg10[%swap3A_1357, %swap3A_1358] {strides = array<i32>} : memref<64x128xf32, #tpu.memory_space<vmem>>, vector<1x16xf32>,
        %swap3A_1360 = vector.shape_cast %swap3A_1359 : vector<1x16xf32> to vector<16xf32>
        %swap3A_1361 = vector.shape_cast %mul3A_1310 : vector<16xf32> to vector<1x16xf32>
        tpu.vector_store %arg10[%swap3A_1357, %swap3A_1358], %swap3A_1361 {strides = array<i32>} : memref<64x128xf32, #tpu.memory_space<vmem>>, vector<1x16xf32>,
        %swap3A_1362 = arith.index_cast %scan3A_1220 : i32 to index
        %swap3A_1363 = arith.constant 112 : index
        %swap3A_1364 = tpu.vector_load %arg10[%swap3A_1362, %swap3A_1363] {strides = array<i32>} : memref<64x128xf32, #tpu.memory_space<vmem>>, vector<1x16xf32>,
        %swap3A_1365 = vector.shape_cast %swap3A_1364 : vector<1x16xf32> to vector<16xf32>
        %swap3A_1366 = vector.shape_cast %mul3A_1326 : vector<16xf32> to vector<1x16xf32>
        tpu.vector_store %arg10[%swap3A_1362, %swap3A_1363], %swap3A_1366 {strides = array<i32>} : memref<64x128xf32, #tpu.memory_space<vmem>>, vector<1x16xf32>,
        %scan3A_1367 = arith.constant 3 : i32
        %scan3A_1368 = arith.addi %scan3A_927, %scan3A_1367 : i32
        %shift_right_arithmetic3A_1369 = arith.constant 3 : i32
        %shift_right_arithmetic3A_1370 = arith.shrsi %scan3A_1368, %shift_right_arithmetic3A_1369 : i32
        %and3A_1371 = arith.constant 7 : i32
        %and3A_1372 = arith.andi %scan3A_1368, %and3A_1371 : i32
        %mul3A_1373 = arith.constant 64 : i32
        %mul3A_1374 = arith.muli %and3A_1372, %mul3A_1373 : i32
        %add3A_1375 = arith.constant 0 : i32
        %add3A_1376 = arith.addi %mul3A_1374, %add3A_1375 : i32
        %get3A_1377 = arith.constant 0 : i32
        %get3A_1378 = arith.index_cast %get3A_1377 : i32 to index
        %get3A_1379 = arith.index_cast %shift_right_arithmetic3A_1370 : i32 to index
        %get3A_1380 = arith.index_cast %add3A_1376 : i32 to index
        %get3A_1381 = tpu.vector_load %arg12[%get3A_1378, %get3A_1379, %get3A_1380] {strides = array<i32>} : memref<2x8x512xi32, #tpu.memory_space<vmem>>, vector<1x1x16xi32>,
        %get3A_1382 = vector.shape_cast %get3A_1381 : vector<1x1x16xi32> to vector<16xi32>
        %add3A_1383 = arith.constant 16 : i32
        %add3A_1384 = arith.addi %mul3A_1374, %add3A_1383 : i32
        %get3A_1385 = arith.constant 0 : i32
        %get3A_1386 = arith.index_cast %get3A_1385 : i32 to index
        %get3A_1387 = arith.index_cast %shift_right_arithmetic3A_1370 : i32 to index
        %get3A_1388 = arith.index_cast %add3A_1384 : i32 to index
        %get3A_1389 = tpu.vector_load %arg12[%get3A_1386, %get3A_1387, %get3A_1388] {strides = array<i32>} : memref<2x8x512xi32, #tpu.memory_space<vmem>>, vector<1x1x16xi32>,
        %get3A_1390 = vector.shape_cast %get3A_1389 : vector<1x1x16xi32> to vector<16xi32>
        %add3A_1391 = arith.constant 32 : i32
        %add3A_1392 = arith.addi %mul3A_1374, %add3A_1391 : i32
        %get3A_1393 = arith.constant 0 : i32
        %get3A_1394 = arith.index_cast %get3A_1393 : i32 to index
        %get3A_1395 = arith.index_cast %shift_right_arithmetic3A_1370 : i32 to index
        %get3A_1396 = arith.index_cast %add3A_1392 : i32 to index
        %get3A_1397 = tpu.vector_load %arg12[%get3A_1394, %get3A_1395, %get3A_1396] {strides = array<i32>} : memref<2x8x512xi32, #tpu.memory_space<vmem>>, vector<1x1x16xi32>,
        %get3A_1398 = vector.shape_cast %get3A_1397 : vector<1x1x16xi32> to vector<16xi32>
        %add3A_1399 = arith.constant 48 : i32
        %add3A_1400 = arith.addi %mul3A_1374, %add3A_1399 : i32
        %get3A_1401 = arith.constant 0 : i32
        %get3A_1402 = arith.index_cast %get3A_1401 : i32 to index
        %get3A_1403 = arith.index_cast %shift_right_arithmetic3A_1370 : i32 to index
        %get3A_1404 = arith.index_cast %add3A_1400 : i32 to index
        %get3A_1405 = tpu.vector_load %arg12[%get3A_1402, %get3A_1403, %get3A_1404] {strides = array<i32>} : memref<2x8x512xi32, #tpu.memory_space<vmem>>, vector<1x1x16xi32>,
        %get3A_1406 = vector.shape_cast %get3A_1405 : vector<1x1x16xi32> to vector<16xi32>
        %get3A_1407 = arith.index_cast %scan3A_1368 : i32 to index
        %get3A_1408 = arith.constant 0 : index
        %get3A_1409 = tpu.vector_load %arg10[%get3A_1407, %get3A_1408] {strides = array<i32>} : memref<64x128xf32, #tpu.memory_space<vmem>>, vector<1x16xf32>,
        %get3A_1410 = vector.shape_cast %get3A_1409 : vector<1x16xf32> to vector<16xf32>
        %get3A_1411 = arith.index_cast %scan3A_1368 : i32 to index
        %get3A_1412 = arith.constant 32 : index
        %get3A_1413 = tpu.vector_load %arg10[%get3A_1411, %get3A_1412] {strides = array<i32>} : memref<64x128xf32, #tpu.memory_space<vmem>>, vector<1x16xf32>,
        %get3A_1414 = vector.shape_cast %get3A_1413 : vector<1x16xf32> to vector<16xf32>
        %get3A_1415 = arith.index_cast %scan3A_1368 : i32 to index
        %get3A_1416 = arith.constant 64 : index
        %get3A_1417 = tpu.vector_load %arg10[%get3A_1415, %get3A_1416] {strides = array<i32>} : memref<64x128xf32, #tpu.memory_space<vmem>>, vector<1x16xf32>,
        %get3A_1418 = vector.shape_cast %get3A_1417 : vector<1x16xf32> to vector<16xf32>
        %get3A_1419 = arith.index_cast %scan3A_1368 : i32 to index
        %get3A_1420 = arith.constant 96 : index
        %get3A_1421 = tpu.vector_load %arg10[%get3A_1419, %get3A_1420] {strides = array<i32>} : memref<64x128xf32, #tpu.memory_space<vmem>>, vector<1x16xf32>,
        %get3A_1422 = vector.shape_cast %get3A_1421 : vector<1x16xf32> to vector<16xf32>
        %get3A_1423 = arith.index_cast %scan3A_1368 : i32 to index
        %get3A_1424 = arith.constant 16 : index
        %get3A_1425 = tpu.vector_load %arg10[%get3A_1423, %get3A_1424] {strides = array<i32>} : memref<64x128xf32, #tpu.memory_space<vmem>>, vector<1x16xf32>,
        %get3A_1426 = vector.shape_cast %get3A_1425 : vector<1x16xf32> to vector<16xf32>
        %get3A_1427 = arith.index_cast %scan3A_1368 : i32 to index
        %get3A_1428 = arith.constant 48 : index
        %get3A_1429 = tpu.vector_load %arg10[%get3A_1427, %get3A_1428] {strides = array<i32>} : memref<64x128xf32, #tpu.memory_space<vmem>>, vector<1x16xf32>,
        %get3A_1430 = vector.shape_cast %get3A_1429 : vector<1x16xf32> to vector<16xf32>
        %get3A_1431 = arith.index_cast %scan3A_1368 : i32 to index
        %get3A_1432 = arith.constant 80 : index
        %get3A_1433 = tpu.vector_load %arg10[%get3A_1431, %get3A_1432] {strides = array<i32>} : memref<64x128xf32, #tpu.memory_space<vmem>>, vector<1x16xf32>,
        %get3A_1434 = vector.shape_cast %get3A_1433 : vector<1x16xf32> to vector<16xf32>
        %get3A_1435 = arith.index_cast %scan3A_1368 : i32 to index
        %get3A_1436 = arith.constant 112 : index
        %get3A_1437 = tpu.vector_load %arg10[%get3A_1435, %get3A_1436] {strides = array<i32>} : memref<64x128xf32, #tpu.memory_space<vmem>>, vector<1x16xf32>,
        %get3A_1438 = vector.shape_cast %get3A_1437 : vector<1x16xf32> to vector<16xf32>
        %shift_left3A_1439 = arith.constant 16 : i32
        %shift_left3A_1440 = vector.broadcast %shift_left3A_1439 : i32 to vector<16xi32>
        %shift_left3A_1441 = arith.shli %get3A_1382, %shift_left3A_1440 : vector<16xi32>
        %bitcast_convert_type3A_1442 = tpu.bitcast %shift_left3A_1441 : vector<16xi32> -> vector<16xf32>
        %mul3A_1443 = arith.mulf %get3A_1410, %bitcast_convert_type3A_1442 : vector<16xf32>
        %shift_left3A_1444 = arith.constant 16 : i32
        %shift_left3A_1445 = vector.broadcast %shift_left3A_1444 : i32 to vector<16xi32>
        %shift_left3A_1446 = arith.shli %get3A_1390, %shift_left3A_1445 : vector<16xi32>
        %bitcast_convert_type3A_1447 = tpu.bitcast %shift_left3A_1446 : vector<16xi32> -> vector<16xf32>
        %mul3A_1448 = arith.mulf %get3A_1414, %bitcast_convert_type3A_1447 : vector<16xf32>
        %shift_left3A_1449 = arith.constant 16 : i32
        %shift_left3A_1450 = vector.broadcast %shift_left3A_1449 : i32 to vector<16xi32>
        %shift_left3A_1451 = arith.shli %get3A_1398, %shift_left3A_1450 : vector<16xi32>
        %bitcast_convert_type3A_1452 = tpu.bitcast %shift_left3A_1451 : vector<16xi32> -> vector<16xf32>
        %mul3A_1453 = arith.mulf %get3A_1418, %bitcast_convert_type3A_1452 : vector<16xf32>
        %shift_left3A_1454 = arith.constant 16 : i32
        %shift_left3A_1455 = vector.broadcast %shift_left3A_1454 : i32 to vector<16xi32>
        %shift_left3A_1456 = arith.shli %get3A_1406, %shift_left3A_1455 : vector<16xi32>
        %bitcast_convert_type3A_1457 = tpu.bitcast %shift_left3A_1456 : vector<16xi32> -> vector<16xf32>
        %mul3A_1458 = arith.mulf %get3A_1422, %bitcast_convert_type3A_1457 : vector<16xf32>
        %and3A_1459 = vector.broadcast %while3A_345 : i32 to vector<16xi32>
        %and3A_1460 = arith.andi %get3A_1382, %and3A_1459 : vector<16xi32>
        %bitcast_convert_type3A_1461 = tpu.bitcast %and3A_1460 : vector<16xi32> -> vector<16xf32>
        %mul3A_1462 = arith.mulf %get3A_1426, %bitcast_convert_type3A_1461 : vector<16xf32>
        %and3A_1463 = vector.broadcast %while3A_345 : i32 to vector<16xi32>
        %and3A_1464 = arith.andi %get3A_1390, %and3A_1463 : vector<16xi32>
        %bitcast_convert_type3A_1465 = tpu.bitcast %and3A_1464 : vector<16xi32> -> vector<16xf32>
        %mul3A_1466 = arith.mulf %get3A_1430, %bitcast_convert_type3A_1465 : vector<16xf32>
        %and3A_1467 = vector.broadcast %while3A_345 : i32 to vector<16xi32>
        %and3A_1468 = arith.andi %get3A_1398, %and3A_1467 : vector<16xi32>
        %bitcast_convert_type3A_1469 = tpu.bitcast %and3A_1468 : vector<16xi32> -> vector<16xf32>
        %mul3A_1470 = arith.mulf %get3A_1434, %bitcast_convert_type3A_1469 : vector<16xf32>
        %and3A_1471 = vector.broadcast %while3A_345 : i32 to vector<16xi32>
        %and3A_1472 = arith.andi %get3A_1406, %and3A_1471 : vector<16xi32>
        %bitcast_convert_type3A_1473 = tpu.bitcast %and3A_1472 : vector<16xi32> -> vector<16xf32>
        %mul3A_1474 = arith.mulf %get3A_1438, %bitcast_convert_type3A_1473 : vector<16xf32>
        %swap3A_1475 = arith.index_cast %scan3A_1368 : i32 to index
        %swap3A_1476 = arith.constant 0 : index
        %swap3A_1477 = tpu.vector_load %arg10[%swap3A_1475, %swap3A_1476] {strides = array<i32>} : memref<64x128xf32, #tpu.memory_space<vmem>>, vector<1x16xf32>,
        %swap3A_1478 = vector.shape_cast %swap3A_1477 : vector<1x16xf32> to vector<16xf32>
        %swap3A_1479 = vector.shape_cast %mul3A_1443 : vector<16xf32> to vector<1x16xf32>
        tpu.vector_store %arg10[%swap3A_1475, %swap3A_1476], %swap3A_1479 {strides = array<i32>} : memref<64x128xf32, #tpu.memory_space<vmem>>, vector<1x16xf32>,
        %swap3A_1480 = arith.index_cast %scan3A_1368 : i32 to index
        %swap3A_1481 = arith.constant 16 : index
        %swap3A_1482 = tpu.vector_load %arg10[%swap3A_1480, %swap3A_1481] {strides = array<i32>} : memref<64x128xf32, #tpu.memory_space<vmem>>, vector<1x16xf32>,
        %swap3A_1483 = vector.shape_cast %swap3A_1482 : vector<1x16xf32> to vector<16xf32>
        %swap3A_1484 = vector.shape_cast %mul3A_1462 : vector<16xf32> to vector<1x16xf32>
        tpu.vector_store %arg10[%swap3A_1480, %swap3A_1481], %swap3A_1484 {strides = array<i32>} : memref<64x128xf32, #tpu.memory_space<vmem>>, vector<1x16xf32>,
        %swap3A_1485 = arith.index_cast %scan3A_1368 : i32 to index
        %swap3A_1486 = arith.constant 32 : index
        %swap3A_1487 = tpu.vector_load %arg10[%swap3A_1485, %swap3A_1486] {strides = array<i32>} : memref<64x128xf32, #tpu.memory_space<vmem>>, vector<1x16xf32>,
        %swap3A_1488 = vector.shape_cast %swap3A_1487 : vector<1x16xf32> to vector<16xf32>
        %swap3A_1489 = vector.shape_cast %mul3A_1448 : vector<16xf32> to vector<1x16xf32>
        tpu.vector_store %arg10[%swap3A_1485, %swap3A_1486], %swap3A_1489 {strides = array<i32>} : memref<64x128xf32, #tpu.memory_space<vmem>>, vector<1x16xf32>,
        %swap3A_1490 = arith.index_cast %scan3A_1368 : i32 to index
        %swap3A_1491 = arith.constant 48 : index
        %swap3A_1492 = tpu.vector_load %arg10[%swap3A_1490, %swap3A_1491] {strides = array<i32>} : memref<64x128xf32, #tpu.memory_space<vmem>>, vector<1x16xf32>,
        %swap3A_1493 = vector.shape_cast %swap3A_1492 : vector<1x16xf32> to vector<16xf32>
        %swap3A_1494 = vector.shape_cast %mul3A_1466 : vector<16xf32> to vector<1x16xf32>
        tpu.vector_store %arg10[%swap3A_1490, %swap3A_1491], %swap3A_1494 {strides = array<i32>} : memref<64x128xf32, #tpu.memory_space<vmem>>, vector<1x16xf32>,
        %swap3A_1495 = arith.index_cast %scan3A_1368 : i32 to index
        %swap3A_1496 = arith.constant 64 : index
        %swap3A_1497 = tpu.vector_load %arg10[%swap3A_1495, %swap3A_1496] {strides = array<i32>} : memref<64x128xf32, #tpu.memory_space<vmem>>, vector<1x16xf32>,
        %swap3A_1498 = vector.shape_cast %swap3A_1497 : vector<1x16xf32> to vector<16xf32>
        %swap3A_1499 = vector.shape_cast %mul3A_1453 : vector<16xf32> to vector<1x16xf32>
        tpu.vector_store %arg10[%swap3A_1495, %swap3A_1496], %swap3A_1499 {strides = array<i32>} : memref<64x128xf32, #tpu.memory_space<vmem>>, vector<1x16xf32>,
        %swap3A_1500 = arith.index_cast %scan3A_1368 : i32 to index
        %swap3A_1501 = arith.constant 80 : index
        %swap3A_1502 = tpu.vector_load %arg10[%swap3A_1500, %swap3A_1501] {strides = array<i32>} : memref<64x128xf32, #tpu.memory_space<vmem>>, vector<1x16xf32>,
        %swap3A_1503 = vector.shape_cast %swap3A_1502 : vector<1x16xf32> to vector<16xf32>
        %swap3A_1504 = vector.shape_cast %mul3A_1470 : vector<16xf32> to vector<1x16xf32>
        tpu.vector_store %arg10[%swap3A_1500, %swap3A_1501], %swap3A_1504 {strides = array<i32>} : memref<64x128xf32, #tpu.memory_space<vmem>>, vector<1x16xf32>,
        %swap3A_1505 = arith.index_cast %scan3A_1368 : i32 to index
        %swap3A_1506 = arith.constant 96 : index
        %swap3A_1507 = tpu.vector_load %arg10[%swap3A_1505, %swap3A_1506] {strides = array<i32>} : memref<64x128xf32, #tpu.memory_space<vmem>>, vector<1x16xf32>,
        %swap3A_1508 = vector.shape_cast %swap3A_1507 : vector<1x16xf32> to vector<16xf32>
        %swap3A_1509 = vector.shape_cast %mul3A_1458 : vector<16xf32> to vector<1x16xf32>
        tpu.vector_store %arg10[%swap3A_1505, %swap3A_1506], %swap3A_1509 {strides = array<i32>} : memref<64x128xf32, #tpu.memory_space<vmem>>, vector<1x16xf32>,
        %swap3A_1510 = arith.index_cast %scan3A_1368 : i32 to index
        %swap3A_1511 = arith.constant 112 : index
        %swap3A_1512 = tpu.vector_load %arg10[%swap3A_1510, %swap3A_1511] {strides = array<i32>} : memref<64x128xf32, #tpu.memory_space<vmem>>, vector<1x16xf32>,
        %swap3A_1513 = vector.shape_cast %swap3A_1512 : vector<1x16xf32> to vector<16xf32>
        %swap3A_1514 = vector.shape_cast %mul3A_1474 : vector<16xf32> to vector<1x16xf32>
        tpu.vector_store %arg10[%swap3A_1510, %swap3A_1511], %swap3A_1514 {strides = array<i32>} : memref<64x128xf32, #tpu.memory_space<vmem>>, vector<1x16xf32>,
      }
      %scan3A_562 = arith.constant 64 : i32
      %run_scoped3A = arith.constant 0 : i32
      "tpu.region"() ({
        %run_scoped3A_927 = tpu.sem_alloc : memref<!tpu.dma_semaphore, #tpu.memory_space<semaphore_mem>>
        %dma_start3A_928 = arith.constant 0 : i32
        %dma_start3A_929 = tpu.memref_slice %arg9[%run_scoped3A, %dma_start3A_928] : memref<2x64xi32, #tpu.memory_space<vmem>> -> memref<1x64xi32, #tpu.memory_space<vmem>>
        %dma_start3A_930 = tpu.memref_squeeze %dma_start3A_929 : memref<1x64xi32, #tpu.memory_space<vmem>> -> memref<64xi32, #tpu.memory_space<vmem>>
        %dma_start3A_931 = arith.constant 0 : i32
        %dma_start3A_932 = arith.constant 0 : i32
        %dma_start3A_933 = tpu.memref_slice %arg13[%dma_start3A_931, %dma_start3A_932] : memref<10240x128xf32, #tpu.memory_space<vmem_shared>> -> memref<10240x128xf32, #tpu.memory_space<vmem_shared>>
        tpu.enqueue_indirect_dma source(%arg10 : memref<64x128xf32, #tpu.memory_space<vmem>>) target(%dma_start3A_933 : memref<10240x128xf32, #tpu.memory_space<vmem_shared>>) offsets(%dma_start3A_930 : memref<64xi32, #tpu.memory_space<vmem>>) semaphore(%run_scoped3A_927 : memref<!tpu.dma_semaphore, #tpu.memory_space<semaphore_mem>>) {add = true}
        %dma_wait3A_934 = arith.constant 0 : i32
        %dma_wait3A_935 = tpu.memref_slice %arg9[%run_scoped3A, %dma_wait3A_934] : memref<2x64xi32, #tpu.memory_space<vmem>> -> memref<1x64xi32, #tpu.memory_space<vmem>>
        %dma_wait3A_936 = tpu.memref_squeeze %dma_wait3A_935 : memref<1x64xi32, #tpu.memory_space<vmem>> -> memref<64xi32, #tpu.memory_space<vmem>>
        %dma_wait3A_937 = arith.constant 0 : i32
        %dma_wait3A_938 = arith.constant 0 : i32
        %dma_wait3A_939 = tpu.memref_slice %arg13[%dma_wait3A_937, %dma_wait3A_938] : memref<10240x128xf32, #tpu.memory_space<vmem_shared>> -> memref<10240x128xf32, #tpu.memory_space<vmem_shared>>
        tpu.wait_indirect_dma semaphore(%run_scoped3A_927 : memref<!tpu.dma_semaphore, #tpu.memory_space<semaphore_mem>>) src(%arg10 : memref<64x128xf32, #tpu.memory_space<vmem>>) dst(%dma_wait3A_939 : memref<10240x128xf32, #tpu.memory_space<vmem_shared>>)
        tpu.yield
      }) : () -> ()
      %add3A_563 = arith.constant 2 : i32
      %add3A_564 = arith.addi %add3A_506, %add3A_563 : i32
      %sub3A_565 = arith.constant 1 : i32
      %sub3A_566 = arith.subi %select_n3A, %sub3A_565 : i32
      %min3A_567 = arith.minsi %add3A_564, %sub3A_566 : i32
      %mul3A_568 = arith.constant 64 : i32
      %mul3A_569 = arith.muli %min3A_567, %mul3A_568 : i32
      %add3A_570 = arith.constant 0 : i32
      %add3A_571 = arith.addi %mul3A_569, %add3A_570 : i32
      %get3A_572 = arith.index_cast %add3A_571 : i32 to index
      %get3A_573 = tpu.vector_load %arg7[%get3A_572] {strides = array<i32>} : memref<13312xi32, #tpu.memory_space<vmem>>, vector<16xi32>,
      %get3A_574 = vector.shape_cast %get3A_573 : vector<16xi32> to vector<16xi32>
      %shift_right_logical3A_575 = arith.constant 16 : i32
      %shift_right_logical3A_576 = vector.broadcast %shift_right_logical3A_575 : i32 to vector<16xi32>
      %shift_right_logical3A_577 = arith.shrui %get3A_574, %shift_right_logical3A_576 : vector<16xi32>
      %swap3A_578 = arith.constant 0 : i32
      %swap3A_579 = arith.index_cast %swap3A_578 : i32 to index
      %swap3A_580 = arith.constant 0 : index
      %swap3A_581 = tpu.vector_load %arg8[%swap3A_579, %swap3A_580] {strides = array<i32>} : memref<2x64xi32, #tpu.memory_space<vmem>>, vector<1x16xi32>,
      %swap3A_582 = vector.shape_cast %swap3A_581 : vector<1x16xi32> to vector<16xi32>
      %swap3A_583 = vector.shape_cast %shift_right_logical3A_577 : vector<16xi32> to vector<1x16xi32>
      tpu.vector_store %arg8[%swap3A_579, %swap3A_580], %swap3A_583 {strides = array<i32>} : memref<2x64xi32, #tpu.memory_space<vmem>>, vector<1x16xi32>,
      %and3A_584 = arith.constant 65535 : i32
      %and3A_585 = vector.broadcast %and3A_584 : i32 to vector<16xi32>
      %and3A_586 = arith.andi %get3A_574, %and3A_585 : vector<16xi32>
      %swap3A_587 = arith.constant 0 : i32
      %swap3A_588 = arith.index_cast %swap3A_587 : i32 to index
      %swap3A_589 = arith.constant 0 : index
      %swap3A_590 = tpu.vector_load %arg9[%swap3A_588, %swap3A_589] {strides = array<i32>} : memref<2x64xi32, #tpu.memory_space<vmem>>, vector<1x16xi32>,
      %swap3A_591 = vector.shape_cast %swap3A_590 : vector<1x16xi32> to vector<16xi32>
      %swap3A_592 = vector.shape_cast %and3A_586 : vector<16xi32> to vector<1x16xi32>
      tpu.vector_store %arg9[%swap3A_588, %swap3A_589], %swap3A_592 {strides = array<i32>} : memref<2x64xi32, #tpu.memory_space<vmem>>, vector<1x16xi32>,
      %add3A_593 = arith.constant 16 : i32
      %add3A_594 = arith.addi %mul3A_569, %add3A_593 : i32
      %get3A_595 = arith.index_cast %add3A_594 : i32 to index
      %get3A_596 = tpu.vector_load %arg7[%get3A_595] {strides = array<i32>} : memref<13312xi32, #tpu.memory_space<vmem>>, vector<16xi32>,
      %get3A_597 = vector.shape_cast %get3A_596 : vector<16xi32> to vector<16xi32>
      %shift_right_logical3A_598 = arith.constant 16 : i32
      %shift_right_logical3A_599 = vector.broadcast %shift_right_logical3A_598 : i32 to vector<16xi32>
      %shift_right_logical3A_600 = arith.shrui %get3A_597, %shift_right_logical3A_599 : vector<16xi32>
      %swap3A_601 = arith.constant 0 : i32
      %swap3A_602 = arith.index_cast %swap3A_601 : i32 to index
      %swap3A_603 = arith.constant 16 : index
      %swap3A_604 = tpu.vector_load %arg8[%swap3A_602, %swap3A_603] {strides = array<i32>} : memref<2x64xi32, #tpu.memory_space<vmem>>, vector<1x16xi32>,
      %swap3A_605 = vector.shape_cast %swap3A_604 : vector<1x16xi32> to vector<16xi32>
      %swap3A_606 = vector.shape_cast %shift_right_logical3A_600 : vector<16xi32> to vector<1x16xi32>
      tpu.vector_store %arg8[%swap3A_602, %swap3A_603], %swap3A_606 {strides = array<i32>} : memref<2x64xi32, #tpu.memory_space<vmem>>, vector<1x16xi32>,
      %and3A_607 = arith.constant 65535 : i32
      %and3A_608 = vector.broadcast %and3A_607 : i32 to vector<16xi32>
      %and3A_609 = arith.andi %get3A_597, %and3A_608 : vector<16xi32>
      %swap3A_610 = arith.constant 0 : i32
      %swap3A_611 = arith.index_cast %swap3A_610 : i32 to index
      %swap3A_612 = arith.constant 16 : index
      %swap3A_613 = tpu.vector_load %arg9[%swap3A_611, %swap3A_612] {strides = array<i32>} : memref<2x64xi32, #tpu.memory_space<vmem>>, vector<1x16xi32>,
      %swap3A_614 = vector.shape_cast %swap3A_613 : vector<1x16xi32> to vector<16xi32>
      %swap3A_615 = vector.shape_cast %and3A_609 : vector<16xi32> to vector<1x16xi32>
      tpu.vector_store %arg9[%swap3A_611, %swap3A_612], %swap3A_615 {strides = array<i32>} : memref<2x64xi32, #tpu.memory_space<vmem>>, vector<1x16xi32>,
      %add3A_616 = arith.constant 32 : i32
      %add3A_617 = arith.addi %mul3A_569, %add3A_616 : i32
      %get3A_618 = arith.index_cast %add3A_617 : i32 to index
      %get3A_619 = tpu.vector_load %arg7[%get3A_618] {strides = array<i32>} : memref<13312xi32, #tpu.memory_space<vmem>>, vector<16xi32>,
      %get3A_620 = vector.shape_cast %get3A_619 : vector<16xi32> to vector<16xi32>
      %shift_right_logical3A_621 = arith.constant 16 : i32
      %shift_right_logical3A_622 = vector.broadcast %shift_right_logical3A_621 : i32 to vector<16xi32>
      %shift_right_logical3A_623 = arith.shrui %get3A_620, %shift_right_logical3A_622 : vector<16xi32>
      %swap3A_624 = arith.constant 0 : i32
      %swap3A_625 = arith.index_cast %swap3A_624 : i32 to index
      %swap3A_626 = arith.constant 32 : index
      %swap3A_627 = tpu.vector_load %arg8[%swap3A_625, %swap3A_626] {strides = array<i32>} : memref<2x64xi32, #tpu.memory_space<vmem>>, vector<1x16xi32>,
      %swap3A_628 = vector.shape_cast %swap3A_627 : vector<1x16xi32> to vector<16xi32>
      %swap3A_629 = vector.shape_cast %shift_right_logical3A_623 : vector<16xi32> to vector<1x16xi32>
      tpu.vector_store %arg8[%swap3A_625, %swap3A_626], %swap3A_629 {strides = array<i32>} : memref<2x64xi32, #tpu.memory_space<vmem>>, vector<1x16xi32>,
      %and3A_630 = arith.constant 65535 : i32
      %and3A_631 = vector.broadcast %and3A_630 : i32 to vector<16xi32>
      %and3A_632 = arith.andi %get3A_620, %and3A_631 : vector<16xi32>
      %swap3A_633 = arith.constant 0 : i32
      %swap3A_634 = arith.index_cast %swap3A_633 : i32 to index
      %swap3A_635 = arith.constant 32 : index
      %swap3A_636 = tpu.vector_load %arg9[%swap3A_634, %swap3A_635] {strides = array<i32>} : memref<2x64xi32, #tpu.memory_space<vmem>>, vector<1x16xi32>,
      %swap3A_637 = vector.shape_cast %swap3A_636 : vector<1x16xi32> to vector<16xi32>
      %swap3A_638 = vector.shape_cast %and3A_632 : vector<16xi32> to vector<1x16xi32>
      tpu.vector_store %arg9[%swap3A_634, %swap3A_635], %swap3A_638 {strides = array<i32>} : memref<2x64xi32, #tpu.memory_space<vmem>>, vector<1x16xi32>,
      %add3A_639 = arith.constant 48 : i32
      %add3A_640 = arith.addi %mul3A_569, %add3A_639 : i32
      %get3A_641 = arith.index_cast %add3A_640 : i32 to index
      %get3A_642 = tpu.vector_load %arg7[%get3A_641] {strides = array<i32>} : memref<13312xi32, #tpu.memory_space<vmem>>, vector<16xi32>,
      %get3A_643 = vector.shape_cast %get3A_642 : vector<16xi32> to vector<16xi32>
      %shift_right_logical3A_644 = arith.constant 16 : i32
      %shift_right_logical3A_645 = vector.broadcast %shift_right_logical3A_644 : i32 to vector<16xi32>
      %shift_right_logical3A_646 = arith.shrui %get3A_643, %shift_right_logical3A_645 : vector<16xi32>
      %swap3A_647 = arith.constant 0 : i32
      %swap3A_648 = arith.index_cast %swap3A_647 : i32 to index
      %swap3A_649 = arith.constant 48 : index
      %swap3A_650 = tpu.vector_load %arg8[%swap3A_648, %swap3A_649] {strides = array<i32>} : memref<2x64xi32, #tpu.memory_space<vmem>>, vector<1x16xi32>,
      %swap3A_651 = vector.shape_cast %swap3A_650 : vector<1x16xi32> to vector<16xi32>
      %swap3A_652 = vector.shape_cast %shift_right_logical3A_646 : vector<16xi32> to vector<1x16xi32>
      tpu.vector_store %arg8[%swap3A_648, %swap3A_649], %swap3A_652 {strides = array<i32>} : memref<2x64xi32, #tpu.memory_space<vmem>>, vector<1x16xi32>,
      %and3A_653 = arith.constant 65535 : i32
      %and3A_654 = vector.broadcast %and3A_653 : i32 to vector<16xi32>
      %and3A_655 = arith.andi %get3A_643, %and3A_654 : vector<16xi32>
      %swap3A_656 = arith.constant 0 : i32
      %swap3A_657 = arith.index_cast %swap3A_656 : i32 to index
      %swap3A_658 = arith.constant 48 : index
      %swap3A_659 = tpu.vector_load %arg9[%swap3A_657, %swap3A_658] {strides = array<i32>} : memref<2x64xi32, #tpu.memory_space<vmem>>, vector<1x16xi32>,
      %swap3A_660 = vector.shape_cast %swap3A_659 : vector<1x16xi32> to vector<16xi32>
      %swap3A_661 = vector.shape_cast %and3A_655 : vector<16xi32> to vector<1x16xi32>
      tpu.vector_store %arg9[%swap3A_657, %swap3A_658], %swap3A_661 {strides = array<i32>} : memref<2x64xi32, #tpu.memory_space<vmem>>, vector<1x16xi32>,
      %add3A_662 = arith.constant 2 : i32
      %add3A_663 = arith.addi %add3A_506, %add3A_662 : i32
      %sub3A_664 = arith.constant 1 : i32
      %sub3A_665 = arith.subi %select_n3A, %sub3A_664 : i32
      %min3A_666 = arith.minsi %add3A_663, %sub3A_665 : i32
      %dma_start3A_667 = arith.constant 0 : i32
      %dma_start3A_668 = arith.constant 0 : i32
      %dma_start3A_669 = tpu.memref_slice %arg8[%dma_start3A_667, %dma_start3A_668] : memref<2x64xi32, #tpu.memory_space<vmem>> -> memref<1x64xi32, #tpu.memory_space<vmem>>
      %dma_start3A_670 = tpu.memref_squeeze %dma_start3A_669 : memref<1x64xi32, #tpu.memory_space<vmem>> -> memref<64xi32, #tpu.memory_space<vmem>>
      %dma_start3A_671 = arith.constant 0 : i32
      %dma_start3A_672 = arith.constant 0 : i32
      %dma_start3A_673 = tpu.memref_slice %arg2[%dma_start3A_671, %dma_start3A_672] : memref<10000x128xf32, #tpu.memory_space<hbm>> -> memref<10000x128xf32, #tpu.memory_space<hbm>>
      tpu.enqueue_indirect_dma source(%dma_start3A_673 : memref<10000x128xf32, #tpu.memory_space<hbm>>) target(%arg10 : memref<64x128xf32, #tpu.memory_space<vmem>>) offsets(%dma_start3A_670 : memref<64xi32, #tpu.memory_space<vmem>>) semaphore(%arg14 : memref<!tpu.dma_semaphore, #tpu.memory_space<semaphore_mem>>)
      %mul3A_674 = arith.constant 64 : i32
      %mul3A_675 = arith.muli %min3A_666, %mul3A_674 : i32
      %add3A_676 = arith.addi %mul3A_12, %mul3A_675 : i32
      %jit3A_677 = arith.constant 8 : i32
      %div3A_678 = arith.divsi %add3A_676, %jit3A_677 : i32
      %sign3A_679 = arith.constant 0 : i32
      %sign3A_680 = arith.cmpi sgt, %add3A_676, %sign3A_679 : i32
      %sign3A_681 = arith.extui %sign3A_680 : i1 to i32
      %sign3A_682 = arith.constant 0 : i32
      %sign3A_683 = arith.cmpi slt, %add3A_676, %sign3A_682 : i32
      %sign3A_684 = arith.extui %sign3A_683 : i1 to i32
      %sign3A_685 = arith.subi %sign3A_681, %sign3A_684 : i32
      %sign3A_686 = arith.constant 0 : i32
      %sign3A_687 = arith.cmpi sgt, %jit3A_677, %sign3A_686 : i32
      %sign3A_688 = arith.extui %sign3A_687 : i1 to i32
      %sign3A_689 = arith.constant 0 : i32
      %sign3A_690 = arith.cmpi slt, %jit3A_677, %sign3A_689 : i32
      %sign3A_691 = arith.extui %sign3A_690 : i1 to i32
      %sign3A_692 = arith.subi %sign3A_688, %sign3A_691 : i32
      %ne3A_693 = arith.cmpi ne, %sign3A_685, %sign3A_692 : i32
      %rem3A_694 = arith.remsi %add3A_676, %jit3A_677 : i32
      %ne3A_695 = arith.constant 0 : i32
      %ne3A_696 = arith.cmpi ne, %rem3A_694, %ne3A_695 : i32
      %and3A_697 = arith.andi %ne3A_693, %ne3A_696 : i1
      %sub3A_698 = arith.constant 1 : i32
      %sub3A_699 = arith.subi %div3A_678, %sub3A_698 : i32
      %select_n3A_700 = arith.select %and3A_697, %sub3A_699, %div3A_678 : i32
      %multiple_of3A_701 = tpu.assume_multiple %select_n3A_700, 8 : i32
      %dma_start3A_702 = arith.constant 0 : i32
      %dma_start3A_703 = arith.constant 0 : i32
      %dma_start3A_704 = arith.constant 0 : i32
      %dma_start3A_705 = tpu.memref_slice %arg12[%dma_start3A_702, %dma_start3A_703, %dma_start3A_704] : memref<2x8x512xi32, #tpu.memory_space<vmem>> -> memref<1x8x512xi32, #tpu.memory_space<vmem>>
      %dma_start3A_706 = tpu.memref_squeeze %dma_start3A_705 : memref<1x8x512xi32, #tpu.memory_space<vmem>> -> memref<8x512xi32, #tpu.memory_space<vmem>>
      %dma_start3A_707 = arith.constant 0 : i32
      %dma_start3A_708 = tpu.memref_slice %arg4[%multiple_of3A_701, %dma_start3A_707] : memref<40448x512xi32, #tpu.memory_space<hbm>> -> memref<8x512xi32, #tpu.memory_space<hbm>>
      %dma_start3A_709 = arith.constant 0 : i32
      %dma_start3A_710 = arith.constant 0 : i32
      %dma_start3A_711 = tpu.memref_slice %arg12[%dma_start3A_702, %dma_start3A_709, %dma_start3A_710] : memref<2x8x512xi32, #tpu.memory_space<vmem>> -> memref<1x8x512xi32, #tpu.memory_space<vmem>>
      %dma_start3A_712 = tpu.memref_squeeze %dma_start3A_711 : memref<1x8x512xi32, #tpu.memory_space<vmem>> -> memref<8x512xi32, #tpu.memory_space<vmem>>
      %dma_start3A_713 = arith.constant 0 : i32
      %dma_start3A_714 = tpu.memref_slice %arg4[%multiple_of3A_701, %dma_start3A_713] : memref<40448x512xi32, #tpu.memory_space<hbm>> -> memref<8x512xi32, #tpu.memory_space<hbm>>
      tpu.enqueue_dma source(%dma_start3A_714 : memref<8x512xi32, #tpu.memory_space<hbm>>) target(%dma_start3A_712 : memref<8x512xi32, #tpu.memory_space<vmem>>) target_semaphore(%arg14 : memref<!tpu.dma_semaphore, #tpu.memory_space<semaphore_mem>>)
      %add3A_715 = arith.constant 1 : i32
      %add3A_716 = arith.addi %mul3A_504, %add3A_715 : i32
      %sub3A_717 = arith.constant 1 : i32
      %sub3A_718 = arith.subi %select_n3A, %sub3A_717 : i32
      %min3A_719 = arith.minsi %add3A_716, %sub3A_718 : i32
      %dma_wait3A_720 = arith.constant 1 : i32
      %dma_wait3A_721 = arith.constant 0 : i32
      %dma_wait3A_722 = tpu.memref_slice %arg8[%dma_wait3A_720, %dma_wait3A_721] : memref<2x64xi32, #tpu.memory_space<vmem>> -> memref<1x64xi32, #tpu.memory_space<vmem>>
      %dma_wait3A_723 = tpu.memref_squeeze %dma_wait3A_722 : memref<1x64xi32, #tpu.memory_space<vmem>> -> memref<64xi32, #tpu.memory_space<vmem>>
      %dma_wait3A_724 = arith.constant 0 : i32
      %dma_wait3A_725 = arith.constant 0 : i32
      %dma_wait3A_726 = tpu.memref_slice %arg2[%dma_wait3A_724, %dma_wait3A_725] : memref<10000x128xf32, #tpu.memory_space<hbm>> -> memref<10000x128xf32, #tpu.memory_space<hbm>>
      tpu.wait_indirect_dma semaphore(%arg15 : memref<!tpu.dma_semaphore, #tpu.memory_space<semaphore_mem>>) src(%dma_wait3A_726 : memref<10000x128xf32, #tpu.memory_space<hbm>>) dst(%arg11 : memref<64x128xf32, #tpu.memory_space<vmem>>)
      %mul3A_727 = arith.constant 64 : i32
      %mul3A_728 = arith.muli %min3A_719, %mul3A_727 : i32
      %add3A_729 = arith.addi %mul3A_12, %mul3A_728 : i32
      %jit3A_730 = arith.constant 8 : i32
      %div3A_731 = arith.divsi %add3A_729, %jit3A_730 : i32
      %sign3A_732 = arith.constant 0 : i32
      %sign3A_733 = arith.cmpi sgt, %add3A_729, %sign3A_732 : i32
      %sign3A_734 = arith.extui %sign3A_733 : i1 to i32
      %sign3A_735 = arith.constant 0 : i32
      %sign3A_736 = arith.cmpi slt, %add3A_729, %sign3A_735 : i32
      %sign3A_737 = arith.extui %sign3A_736 : i1 to i32
      %sign3A_738 = arith.subi %sign3A_734, %sign3A_737 : i32
      %sign3A_739 = arith.constant 0 : i32
      %sign3A_740 = arith.cmpi sgt, %jit3A_730, %sign3A_739 : i32
      %sign3A_741 = arith.extui %sign3A_740 : i1 to i32
      %sign3A_742 = arith.constant 0 : i32
      %sign3A_743 = arith.cmpi slt, %jit3A_730, %sign3A_742 : i32
      %sign3A_744 = arith.extui %sign3A_743 : i1 to i32
      %sign3A_745 = arith.subi %sign3A_741, %sign3A_744 : i32
      %ne3A_746 = arith.cmpi ne, %sign3A_738, %sign3A_745 : i32
      %rem3A_747 = arith.remsi %add3A_729, %jit3A_730 : i32
      %ne3A_748 = arith.constant 0 : i32
      %ne3A_749 = arith.cmpi ne, %rem3A_747, %ne3A_748 : i32
      %and3A_750 = arith.andi %ne3A_746, %ne3A_749 : i1
      %sub3A_751 = arith.constant 1 : i32
      %sub3A_752 = arith.subi %div3A_731, %sub3A_751 : i32
      %select_n3A_753 = arith.select %and3A_750, %sub3A_752, %div3A_731 : i32
      %multiple_of3A_754 = tpu.assume_multiple %select_n3A_753, 8 : i32
      %dma_wait3A_755 = arith.constant 1 : i32
      %dma_wait3A_756 = arith.constant 0 : i32
      %dma_wait3A_757 = arith.constant 0 : i32
      %dma_wait3A_758 = tpu.memref_slice %arg12[%dma_wait3A_755, %dma_wait3A_756, %dma_wait3A_757] : memref<2x8x512xi32, #tpu.memory_space<vmem>> -> memref<1x8x512xi32, #tpu.memory_space<vmem>>
      %dma_wait3A_759 = tpu.memref_squeeze %dma_wait3A_758 : memref<1x8x512xi32, #tpu.memory_space<vmem>> -> memref<8x512xi32, #tpu.memory_space<vmem>>
      %dma_wait3A_760 = arith.constant 0 : i32
      %dma_wait3A_761 = tpu.memref_slice %arg4[%multiple_of3A_754, %dma_wait3A_760] : memref<40448x512xi32, #tpu.memory_space<hbm>> -> memref<8x512xi32, #tpu.memory_space<hbm>>
      %dma_wait3A_762 = arith.constant 0 : i32
      %dma_wait3A_763 = arith.constant 0 : i32
      %dma_wait3A_764 = tpu.memref_slice %arg12[%dma_wait3A_755, %dma_wait3A_762, %dma_wait3A_763] : memref<2x8x512xi32, #tpu.memory_space<vmem>> -> memref<1x8x512xi32, #tpu.memory_space<vmem>>
      %dma_wait3A_765 = tpu.memref_squeeze %dma_wait3A_764 : memref<1x8x512xi32, #tpu.memory_space<vmem>> -> memref<8x512xi32, #tpu.memory_space<vmem>>
      %dma_wait3A_766 = arith.constant 0 : i32
      %dma_wait3A_767 = tpu.memref_slice %arg4[%multiple_of3A_754, %dma_wait3A_766] : memref<40448x512xi32, #tpu.memory_space<hbm>> -> memref<8x512xi32, #tpu.memory_space<hbm>>
      tpu.wait_dma2 semaphore(%arg15 : memref<!tpu.dma_semaphore, #tpu.memory_space<semaphore_mem>>) src(%dma_wait3A_767 : memref<8x512xi32, #tpu.memory_space<hbm>>) dst(%dma_wait3A_765 : memref<8x512xi32, #tpu.memory_space<vmem>>)
      %scan3A_768 = arith.constant 0 : i32
      %scan3A_769 = arith.constant 0 : i32
      %scan3A_770 = arith.constant 64 : i32
      %scan3A_771 = arith.addi %scan3A_769, %scan3A_770 : i32
      %scan3A_772 = arith.constant 4 : i32
      scf.for %scan3A_927 = %scan3A_769 to %scan3A_771 step %scan3A_772  : i32 {
        %shift_right_arithmetic3A = arith.constant 3 : i32
        %shift_right_arithmetic3A_928 = arith.shrsi %scan3A_927, %shift_right_arithmetic3A : i32
        %and3A_929 = arith.constant 7 : i32
        %and3A_930 = arith.andi %scan3A_927, %and3A_929 : i32
        %mul3A_931 = arith.constant 64 : i32
        %mul3A_932 = arith.muli %and3A_930, %mul3A_931 : i32
        %add3A_933 = arith.constant 0 : i32
        %add3A_934 = arith.addi %mul3A_932, %add3A_933 : i32
        %get3A_935 = arith.constant 1 : i32
        %get3A_936 = arith.index_cast %get3A_935 : i32 to index
        %get3A_937 = arith.index_cast %shift_right_arithmetic3A_928 : i32 to index
        %get3A_938 = arith.index_cast %add3A_934 : i32 to index
        %get3A_939 = tpu.vector_load %arg12[%get3A_936, %get3A_937, %get3A_938] {strides = array<i32>} : memref<2x8x512xi32, #tpu.memory_space<vmem>>, vector<1x1x16xi32>,
        %get3A_940 = vector.shape_cast %get3A_939 : vector<1x1x16xi32> to vector<16xi32>
        %add3A_941 = arith.constant 16 : i32
        %add3A_942 = arith.addi %mul3A_932, %add3A_941 : i32
        %get3A_943 = arith.constant 1 : i32
        %get3A_944 = arith.index_cast %get3A_943 : i32 to index
        %get3A_945 = arith.index_cast %shift_right_arithmetic3A_928 : i32 to index
        %get3A_946 = arith.index_cast %add3A_942 : i32 to index
        %get3A_947 = tpu.vector_load %arg12[%get3A_944, %get3A_945, %get3A_946] {strides = array<i32>} : memref<2x8x512xi32, #tpu.memory_space<vmem>>, vector<1x1x16xi32>,
        %get3A_948 = vector.shape_cast %get3A_947 : vector<1x1x16xi32> to vector<16xi32>
        %add3A_949 = arith.constant 32 : i32
        %add3A_950 = arith.addi %mul3A_932, %add3A_949 : i32
        %get3A_951 = arith.constant 1 : i32
        %get3A_952 = arith.index_cast %get3A_951 : i32 to index
        %get3A_953 = arith.index_cast %shift_right_arithmetic3A_928 : i32 to index
        %get3A_954 = arith.index_cast %add3A_950 : i32 to index
        %get3A_955 = tpu.vector_load %arg12[%get3A_952, %get3A_953, %get3A_954] {strides = array<i32>} : memref<2x8x512xi32, #tpu.memory_space<vmem>>, vector<1x1x16xi32>,
        %get3A_956 = vector.shape_cast %get3A_955 : vector<1x1x16xi32> to vector<16xi32>
        %add3A_957 = arith.constant 48 : i32
        %add3A_958 = arith.addi %mul3A_932, %add3A_957 : i32
        %get3A_959 = arith.constant 1 : i32
        %get3A_960 = arith.index_cast %get3A_959 : i32 to index
        %get3A_961 = arith.index_cast %shift_right_arithmetic3A_928 : i32 to index
        %get3A_962 = arith.index_cast %add3A_958 : i32 to index
        %get3A_963 = tpu.vector_load %arg12[%get3A_960, %get3A_961, %get3A_962] {strides = array<i32>} : memref<2x8x512xi32, #tpu.memory_space<vmem>>, vector<1x1x16xi32>,
        %get3A_964 = vector.shape_cast %get3A_963 : vector<1x1x16xi32> to vector<16xi32>
        %get3A_965 = arith.index_cast %scan3A_927 : i32 to index
        %get3A_966 = arith.constant 0 : index
        %get3A_967 = tpu.vector_load %arg11[%get3A_965, %get3A_966] {strides = array<i32>} : memref<64x128xf32, #tpu.memory_space<vmem>>, vector<1x16xf32>,
        %get3A_968 = vector.shape_cast %get3A_967 : vector<1x16xf32> to vector<16xf32>
        %get3A_969 = arith.index_cast %scan3A_927 : i32 to index
        %get3A_970 = arith.constant 32 : index
        %get3A_971 = tpu.vector_load %arg11[%get3A_969, %get3A_970] {strides = array<i32>} : memref<64x128xf32, #tpu.memory_space<vmem>>, vector<1x16xf32>,
        %get3A_972 = vector.shape_cast %get3A_971 : vector<1x16xf32> to vector<16xf32>
        %get3A_973 = arith.index_cast %scan3A_927 : i32 to index
        %get3A_974 = arith.constant 64 : index
        %get3A_975 = tpu.vector_load %arg11[%get3A_973, %get3A_974] {strides = array<i32>} : memref<64x128xf32, #tpu.memory_space<vmem>>, vector<1x16xf32>,
        %get3A_976 = vector.shape_cast %get3A_975 : vector<1x16xf32> to vector<16xf32>
        %get3A_977 = arith.index_cast %scan3A_927 : i32 to index
        %get3A_978 = arith.constant 96 : index
        %get3A_979 = tpu.vector_load %arg11[%get3A_977, %get3A_978] {strides = array<i32>} : memref<64x128xf32, #tpu.memory_space<vmem>>, vector<1x16xf32>,
        %get3A_980 = vector.shape_cast %get3A_979 : vector<1x16xf32> to vector<16xf32>
        %get3A_981 = arith.index_cast %scan3A_927 : i32 to index
        %get3A_982 = arith.constant 16 : index
        %get3A_983 = tpu.vector_load %arg11[%get3A_981, %get3A_982] {strides = array<i32>} : memref<64x128xf32, #tpu.memory_space<vmem>>, vector<1x16xf32>,
        %get3A_984 = vector.shape_cast %get3A_983 : vector<1x16xf32> to vector<16xf32>
        %get3A_985 = arith.index_cast %scan3A_927 : i32 to index
        %get3A_986 = arith.constant 48 : index
        %get3A_987 = tpu.vector_load %arg11[%get3A_985, %get3A_986] {strides = array<i32>} : memref<64x128xf32, #tpu.memory_space<vmem>>, vector<1x16xf32>,
        %get3A_988 = vector.shape_cast %get3A_987 : vector<1x16xf32> to vector<16xf32>
        %get3A_989 = arith.index_cast %scan3A_927 : i32 to index
        %get3A_990 = arith.constant 80 : index
        %get3A_991 = tpu.vector_load %arg11[%get3A_989, %get3A_990] {strides = array<i32>} : memref<64x128xf32, #tpu.memory_space<vmem>>, vector<1x16xf32>,
        %get3A_992 = vector.shape_cast %get3A_991 : vector<1x16xf32> to vector<16xf32>
        %get3A_993 = arith.index_cast %scan3A_927 : i32 to index
        %get3A_994 = arith.constant 112 : index
        %get3A_995 = tpu.vector_load %arg11[%get3A_993, %get3A_994] {strides = array<i32>} : memref<64x128xf32, #tpu.memory_space<vmem>>, vector<1x16xf32>,
        %get3A_996 = vector.shape_cast %get3A_995 : vector<1x16xf32> to vector<16xf32>
        %shift_left3A = arith.constant 16 : i32
        %shift_left3A_997 = vector.broadcast %shift_left3A : i32 to vector<16xi32>
        %shift_left3A_998 = arith.shli %get3A_940, %shift_left3A_997 : vector<16xi32>
        %bitcast_convert_type3A = tpu.bitcast %shift_left3A_998 : vector<16xi32> -> vector<16xf32>
        %mul3A_999 = arith.mulf %get3A_968, %bitcast_convert_type3A : vector<16xf32>
        %shift_left3A_1000 = arith.constant 16 : i32
        %shift_left3A_1001 = vector.broadcast %shift_left3A_1000 : i32 to vector<16xi32>
        %shift_left3A_1002 = arith.shli %get3A_948, %shift_left3A_1001 : vector<16xi32>
        %bitcast_convert_type3A_1003 = tpu.bitcast %shift_left3A_1002 : vector<16xi32> -> vector<16xf32>
        %mul3A_1004 = arith.mulf %get3A_972, %bitcast_convert_type3A_1003 : vector<16xf32>
        %shift_left3A_1005 = arith.constant 16 : i32
        %shift_left3A_1006 = vector.broadcast %shift_left3A_1005 : i32 to vector<16xi32>
        %shift_left3A_1007 = arith.shli %get3A_956, %shift_left3A_1006 : vector<16xi32>
        %bitcast_convert_type3A_1008 = tpu.bitcast %shift_left3A_1007 : vector<16xi32> -> vector<16xf32>
        %mul3A_1009 = arith.mulf %get3A_976, %bitcast_convert_type3A_1008 : vector<16xf32>
        %shift_left3A_1010 = arith.constant 16 : i32
        %shift_left3A_1011 = vector.broadcast %shift_left3A_1010 : i32 to vector<16xi32>
        %shift_left3A_1012 = arith.shli %get3A_964, %shift_left3A_1011 : vector<16xi32>
        %bitcast_convert_type3A_1013 = tpu.bitcast %shift_left3A_1012 : vector<16xi32> -> vector<16xf32>
        %mul3A_1014 = arith.mulf %get3A_980, %bitcast_convert_type3A_1013 : vector<16xf32>
        %and3A_1015 = vector.broadcast %while3A_345 : i32 to vector<16xi32>
        %and3A_1016 = arith.andi %get3A_940, %and3A_1015 : vector<16xi32>
        %bitcast_convert_type3A_1017 = tpu.bitcast %and3A_1016 : vector<16xi32> -> vector<16xf32>
        %mul3A_1018 = arith.mulf %get3A_984, %bitcast_convert_type3A_1017 : vector<16xf32>
        %and3A_1019 = vector.broadcast %while3A_345 : i32 to vector<16xi32>
        %and3A_1020 = arith.andi %get3A_948, %and3A_1019 : vector<16xi32>
        %bitcast_convert_type3A_1021 = tpu.bitcast %and3A_1020 : vector<16xi32> -> vector<16xf32>
        %mul3A_1022 = arith.mulf %get3A_988, %bitcast_convert_type3A_1021 : vector<16xf32>
        %and3A_1023 = vector.broadcast %while3A_345 : i32 to vector<16xi32>
        %and3A_1024 = arith.andi %get3A_956, %and3A_1023 : vector<16xi32>
        %bitcast_convert_type3A_1025 = tpu.bitcast %and3A_1024 : vector<16xi32> -> vector<16xf32>
        %mul3A_1026 = arith.mulf %get3A_992, %bitcast_convert_type3A_1025 : vector<16xf32>
        %and3A_1027 = vector.broadcast %while3A_345 : i32 to vector<16xi32>
        %and3A_1028 = arith.andi %get3A_964, %and3A_1027 : vector<16xi32>
        %bitcast_convert_type3A_1029 = tpu.bitcast %and3A_1028 : vector<16xi32> -> vector<16xf32>
        %mul3A_1030 = arith.mulf %get3A_996, %bitcast_convert_type3A_1029 : vector<16xf32>
        %swap3A_1031 = arith.index_cast %scan3A_927 : i32 to index
        %swap3A_1032 = arith.constant 0 : index
        %swap3A_1033 = tpu.vector_load %arg11[%swap3A_1031, %swap3A_1032] {strides = array<i32>} : memref<64x128xf32, #tpu.memory_space<vmem>>, vector<1x16xf32>,
        %swap3A_1034 = vector.shape_cast %swap3A_1033 : vector<1x16xf32> to vector<16xf32>
        %swap3A_1035 = vector.shape_cast %mul3A_999 : vector<16xf32> to vector<1x16xf32>
        tpu.vector_store %arg11[%swap3A_1031, %swap3A_1032], %swap3A_1035 {strides = array<i32>} : memref<64x128xf32, #tpu.memory_space<vmem>>, vector<1x16xf32>,
        %swap3A_1036 = arith.index_cast %scan3A_927 : i32 to index
        %swap3A_1037 = arith.constant 16 : index
        %swap3A_1038 = tpu.vector_load %arg11[%swap3A_1036, %swap3A_1037] {strides = array<i32>} : memref<64x128xf32, #tpu.memory_space<vmem>>, vector<1x16xf32>,
        %swap3A_1039 = vector.shape_cast %swap3A_1038 : vector<1x16xf32> to vector<16xf32>
        %swap3A_1040 = vector.shape_cast %mul3A_1018 : vector<16xf32> to vector<1x16xf32>
        tpu.vector_store %arg11[%swap3A_1036, %swap3A_1037], %swap3A_1040 {strides = array<i32>} : memref<64x128xf32, #tpu.memory_space<vmem>>, vector<1x16xf32>,
        %swap3A_1041 = arith.index_cast %scan3A_927 : i32 to index
        %swap3A_1042 = arith.constant 32 : index
        %swap3A_1043 = tpu.vector_load %arg11[%swap3A_1041, %swap3A_1042] {strides = array<i32>} : memref<64x128xf32, #tpu.memory_space<vmem>>, vector<1x16xf32>,
        %swap3A_1044 = vector.shape_cast %swap3A_1043 : vector<1x16xf32> to vector<16xf32>
        %swap3A_1045 = vector.shape_cast %mul3A_1004 : vector<16xf32> to vector<1x16xf32>
        tpu.vector_store %arg11[%swap3A_1041, %swap3A_1042], %swap3A_1045 {strides = array<i32>} : memref<64x128xf32, #tpu.memory_space<vmem>>, vector<1x16xf32>,
        %swap3A_1046 = arith.index_cast %scan3A_927 : i32 to index
        %swap3A_1047 = arith.constant 48 : index
        %swap3A_1048 = tpu.vector_load %arg11[%swap3A_1046, %swap3A_1047] {strides = array<i32>} : memref<64x128xf32, #tpu.memory_space<vmem>>, vector<1x16xf32>,
        %swap3A_1049 = vector.shape_cast %swap3A_1048 : vector<1x16xf32> to vector<16xf32>
        %swap3A_1050 = vector.shape_cast %mul3A_1022 : vector<16xf32> to vector<1x16xf32>
        tpu.vector_store %arg11[%swap3A_1046, %swap3A_1047], %swap3A_1050 {strides = array<i32>} : memref<64x128xf32, #tpu.memory_space<vmem>>, vector<1x16xf32>,
        %swap3A_1051 = arith.index_cast %scan3A_927 : i32 to index
        %swap3A_1052 = arith.constant 64 : index
        %swap3A_1053 = tpu.vector_load %arg11[%swap3A_1051, %swap3A_1052] {strides = array<i32>} : memref<64x128xf32, #tpu.memory_space<vmem>>, vector<1x16xf32>,
        %swap3A_1054 = vector.shape_cast %swap3A_1053 : vector<1x16xf32> to vector<16xf32>
        %swap3A_1055 = vector.shape_cast %mul3A_1009 : vector<16xf32> to vector<1x16xf32>
        tpu.vector_store %arg11[%swap3A_1051, %swap3A_1052], %swap3A_1055 {strides = array<i32>} : memref<64x128xf32, #tpu.memory_space<vmem>>, vector<1x16xf32>,
        %swap3A_1056 = arith.index_cast %scan3A_927 : i32 to index
        %swap3A_1057 = arith.constant 80 : index
        %swap3A_1058 = tpu.vector_load %arg11[%swap3A_1056, %swap3A_1057] {strides = array<i32>} : memref<64x128xf32, #tpu.memory_space<vmem>>, vector<1x16xf32>,
        %swap3A_1059 = vector.shape_cast %swap3A_1058 : vector<1x16xf32> to vector<16xf32>
        %swap3A_1060 = vector.shape_cast %mul3A_1026 : vector<16xf32> to vector<1x16xf32>
        tpu.vector_store %arg11[%swap3A_1056, %swap3A_1057], %swap3A_1060 {strides = array<i32>} : memref<64x128xf32, #tpu.memory_space<vmem>>, vector<1x16xf32>,
        %swap3A_1061 = arith.index_cast %scan3A_927 : i32 to index
        %swap3A_1062 = arith.constant 96 : index
        %swap3A_1063 = tpu.vector_load %arg11[%swap3A_1061, %swap3A_1062] {strides = array<i32>} : memref<64x128xf32, #tpu.memory_space<vmem>>, vector<1x16xf32>,
        %swap3A_1064 = vector.shape_cast %swap3A_1063 : vector<1x16xf32> to vector<16xf32>
        %swap3A_1065 = vector.shape_cast %mul3A_1014 : vector<16xf32> to vector<1x16xf32>
        tpu.vector_store %arg11[%swap3A_1061, %swap3A_1062], %swap3A_1065 {strides = array<i32>} : memref<64x128xf32, #tpu.memory_space<vmem>>, vector<1x16xf32>,
        %swap3A_1066 = arith.index_cast %scan3A_927 : i32 to index
        %swap3A_1067 = arith.constant 112 : index
        %swap3A_1068 = tpu.vector_load %arg11[%swap3A_1066, %swap3A_1067] {strides = array<i32>} : memref<64x128xf32, #tpu.memory_space<vmem>>, vector<1x16xf32>,
        %swap3A_1069 = vector.shape_cast %swap3A_1068 : vector<1x16xf32> to vector<16xf32>
        %swap3A_1070 = vector.shape_cast %mul3A_1030 : vector<16xf32> to vector<1x16xf32>
        tpu.vector_store %arg11[%swap3A_1066, %swap3A_1067], %swap3A_1070 {strides = array<i32>} : memref<64x128xf32, #tpu.memory_space<vmem>>, vector<1x16xf32>,
        %scan3A_1071 = arith.constant 1 : i32
        %scan3A_1072 = arith.addi %scan3A_927, %scan3A_1071 : i32
        %shift_right_arithmetic3A_1073 = arith.constant 3 : i32
        %shift_right_arithmetic3A_1074 = arith.shrsi %scan3A_1072, %shift_right_arithmetic3A_1073 : i32
        %and3A_1075 = arith.constant 7 : i32
        %and3A_1076 = arith.andi %scan3A_1072, %and3A_1075 : i32
        %mul3A_1077 = arith.constant 64 : i32
        %mul3A_1078 = arith.muli %and3A_1076, %mul3A_1077 : i32
        %add3A_1079 = arith.constant 0 : i32
        %add3A_1080 = arith.addi %mul3A_1078, %add3A_1079 : i32
        %get3A_1081 = arith.constant 1 : i32
        %get3A_1082 = arith.index_cast %get3A_1081 : i32 to index
        %get3A_1083 = arith.index_cast %shift_right_arithmetic3A_1074 : i32 to index
        %get3A_1084 = arith.index_cast %add3A_1080 : i32 to index
        %get3A_1085 = tpu.vector_load %arg12[%get3A_1082, %get3A_1083, %get3A_1084] {strides = array<i32>} : memref<2x8x512xi32, #tpu.memory_space<vmem>>, vector<1x1x16xi32>,
        %get3A_1086 = vector.shape_cast %get3A_1085 : vector<1x1x16xi32> to vector<16xi32>
        %add3A_1087 = arith.constant 16 : i32
        %add3A_1088 = arith.addi %mul3A_1078, %add3A_1087 : i32
        %get3A_1089 = arith.constant 1 : i32
        %get3A_1090 = arith.index_cast %get3A_1089 : i32 to index
        %get3A_1091 = arith.index_cast %shift_right_arithmetic3A_1074 : i32 to index
        %get3A_1092 = arith.index_cast %add3A_1088 : i32 to index
        %get3A_1093 = tpu.vector_load %arg12[%get3A_1090, %get3A_1091, %get3A_1092] {strides = array<i32>} : memref<2x8x512xi32, #tpu.memory_space<vmem>>, vector<1x1x16xi32>,
        %get3A_1094 = vector.shape_cast %get3A_1093 : vector<1x1x16xi32> to vector<16xi32>
        %add3A_1095 = arith.constant 32 : i32
        %add3A_1096 = arith.addi %mul3A_1078, %add3A_1095 : i32
        %get3A_1097 = arith.constant 1 : i32
        %get3A_1098 = arith.index_cast %get3A_1097 : i32 to index
        %get3A_1099 = arith.index_cast %shift_right_arithmetic3A_1074 : i32 to index
        %get3A_1100 = arith.index_cast %add3A_1096 : i32 to index
        %get3A_1101 = tpu.vector_load %arg12[%get3A_1098, %get3A_1099, %get3A_1100] {strides = array<i32>} : memref<2x8x512xi32, #tpu.memory_space<vmem>>, vector<1x1x16xi32>,
        %get3A_1102 = vector.shape_cast %get3A_1101 : vector<1x1x16xi32> to vector<16xi32>
        %add3A_1103 = arith.constant 48 : i32
        %add3A_1104 = arith.addi %mul3A_1078, %add3A_1103 : i32
        %get3A_1105 = arith.constant 1 : i32
        %get3A_1106 = arith.index_cast %get3A_1105 : i32 to index
        %get3A_1107 = arith.index_cast %shift_right_arithmetic3A_1074 : i32 to index
        %get3A_1108 = arith.index_cast %add3A_1104 : i32 to index
        %get3A_1109 = tpu.vector_load %arg12[%get3A_1106, %get3A_1107, %get3A_1108] {strides = array<i32>} : memref<2x8x512xi32, #tpu.memory_space<vmem>>, vector<1x1x16xi32>,
        %get3A_1110 = vector.shape_cast %get3A_1109 : vector<1x1x16xi32> to vector<16xi32>
        %get3A_1111 = arith.index_cast %scan3A_1072 : i32 to index
        %get3A_1112 = arith.constant 0 : index
        %get3A_1113 = tpu.vector_load %arg11[%get3A_1111, %get3A_1112] {strides = array<i32>} : memref<64x128xf32, #tpu.memory_space<vmem>>, vector<1x16xf32>,
        %get3A_1114 = vector.shape_cast %get3A_1113 : vector<1x16xf32> to vector<16xf32>
        %get3A_1115 = arith.index_cast %scan3A_1072 : i32 to index
        %get3A_1116 = arith.constant 32 : index
        %get3A_1117 = tpu.vector_load %arg11[%get3A_1115, %get3A_1116] {strides = array<i32>} : memref<64x128xf32, #tpu.memory_space<vmem>>, vector<1x16xf32>,
        %get3A_1118 = vector.shape_cast %get3A_1117 : vector<1x16xf32> to vector<16xf32>
        %get3A_1119 = arith.index_cast %scan3A_1072 : i32 to index
        %get3A_1120 = arith.constant 64 : index
        %get3A_1121 = tpu.vector_load %arg11[%get3A_1119, %get3A_1120] {strides = array<i32>} : memref<64x128xf32, #tpu.memory_space<vmem>>, vector<1x16xf32>,
        %get3A_1122 = vector.shape_cast %get3A_1121 : vector<1x16xf32> to vector<16xf32>
        %get3A_1123 = arith.index_cast %scan3A_1072 : i32 to index
        %get3A_1124 = arith.constant 96 : index
        %get3A_1125 = tpu.vector_load %arg11[%get3A_1123, %get3A_1124] {strides = array<i32>} : memref<64x128xf32, #tpu.memory_space<vmem>>, vector<1x16xf32>,
        %get3A_1126 = vector.shape_cast %get3A_1125 : vector<1x16xf32> to vector<16xf32>
        %get3A_1127 = arith.index_cast %scan3A_1072 : i32 to index
        %get3A_1128 = arith.constant 16 : index
        %get3A_1129 = tpu.vector_load %arg11[%get3A_1127, %get3A_1128] {strides = array<i32>} : memref<64x128xf32, #tpu.memory_space<vmem>>, vector<1x16xf32>,
        %get3A_1130 = vector.shape_cast %get3A_1129 : vector<1x16xf32> to vector<16xf32>
        %get3A_1131 = arith.index_cast %scan3A_1072 : i32 to index
        %get3A_1132 = arith.constant 48 : index
        %get3A_1133 = tpu.vector_load %arg11[%get3A_1131, %get3A_1132] {strides = array<i32>} : memref<64x128xf32, #tpu.memory_space<vmem>>, vector<1x16xf32>,
        %get3A_1134 = vector.shape_cast %get3A_1133 : vector<1x16xf32> to vector<16xf32>
        %get3A_1135 = arith.index_cast %scan3A_1072 : i32 to index
        %get3A_1136 = arith.constant 80 : index
        %get3A_1137 = tpu.vector_load %arg11[%get3A_1135, %get3A_1136] {strides = array<i32>} : memref<64x128xf32, #tpu.memory_space<vmem>>, vector<1x16xf32>,
        %get3A_1138 = vector.shape_cast %get3A_1137 : vector<1x16xf32> to vector<16xf32>
        %get3A_1139 = arith.index_cast %scan3A_1072 : i32 to index
        %get3A_1140 = arith.constant 112 : index
        %get3A_1141 = tpu.vector_load %arg11[%get3A_1139, %get3A_1140] {strides = array<i32>} : memref<64x128xf32, #tpu.memory_space<vmem>>, vector<1x16xf32>,
        %get3A_1142 = vector.shape_cast %get3A_1141 : vector<1x16xf32> to vector<16xf32>
        %shift_left3A_1143 = arith.constant 16 : i32
        %shift_left3A_1144 = vector.broadcast %shift_left3A_1143 : i32 to vector<16xi32>
        %shift_left3A_1145 = arith.shli %get3A_1086, %shift_left3A_1144 : vector<16xi32>
        %bitcast_convert_type3A_1146 = tpu.bitcast %shift_left3A_1145 : vector<16xi32> -> vector<16xf32>
        %mul3A_1147 = arith.mulf %get3A_1114, %bitcast_convert_type3A_1146 : vector<16xf32>
        %shift_left3A_1148 = arith.constant 16 : i32
        %shift_left3A_1149 = vector.broadcast %shift_left3A_1148 : i32 to vector<16xi32>
        %shift_left3A_1150 = arith.shli %get3A_1094, %shift_left3A_1149 : vector<16xi32>
        %bitcast_convert_type3A_1151 = tpu.bitcast %shift_left3A_1150 : vector<16xi32> -> vector<16xf32>
        %mul3A_1152 = arith.mulf %get3A_1118, %bitcast_convert_type3A_1151 : vector<16xf32>
        %shift_left3A_1153 = arith.constant 16 : i32
        %shift_left3A_1154 = vector.broadcast %shift_left3A_1153 : i32 to vector<16xi32>
        %shift_left3A_1155 = arith.shli %get3A_1102, %shift_left3A_1154 : vector<16xi32>
        %bitcast_convert_type3A_1156 = tpu.bitcast %shift_left3A_1155 : vector<16xi32> -> vector<16xf32>
        %mul3A_1157 = arith.mulf %get3A_1122, %bitcast_convert_type3A_1156 : vector<16xf32>
        %shift_left3A_1158 = arith.constant 16 : i32
        %shift_left3A_1159 = vector.broadcast %shift_left3A_1158 : i32 to vector<16xi32>
        %shift_left3A_1160 = arith.shli %get3A_1110, %shift_left3A_1159 : vector<16xi32>
        %bitcast_convert_type3A_1161 = tpu.bitcast %shift_left3A_1160 : vector<16xi32> -> vector<16xf32>
        %mul3A_1162 = arith.mulf %get3A_1126, %bitcast_convert_type3A_1161 : vector<16xf32>
        %and3A_1163 = vector.broadcast %while3A_345 : i32 to vector<16xi32>
        %and3A_1164 = arith.andi %get3A_1086, %and3A_1163 : vector<16xi32>
        %bitcast_convert_type3A_1165 = tpu.bitcast %and3A_1164 : vector<16xi32> -> vector<16xf32>
        %mul3A_1166 = arith.mulf %get3A_1130, %bitcast_convert_type3A_1165 : vector<16xf32>
        %and3A_1167 = vector.broadcast %while3A_345 : i32 to vector<16xi32>
        %and3A_1168 = arith.andi %get3A_1094, %and3A_1167 : vector<16xi32>
        %bitcast_convert_type3A_1169 = tpu.bitcast %and3A_1168 : vector<16xi32> -> vector<16xf32>
        %mul3A_1170 = arith.mulf %get3A_1134, %bitcast_convert_type3A_1169 : vector<16xf32>
        %and3A_1171 = vector.broadcast %while3A_345 : i32 to vector<16xi32>
        %and3A_1172 = arith.andi %get3A_1102, %and3A_1171 : vector<16xi32>
        %bitcast_convert_type3A_1173 = tpu.bitcast %and3A_1172 : vector<16xi32> -> vector<16xf32>
        %mul3A_1174 = arith.mulf %get3A_1138, %bitcast_convert_type3A_1173 : vector<16xf32>
        %and3A_1175 = vector.broadcast %while3A_345 : i32 to vector<16xi32>
        %and3A_1176 = arith.andi %get3A_1110, %and3A_1175 : vector<16xi32>
        %bitcast_convert_type3A_1177 = tpu.bitcast %and3A_1176 : vector<16xi32> -> vector<16xf32>
        %mul3A_1178 = arith.mulf %get3A_1142, %bitcast_convert_type3A_1177 : vector<16xf32>
        %swap3A_1179 = arith.index_cast %scan3A_1072 : i32 to index
        %swap3A_1180 = arith.constant 0 : index
        %swap3A_1181 = tpu.vector_load %arg11[%swap3A_1179, %swap3A_1180] {strides = array<i32>} : memref<64x128xf32, #tpu.memory_space<vmem>>, vector<1x16xf32>,
        %swap3A_1182 = vector.shape_cast %swap3A_1181 : vector<1x16xf32> to vector<16xf32>
        %swap3A_1183 = vector.shape_cast %mul3A_1147 : vector<16xf32> to vector<1x16xf32>
        tpu.vector_store %arg11[%swap3A_1179, %swap3A_1180], %swap3A_1183 {strides = array<i32>} : memref<64x128xf32, #tpu.memory_space<vmem>>, vector<1x16xf32>,
        %swap3A_1184 = arith.index_cast %scan3A_1072 : i32 to index
        %swap3A_1185 = arith.constant 16 : index
        %swap3A_1186 = tpu.vector_load %arg11[%swap3A_1184, %swap3A_1185] {strides = array<i32>} : memref<64x128xf32, #tpu.memory_space<vmem>>, vector<1x16xf32>,
        %swap3A_1187 = vector.shape_cast %swap3A_1186 : vector<1x16xf32> to vector<16xf32>
        %swap3A_1188 = vector.shape_cast %mul3A_1166 : vector<16xf32> to vector<1x16xf32>
        tpu.vector_store %arg11[%swap3A_1184, %swap3A_1185], %swap3A_1188 {strides = array<i32>} : memref<64x128xf32, #tpu.memory_space<vmem>>, vector<1x16xf32>,
        %swap3A_1189 = arith.index_cast %scan3A_1072 : i32 to index
        %swap3A_1190 = arith.constant 32 : index
        %swap3A_1191 = tpu.vector_load %arg11[%swap3A_1189, %swap3A_1190] {strides = array<i32>} : memref<64x128xf32, #tpu.memory_space<vmem>>, vector<1x16xf32>,
        %swap3A_1192 = vector.shape_cast %swap3A_1191 : vector<1x16xf32> to vector<16xf32>
        %swap3A_1193 = vector.shape_cast %mul3A_1152 : vector<16xf32> to vector<1x16xf32>
        tpu.vector_store %arg11[%swap3A_1189, %swap3A_1190], %swap3A_1193 {strides = array<i32>} : memref<64x128xf32, #tpu.memory_space<vmem>>, vector<1x16xf32>,
        %swap3A_1194 = arith.index_cast %scan3A_1072 : i32 to index
        %swap3A_1195 = arith.constant 48 : index
        %swap3A_1196 = tpu.vector_load %arg11[%swap3A_1194, %swap3A_1195] {strides = array<i32>} : memref<64x128xf32, #tpu.memory_space<vmem>>, vector<1x16xf32>,
        %swap3A_1197 = vector.shape_cast %swap3A_1196 : vector<1x16xf32> to vector<16xf32>
        %swap3A_1198 = vector.shape_cast %mul3A_1170 : vector<16xf32> to vector<1x16xf32>
        tpu.vector_store %arg11[%swap3A_1194, %swap3A_1195], %swap3A_1198 {strides = array<i32>} : memref<64x128xf32, #tpu.memory_space<vmem>>, vector<1x16xf32>,
        %swap3A_1199 = arith.index_cast %scan3A_1072 : i32 to index
        %swap3A_1200 = arith.constant 64 : index
        %swap3A_1201 = tpu.vector_load %arg11[%swap3A_1199, %swap3A_1200] {strides = array<i32>} : memref<64x128xf32, #tpu.memory_space<vmem>>, vector<1x16xf32>,
        %swap3A_1202 = vector.shape_cast %swap3A_1201 : vector<1x16xf32> to vector<16xf32>
        %swap3A_1203 = vector.shape_cast %mul3A_1157 : vector<16xf32> to vector<1x16xf32>
        tpu.vector_store %arg11[%swap3A_1199, %swap3A_1200], %swap3A_1203 {strides = array<i32>} : memref<64x128xf32, #tpu.memory_space<vmem>>, vector<1x16xf32>,
        %swap3A_1204 = arith.index_cast %scan3A_1072 : i32 to index
        %swap3A_1205 = arith.constant 80 : index
        %swap3A_1206 = tpu.vector_load %arg11[%swap3A_1204, %swap3A_1205] {strides = array<i32>} : memref<64x128xf32, #tpu.memory_space<vmem>>, vector<1x16xf32>,
        %swap3A_1207 = vector.shape_cast %swap3A_1206 : vector<1x16xf32> to vector<16xf32>
        %swap3A_1208 = vector.shape_cast %mul3A_1174 : vector<16xf32> to vector<1x16xf32>
        tpu.vector_store %arg11[%swap3A_1204, %swap3A_1205], %swap3A_1208 {strides = array<i32>} : memref<64x128xf32, #tpu.memory_space<vmem>>, vector<1x16xf32>,
        %swap3A_1209 = arith.index_cast %scan3A_1072 : i32 to index
        %swap3A_1210 = arith.constant 96 : index
        %swap3A_1211 = tpu.vector_load %arg11[%swap3A_1209, %swap3A_1210] {strides = array<i32>} : memref<64x128xf32, #tpu.memory_space<vmem>>, vector<1x16xf32>,
        %swap3A_1212 = vector.shape_cast %swap3A_1211 : vector<1x16xf32> to vector<16xf32>
        %swap3A_1213 = vector.shape_cast %mul3A_1162 : vector<16xf32> to vector<1x16xf32>
        tpu.vector_store %arg11[%swap3A_1209, %swap3A_1210], %swap3A_1213 {strides = array<i32>} : memref<64x128xf32, #tpu.memory_space<vmem>>, vector<1x16xf32>,
        %swap3A_1214 = arith.index_cast %scan3A_1072 : i32 to index
        %swap3A_1215 = arith.constant 112 : index
        %swap3A_1216 = tpu.vector_load %arg11[%swap3A_1214, %swap3A_1215] {strides = array<i32>} : memref<64x128xf32, #tpu.memory_space<vmem>>, vector<1x16xf32>,
        %swap3A_1217 = vector.shape_cast %swap3A_1216 : vector<1x16xf32> to vector<16xf32>
        %swap3A_1218 = vector.shape_cast %mul3A_1178 : vector<16xf32> to vector<1x16xf32>
        tpu.vector_store %arg11[%swap3A_1214, %swap3A_1215], %swap3A_1218 {strides = array<i32>} : memref<64x128xf32, #tpu.memory_space<vmem>>, vector<1x16xf32>,
        %scan3A_1219 = arith.constant 2 : i32
        %scan3A_1220 = arith.addi %scan3A_927, %scan3A_1219 : i32
        %shift_right_arithmetic3A_1221 = arith.constant 3 : i32
        %shift_right_arithmetic3A_1222 = arith.shrsi %scan3A_1220, %shift_right_arithmetic3A_1221 : i32
        %and3A_1223 = arith.constant 7 : i32
        %and3A_1224 = arith.andi %scan3A_1220, %and3A_1223 : i32
        %mul3A_1225 = arith.constant 64 : i32
        %mul3A_1226 = arith.muli %and3A_1224, %mul3A_1225 : i32
        %add3A_1227 = arith.constant 0 : i32
        %add3A_1228 = arith.addi %mul3A_1226, %add3A_1227 : i32
        %get3A_1229 = arith.constant 1 : i32
        %get3A_1230 = arith.index_cast %get3A_1229 : i32 to index
        %get3A_1231 = arith.index_cast %shift_right_arithmetic3A_1222 : i32 to index
        %get3A_1232 = arith.index_cast %add3A_1228 : i32 to index
        %get3A_1233 = tpu.vector_load %arg12[%get3A_1230, %get3A_1231, %get3A_1232] {strides = array<i32>} : memref<2x8x512xi32, #tpu.memory_space<vmem>>, vector<1x1x16xi32>,
        %get3A_1234 = vector.shape_cast %get3A_1233 : vector<1x1x16xi32> to vector<16xi32>
        %add3A_1235 = arith.constant 16 : i32
        %add3A_1236 = arith.addi %mul3A_1226, %add3A_1235 : i32
        %get3A_1237 = arith.constant 1 : i32
        %get3A_1238 = arith.index_cast %get3A_1237 : i32 to index
        %get3A_1239 = arith.index_cast %shift_right_arithmetic3A_1222 : i32 to index
        %get3A_1240 = arith.index_cast %add3A_1236 : i32 to index
        %get3A_1241 = tpu.vector_load %arg12[%get3A_1238, %get3A_1239, %get3A_1240] {strides = array<i32>} : memref<2x8x512xi32, #tpu.memory_space<vmem>>, vector<1x1x16xi32>,
        %get3A_1242 = vector.shape_cast %get3A_1241 : vector<1x1x16xi32> to vector<16xi32>
        %add3A_1243 = arith.constant 32 : i32
        %add3A_1244 = arith.addi %mul3A_1226, %add3A_1243 : i32
        %get3A_1245 = arith.constant 1 : i32
        %get3A_1246 = arith.index_cast %get3A_1245 : i32 to index
        %get3A_1247 = arith.index_cast %shift_right_arithmetic3A_1222 : i32 to index
        %get3A_1248 = arith.index_cast %add3A_1244 : i32 to index
        %get3A_1249 = tpu.vector_load %arg12[%get3A_1246, %get3A_1247, %get3A_1248] {strides = array<i32>} : memref<2x8x512xi32, #tpu.memory_space<vmem>>, vector<1x1x16xi32>,
        %get3A_1250 = vector.shape_cast %get3A_1249 : vector<1x1x16xi32> to vector<16xi32>
        %add3A_1251 = arith.constant 48 : i32
        %add3A_1252 = arith.addi %mul3A_1226, %add3A_1251 : i32
        %get3A_1253 = arith.constant 1 : i32
        %get3A_1254 = arith.index_cast %get3A_1253 : i32 to index
        %get3A_1255 = arith.index_cast %shift_right_arithmetic3A_1222 : i32 to index
        %get3A_1256 = arith.index_cast %add3A_1252 : i32 to index
        %get3A_1257 = tpu.vector_load %arg12[%get3A_1254, %get3A_1255, %get3A_1256] {strides = array<i32>} : memref<2x8x512xi32, #tpu.memory_space<vmem>>, vector<1x1x16xi32>,
        %get3A_1258 = vector.shape_cast %get3A_1257 : vector<1x1x16xi32> to vector<16xi32>
        %get3A_1259 = arith.index_cast %scan3A_1220 : i32 to index
        %get3A_1260 = arith.constant 0 : index
        %get3A_1261 = tpu.vector_load %arg11[%get3A_1259, %get3A_1260] {strides = array<i32>} : memref<64x128xf32, #tpu.memory_space<vmem>>, vector<1x16xf32>,
        %get3A_1262 = vector.shape_cast %get3A_1261 : vector<1x16xf32> to vector<16xf32>
        %get3A_1263 = arith.index_cast %scan3A_1220 : i32 to index
        %get3A_1264 = arith.constant 32 : index
        %get3A_1265 = tpu.vector_load %arg11[%get3A_1263, %get3A_1264] {strides = array<i32>} : memref<64x128xf32, #tpu.memory_space<vmem>>, vector<1x16xf32>,
        %get3A_1266 = vector.shape_cast %get3A_1265 : vector<1x16xf32> to vector<16xf32>
        %get3A_1267 = arith.index_cast %scan3A_1220 : i32 to index
        %get3A_1268 = arith.constant 64 : index
        %get3A_1269 = tpu.vector_load %arg11[%get3A_1267, %get3A_1268] {strides = array<i32>} : memref<64x128xf32, #tpu.memory_space<vmem>>, vector<1x16xf32>,
        %get3A_1270 = vector.shape_cast %get3A_1269 : vector<1x16xf32> to vector<16xf32>
        %get3A_1271 = arith.index_cast %scan3A_1220 : i32 to index
        %get3A_1272 = arith.constant 96 : index
        %get3A_1273 = tpu.vector_load %arg11[%get3A_1271, %get3A_1272] {strides = array<i32>} : memref<64x128xf32, #tpu.memory_space<vmem>>, vector<1x16xf32>,
        %get3A_1274 = vector.shape_cast %get3A_1273 : vector<1x16xf32> to vector<16xf32>
        %get3A_1275 = arith.index_cast %scan3A_1220 : i32 to index
        %get3A_1276 = arith.constant 16 : index
        %get3A_1277 = tpu.vector_load %arg11[%get3A_1275, %get3A_1276] {strides = array<i32>} : memref<64x128xf32, #tpu.memory_space<vmem>>, vector<1x16xf32>,
        %get3A_1278 = vector.shape_cast %get3A_1277 : vector<1x16xf32> to vector<16xf32>
        %get3A_1279 = arith.index_cast %scan3A_1220 : i32 to index
        %get3A_1280 = arith.constant 48 : index
        %get3A_1281 = tpu.vector_load %arg11[%get3A_1279, %get3A_1280] {strides = array<i32>} : memref<64x128xf32, #tpu.memory_space<vmem>>, vector<1x16xf32>,
        %get3A_1282 = vector.shape_cast %get3A_1281 : vector<1x16xf32> to vector<16xf32>
        %get3A_1283 = arith.index_cast %scan3A_1220 : i32 to index
        %get3A_1284 = arith.constant 80 : index
        %get3A_1285 = tpu.vector_load %arg11[%get3A_1283, %get3A_1284] {strides = array<i32>} : memref<64x128xf32, #tpu.memory_space<vmem>>, vector<1x16xf32>,
        %get3A_1286 = vector.shape_cast %get3A_1285 : vector<1x16xf32> to vector<16xf32>
        %get3A_1287 = arith.index_cast %scan3A_1220 : i32 to index
        %get3A_1288 = arith.constant 112 : index
        %get3A_1289 = tpu.vector_load %arg11[%get3A_1287, %get3A_1288] {strides = array<i32>} : memref<64x128xf32, #tpu.memory_space<vmem>>, vector<1x16xf32>,
        %get3A_1290 = vector.shape_cast %get3A_1289 : vector<1x16xf32> to vector<16xf32>
        %shift_left3A_1291 = arith.constant 16 : i32
        %shift_left3A_1292 = vector.broadcast %shift_left3A_1291 : i32 to vector<16xi32>
        %shift_left3A_1293 = arith.shli %get3A_1234, %shift_left3A_1292 : vector<16xi32>
        %bitcast_convert_type3A_1294 = tpu.bitcast %shift_left3A_1293 : vector<16xi32> -> vector<16xf32>
        %mul3A_1295 = arith.mulf %get3A_1262, %bitcast_convert_type3A_1294 : vector<16xf32>
        %shift_left3A_1296 = arith.constant 16 : i32
        %shift_left3A_1297 = vector.broadcast %shift_left3A_1296 : i32 to vector<16xi32>
        %shift_left3A_1298 = arith.shli %get3A_1242, %shift_left3A_1297 : vector<16xi32>
        %bitcast_convert_type3A_1299 = tpu.bitcast %shift_left3A_1298 : vector<16xi32> -> vector<16xf32>
        %mul3A_1300 = arith.mulf %get3A_1266, %bitcast_convert_type3A_1299 : vector<16xf32>
        %shift_left3A_1301 = arith.constant 16 : i32
        %shift_left3A_1302 = vector.broadcast %shift_left3A_1301 : i32 to vector<16xi32>
        %shift_left3A_1303 = arith.shli %get3A_1250, %shift_left3A_1302 : vector<16xi32>
        %bitcast_convert_type3A_1304 = tpu.bitcast %shift_left3A_1303 : vector<16xi32> -> vector<16xf32>
        %mul3A_1305 = arith.mulf %get3A_1270, %bitcast_convert_type3A_1304 : vector<16xf32>
        %shift_left3A_1306 = arith.constant 16 : i32
        %shift_left3A_1307 = vector.broadcast %shift_left3A_1306 : i32 to vector<16xi32>
        %shift_left3A_1308 = arith.shli %get3A_1258, %shift_left3A_1307 : vector<16xi32>
        %bitcast_convert_type3A_1309 = tpu.bitcast %shift_left3A_1308 : vector<16xi32> -> vector<16xf32>
        %mul3A_1310 = arith.mulf %get3A_1274, %bitcast_convert_type3A_1309 : vector<16xf32>
        %and3A_1311 = vector.broadcast %while3A_345 : i32 to vector<16xi32>
        %and3A_1312 = arith.andi %get3A_1234, %and3A_1311 : vector<16xi32>
        %bitcast_convert_type3A_1313 = tpu.bitcast %and3A_1312 : vector<16xi32> -> vector<16xf32>
        %mul3A_1314 = arith.mulf %get3A_1278, %bitcast_convert_type3A_1313 : vector<16xf32>
        %and3A_1315 = vector.broadcast %while3A_345 : i32 to vector<16xi32>
        %and3A_1316 = arith.andi %get3A_1242, %and3A_1315 : vector<16xi32>
        %bitcast_convert_type3A_1317 = tpu.bitcast %and3A_1316 : vector<16xi32> -> vector<16xf32>
        %mul3A_1318 = arith.mulf %get3A_1282, %bitcast_convert_type3A_1317 : vector<16xf32>
        %and3A_1319 = vector.broadcast %while3A_345 : i32 to vector<16xi32>
        %and3A_1320 = arith.andi %get3A_1250, %and3A_1319 : vector<16xi32>
        %bitcast_convert_type3A_1321 = tpu.bitcast %and3A_1320 : vector<16xi32> -> vector<16xf32>
        %mul3A_1322 = arith.mulf %get3A_1286, %bitcast_convert_type3A_1321 : vector<16xf32>
        %and3A_1323 = vector.broadcast %while3A_345 : i32 to vector<16xi32>
        %and3A_1324 = arith.andi %get3A_1258, %and3A_1323 : vector<16xi32>
        %bitcast_convert_type3A_1325 = tpu.bitcast %and3A_1324 : vector<16xi32> -> vector<16xf32>
        %mul3A_1326 = arith.mulf %get3A_1290, %bitcast_convert_type3A_1325 : vector<16xf32>
        %swap3A_1327 = arith.index_cast %scan3A_1220 : i32 to index
        %swap3A_1328 = arith.constant 0 : index
        %swap3A_1329 = tpu.vector_load %arg11[%swap3A_1327, %swap3A_1328] {strides = array<i32>} : memref<64x128xf32, #tpu.memory_space<vmem>>, vector<1x16xf32>,
        %swap3A_1330 = vector.shape_cast %swap3A_1329 : vector<1x16xf32> to vector<16xf32>
        %swap3A_1331 = vector.shape_cast %mul3A_1295 : vector<16xf32> to vector<1x16xf32>
        tpu.vector_store %arg11[%swap3A_1327, %swap3A_1328], %swap3A_1331 {strides = array<i32>} : memref<64x128xf32, #tpu.memory_space<vmem>>, vector<1x16xf32>,
        %swap3A_1332 = arith.index_cast %scan3A_1220 : i32 to index
        %swap3A_1333 = arith.constant 16 : index
        %swap3A_1334 = tpu.vector_load %arg11[%swap3A_1332, %swap3A_1333] {strides = array<i32>} : memref<64x128xf32, #tpu.memory_space<vmem>>, vector<1x16xf32>,
        %swap3A_1335 = vector.shape_cast %swap3A_1334 : vector<1x16xf32> to vector<16xf32>
        %swap3A_1336 = vector.shape_cast %mul3A_1314 : vector<16xf32> to vector<1x16xf32>
        tpu.vector_store %arg11[%swap3A_1332, %swap3A_1333], %swap3A_1336 {strides = array<i32>} : memref<64x128xf32, #tpu.memory_space<vmem>>, vector<1x16xf32>,
        %swap3A_1337 = arith.index_cast %scan3A_1220 : i32 to index
        %swap3A_1338 = arith.constant 32 : index
        %swap3A_1339 = tpu.vector_load %arg11[%swap3A_1337, %swap3A_1338] {strides = array<i32>} : memref<64x128xf32, #tpu.memory_space<vmem>>, vector<1x16xf32>,
        %swap3A_1340 = vector.shape_cast %swap3A_1339 : vector<1x16xf32> to vector<16xf32>
        %swap3A_1341 = vector.shape_cast %mul3A_1300 : vector<16xf32> to vector<1x16xf32>
        tpu.vector_store %arg11[%swap3A_1337, %swap3A_1338], %swap3A_1341 {strides = array<i32>} : memref<64x128xf32, #tpu.memory_space<vmem>>, vector<1x16xf32>,
        %swap3A_1342 = arith.index_cast %scan3A_1220 : i32 to index
        %swap3A_1343 = arith.constant 48 : index
        %swap3A_1344 = tpu.vector_load %arg11[%swap3A_1342, %swap3A_1343] {strides = array<i32>} : memref<64x128xf32, #tpu.memory_space<vmem>>, vector<1x16xf32>,
        %swap3A_1345 = vector.shape_cast %swap3A_1344 : vector<1x16xf32> to vector<16xf32>
        %swap3A_1346 = vector.shape_cast %mul3A_1318 : vector<16xf32> to vector<1x16xf32>
        tpu.vector_store %arg11[%swap3A_1342, %swap3A_1343], %swap3A_1346 {strides = array<i32>} : memref<64x128xf32, #tpu.memory_space<vmem>>, vector<1x16xf32>,
        %swap3A_1347 = arith.index_cast %scan3A_1220 : i32 to index
        %swap3A_1348 = arith.constant 64 : index
        %swap3A_1349 = tpu.vector_load %arg11[%swap3A_1347, %swap3A_1348] {strides = array<i32>} : memref<64x128xf32, #tpu.memory_space<vmem>>, vector<1x16xf32>,
        %swap3A_1350 = vector.shape_cast %swap3A_1349 : vector<1x16xf32> to vector<16xf32>
        %swap3A_1351 = vector.shape_cast %mul3A_1305 : vector<16xf32> to vector<1x16xf32>
        tpu.vector_store %arg11[%swap3A_1347, %swap3A_1348], %swap3A_1351 {strides = array<i32>} : memref<64x128xf32, #tpu.memory_space<vmem>>, vector<1x16xf32>,
        %swap3A_1352 = arith.index_cast %scan3A_1220 : i32 to index
        %swap3A_1353 = arith.constant 80 : index
        %swap3A_1354 = tpu.vector_load %arg11[%swap3A_1352, %swap3A_1353] {strides = array<i32>} : memref<64x128xf32, #tpu.memory_space<vmem>>, vector<1x16xf32>,
        %swap3A_1355 = vector.shape_cast %swap3A_1354 : vector<1x16xf32> to vector<16xf32>
        %swap3A_1356 = vector.shape_cast %mul3A_1322 : vector<16xf32> to vector<1x16xf32>
        tpu.vector_store %arg11[%swap3A_1352, %swap3A_1353], %swap3A_1356 {strides = array<i32>} : memref<64x128xf32, #tpu.memory_space<vmem>>, vector<1x16xf32>,
        %swap3A_1357 = arith.index_cast %scan3A_1220 : i32 to index
        %swap3A_1358 = arith.constant 96 : index
        %swap3A_1359 = tpu.vector_load %arg11[%swap3A_1357, %swap3A_1358] {strides = array<i32>} : memref<64x128xf32, #tpu.memory_space<vmem>>, vector<1x16xf32>,
        %swap3A_1360 = vector.shape_cast %swap3A_1359 : vector<1x16xf32> to vector<16xf32>
        %swap3A_1361 = vector.shape_cast %mul3A_1310 : vector<16xf32> to vector<1x16xf32>
        tpu.vector_store %arg11[%swap3A_1357, %swap3A_1358], %swap3A_1361 {strides = array<i32>} : memref<64x128xf32, #tpu.memory_space<vmem>>, vector<1x16xf32>,
        %swap3A_1362 = arith.index_cast %scan3A_1220 : i32 to index
        %swap3A_1363 = arith.constant 112 : index
        %swap3A_1364 = tpu.vector_load %arg11[%swap3A_1362, %swap3A_1363] {strides = array<i32>} : memref<64x128xf32, #tpu.memory_space<vmem>>, vector<1x16xf32>,
        %swap3A_1365 = vector.shape_cast %swap3A_1364 : vector<1x16xf32> to vector<16xf32>
        %swap3A_1366 = vector.shape_cast %mul3A_1326 : vector<16xf32> to vector<1x16xf32>
        tpu.vector_store %arg11[%swap3A_1362, %swap3A_1363], %swap3A_1366 {strides = array<i32>} : memref<64x128xf32, #tpu.memory_space<vmem>>, vector<1x16xf32>,
        %scan3A_1367 = arith.constant 3 : i32
        %scan3A_1368 = arith.addi %scan3A_927, %scan3A_1367 : i32
        %shift_right_arithmetic3A_1369 = arith.constant 3 : i32
        %shift_right_arithmetic3A_1370 = arith.shrsi %scan3A_1368, %shift_right_arithmetic3A_1369 : i32
        %and3A_1371 = arith.constant 7 : i32
        %and3A_1372 = arith.andi %scan3A_1368, %and3A_1371 : i32
        %mul3A_1373 = arith.constant 64 : i32
        %mul3A_1374 = arith.muli %and3A_1372, %mul3A_1373 : i32
        %add3A_1375 = arith.constant 0 : i32
        %add3A_1376 = arith.addi %mul3A_1374, %add3A_1375 : i32
        %get3A_1377 = arith.constant 1 : i32
        %get3A_1378 = arith.index_cast %get3A_1377 : i32 to index
        %get3A_1379 = arith.index_cast %shift_right_arithmetic3A_1370 : i32 to index
        %get3A_1380 = arith.index_cast %add3A_1376 : i32 to index
        %get3A_1381 = tpu.vector_load %arg12[%get3A_1378, %get3A_1379, %get3A_1380] {strides = array<i32>} : memref<2x8x512xi32, #tpu.memory_space<vmem>>, vector<1x1x16xi32>,
        %get3A_1382 = vector.shape_cast %get3A_1381 : vector<1x1x16xi32> to vector<16xi32>
        %add3A_1383 = arith.constant 16 : i32
        %add3A_1384 = arith.addi %mul3A_1374, %add3A_1383 : i32
        %get3A_1385 = arith.constant 1 : i32
        %get3A_1386 = arith.index_cast %get3A_1385 : i32 to index
        %get3A_1387 = arith.index_cast %shift_right_arithmetic3A_1370 : i32 to index
        %get3A_1388 = arith.index_cast %add3A_1384 : i32 to index
        %get3A_1389 = tpu.vector_load %arg12[%get3A_1386, %get3A_1387, %get3A_1388] {strides = array<i32>} : memref<2x8x512xi32, #tpu.memory_space<vmem>>, vector<1x1x16xi32>,
        %get3A_1390 = vector.shape_cast %get3A_1389 : vector<1x1x16xi32> to vector<16xi32>
        %add3A_1391 = arith.constant 32 : i32
        %add3A_1392 = arith.addi %mul3A_1374, %add3A_1391 : i32
        %get3A_1393 = arith.constant 1 : i32
        %get3A_1394 = arith.index_cast %get3A_1393 : i32 to index
        %get3A_1395 = arith.index_cast %shift_right_arithmetic3A_1370 : i32 to index
        %get3A_1396 = arith.index_cast %add3A_1392 : i32 to index
        %get3A_1397 = tpu.vector_load %arg12[%get3A_1394, %get3A_1395, %get3A_1396] {strides = array<i32>} : memref<2x8x512xi32, #tpu.memory_space<vmem>>, vector<1x1x16xi32>,
        %get3A_1398 = vector.shape_cast %get3A_1397 : vector<1x1x16xi32> to vector<16xi32>
        %add3A_1399 = arith.constant 48 : i32
        %add3A_1400 = arith.addi %mul3A_1374, %add3A_1399 : i32
        %get3A_1401 = arith.constant 1 : i32
        %get3A_1402 = arith.index_cast %get3A_1401 : i32 to index
        %get3A_1403 = arith.index_cast %shift_right_arithmetic3A_1370 : i32 to index
        %get3A_1404 = arith.index_cast %add3A_1400 : i32 to index
        %get3A_1405 = tpu.vector_load %arg12[%get3A_1402, %get3A_1403, %get3A_1404] {strides = array<i32>} : memref<2x8x512xi32, #tpu.memory_space<vmem>>, vector<1x1x16xi32>,
        %get3A_1406 = vector.shape_cast %get3A_1405 : vector<1x1x16xi32> to vector<16xi32>
        %get3A_1407 = arith.index_cast %scan3A_1368 : i32 to index
        %get3A_1408 = arith.constant 0 : index
        %get3A_1409 = tpu.vector_load %arg11[%get3A_1407, %get3A_1408] {strides = array<i32>} : memref<64x128xf32, #tpu.memory_space<vmem>>, vector<1x16xf32>,
        %get3A_1410 = vector.shape_cast %get3A_1409 : vector<1x16xf32> to vector<16xf32>
        %get3A_1411 = arith.index_cast %scan3A_1368 : i32 to index
        %get3A_1412 = arith.constant 32 : index
        %get3A_1413 = tpu.vector_load %arg11[%get3A_1411, %get3A_1412] {strides = array<i32>} : memref<64x128xf32, #tpu.memory_space<vmem>>, vector<1x16xf32>,
        %get3A_1414 = vector.shape_cast %get3A_1413 : vector<1x16xf32> to vector<16xf32>
        %get3A_1415 = arith.index_cast %scan3A_1368 : i32 to index
        %get3A_1416 = arith.constant 64 : index
        %get3A_1417 = tpu.vector_load %arg11[%get3A_1415, %get3A_1416] {strides = array<i32>} : memref<64x128xf32, #tpu.memory_space<vmem>>, vector<1x16xf32>,
        %get3A_1418 = vector.shape_cast %get3A_1417 : vector<1x16xf32> to vector<16xf32>
        %get3A_1419 = arith.index_cast %scan3A_1368 : i32 to index
        %get3A_1420 = arith.constant 96 : index
        %get3A_1421 = tpu.vector_load %arg11[%get3A_1419, %get3A_1420] {strides = array<i32>} : memref<64x128xf32, #tpu.memory_space<vmem>>, vector<1x16xf32>,
        %get3A_1422 = vector.shape_cast %get3A_1421 : vector<1x16xf32> to vector<16xf32>
        %get3A_1423 = arith.index_cast %scan3A_1368 : i32 to index
        %get3A_1424 = arith.constant 16 : index
        %get3A_1425 = tpu.vector_load %arg11[%get3A_1423, %get3A_1424] {strides = array<i32>} : memref<64x128xf32, #tpu.memory_space<vmem>>, vector<1x16xf32>,
        %get3A_1426 = vector.shape_cast %get3A_1425 : vector<1x16xf32> to vector<16xf32>
        %get3A_1427 = arith.index_cast %scan3A_1368 : i32 to index
        %get3A_1428 = arith.constant 48 : index
        %get3A_1429 = tpu.vector_load %arg11[%get3A_1427, %get3A_1428] {strides = array<i32>} : memref<64x128xf32, #tpu.memory_space<vmem>>, vector<1x16xf32>,
        %get3A_1430 = vector.shape_cast %get3A_1429 : vector<1x16xf32> to vector<16xf32>
        %get3A_1431 = arith.index_cast %scan3A_1368 : i32 to index
        %get3A_1432 = arith.constant 80 : index
        %get3A_1433 = tpu.vector_load %arg11[%get3A_1431, %get3A_1432] {strides = array<i32>} : memref<64x128xf32, #tpu.memory_space<vmem>>, vector<1x16xf32>,
        %get3A_1434 = vector.shape_cast %get3A_1433 : vector<1x16xf32> to vector<16xf32>
        %get3A_1435 = arith.index_cast %scan3A_1368 : i32 to index
        %get3A_1436 = arith.constant 112 : index
        %get3A_1437 = tpu.vector_load %arg11[%get3A_1435, %get3A_1436] {strides = array<i32>} : memref<64x128xf32, #tpu.memory_space<vmem>>, vector<1x16xf32>,
        %get3A_1438 = vector.shape_cast %get3A_1437 : vector<1x16xf32> to vector<16xf32>
        %shift_left3A_1439 = arith.constant 16 : i32
        %shift_left3A_1440 = vector.broadcast %shift_left3A_1439 : i32 to vector<16xi32>
        %shift_left3A_1441 = arith.shli %get3A_1382, %shift_left3A_1440 : vector<16xi32>
        %bitcast_convert_type3A_1442 = tpu.bitcast %shift_left3A_1441 : vector<16xi32> -> vector<16xf32>
        %mul3A_1443 = arith.mulf %get3A_1410, %bitcast_convert_type3A_1442 : vector<16xf32>
        %shift_left3A_1444 = arith.constant 16 : i32
        %shift_left3A_1445 = vector.broadcast %shift_left3A_1444 : i32 to vector<16xi32>
        %shift_left3A_1446 = arith.shli %get3A_1390, %shift_left3A_1445 : vector<16xi32>
        %bitcast_convert_type3A_1447 = tpu.bitcast %shift_left3A_1446 : vector<16xi32> -> vector<16xf32>
        %mul3A_1448 = arith.mulf %get3A_1414, %bitcast_convert_type3A_1447 : vector<16xf32>
        %shift_left3A_1449 = arith.constant 16 : i32
        %shift_left3A_1450 = vector.broadcast %shift_left3A_1449 : i32 to vector<16xi32>
        %shift_left3A_1451 = arith.shli %get3A_1398, %shift_left3A_1450 : vector<16xi32>
        %bitcast_convert_type3A_1452 = tpu.bitcast %shift_left3A_1451 : vector<16xi32> -> vector<16xf32>
        %mul3A_1453 = arith.mulf %get3A_1418, %bitcast_convert_type3A_1452 : vector<16xf32>
        %shift_left3A_1454 = arith.constant 16 : i32
        %shift_left3A_1455 = vector.broadcast %shift_left3A_1454 : i32 to vector<16xi32>
        %shift_left3A_1456 = arith.shli %get3A_1406, %shift_left3A_1455 : vector<16xi32>
        %bitcast_convert_type3A_1457 = tpu.bitcast %shift_left3A_1456 : vector<16xi32> -> vector<16xf32>
        %mul3A_1458 = arith.mulf %get3A_1422, %bitcast_convert_type3A_1457 : vector<16xf32>
        %and3A_1459 = vector.broadcast %while3A_345 : i32 to vector<16xi32>
        %and3A_1460 = arith.andi %get3A_1382, %and3A_1459 : vector<16xi32>
        %bitcast_convert_type3A_1461 = tpu.bitcast %and3A_1460 : vector<16xi32> -> vector<16xf32>
        %mul3A_1462 = arith.mulf %get3A_1426, %bitcast_convert_type3A_1461 : vector<16xf32>
        %and3A_1463 = vector.broadcast %while3A_345 : i32 to vector<16xi32>
        %and3A_1464 = arith.andi %get3A_1390, %and3A_1463 : vector<16xi32>
        %bitcast_convert_type3A_1465 = tpu.bitcast %and3A_1464 : vector<16xi32> -> vector<16xf32>
        %mul3A_1466 = arith.mulf %get3A_1430, %bitcast_convert_type3A_1465 : vector<16xf32>
        %and3A_1467 = vector.broadcast %while3A_345 : i32 to vector<16xi32>
        %and3A_1468 = arith.andi %get3A_1398, %and3A_1467 : vector<16xi32>
        %bitcast_convert_type3A_1469 = tpu.bitcast %and3A_1468 : vector<16xi32> -> vector<16xf32>
        %mul3A_1470 = arith.mulf %get3A_1434, %bitcast_convert_type3A_1469 : vector<16xf32>
        %and3A_1471 = vector.broadcast %while3A_345 : i32 to vector<16xi32>
        %and3A_1472 = arith.andi %get3A_1406, %and3A_1471 : vector<16xi32>
        %bitcast_convert_type3A_1473 = tpu.bitcast %and3A_1472 : vector<16xi32> -> vector<16xf32>
        %mul3A_1474 = arith.mulf %get3A_1438, %bitcast_convert_type3A_1473 : vector<16xf32>
        %swap3A_1475 = arith.index_cast %scan3A_1368 : i32 to index
        %swap3A_1476 = arith.constant 0 : index
        %swap3A_1477 = tpu.vector_load %arg11[%swap3A_1475, %swap3A_1476] {strides = array<i32>} : memref<64x128xf32, #tpu.memory_space<vmem>>, vector<1x16xf32>,
        %swap3A_1478 = vector.shape_cast %swap3A_1477 : vector<1x16xf32> to vector<16xf32>
        %swap3A_1479 = vector.shape_cast %mul3A_1443 : vector<16xf32> to vector<1x16xf32>
        tpu.vector_store %arg11[%swap3A_1475, %swap3A_1476], %swap3A_1479 {strides = array<i32>} : memref<64x128xf32, #tpu.memory_space<vmem>>, vector<1x16xf32>,
        %swap3A_1480 = arith.index_cast %scan3A_1368 : i32 to index
        %swap3A_1481 = arith.constant 16 : index
        %swap3A_1482 = tpu.vector_load %arg11[%swap3A_1480, %swap3A_1481] {strides = array<i32>} : memref<64x128xf32, #tpu.memory_space<vmem>>, vector<1x16xf32>,
        %swap3A_1483 = vector.shape_cast %swap3A_1482 : vector<1x16xf32> to vector<16xf32>
        %swap3A_1484 = vector.shape_cast %mul3A_1462 : vector<16xf32> to vector<1x16xf32>
        tpu.vector_store %arg11[%swap3A_1480, %swap3A_1481], %swap3A_1484 {strides = array<i32>} : memref<64x128xf32, #tpu.memory_space<vmem>>, vector<1x16xf32>,
        %swap3A_1485 = arith.index_cast %scan3A_1368 : i32 to index
        %swap3A_1486 = arith.constant 32 : index
        %swap3A_1487 = tpu.vector_load %arg11[%swap3A_1485, %swap3A_1486] {strides = array<i32>} : memref<64x128xf32, #tpu.memory_space<vmem>>, vector<1x16xf32>,
        %swap3A_1488 = vector.shape_cast %swap3A_1487 : vector<1x16xf32> to vector<16xf32>
        %swap3A_1489 = vector.shape_cast %mul3A_1448 : vector<16xf32> to vector<1x16xf32>
        tpu.vector_store %arg11[%swap3A_1485, %swap3A_1486], %swap3A_1489 {strides = array<i32>} : memref<64x128xf32, #tpu.memory_space<vmem>>, vector<1x16xf32>,
        %swap3A_1490 = arith.index_cast %scan3A_1368 : i32 to index
        %swap3A_1491 = arith.constant 48 : index
        %swap3A_1492 = tpu.vector_load %arg11[%swap3A_1490, %swap3A_1491] {strides = array<i32>} : memref<64x128xf32, #tpu.memory_space<vmem>>, vector<1x16xf32>,
        %swap3A_1493 = vector.shape_cast %swap3A_1492 : vector<1x16xf32> to vector<16xf32>
        %swap3A_1494 = vector.shape_cast %mul3A_1466 : vector<16xf32> to vector<1x16xf32>
        tpu.vector_store %arg11[%swap3A_1490, %swap3A_1491], %swap3A_1494 {strides = array<i32>} : memref<64x128xf32, #tpu.memory_space<vmem>>, vector<1x16xf32>,
        %swap3A_1495 = arith.index_cast %scan3A_1368 : i32 to index
        %swap3A_1496 = arith.constant 64 : index
        %swap3A_1497 = tpu.vector_load %arg11[%swap3A_1495, %swap3A_1496] {strides = array<i32>} : memref<64x128xf32, #tpu.memory_space<vmem>>, vector<1x16xf32>,
        %swap3A_1498 = vector.shape_cast %swap3A_1497 : vector<1x16xf32> to vector<16xf32>
        %swap3A_1499 = vector.shape_cast %mul3A_1453 : vector<16xf32> to vector<1x16xf32>
        tpu.vector_store %arg11[%swap3A_1495, %swap3A_1496], %swap3A_1499 {strides = array<i32>} : memref<64x128xf32, #tpu.memory_space<vmem>>, vector<1x16xf32>,
        %swap3A_1500 = arith.index_cast %scan3A_1368 : i32 to index
        %swap3A_1501 = arith.constant 80 : index
        %swap3A_1502 = tpu.vector_load %arg11[%swap3A_1500, %swap3A_1501] {strides = array<i32>} : memref<64x128xf32, #tpu.memory_space<vmem>>, vector<1x16xf32>,
        %swap3A_1503 = vector.shape_cast %swap3A_1502 : vector<1x16xf32> to vector<16xf32>
        %swap3A_1504 = vector.shape_cast %mul3A_1470 : vector<16xf32> to vector<1x16xf32>
        tpu.vector_store %arg11[%swap3A_1500, %swap3A_1501], %swap3A_1504 {strides = array<i32>} : memref<64x128xf32, #tpu.memory_space<vmem>>, vector<1x16xf32>,
        %swap3A_1505 = arith.index_cast %scan3A_1368 : i32 to index
        %swap3A_1506 = arith.constant 96 : index
        %swap3A_1507 = tpu.vector_load %arg11[%swap3A_1505, %swap3A_1506] {strides = array<i32>} : memref<64x128xf32, #tpu.memory_space<vmem>>, vector<1x16xf32>,
        %swap3A_1508 = vector.shape_cast %swap3A_1507 : vector<1x16xf32> to vector<16xf32>
        %swap3A_1509 = vector.shape_cast %mul3A_1458 : vector<16xf32> to vector<1x16xf32>
        tpu.vector_store %arg11[%swap3A_1505, %swap3A_1506], %swap3A_1509 {strides = array<i32>} : memref<64x128xf32, #tpu.memory_space<vmem>>, vector<1x16xf32>,
        %swap3A_1510 = arith.index_cast %scan3A_1368 : i32 to index
        %swap3A_1511 = arith.constant 112 : index
        %swap3A_1512 = tpu.vector_load %arg11[%swap3A_1510, %swap3A_1511] {strides = array<i32>} : memref<64x128xf32, #tpu.memory_space<vmem>>, vector<1x16xf32>,
        %swap3A_1513 = vector.shape_cast %swap3A_1512 : vector<1x16xf32> to vector<16xf32>
        %swap3A_1514 = vector.shape_cast %mul3A_1474 : vector<16xf32> to vector<1x16xf32>
        tpu.vector_store %arg11[%swap3A_1510, %swap3A_1511], %swap3A_1514 {strides = array<i32>} : memref<64x128xf32, #tpu.memory_space<vmem>>, vector<1x16xf32>,
      }
      %scan3A_773 = arith.constant 64 : i32
      %run_scoped3A_774 = arith.constant 1 : i32
      "tpu.region"() ({
        %run_scoped3A_927 = tpu.sem_alloc : memref<!tpu.dma_semaphore, #tpu.memory_space<semaphore_mem>>
        %dma_start3A_928 = arith.constant 0 : i32
        %dma_start3A_929 = tpu.memref_slice %arg9[%run_scoped3A_774, %dma_start3A_928] : memref<2x64xi32, #tpu.memory_space<vmem>> -> memref<1x64xi32, #tpu.memory_space<vmem>>
        %dma_start3A_930 = tpu.memref_squeeze %dma_start3A_929 : memref<1x64xi32, #tpu.memory_space<vmem>> -> memref<64xi32, #tpu.memory_space<vmem>>
        %dma_start3A_931 = arith.constant 0 : i32
        %dma_start3A_932 = arith.constant 0 : i32
        %dma_start3A_933 = tpu.memref_slice %arg13[%dma_start3A_931, %dma_start3A_932] : memref<10240x128xf32, #tpu.memory_space<vmem_shared>> -> memref<10240x128xf32, #tpu.memory_space<vmem_shared>>
        tpu.enqueue_indirect_dma source(%arg11 : memref<64x128xf32, #tpu.memory_space<vmem>>) target(%dma_start3A_933 : memref<10240x128xf32, #tpu.memory_space<vmem_shared>>) offsets(%dma_start3A_930 : memref<64xi32, #tpu.memory_space<vmem>>) semaphore(%run_scoped3A_927 : memref<!tpu.dma_semaphore, #tpu.memory_space<semaphore_mem>>) {add = true}
        %dma_wait3A_934 = arith.constant 0 : i32
        %dma_wait3A_935 = tpu.memref_slice %arg9[%run_scoped3A_774, %dma_wait3A_934] : memref<2x64xi32, #tpu.memory_space<vmem>> -> memref<1x64xi32, #tpu.memory_space<vmem>>
        %dma_wait3A_936 = tpu.memref_squeeze %dma_wait3A_935 : memref<1x64xi32, #tpu.memory_space<vmem>> -> memref<64xi32, #tpu.memory_space<vmem>>
        %dma_wait3A_937 = arith.constant 0 : i32
        %dma_wait3A_938 = arith.constant 0 : i32
        %dma_wait3A_939 = tpu.memref_slice %arg13[%dma_wait3A_937, %dma_wait3A_938] : memref<10240x128xf32, #tpu.memory_space<vmem_shared>> -> memref<10240x128xf32, #tpu.memory_space<vmem_shared>>
        tpu.wait_indirect_dma semaphore(%run_scoped3A_927 : memref<!tpu.dma_semaphore, #tpu.memory_space<semaphore_mem>>) src(%arg11 : memref<64x128xf32, #tpu.memory_space<vmem>>) dst(%dma_wait3A_939 : memref<10240x128xf32, #tpu.memory_space<vmem_shared>>)
        tpu.yield
      }) : () -> ()
      %add3A_775 = arith.constant 2 : i32
      %add3A_776 = arith.addi %add3A_716, %add3A_775 : i32
      %sub3A_777 = arith.constant 1 : i32
      %sub3A_778 = arith.subi %select_n3A, %sub3A_777 : i32
      %min3A_779 = arith.minsi %add3A_776, %sub3A_778 : i32
      %mul3A_780 = arith.constant 64 : i32
      %mul3A_781 = arith.muli %min3A_779, %mul3A_780 : i32
      %add3A_782 = arith.constant 0 : i32
      %add3A_783 = arith.addi %mul3A_781, %add3A_782 : i32
      %get3A_784 = arith.index_cast %add3A_783 : i32 to index
      %get3A_785 = tpu.vector_load %arg7[%get3A_784] {strides = array<i32>} : memref<13312xi32, #tpu.memory_space<vmem>>, vector<16xi32>,
      %get3A_786 = vector.shape_cast %get3A_785 : vector<16xi32> to vector<16xi32>
      %shift_right_logical3A_787 = arith.constant 16 : i32
      %shift_right_logical3A_788 = vector.broadcast %shift_right_logical3A_787 : i32 to vector<16xi32>
      %shift_right_logical3A_789 = arith.shrui %get3A_786, %shift_right_logical3A_788 : vector<16xi32>
      %swap3A_790 = arith.constant 1 : i32
      %swap3A_791 = arith.index_cast %swap3A_790 : i32 to index
      %swap3A_792 = arith.constant 0 : index
      %swap3A_793 = tpu.vector_load %arg8[%swap3A_791, %swap3A_792] {strides = array<i32>} : memref<2x64xi32, #tpu.memory_space<vmem>>, vector<1x16xi32>,
      %swap3A_794 = vector.shape_cast %swap3A_793 : vector<1x16xi32> to vector<16xi32>
      %swap3A_795 = vector.shape_cast %shift_right_logical3A_789 : vector<16xi32> to vector<1x16xi32>
      tpu.vector_store %arg8[%swap3A_791, %swap3A_792], %swap3A_795 {strides = array<i32>} : memref<2x64xi32, #tpu.memory_space<vmem>>, vector<1x16xi32>,
      %and3A_796 = arith.constant 65535 : i32
      %and3A_797 = vector.broadcast %and3A_796 : i32 to vector<16xi32>
      %and3A_798 = arith.andi %get3A_786, %and3A_797 : vector<16xi32>
      %swap3A_799 = arith.constant 1 : i32
      %swap3A_800 = arith.index_cast %swap3A_799 : i32 to index
      %swap3A_801 = arith.constant 0 : index
      %swap3A_802 = tpu.vector_load %arg9[%swap3A_800, %swap3A_801] {strides = array<i32>} : memref<2x64xi32, #tpu.memory_space<vmem>>, vector<1x16xi32>,
      %swap3A_803 = vector.shape_cast %swap3A_802 : vector<1x16xi32> to vector<16xi32>
      %swap3A_804 = vector.shape_cast %and3A_798 : vector<16xi32> to vector<1x16xi32>
      tpu.vector_store %arg9[%swap3A_800, %swap3A_801], %swap3A_804 {strides = array<i32>} : memref<2x64xi32, #tpu.memory_space<vmem>>, vector<1x16xi32>,
      %add3A_805 = arith.constant 16 : i32
      %add3A_806 = arith.addi %mul3A_781, %add3A_805 : i32
      %get3A_807 = arith.index_cast %add3A_806 : i32 to index
      %get3A_808 = tpu.vector_load %arg7[%get3A_807] {strides = array<i32>} : memref<13312xi32, #tpu.memory_space<vmem>>, vector<16xi32>,
      %get3A_809 = vector.shape_cast %get3A_808 : vector<16xi32> to vector<16xi32>
      %shift_right_logical3A_810 = arith.constant 16 : i32
      %shift_right_logical3A_811 = vector.broadcast %shift_right_logical3A_810 : i32 to vector<16xi32>
      %shift_right_logical3A_812 = arith.shrui %get3A_809, %shift_right_logical3A_811 : vector<16xi32>
      %swap3A_813 = arith.constant 1 : i32
      %swap3A_814 = arith.index_cast %swap3A_813 : i32 to index
      %swap3A_815 = arith.constant 16 : index
      %swap3A_816 = tpu.vector_load %arg8[%swap3A_814, %swap3A_815] {strides = array<i32>} : memref<2x64xi32, #tpu.memory_space<vmem>>, vector<1x16xi32>,
      %swap3A_817 = vector.shape_cast %swap3A_816 : vector<1x16xi32> to vector<16xi32>
      %swap3A_818 = vector.shape_cast %shift_right_logical3A_812 : vector<16xi32> to vector<1x16xi32>
      tpu.vector_store %arg8[%swap3A_814, %swap3A_815], %swap3A_818 {strides = array<i32>} : memref<2x64xi32, #tpu.memory_space<vmem>>, vector<1x16xi32>,
      %and3A_819 = arith.constant 65535 : i32
      %and3A_820 = vector.broadcast %and3A_819 : i32 to vector<16xi32>
      %and3A_821 = arith.andi %get3A_809, %and3A_820 : vector<16xi32>
      %swap3A_822 = arith.constant 1 : i32
      %swap3A_823 = arith.index_cast %swap3A_822 : i32 to index
      %swap3A_824 = arith.constant 16 : index
      %swap3A_825 = tpu.vector_load %arg9[%swap3A_823, %swap3A_824] {strides = array<i32>} : memref<2x64xi32, #tpu.memory_space<vmem>>, vector<1x16xi32>,
      %swap3A_826 = vector.shape_cast %swap3A_825 : vector<1x16xi32> to vector<16xi32>
      %swap3A_827 = vector.shape_cast %and3A_821 : vector<16xi32> to vector<1x16xi32>
      tpu.vector_store %arg9[%swap3A_823, %swap3A_824], %swap3A_827 {strides = array<i32>} : memref<2x64xi32, #tpu.memory_space<vmem>>, vector<1x16xi32>,
      %add3A_828 = arith.constant 32 : i32
      %add3A_829 = arith.addi %mul3A_781, %add3A_828 : i32
      %get3A_830 = arith.index_cast %add3A_829 : i32 to index
      %get3A_831 = tpu.vector_load %arg7[%get3A_830] {strides = array<i32>} : memref<13312xi32, #tpu.memory_space<vmem>>, vector<16xi32>,
      %get3A_832 = vector.shape_cast %get3A_831 : vector<16xi32> to vector<16xi32>
      %shift_right_logical3A_833 = arith.constant 16 : i32
      %shift_right_logical3A_834 = vector.broadcast %shift_right_logical3A_833 : i32 to vector<16xi32>
      %shift_right_logical3A_835 = arith.shrui %get3A_832, %shift_right_logical3A_834 : vector<16xi32>
      %swap3A_836 = arith.constant 1 : i32
      %swap3A_837 = arith.index_cast %swap3A_836 : i32 to index
      %swap3A_838 = arith.constant 32 : index
      %swap3A_839 = tpu.vector_load %arg8[%swap3A_837, %swap3A_838] {strides = array<i32>} : memref<2x64xi32, #tpu.memory_space<vmem>>, vector<1x16xi32>,
      %swap3A_840 = vector.shape_cast %swap3A_839 : vector<1x16xi32> to vector<16xi32>
      %swap3A_841 = vector.shape_cast %shift_right_logical3A_835 : vector<16xi32> to vector<1x16xi32>
      tpu.vector_store %arg8[%swap3A_837, %swap3A_838], %swap3A_841 {strides = array<i32>} : memref<2x64xi32, #tpu.memory_space<vmem>>, vector<1x16xi32>,
      %and3A_842 = arith.constant 65535 : i32
      %and3A_843 = vector.broadcast %and3A_842 : i32 to vector<16xi32>
      %and3A_844 = arith.andi %get3A_832, %and3A_843 : vector<16xi32>
      %swap3A_845 = arith.constant 1 : i32
      %swap3A_846 = arith.index_cast %swap3A_845 : i32 to index
      %swap3A_847 = arith.constant 32 : index
      %swap3A_848 = tpu.vector_load %arg9[%swap3A_846, %swap3A_847] {strides = array<i32>} : memref<2x64xi32, #tpu.memory_space<vmem>>, vector<1x16xi32>,
      %swap3A_849 = vector.shape_cast %swap3A_848 : vector<1x16xi32> to vector<16xi32>
      %swap3A_850 = vector.shape_cast %and3A_844 : vector<16xi32> to vector<1x16xi32>
      tpu.vector_store %arg9[%swap3A_846, %swap3A_847], %swap3A_850 {strides = array<i32>} : memref<2x64xi32, #tpu.memory_space<vmem>>, vector<1x16xi32>,
      %add3A_851 = arith.constant 48 : i32
      %add3A_852 = arith.addi %mul3A_781, %add3A_851 : i32
      %get3A_853 = arith.index_cast %add3A_852 : i32 to index
      %get3A_854 = tpu.vector_load %arg7[%get3A_853] {strides = array<i32>} : memref<13312xi32, #tpu.memory_space<vmem>>, vector<16xi32>,
      %get3A_855 = vector.shape_cast %get3A_854 : vector<16xi32> to vector<16xi32>
      %shift_right_logical3A_856 = arith.constant 16 : i32
      %shift_right_logical3A_857 = vector.broadcast %shift_right_logical3A_856 : i32 to vector<16xi32>
      %shift_right_logical3A_858 = arith.shrui %get3A_855, %shift_right_logical3A_857 : vector<16xi32>
      %swap3A_859 = arith.constant 1 : i32
      %swap3A_860 = arith.index_cast %swap3A_859 : i32 to index
      %swap3A_861 = arith.constant 48 : index
      %swap3A_862 = tpu.vector_load %arg8[%swap3A_860, %swap3A_861] {strides = array<i32>} : memref<2x64xi32, #tpu.memory_space<vmem>>, vector<1x16xi32>,
      %swap3A_863 = vector.shape_cast %swap3A_862 : vector<1x16xi32> to vector<16xi32>
      %swap3A_864 = vector.shape_cast %shift_right_logical3A_858 : vector<16xi32> to vector<1x16xi32>
      tpu.vector_store %arg8[%swap3A_860, %swap3A_861], %swap3A_864 {strides = array<i32>} : memref<2x64xi32, #tpu.memory_space<vmem>>, vector<1x16xi32>,
      %and3A_865 = arith.constant 65535 : i32
      %and3A_866 = vector.broadcast %and3A_865 : i32 to vector<16xi32>
      %and3A_867 = arith.andi %get3A_855, %and3A_866 : vector<16xi32>
      %swap3A_868 = arith.constant 1 : i32
      %swap3A_869 = arith.index_cast %swap3A_868 : i32 to index
      %swap3A_870 = arith.constant 48 : index
      %swap3A_871 = tpu.vector_load %arg9[%swap3A_869, %swap3A_870] {strides = array<i32>} : memref<2x64xi32, #tpu.memory_space<vmem>>, vector<1x16xi32>,
      %swap3A_872 = vector.shape_cast %swap3A_871 : vector<1x16xi32> to vector<16xi32>
      %swap3A_873 = vector.shape_cast %and3A_867 : vector<16xi32> to vector<1x16xi32>
      tpu.vector_store %arg9[%swap3A_869, %swap3A_870], %swap3A_873 {strides = array<i32>} : memref<2x64xi32, #tpu.memory_space<vmem>>, vector<1x16xi32>,
      %add3A_874 = arith.constant 2 : i32
      %add3A_875 = arith.addi %add3A_716, %add3A_874 : i32
      %sub3A_876 = arith.constant 1 : i32
      %sub3A_877 = arith.subi %select_n3A, %sub3A_876 : i32
      %min3A_878 = arith.minsi %add3A_875, %sub3A_877 : i32
      %dma_start3A_879 = arith.constant 1 : i32
      %dma_start3A_880 = arith.constant 0 : i32
      %dma_start3A_881 = tpu.memref_slice %arg8[%dma_start3A_879, %dma_start3A_880] : memref<2x64xi32, #tpu.memory_space<vmem>> -> memref<1x64xi32, #tpu.memory_space<vmem>>
      %dma_start3A_882 = tpu.memref_squeeze %dma_start3A_881 : memref<1x64xi32, #tpu.memory_space<vmem>> -> memref<64xi32, #tpu.memory_space<vmem>>
      %dma_start3A_883 = arith.constant 0 : i32
      %dma_start3A_884 = arith.constant 0 : i32
      %dma_start3A_885 = tpu.memref_slice %arg2[%dma_start3A_883, %dma_start3A_884] : memref<10000x128xf32, #tpu.memory_space<hbm>> -> memref<10000x128xf32, #tpu.memory_space<hbm>>
      tpu.enqueue_indirect_dma source(%dma_start3A_885 : memref<10000x128xf32, #tpu.memory_space<hbm>>) target(%arg11 : memref<64x128xf32, #tpu.memory_space<vmem>>) offsets(%dma_start3A_882 : memref<64xi32, #tpu.memory_space<vmem>>) semaphore(%arg15 : memref<!tpu.dma_semaphore, #tpu.memory_space<semaphore_mem>>)
      %mul3A_886 = arith.constant 64 : i32
      %mul3A_887 = arith.muli %min3A_878, %mul3A_886 : i32
      %add3A_888 = arith.addi %mul3A_12, %mul3A_887 : i32
      %jit3A_889 = arith.constant 8 : i32
      %div3A_890 = arith.divsi %add3A_888, %jit3A_889 : i32
      %sign3A_891 = arith.constant 0 : i32
      %sign3A_892 = arith.cmpi sgt, %add3A_888, %sign3A_891 : i32
      %sign3A_893 = arith.extui %sign3A_892 : i1 to i32
      %sign3A_894 = arith.constant 0 : i32
      %sign3A_895 = arith.cmpi slt, %add3A_888, %sign3A_894 : i32
      %sign3A_896 = arith.extui %sign3A_895 : i1 to i32
      %sign3A_897 = arith.subi %sign3A_893, %sign3A_896 : i32
      %sign3A_898 = arith.constant 0 : i32
      %sign3A_899 = arith.cmpi sgt, %jit3A_889, %sign3A_898 : i32
      %sign3A_900 = arith.extui %sign3A_899 : i1 to i32
      %sign3A_901 = arith.constant 0 : i32
      %sign3A_902 = arith.cmpi slt, %jit3A_889, %sign3A_901 : i32
      %sign3A_903 = arith.extui %sign3A_902 : i1 to i32
      %sign3A_904 = arith.subi %sign3A_900, %sign3A_903 : i32
      %ne3A_905 = arith.cmpi ne, %sign3A_897, %sign3A_904 : i32
      %rem3A_906 = arith.remsi %add3A_888, %jit3A_889 : i32
      %ne3A_907 = arith.constant 0 : i32
      %ne3A_908 = arith.cmpi ne, %rem3A_906, %ne3A_907 : i32
      %and3A_909 = arith.andi %ne3A_905, %ne3A_908 : i1
      %sub3A_910 = arith.constant 1 : i32
      %sub3A_911 = arith.subi %div3A_890, %sub3A_910 : i32
      %select_n3A_912 = arith.select %and3A_909, %sub3A_911, %div3A_890 : i32
      %multiple_of3A_913 = tpu.assume_multiple %select_n3A_912, 8 : i32
      %dma_start3A_914 = arith.constant 1 : i32
      %dma_start3A_915 = arith.constant 0 : i32
      %dma_start3A_916 = arith.constant 0 : i32
      %dma_start3A_917 = tpu.memref_slice %arg12[%dma_start3A_914, %dma_start3A_915, %dma_start3A_916] : memref<2x8x512xi32, #tpu.memory_space<vmem>> -> memref<1x8x512xi32, #tpu.memory_space<vmem>>
      %dma_start3A_918 = tpu.memref_squeeze %dma_start3A_917 : memref<1x8x512xi32, #tpu.memory_space<vmem>> -> memref<8x512xi32, #tpu.memory_space<vmem>>
      %dma_start3A_919 = arith.constant 0 : i32
      %dma_start3A_920 = tpu.memref_slice %arg4[%multiple_of3A_913, %dma_start3A_919] : memref<40448x512xi32, #tpu.memory_space<hbm>> -> memref<8x512xi32, #tpu.memory_space<hbm>>
      %dma_start3A_921 = arith.constant 0 : i32
      %dma_start3A_922 = arith.constant 0 : i32
      %dma_start3A_923 = tpu.memref_slice %arg12[%dma_start3A_914, %dma_start3A_921, %dma_start3A_922] : memref<2x8x512xi32, #tpu.memory_space<vmem>> -> memref<1x8x512xi32, #tpu.memory_space<vmem>>
      %dma_start3A_924 = tpu.memref_squeeze %dma_start3A_923 : memref<1x8x512xi32, #tpu.memory_space<vmem>> -> memref<8x512xi32, #tpu.memory_space<vmem>>
      %dma_start3A_925 = arith.constant 0 : i32
      %dma_start3A_926 = tpu.memref_slice %arg4[%multiple_of3A_913, %dma_start3A_925] : memref<40448x512xi32, #tpu.memory_space<hbm>> -> memref<8x512xi32, #tpu.memory_space<hbm>>
      tpu.enqueue_dma source(%dma_start3A_926 : memref<8x512xi32, #tpu.memory_space<hbm>>) target(%dma_start3A_924 : memref<8x512xi32, #tpu.memory_space<vmem>>) target_semaphore(%arg15 : memref<!tpu.dma_semaphore, #tpu.memory_space<semaphore_mem>>)
    }
    %while3A_354 = arith.constant 1 : i32
    scf.for %while3A_502 = %while3A_352 to %while3A_348 step %while3A_354  : i32 {
      %mul3A_503 = arith.constant 2 : i32
      %mul3A_504 = arith.muli %while3A_502, %mul3A_503 : i32
      %add3A_505 = arith.constant 0 : i32
      %add3A_506 = arith.addi %mul3A_504, %add3A_505 : i32
      %sub3A_507 = arith.constant 1 : i32
      %sub3A_508 = arith.subi %select_n3A, %sub3A_507 : i32
      %min3A_509 = arith.minsi %add3A_506, %sub3A_508 : i32
      %dma_wait3A_510 = arith.constant 0 : i32
      %dma_wait3A_511 = arith.constant 0 : i32
      %dma_wait3A_512 = tpu.memref_slice %arg8[%dma_wait3A_510, %dma_wait3A_511] : memref<2x64xi32, #tpu.memory_space<vmem>> -> memref<1x64xi32, #tpu.memory_space<vmem>>
      %dma_wait3A_513 = tpu.memref_squeeze %dma_wait3A_512 : memref<1x64xi32, #tpu.memory_space<vmem>> -> memref<64xi32, #tpu.memory_space<vmem>>
      %dma_wait3A_514 = arith.constant 0 : i32
      %dma_wait3A_515 = arith.constant 0 : i32
      %dma_wait3A_516 = tpu.memref_slice %arg2[%dma_wait3A_514, %dma_wait3A_515] : memref<10000x128xf32, #tpu.memory_space<hbm>> -> memref<10000x128xf32, #tpu.memory_space<hbm>>
      tpu.wait_indirect_dma semaphore(%arg14 : memref<!tpu.dma_semaphore, #tpu.memory_space<semaphore_mem>>) src(%dma_wait3A_516 : memref<10000x128xf32, #tpu.memory_space<hbm>>) dst(%arg10 : memref<64x128xf32, #tpu.memory_space<vmem>>)
      %mul3A_517 = arith.constant 64 : i32
      %mul3A_518 = arith.muli %min3A_509, %mul3A_517 : i32
      %add3A_519 = arith.addi %mul3A_12, %mul3A_518 : i32
      %jit3A_520 = arith.constant 8 : i32
      %div3A_521 = arith.divsi %add3A_519, %jit3A_520 : i32
      %sign3A_522 = arith.constant 0 : i32
      %sign3A_523 = arith.cmpi sgt, %add3A_519, %sign3A_522 : i32
      %sign3A_524 = arith.extui %sign3A_523 : i1 to i32
      %sign3A_525 = arith.constant 0 : i32
      %sign3A_526 = arith.cmpi slt, %add3A_519, %sign3A_525 : i32
      %sign3A_527 = arith.extui %sign3A_526 : i1 to i32
      %sign3A_528 = arith.subi %sign3A_524, %sign3A_527 : i32
      %sign3A_529 = arith.constant 0 : i32
      %sign3A_530 = arith.cmpi sgt, %jit3A_520, %sign3A_529 : i32
      %sign3A_531 = arith.extui %sign3A_530 : i1 to i32
      %sign3A_532 = arith.constant 0 : i32
      %sign3A_533 = arith.cmpi slt, %jit3A_520, %sign3A_532 : i32
      %sign3A_534 = arith.extui %sign3A_533 : i1 to i32
      %sign3A_535 = arith.subi %sign3A_531, %sign3A_534 : i32
      %ne3A_536 = arith.cmpi ne, %sign3A_528, %sign3A_535 : i32
      %rem3A_537 = arith.remsi %add3A_519, %jit3A_520 : i32
      %ne3A_538 = arith.constant 0 : i32
      %ne3A_539 = arith.cmpi ne, %rem3A_537, %ne3A_538 : i32
      %and3A_540 = arith.andi %ne3A_536, %ne3A_539 : i1
      %sub3A_541 = arith.constant 1 : i32
      %sub3A_542 = arith.subi %div3A_521, %sub3A_541 : i32
      %select_n3A_543 = arith.select %and3A_540, %sub3A_542, %div3A_521 : i32
      %multiple_of3A_544 = tpu.assume_multiple %select_n3A_543, 8 : i32
      %dma_wait3A_545 = arith.constant 0 : i32
      %dma_wait3A_546 = arith.constant 0 : i32
      %dma_wait3A_547 = arith.constant 0 : i32
      %dma_wait3A_548 = tpu.memref_slice %arg12[%dma_wait3A_545, %dma_wait3A_546, %dma_wait3A_547] : memref<2x8x512xi32, #tpu.memory_space<vmem>> -> memref<1x8x512xi32, #tpu.memory_space<vmem>>
      %dma_wait3A_549 = tpu.memref_squeeze %dma_wait3A_548 : memref<1x8x512xi32, #tpu.memory_space<vmem>> -> memref<8x512xi32, #tpu.memory_space<vmem>>
      %dma_wait3A_550 = arith.constant 0 : i32
      %dma_wait3A_551 = tpu.memref_slice %arg4[%multiple_of3A_544, %dma_wait3A_550] : memref<40448x512xi32, #tpu.memory_space<hbm>> -> memref<8x512xi32, #tpu.memory_space<hbm>>
      %dma_wait3A_552 = arith.constant 0 : i32
      %dma_wait3A_553 = arith.constant 0 : i32
      %dma_wait3A_554 = tpu.memref_slice %arg12[%dma_wait3A_545, %dma_wait3A_552, %dma_wait3A_553] : memref<2x8x512xi32, #tpu.memory_space<vmem>> -> memref<1x8x512xi32, #tpu.memory_space<vmem>>
      %dma_wait3A_555 = tpu.memref_squeeze %dma_wait3A_554 : memref<1x8x512xi32, #tpu.memory_space<vmem>> -> memref<8x512xi32, #tpu.memory_space<vmem>>
      %dma_wait3A_556 = arith.constant 0 : i32
      %dma_wait3A_557 = tpu.memref_slice %arg4[%multiple_of3A_544, %dma_wait3A_556] : memref<40448x512xi32, #tpu.memory_space<hbm>> -> memref<8x512xi32, #tpu.memory_space<hbm>>
      tpu.wait_dma2 semaphore(%arg14 : memref<!tpu.dma_semaphore, #tpu.memory_space<semaphore_mem>>) src(%dma_wait3A_557 : memref<8x512xi32, #tpu.memory_space<hbm>>) dst(%dma_wait3A_555 : memref<8x512xi32, #tpu.memory_space<vmem>>)
      %scan3A = arith.constant 0 : i32
      %scan3A_558 = arith.constant 0 : i32
      %scan3A_559 = arith.constant 64 : i32
      %scan3A_560 = arith.addi %scan3A_558, %scan3A_559 : i32
      %scan3A_561 = arith.constant 4 : i32
      scf.for %scan3A_927 = %scan3A_558 to %scan3A_560 step %scan3A_561  : i32 {
        %shift_right_arithmetic3A = arith.constant 3 : i32
        %shift_right_arithmetic3A_928 = arith.shrsi %scan3A_927, %shift_right_arithmetic3A : i32
        %and3A_929 = arith.constant 7 : i32
        %and3A_930 = arith.andi %scan3A_927, %and3A_929 : i32
        %mul3A_931 = arith.constant 64 : i32
        %mul3A_932 = arith.muli %and3A_930, %mul3A_931 : i32
        %add3A_933 = arith.constant 0 : i32
        %add3A_934 = arith.addi %mul3A_932, %add3A_933 : i32
        %get3A_935 = arith.constant 0 : i32
        %get3A_936 = arith.index_cast %get3A_935 : i32 to index
        %get3A_937 = arith.index_cast %shift_right_arithmetic3A_928 : i32 to index
        %get3A_938 = arith.index_cast %add3A_934 : i32 to index
        %get3A_939 = tpu.vector_load %arg12[%get3A_936, %get3A_937, %get3A_938] {strides = array<i32>} : memref<2x8x512xi32, #tpu.memory_space<vmem>>, vector<1x1x16xi32>,
        %get3A_940 = vector.shape_cast %get3A_939 : vector<1x1x16xi32> to vector<16xi32>
        %add3A_941 = arith.constant 16 : i32
        %add3A_942 = arith.addi %mul3A_932, %add3A_941 : i32
        %get3A_943 = arith.constant 0 : i32
        %get3A_944 = arith.index_cast %get3A_943 : i32 to index
        %get3A_945 = arith.index_cast %shift_right_arithmetic3A_928 : i32 to index
        %get3A_946 = arith.index_cast %add3A_942 : i32 to index
        %get3A_947 = tpu.vector_load %arg12[%get3A_944, %get3A_945, %get3A_946] {strides = array<i32>} : memref<2x8x512xi32, #tpu.memory_space<vmem>>, vector<1x1x16xi32>,
        %get3A_948 = vector.shape_cast %get3A_947 : vector<1x1x16xi32> to vector<16xi32>
        %add3A_949 = arith.constant 32 : i32
        %add3A_950 = arith.addi %mul3A_932, %add3A_949 : i32
        %get3A_951 = arith.constant 0 : i32
        %get3A_952 = arith.index_cast %get3A_951 : i32 to index
        %get3A_953 = arith.index_cast %shift_right_arithmetic3A_928 : i32 to index
        %get3A_954 = arith.index_cast %add3A_950 : i32 to index
        %get3A_955 = tpu.vector_load %arg12[%get3A_952, %get3A_953, %get3A_954] {strides = array<i32>} : memref<2x8x512xi32, #tpu.memory_space<vmem>>, vector<1x1x16xi32>,
        %get3A_956 = vector.shape_cast %get3A_955 : vector<1x1x16xi32> to vector<16xi32>
        %add3A_957 = arith.constant 48 : i32
        %add3A_958 = arith.addi %mul3A_932, %add3A_957 : i32
        %get3A_959 = arith.constant 0 : i32
        %get3A_960 = arith.index_cast %get3A_959 : i32 to index
        %get3A_961 = arith.index_cast %shift_right_arithmetic3A_928 : i32 to index
        %get3A_962 = arith.index_cast %add3A_958 : i32 to index
        %get3A_963 = tpu.vector_load %arg12[%get3A_960, %get3A_961, %get3A_962] {strides = array<i32>} : memref<2x8x512xi32, #tpu.memory_space<vmem>>, vector<1x1x16xi32>,
        %get3A_964 = vector.shape_cast %get3A_963 : vector<1x1x16xi32> to vector<16xi32>
        %get3A_965 = arith.index_cast %scan3A_927 : i32 to index
        %get3A_966 = arith.constant 0 : index
        %get3A_967 = tpu.vector_load %arg10[%get3A_965, %get3A_966] {strides = array<i32>} : memref<64x128xf32, #tpu.memory_space<vmem>>, vector<1x16xf32>,
        %get3A_968 = vector.shape_cast %get3A_967 : vector<1x16xf32> to vector<16xf32>
        %get3A_969 = arith.index_cast %scan3A_927 : i32 to index
        %get3A_970 = arith.constant 32 : index
        %get3A_971 = tpu.vector_load %arg10[%get3A_969, %get3A_970] {strides = array<i32>} : memref<64x128xf32, #tpu.memory_space<vmem>>, vector<1x16xf32>,
        %get3A_972 = vector.shape_cast %get3A_971 : vector<1x16xf32> to vector<16xf32>
        %get3A_973 = arith.index_cast %scan3A_927 : i32 to index
        %get3A_974 = arith.constant 64 : index
        %get3A_975 = tpu.vector_load %arg10[%get3A_973, %get3A_974] {strides = array<i32>} : memref<64x128xf32, #tpu.memory_space<vmem>>, vector<1x16xf32>,
        %get3A_976 = vector.shape_cast %get3A_975 : vector<1x16xf32> to vector<16xf32>
        %get3A_977 = arith.index_cast %scan3A_927 : i32 to index
        %get3A_978 = arith.constant 96 : index
        %get3A_979 = tpu.vector_load %arg10[%get3A_977, %get3A_978] {strides = array<i32>} : memref<64x128xf32, #tpu.memory_space<vmem>>, vector<1x16xf32>,
        %get3A_980 = vector.shape_cast %get3A_979 : vector<1x16xf32> to vector<16xf32>
        %get3A_981 = arith.index_cast %scan3A_927 : i32 to index
        %get3A_982 = arith.constant 16 : index
        %get3A_983 = tpu.vector_load %arg10[%get3A_981, %get3A_982] {strides = array<i32>} : memref<64x128xf32, #tpu.memory_space<vmem>>, vector<1x16xf32>,
        %get3A_984 = vector.shape_cast %get3A_983 : vector<1x16xf32> to vector<16xf32>
        %get3A_985 = arith.index_cast %scan3A_927 : i32 to index
        %get3A_986 = arith.constant 48 : index
        %get3A_987 = tpu.vector_load %arg10[%get3A_985, %get3A_986] {strides = array<i32>} : memref<64x128xf32, #tpu.memory_space<vmem>>, vector<1x16xf32>,
        %get3A_988 = vector.shape_cast %get3A_987 : vector<1x16xf32> to vector<16xf32>
        %get3A_989 = arith.index_cast %scan3A_927 : i32 to index
        %get3A_990 = arith.constant 80 : index
        %get3A_991 = tpu.vector_load %arg10[%get3A_989, %get3A_990] {strides = array<i32>} : memref<64x128xf32, #tpu.memory_space<vmem>>, vector<1x16xf32>,
        %get3A_992 = vector.shape_cast %get3A_991 : vector<1x16xf32> to vector<16xf32>
        %get3A_993 = arith.index_cast %scan3A_927 : i32 to index
        %get3A_994 = arith.constant 112 : index
        %get3A_995 = tpu.vector_load %arg10[%get3A_993, %get3A_994] {strides = array<i32>} : memref<64x128xf32, #tpu.memory_space<vmem>>, vector<1x16xf32>,
        %get3A_996 = vector.shape_cast %get3A_995 : vector<1x16xf32> to vector<16xf32>
        %shift_left3A = arith.constant 16 : i32
        %shift_left3A_997 = vector.broadcast %shift_left3A : i32 to vector<16xi32>
        %shift_left3A_998 = arith.shli %get3A_940, %shift_left3A_997 : vector<16xi32>
        %bitcast_convert_type3A = tpu.bitcast %shift_left3A_998 : vector<16xi32> -> vector<16xf32>
        %mul3A_999 = arith.mulf %get3A_968, %bitcast_convert_type3A : vector<16xf32>
        %shift_left3A_1000 = arith.constant 16 : i32
        %shift_left3A_1001 = vector.broadcast %shift_left3A_1000 : i32 to vector<16xi32>
        %shift_left3A_1002 = arith.shli %get3A_948, %shift_left3A_1001 : vector<16xi32>
        %bitcast_convert_type3A_1003 = tpu.bitcast %shift_left3A_1002 : vector<16xi32> -> vector<16xf32>
        %mul3A_1004 = arith.mulf %get3A_972, %bitcast_convert_type3A_1003 : vector<16xf32>
        %shift_left3A_1005 = arith.constant 16 : i32
        %shift_left3A_1006 = vector.broadcast %shift_left3A_1005 : i32 to vector<16xi32>
        %shift_left3A_1007 = arith.shli %get3A_956, %shift_left3A_1006 : vector<16xi32>
        %bitcast_convert_type3A_1008 = tpu.bitcast %shift_left3A_1007 : vector<16xi32> -> vector<16xf32>
        %mul3A_1009 = arith.mulf %get3A_976, %bitcast_convert_type3A_1008 : vector<16xf32>
        %shift_left3A_1010 = arith.constant 16 : i32
        %shift_left3A_1011 = vector.broadcast %shift_left3A_1010 : i32 to vector<16xi32>
        %shift_left3A_1012 = arith.shli %get3A_964, %shift_left3A_1011 : vector<16xi32>
        %bitcast_convert_type3A_1013 = tpu.bitcast %shift_left3A_1012 : vector<16xi32> -> vector<16xf32>
        %mul3A_1014 = arith.mulf %get3A_980, %bitcast_convert_type3A_1013 : vector<16xf32>
        %and3A_1015 = vector.broadcast %while3A_345 : i32 to vector<16xi32>
        %and3A_1016 = arith.andi %get3A_940, %and3A_1015 : vector<16xi32>
        %bitcast_convert_type3A_1017 = tpu.bitcast %and3A_1016 : vector<16xi32> -> vector<16xf32>
        %mul3A_1018 = arith.mulf %get3A_984, %bitcast_convert_type3A_1017 : vector<16xf32>
        %and3A_1019 = vector.broadcast %while3A_345 : i32 to vector<16xi32>
        %and3A_1020 = arith.andi %get3A_948, %and3A_1019 : vector<16xi32>
        %bitcast_convert_type3A_1021 = tpu.bitcast %and3A_1020 : vector<16xi32> -> vector<16xf32>
        %mul3A_1022 = arith.mulf %get3A_988, %bitcast_convert_type3A_1021 : vector<16xf32>
        %and3A_1023 = vector.broadcast %while3A_345 : i32 to vector<16xi32>
        %and3A_1024 = arith.andi %get3A_956, %and3A_1023 : vector<16xi32>
        %bitcast_convert_type3A_1025 = tpu.bitcast %and3A_1024 : vector<16xi32> -> vector<16xf32>
        %mul3A_1026 = arith.mulf %get3A_992, %bitcast_convert_type3A_1025 : vector<16xf32>
        %and3A_1027 = vector.broadcast %while3A_345 : i32 to vector<16xi32>
        %and3A_1028 = arith.andi %get3A_964, %and3A_1027 : vector<16xi32>
        %bitcast_convert_type3A_1029 = tpu.bitcast %and3A_1028 : vector<16xi32> -> vector<16xf32>
        %mul3A_1030 = arith.mulf %get3A_996, %bitcast_convert_type3A_1029 : vector<16xf32>
        %swap3A_1031 = arith.index_cast %scan3A_927 : i32 to index
        %swap3A_1032 = arith.constant 0 : index
        %swap3A_1033 = tpu.vector_load %arg10[%swap3A_1031, %swap3A_1032] {strides = array<i32>} : memref<64x128xf32, #tpu.memory_space<vmem>>, vector<1x16xf32>,
        %swap3A_1034 = vector.shape_cast %swap3A_1033 : vector<1x16xf32> to vector<16xf32>
        %swap3A_1035 = vector.shape_cast %mul3A_999 : vector<16xf32> to vector<1x16xf32>
        tpu.vector_store %arg10[%swap3A_1031, %swap3A_1032], %swap3A_1035 {strides = array<i32>} : memref<64x128xf32, #tpu.memory_space<vmem>>, vector<1x16xf32>,
        %swap3A_1036 = arith.index_cast %scan3A_927 : i32 to index
        %swap3A_1037 = arith.constant 16 : index
        %swap3A_1038 = tpu.vector_load %arg10[%swap3A_1036, %swap3A_1037] {strides = array<i32>} : memref<64x128xf32, #tpu.memory_space<vmem>>, vector<1x16xf32>,
        %swap3A_1039 = vector.shape_cast %swap3A_1038 : vector<1x16xf32> to vector<16xf32>
        %swap3A_1040 = vector.shape_cast %mul3A_1018 : vector<16xf32> to vector<1x16xf32>
        tpu.vector_store %arg10[%swap3A_1036, %swap3A_1037], %swap3A_1040 {strides = array<i32>} : memref<64x128xf32, #tpu.memory_space<vmem>>, vector<1x16xf32>,
        %swap3A_1041 = arith.index_cast %scan3A_927 : i32 to index
        %swap3A_1042 = arith.constant 32 : index
        %swap3A_1043 = tpu.vector_load %arg10[%swap3A_1041, %swap3A_1042] {strides = array<i32>} : memref<64x128xf32, #tpu.memory_space<vmem>>, vector<1x16xf32>,
        %swap3A_1044 = vector.shape_cast %swap3A_1043 : vector<1x16xf32> to vector<16xf32>
        %swap3A_1045 = vector.shape_cast %mul3A_1004 : vector<16xf32> to vector<1x16xf32>
        tpu.vector_store %arg10[%swap3A_1041, %swap3A_1042], %swap3A_1045 {strides = array<i32>} : memref<64x128xf32, #tpu.memory_space<vmem>>, vector<1x16xf32>,
        %swap3A_1046 = arith.index_cast %scan3A_927 : i32 to index
        %swap3A_1047 = arith.constant 48 : index
        %swap3A_1048 = tpu.vector_load %arg10[%swap3A_1046, %swap3A_1047] {strides = array<i32>} : memref<64x128xf32, #tpu.memory_space<vmem>>, vector<1x16xf32>,
        %swap3A_1049 = vector.shape_cast %swap3A_1048 : vector<1x16xf32> to vector<16xf32>
        %swap3A_1050 = vector.shape_cast %mul3A_1022 : vector<16xf32> to vector<1x16xf32>
        tpu.vector_store %arg10[%swap3A_1046, %swap3A_1047], %swap3A_1050 {strides = array<i32>} : memref<64x128xf32, #tpu.memory_space<vmem>>, vector<1x16xf32>,
        %swap3A_1051 = arith.index_cast %scan3A_927 : i32 to index
        %swap3A_1052 = arith.constant 64 : index
        %swap3A_1053 = tpu.vector_load %arg10[%swap3A_1051, %swap3A_1052] {strides = array<i32>} : memref<64x128xf32, #tpu.memory_space<vmem>>, vector<1x16xf32>,
        %swap3A_1054 = vector.shape_cast %swap3A_1053 : vector<1x16xf32> to vector<16xf32>
        %swap3A_1055 = vector.shape_cast %mul3A_1009 : vector<16xf32> to vector<1x16xf32>
        tpu.vector_store %arg10[%swap3A_1051, %swap3A_1052], %swap3A_1055 {strides = array<i32>} : memref<64x128xf32, #tpu.memory_space<vmem>>, vector<1x16xf32>,
        %swap3A_1056 = arith.index_cast %scan3A_927 : i32 to index
        %swap3A_1057 = arith.constant 80 : index
        %swap3A_1058 = tpu.vector_load %arg10[%swap3A_1056, %swap3A_1057] {strides = array<i32>} : memref<64x128xf32, #tpu.memory_space<vmem>>, vector<1x16xf32>,
        %swap3A_1059 = vector.shape_cast %swap3A_1058 : vector<1x16xf32> to vector<16xf32>
        %swap3A_1060 = vector.shape_cast %mul3A_1026 : vector<16xf32> to vector<1x16xf32>
        tpu.vector_store %arg10[%swap3A_1056, %swap3A_1057], %swap3A_1060 {strides = array<i32>} : memref<64x128xf32, #tpu.memory_space<vmem>>, vector<1x16xf32>,
        %swap3A_1061 = arith.index_cast %scan3A_927 : i32 to index
        %swap3A_1062 = arith.constant 96 : index
        %swap3A_1063 = tpu.vector_load %arg10[%swap3A_1061, %swap3A_1062] {strides = array<i32>} : memref<64x128xf32, #tpu.memory_space<vmem>>, vector<1x16xf32>,
        %swap3A_1064 = vector.shape_cast %swap3A_1063 : vector<1x16xf32> to vector<16xf32>
        %swap3A_1065 = vector.shape_cast %mul3A_1014 : vector<16xf32> to vector<1x16xf32>
        tpu.vector_store %arg10[%swap3A_1061, %swap3A_1062], %swap3A_1065 {strides = array<i32>} : memref<64x128xf32, #tpu.memory_space<vmem>>, vector<1x16xf32>,
        %swap3A_1066 = arith.index_cast %scan3A_927 : i32 to index
        %swap3A_1067 = arith.constant 112 : index
        %swap3A_1068 = tpu.vector_load %arg10[%swap3A_1066, %swap3A_1067] {strides = array<i32>} : memref<64x128xf32, #tpu.memory_space<vmem>>, vector<1x16xf32>,
        %swap3A_1069 = vector.shape_cast %swap3A_1068 : vector<1x16xf32> to vector<16xf32>
        %swap3A_1070 = vector.shape_cast %mul3A_1030 : vector<16xf32> to vector<1x16xf32>
        tpu.vector_store %arg10[%swap3A_1066, %swap3A_1067], %swap3A_1070 {strides = array<i32>} : memref<64x128xf32, #tpu.memory_space<vmem>>, vector<1x16xf32>,
        %scan3A_1071 = arith.constant 1 : i32
        %scan3A_1072 = arith.addi %scan3A_927, %scan3A_1071 : i32
        %shift_right_arithmetic3A_1073 = arith.constant 3 : i32
        %shift_right_arithmetic3A_1074 = arith.shrsi %scan3A_1072, %shift_right_arithmetic3A_1073 : i32
        %and3A_1075 = arith.constant 7 : i32
        %and3A_1076 = arith.andi %scan3A_1072, %and3A_1075 : i32
        %mul3A_1077 = arith.constant 64 : i32
        %mul3A_1078 = arith.muli %and3A_1076, %mul3A_1077 : i32
        %add3A_1079 = arith.constant 0 : i32
        %add3A_1080 = arith.addi %mul3A_1078, %add3A_1079 : i32
        %get3A_1081 = arith.constant 0 : i32
        %get3A_1082 = arith.index_cast %get3A_1081 : i32 to index
        %get3A_1083 = arith.index_cast %shift_right_arithmetic3A_1074 : i32 to index
        %get3A_1084 = arith.index_cast %add3A_1080 : i32 to index
        %get3A_1085 = tpu.vector_load %arg12[%get3A_1082, %get3A_1083, %get3A_1084] {strides = array<i32>} : memref<2x8x512xi32, #tpu.memory_space<vmem>>, vector<1x1x16xi32>,
        %get3A_1086 = vector.shape_cast %get3A_1085 : vector<1x1x16xi32> to vector<16xi32>
        %add3A_1087 = arith.constant 16 : i32
        %add3A_1088 = arith.addi %mul3A_1078, %add3A_1087 : i32
        %get3A_1089 = arith.constant 0 : i32
        %get3A_1090 = arith.index_cast %get3A_1089 : i32 to index
        %get3A_1091 = arith.index_cast %shift_right_arithmetic3A_1074 : i32 to index
        %get3A_1092 = arith.index_cast %add3A_1088 : i32 to index
        %get3A_1093 = tpu.vector_load %arg12[%get3A_1090, %get3A_1091, %get3A_1092] {strides = array<i32>} : memref<2x8x512xi32, #tpu.memory_space<vmem>>, vector<1x1x16xi32>,
        %get3A_1094 = vector.shape_cast %get3A_1093 : vector<1x1x16xi32> to vector<16xi32>
        %add3A_1095 = arith.constant 32 : i32
        %add3A_1096 = arith.addi %mul3A_1078, %add3A_1095 : i32
        %get3A_1097 = arith.constant 0 : i32
        %get3A_1098 = arith.index_cast %get3A_1097 : i32 to index
        %get3A_1099 = arith.index_cast %shift_right_arithmetic3A_1074 : i32 to index
        %get3A_1100 = arith.index_cast %add3A_1096 : i32 to index
        %get3A_1101 = tpu.vector_load %arg12[%get3A_1098, %get3A_1099, %get3A_1100] {strides = array<i32>} : memref<2x8x512xi32, #tpu.memory_space<vmem>>, vector<1x1x16xi32>,
        %get3A_1102 = vector.shape_cast %get3A_1101 : vector<1x1x16xi32> to vector<16xi32>
        %add3A_1103 = arith.constant 48 : i32
        %add3A_1104 = arith.addi %mul3A_1078, %add3A_1103 : i32
        %get3A_1105 = arith.constant 0 : i32
        %get3A_1106 = arith.index_cast %get3A_1105 : i32 to index
        %get3A_1107 = arith.index_cast %shift_right_arithmetic3A_1074 : i32 to index
        %get3A_1108 = arith.index_cast %add3A_1104 : i32 to index
        %get3A_1109 = tpu.vector_load %arg12[%get3A_1106, %get3A_1107, %get3A_1108] {strides = array<i32>} : memref<2x8x512xi32, #tpu.memory_space<vmem>>, vector<1x1x16xi32>,
        %get3A_1110 = vector.shape_cast %get3A_1109 : vector<1x1x16xi32> to vector<16xi32>
        %get3A_1111 = arith.index_cast %scan3A_1072 : i32 to index
        %get3A_1112 = arith.constant 0 : index
        %get3A_1113 = tpu.vector_load %arg10[%get3A_1111, %get3A_1112] {strides = array<i32>} : memref<64x128xf32, #tpu.memory_space<vmem>>, vector<1x16xf32>,
        %get3A_1114 = vector.shape_cast %get3A_1113 : vector<1x16xf32> to vector<16xf32>
        %get3A_1115 = arith.index_cast %scan3A_1072 : i32 to index
        %get3A_1116 = arith.constant 32 : index
        %get3A_1117 = tpu.vector_load %arg10[%get3A_1115, %get3A_1116] {strides = array<i32>} : memref<64x128xf32, #tpu.memory_space<vmem>>, vector<1x16xf32>,
        %get3A_1118 = vector.shape_cast %get3A_1117 : vector<1x16xf32> to vector<16xf32>
        %get3A_1119 = arith.index_cast %scan3A_1072 : i32 to index
        %get3A_1120 = arith.constant 64 : index
        %get3A_1121 = tpu.vector_load %arg10[%get3A_1119, %get3A_1120] {strides = array<i32>} : memref<64x128xf32, #tpu.memory_space<vmem>>, vector<1x16xf32>,
        %get3A_1122 = vector.shape_cast %get3A_1121 : vector<1x16xf32> to vector<16xf32>
        %get3A_1123 = arith.index_cast %scan3A_1072 : i32 to index
        %get3A_1124 = arith.constant 96 : index
        %get3A_1125 = tpu.vector_load %arg10[%get3A_1123, %get3A_1124] {strides = array<i32>} : memref<64x128xf32, #tpu.memory_space<vmem>>, vector<1x16xf32>,
        %get3A_1126 = vector.shape_cast %get3A_1125 : vector<1x16xf32> to vector<16xf32>
        %get3A_1127 = arith.index_cast %scan3A_1072 : i32 to index
        %get3A_1128 = arith.constant 16 : index
        %get3A_1129 = tpu.vector_load %arg10[%get3A_1127, %get3A_1128] {strides = array<i32>} : memref<64x128xf32, #tpu.memory_space<vmem>>, vector<1x16xf32>,
        %get3A_1130 = vector.shape_cast %get3A_1129 : vector<1x16xf32> to vector<16xf32>
        %get3A_1131 = arith.index_cast %scan3A_1072 : i32 to index
        %get3A_1132 = arith.constant 48 : index
        %get3A_1133 = tpu.vector_load %arg10[%get3A_1131, %get3A_1132] {strides = array<i32>} : memref<64x128xf32, #tpu.memory_space<vmem>>, vector<1x16xf32>,
        %get3A_1134 = vector.shape_cast %get3A_1133 : vector<1x16xf32> to vector<16xf32>
        %get3A_1135 = arith.index_cast %scan3A_1072 : i32 to index
        %get3A_1136 = arith.constant 80 : index
        %get3A_1137 = tpu.vector_load %arg10[%get3A_1135, %get3A_1136] {strides = array<i32>} : memref<64x128xf32, #tpu.memory_space<vmem>>, vector<1x16xf32>,
        %get3A_1138 = vector.shape_cast %get3A_1137 : vector<1x16xf32> to vector<16xf32>
        %get3A_1139 = arith.index_cast %scan3A_1072 : i32 to index
        %get3A_1140 = arith.constant 112 : index
        %get3A_1141 = tpu.vector_load %arg10[%get3A_1139, %get3A_1140] {strides = array<i32>} : memref<64x128xf32, #tpu.memory_space<vmem>>, vector<1x16xf32>,
        %get3A_1142 = vector.shape_cast %get3A_1141 : vector<1x16xf32> to vector<16xf32>
        %shift_left3A_1143 = arith.constant 16 : i32
        %shift_left3A_1144 = vector.broadcast %shift_left3A_1143 : i32 to vector<16xi32>
        %shift_left3A_1145 = arith.shli %get3A_1086, %shift_left3A_1144 : vector<16xi32>
        %bitcast_convert_type3A_1146 = tpu.bitcast %shift_left3A_1145 : vector<16xi32> -> vector<16xf32>
        %mul3A_1147 = arith.mulf %get3A_1114, %bitcast_convert_type3A_1146 : vector<16xf32>
        %shift_left3A_1148 = arith.constant 16 : i32
        %shift_left3A_1149 = vector.broadcast %shift_left3A_1148 : i32 to vector<16xi32>
        %shift_left3A_1150 = arith.shli %get3A_1094, %shift_left3A_1149 : vector<16xi32>
        %bitcast_convert_type3A_1151 = tpu.bitcast %shift_left3A_1150 : vector<16xi32> -> vector<16xf32>
        %mul3A_1152 = arith.mulf %get3A_1118, %bitcast_convert_type3A_1151 : vector<16xf32>
        %shift_left3A_1153 = arith.constant 16 : i32
        %shift_left3A_1154 = vector.broadcast %shift_left3A_1153 : i32 to vector<16xi32>
        %shift_left3A_1155 = arith.shli %get3A_1102, %shift_left3A_1154 : vector<16xi32>
        %bitcast_convert_type3A_1156 = tpu.bitcast %shift_left3A_1155 : vector<16xi32> -> vector<16xf32>
        %mul3A_1157 = arith.mulf %get3A_1122, %bitcast_convert_type3A_1156 : vector<16xf32>
        %shift_left3A_1158 = arith.constant 16 : i32
        %shift_left3A_1159 = vector.broadcast %shift_left3A_1158 : i32 to vector<16xi32>
        %shift_left3A_1160 = arith.shli %get3A_1110, %shift_left3A_1159 : vector<16xi32>
        %bitcast_convert_type3A_1161 = tpu.bitcast %shift_left3A_1160 : vector<16xi32> -> vector<16xf32>
        %mul3A_1162 = arith.mulf %get3A_1126, %bitcast_convert_type3A_1161 : vector<16xf32>
        %and3A_1163 = vector.broadcast %while3A_345 : i32 to vector<16xi32>
        %and3A_1164 = arith.andi %get3A_1086, %and3A_1163 : vector<16xi32>
        %bitcast_convert_type3A_1165 = tpu.bitcast %and3A_1164 : vector<16xi32> -> vector<16xf32>
        %mul3A_1166 = arith.mulf %get3A_1130, %bitcast_convert_type3A_1165 : vector<16xf32>
        %and3A_1167 = vector.broadcast %while3A_345 : i32 to vector<16xi32>
        %and3A_1168 = arith.andi %get3A_1094, %and3A_1167 : vector<16xi32>
        %bitcast_convert_type3A_1169 = tpu.bitcast %and3A_1168 : vector<16xi32> -> vector<16xf32>
        %mul3A_1170 = arith.mulf %get3A_1134, %bitcast_convert_type3A_1169 : vector<16xf32>
        %and3A_1171 = vector.broadcast %while3A_345 : i32 to vector<16xi32>
        %and3A_1172 = arith.andi %get3A_1102, %and3A_1171 : vector<16xi32>
        %bitcast_convert_type3A_1173 = tpu.bitcast %and3A_1172 : vector<16xi32> -> vector<16xf32>
        %mul3A_1174 = arith.mulf %get3A_1138, %bitcast_convert_type3A_1173 : vector<16xf32>
        %and3A_1175 = vector.broadcast %while3A_345 : i32 to vector<16xi32>
        %and3A_1176 = arith.andi %get3A_1110, %and3A_1175 : vector<16xi32>
        %bitcast_convert_type3A_1177 = tpu.bitcast %and3A_1176 : vector<16xi32> -> vector<16xf32>
        %mul3A_1178 = arith.mulf %get3A_1142, %bitcast_convert_type3A_1177 : vector<16xf32>
        %swap3A_1179 = arith.index_cast %scan3A_1072 : i32 to index
        %swap3A_1180 = arith.constant 0 : index
        %swap3A_1181 = tpu.vector_load %arg10[%swap3A_1179, %swap3A_1180] {strides = array<i32>} : memref<64x128xf32, #tpu.memory_space<vmem>>, vector<1x16xf32>,
        %swap3A_1182 = vector.shape_cast %swap3A_1181 : vector<1x16xf32> to vector<16xf32>
        %swap3A_1183 = vector.shape_cast %mul3A_1147 : vector<16xf32> to vector<1x16xf32>
        tpu.vector_store %arg10[%swap3A_1179, %swap3A_1180], %swap3A_1183 {strides = array<i32>} : memref<64x128xf32, #tpu.memory_space<vmem>>, vector<1x16xf32>,
        %swap3A_1184 = arith.index_cast %scan3A_1072 : i32 to index
        %swap3A_1185 = arith.constant 16 : index
        %swap3A_1186 = tpu.vector_load %arg10[%swap3A_1184, %swap3A_1185] {strides = array<i32>} : memref<64x128xf32, #tpu.memory_space<vmem>>, vector<1x16xf32>,
        %swap3A_1187 = vector.shape_cast %swap3A_1186 : vector<1x16xf32> to vector<16xf32>
        %swap3A_1188 = vector.shape_cast %mul3A_1166 : vector<16xf32> to vector<1x16xf32>
        tpu.vector_store %arg10[%swap3A_1184, %swap3A_1185], %swap3A_1188 {strides = array<i32>} : memref<64x128xf32, #tpu.memory_space<vmem>>, vector<1x16xf32>,
        %swap3A_1189 = arith.index_cast %scan3A_1072 : i32 to index
        %swap3A_1190 = arith.constant 32 : index
        %swap3A_1191 = tpu.vector_load %arg10[%swap3A_1189, %swap3A_1190] {strides = array<i32>} : memref<64x128xf32, #tpu.memory_space<vmem>>, vector<1x16xf32>,
        %swap3A_1192 = vector.shape_cast %swap3A_1191 : vector<1x16xf32> to vector<16xf32>
        %swap3A_1193 = vector.shape_cast %mul3A_1152 : vector<16xf32> to vector<1x16xf32>
        tpu.vector_store %arg10[%swap3A_1189, %swap3A_1190], %swap3A_1193 {strides = array<i32>} : memref<64x128xf32, #tpu.memory_space<vmem>>, vector<1x16xf32>,
        %swap3A_1194 = arith.index_cast %scan3A_1072 : i32 to index
        %swap3A_1195 = arith.constant 48 : index
        %swap3A_1196 = tpu.vector_load %arg10[%swap3A_1194, %swap3A_1195] {strides = array<i32>} : memref<64x128xf32, #tpu.memory_space<vmem>>, vector<1x16xf32>,
        %swap3A_1197 = vector.shape_cast %swap3A_1196 : vector<1x16xf32> to vector<16xf32>
        %swap3A_1198 = vector.shape_cast %mul3A_1170 : vector<16xf32> to vector<1x16xf32>
        tpu.vector_store %arg10[%swap3A_1194, %swap3A_1195], %swap3A_1198 {strides = array<i32>} : memref<64x128xf32, #tpu.memory_space<vmem>>, vector<1x16xf32>,
        %swap3A_1199 = arith.index_cast %scan3A_1072 : i32 to index
        %swap3A_1200 = arith.constant 64 : index
        %swap3A_1201 = tpu.vector_load %arg10[%swap3A_1199, %swap3A_1200] {strides = array<i32>} : memref<64x128xf32, #tpu.memory_space<vmem>>, vector<1x16xf32>,
        %swap3A_1202 = vector.shape_cast %swap3A_1201 : vector<1x16xf32> to vector<16xf32>
        %swap3A_1203 = vector.shape_cast %mul3A_1157 : vector<16xf32> to vector<1x16xf32>
        tpu.vector_store %arg10[%swap3A_1199, %swap3A_1200], %swap3A_1203 {strides = array<i32>} : memref<64x128xf32, #tpu.memory_space<vmem>>, vector<1x16xf32>,
        %swap3A_1204 = arith.index_cast %scan3A_1072 : i32 to index
        %swap3A_1205 = arith.constant 80 : index
        %swap3A_1206 = tpu.vector_load %arg10[%swap3A_1204, %swap3A_1205] {strides = array<i32>} : memref<64x128xf32, #tpu.memory_space<vmem>>, vector<1x16xf32>,
        %swap3A_1207 = vector.shape_cast %swap3A_1206 : vector<1x16xf32> to vector<16xf32>
        %swap3A_1208 = vector.shape_cast %mul3A_1174 : vector<16xf32> to vector<1x16xf32>
        tpu.vector_store %arg10[%swap3A_1204, %swap3A_1205], %swap3A_1208 {strides = array<i32>} : memref<64x128xf32, #tpu.memory_space<vmem>>, vector<1x16xf32>,
        %swap3A_1209 = arith.index_cast %scan3A_1072 : i32 to index
        %swap3A_1210 = arith.constant 96 : index
        %swap3A_1211 = tpu.vector_load %arg10[%swap3A_1209, %swap3A_1210] {strides = array<i32>} : memref<64x128xf32, #tpu.memory_space<vmem>>, vector<1x16xf32>,
        %swap3A_1212 = vector.shape_cast %swap3A_1211 : vector<1x16xf32> to vector<16xf32>
        %swap3A_1213 = vector.shape_cast %mul3A_1162 : vector<16xf32> to vector<1x16xf32>
        tpu.vector_store %arg10[%swap3A_1209, %swap3A_1210], %swap3A_1213 {strides = array<i32>} : memref<64x128xf32, #tpu.memory_space<vmem>>, vector<1x16xf32>,
        %swap3A_1214 = arith.index_cast %scan3A_1072 : i32 to index
        %swap3A_1215 = arith.constant 112 : index
        %swap3A_1216 = tpu.vector_load %arg10[%swap3A_1214, %swap3A_1215] {strides = array<i32>} : memref<64x128xf32, #tpu.memory_space<vmem>>, vector<1x16xf32>,
        %swap3A_1217 = vector.shape_cast %swap3A_1216 : vector<1x16xf32> to vector<16xf32>
        %swap3A_1218 = vector.shape_cast %mul3A_1178 : vector<16xf32> to vector<1x16xf32>
        tpu.vector_store %arg10[%swap3A_1214, %swap3A_1215], %swap3A_1218 {strides = array<i32>} : memref<64x128xf32, #tpu.memory_space<vmem>>, vector<1x16xf32>,
        %scan3A_1219 = arith.constant 2 : i32
        %scan3A_1220 = arith.addi %scan3A_927, %scan3A_1219 : i32
        %shift_right_arithmetic3A_1221 = arith.constant 3 : i32
        %shift_right_arithmetic3A_1222 = arith.shrsi %scan3A_1220, %shift_right_arithmetic3A_1221 : i32
        %and3A_1223 = arith.constant 7 : i32
        %and3A_1224 = arith.andi %scan3A_1220, %and3A_1223 : i32
        %mul3A_1225 = arith.constant 64 : i32
        %mul3A_1226 = arith.muli %and3A_1224, %mul3A_1225 : i32
        %add3A_1227 = arith.constant 0 : i32
        %add3A_1228 = arith.addi %mul3A_1226, %add3A_1227 : i32
        %get3A_1229 = arith.constant 0 : i32
        %get3A_1230 = arith.index_cast %get3A_1229 : i32 to index
        %get3A_1231 = arith.index_cast %shift_right_arithmetic3A_1222 : i32 to index
        %get3A_1232 = arith.index_cast %add3A_1228 : i32 to index
        %get3A_1233 = tpu.vector_load %arg12[%get3A_1230, %get3A_1231, %get3A_1232] {strides = array<i32>} : memref<2x8x512xi32, #tpu.memory_space<vmem>>, vector<1x1x16xi32>,
        %get3A_1234 = vector.shape_cast %get3A_1233 : vector<1x1x16xi32> to vector<16xi32>
        %add3A_1235 = arith.constant 16 : i32
        %add3A_1236 = arith.addi %mul3A_1226, %add3A_1235 : i32
        %get3A_1237 = arith.constant 0 : i32
        %get3A_1238 = arith.index_cast %get3A_1237 : i32 to index
        %get3A_1239 = arith.index_cast %shift_right_arithmetic3A_1222 : i32 to index
        %get3A_1240 = arith.index_cast %add3A_1236 : i32 to index
        %get3A_1241 = tpu.vector_load %arg12[%get3A_1238, %get3A_1239, %get3A_1240] {strides = array<i32>} : memref<2x8x512xi32, #tpu.memory_space<vmem>>, vector<1x1x16xi32>,
        %get3A_1242 = vector.shape_cast %get3A_1241 : vector<1x1x16xi32> to vector<16xi32>
        %add3A_1243 = arith.constant 32 : i32
        %add3A_1244 = arith.addi %mul3A_1226, %add3A_1243 : i32
        %get3A_1245 = arith.constant 0 : i32
        %get3A_1246 = arith.index_cast %get3A_1245 : i32 to index
        %get3A_1247 = arith.index_cast %shift_right_arithmetic3A_1222 : i32 to index
        %get3A_1248 = arith.index_cast %add3A_1244 : i32 to index
        %get3A_1249 = tpu.vector_load %arg12[%get3A_1246, %get3A_1247, %get3A_1248] {strides = array<i32>} : memref<2x8x512xi32, #tpu.memory_space<vmem>>, vector<1x1x16xi32>,
        %get3A_1250 = vector.shape_cast %get3A_1249 : vector<1x1x16xi32> to vector<16xi32>
        %add3A_1251 = arith.constant 48 : i32
        %add3A_1252 = arith.addi %mul3A_1226, %add3A_1251 : i32
        %get3A_1253 = arith.constant 0 : i32
        %get3A_1254 = arith.index_cast %get3A_1253 : i32 to index
        %get3A_1255 = arith.index_cast %shift_right_arithmetic3A_1222 : i32 to index
        %get3A_1256 = arith.index_cast %add3A_1252 : i32 to index
        %get3A_1257 = tpu.vector_load %arg12[%get3A_1254, %get3A_1255, %get3A_1256] {strides = array<i32>} : memref<2x8x512xi32, #tpu.memory_space<vmem>>, vector<1x1x16xi32>,
        %get3A_1258 = vector.shape_cast %get3A_1257 : vector<1x1x16xi32> to vector<16xi32>
        %get3A_1259 = arith.index_cast %scan3A_1220 : i32 to index
        %get3A_1260 = arith.constant 0 : index
        %get3A_1261 = tpu.vector_load %arg10[%get3A_1259, %get3A_1260] {strides = array<i32>} : memref<64x128xf32, #tpu.memory_space<vmem>>, vector<1x16xf32>,
        %get3A_1262 = vector.shape_cast %get3A_1261 : vector<1x16xf32> to vector<16xf32>
        %get3A_1263 = arith.index_cast %scan3A_1220 : i32 to index
        %get3A_1264 = arith.constant 32 : index
        %get3A_1265 = tpu.vector_load %arg10[%get3A_1263, %get3A_1264] {strides = array<i32>} : memref<64x128xf32, #tpu.memory_space<vmem>>, vector<1x16xf32>,
        %get3A_1266 = vector.shape_cast %get3A_1265 : vector<1x16xf32> to vector<16xf32>
        %get3A_1267 = arith.index_cast %scan3A_1220 : i32 to index
        %get3A_1268 = arith.constant 64 : index
        %get3A_1269 = tpu.vector_load %arg10[%get3A_1267, %get3A_1268] {strides = array<i32>} : memref<64x128xf32, #tpu.memory_space<vmem>>, vector<1x16xf32>,
        %get3A_1270 = vector.shape_cast %get3A_1269 : vector<1x16xf32> to vector<16xf32>
        %get3A_1271 = arith.index_cast %scan3A_1220 : i32 to index
        %get3A_1272 = arith.constant 96 : index
        %get3A_1273 = tpu.vector_load %arg10[%get3A_1271, %get3A_1272] {strides = array<i32>} : memref<64x128xf32, #tpu.memory_space<vmem>>, vector<1x16xf32>,
        %get3A_1274 = vector.shape_cast %get3A_1273 : vector<1x16xf32> to vector<16xf32>
        %get3A_1275 = arith.index_cast %scan3A_1220 : i32 to index
        %get3A_1276 = arith.constant 16 : index
        %get3A_1277 = tpu.vector_load %arg10[%get3A_1275, %get3A_1276] {strides = array<i32>} : memref<64x128xf32, #tpu.memory_space<vmem>>, vector<1x16xf32>,
        %get3A_1278 = vector.shape_cast %get3A_1277 : vector<1x16xf32> to vector<16xf32>
        %get3A_1279 = arith.index_cast %scan3A_1220 : i32 to index
        %get3A_1280 = arith.constant 48 : index
        %get3A_1281 = tpu.vector_load %arg10[%get3A_1279, %get3A_1280] {strides = array<i32>} : memref<64x128xf32, #tpu.memory_space<vmem>>, vector<1x16xf32>,
        %get3A_1282 = vector.shape_cast %get3A_1281 : vector<1x16xf32> to vector<16xf32>
        %get3A_1283 = arith.index_cast %scan3A_1220 : i32 to index
        %get3A_1284 = arith.constant 80 : index
        %get3A_1285 = tpu.vector_load %arg10[%get3A_1283, %get3A_1284] {strides = array<i32>} : memref<64x128xf32, #tpu.memory_space<vmem>>, vector<1x16xf32>,
        %get3A_1286 = vector.shape_cast %get3A_1285 : vector<1x16xf32> to vector<16xf32>
        %get3A_1287 = arith.index_cast %scan3A_1220 : i32 to index
        %get3A_1288 = arith.constant 112 : index
        %get3A_1289 = tpu.vector_load %arg10[%get3A_1287, %get3A_1288] {strides = array<i32>} : memref<64x128xf32, #tpu.memory_space<vmem>>, vector<1x16xf32>,
        %get3A_1290 = vector.shape_cast %get3A_1289 : vector<1x16xf32> to vector<16xf32>
        %shift_left3A_1291 = arith.constant 16 : i32
        %shift_left3A_1292 = vector.broadcast %shift_left3A_1291 : i32 to vector<16xi32>
        %shift_left3A_1293 = arith.shli %get3A_1234, %shift_left3A_1292 : vector<16xi32>
        %bitcast_convert_type3A_1294 = tpu.bitcast %shift_left3A_1293 : vector<16xi32> -> vector<16xf32>
        %mul3A_1295 = arith.mulf %get3A_1262, %bitcast_convert_type3A_1294 : vector<16xf32>
        %shift_left3A_1296 = arith.constant 16 : i32
        %shift_left3A_1297 = vector.broadcast %shift_left3A_1296 : i32 to vector<16xi32>
        %shift_left3A_1298 = arith.shli %get3A_1242, %shift_left3A_1297 : vector<16xi32>
        %bitcast_convert_type3A_1299 = tpu.bitcast %shift_left3A_1298 : vector<16xi32> -> vector<16xf32>
        %mul3A_1300 = arith.mulf %get3A_1266, %bitcast_convert_type3A_1299 : vector<16xf32>
        %shift_left3A_1301 = arith.constant 16 : i32
        %shift_left3A_1302 = vector.broadcast %shift_left3A_1301 : i32 to vector<16xi32>
        %shift_left3A_1303 = arith.shli %get3A_1250, %shift_left3A_1302 : vector<16xi32>
        %bitcast_convert_type3A_1304 = tpu.bitcast %shift_left3A_1303 : vector<16xi32> -> vector<16xf32>
        %mul3A_1305 = arith.mulf %get3A_1270, %bitcast_convert_type3A_1304 : vector<16xf32>
        %shift_left3A_1306 = arith.constant 16 : i32
        %shift_left3A_1307 = vector.broadcast %shift_left3A_1306 : i32 to vector<16xi32>
        %shift_left3A_1308 = arith.shli %get3A_1258, %shift_left3A_1307 : vector<16xi32>
        %bitcast_convert_type3A_1309 = tpu.bitcast %shift_left3A_1308 : vector<16xi32> -> vector<16xf32>
        %mul3A_1310 = arith.mulf %get3A_1274, %bitcast_convert_type3A_1309 : vector<16xf32>
        %and3A_1311 = vector.broadcast %while3A_345 : i32 to vector<16xi32>
        %and3A_1312 = arith.andi %get3A_1234, %and3A_1311 : vector<16xi32>
        %bitcast_convert_type3A_1313 = tpu.bitcast %and3A_1312 : vector<16xi32> -> vector<16xf32>
        %mul3A_1314 = arith.mulf %get3A_1278, %bitcast_convert_type3A_1313 : vector<16xf32>
        %and3A_1315 = vector.broadcast %while3A_345 : i32 to vector<16xi32>
        %and3A_1316 = arith.andi %get3A_1242, %and3A_1315 : vector<16xi32>
        %bitcast_convert_type3A_1317 = tpu.bitcast %and3A_1316 : vector<16xi32> -> vector<16xf32>
        %mul3A_1318 = arith.mulf %get3A_1282, %bitcast_convert_type3A_1317 : vector<16xf32>
        %and3A_1319 = vector.broadcast %while3A_345 : i32 to vector<16xi32>
        %and3A_1320 = arith.andi %get3A_1250, %and3A_1319 : vector<16xi32>
        %bitcast_convert_type3A_1321 = tpu.bitcast %and3A_1320 : vector<16xi32> -> vector<16xf32>
        %mul3A_1322 = arith.mulf %get3A_1286, %bitcast_convert_type3A_1321 : vector<16xf32>
        %and3A_1323 = vector.broadcast %while3A_345 : i32 to vector<16xi32>
        %and3A_1324 = arith.andi %get3A_1258, %and3A_1323 : vector<16xi32>
        %bitcast_convert_type3A_1325 = tpu.bitcast %and3A_1324 : vector<16xi32> -> vector<16xf32>
        %mul3A_1326 = arith.mulf %get3A_1290, %bitcast_convert_type3A_1325 : vector<16xf32>
        %swap3A_1327 = arith.index_cast %scan3A_1220 : i32 to index
        %swap3A_1328 = arith.constant 0 : index
        %swap3A_1329 = tpu.vector_load %arg10[%swap3A_1327, %swap3A_1328] {strides = array<i32>} : memref<64x128xf32, #tpu.memory_space<vmem>>, vector<1x16xf32>,
        %swap3A_1330 = vector.shape_cast %swap3A_1329 : vector<1x16xf32> to vector<16xf32>
        %swap3A_1331 = vector.shape_cast %mul3A_1295 : vector<16xf32> to vector<1x16xf32>
        tpu.vector_store %arg10[%swap3A_1327, %swap3A_1328], %swap3A_1331 {strides = array<i32>} : memref<64x128xf32, #tpu.memory_space<vmem>>, vector<1x16xf32>,
        %swap3A_1332 = arith.index_cast %scan3A_1220 : i32 to index
        %swap3A_1333 = arith.constant 16 : index
        %swap3A_1334 = tpu.vector_load %arg10[%swap3A_1332, %swap3A_1333] {strides = array<i32>} : memref<64x128xf32, #tpu.memory_space<vmem>>, vector<1x16xf32>,
        %swap3A_1335 = vector.shape_cast %swap3A_1334 : vector<1x16xf32> to vector<16xf32>
        %swap3A_1336 = vector.shape_cast %mul3A_1314 : vector<16xf32> to vector<1x16xf32>
        tpu.vector_store %arg10[%swap3A_1332, %swap3A_1333], %swap3A_1336 {strides = array<i32>} : memref<64x128xf32, #tpu.memory_space<vmem>>, vector<1x16xf32>,
        %swap3A_1337 = arith.index_cast %scan3A_1220 : i32 to index
        %swap3A_1338 = arith.constant 32 : index
        %swap3A_1339 = tpu.vector_load %arg10[%swap3A_1337, %swap3A_1338] {strides = array<i32>} : memref<64x128xf32, #tpu.memory_space<vmem>>, vector<1x16xf32>,
        %swap3A_1340 = vector.shape_cast %swap3A_1339 : vector<1x16xf32> to vector<16xf32>
        %swap3A_1341 = vector.shape_cast %mul3A_1300 : vector<16xf32> to vector<1x16xf32>
        tpu.vector_store %arg10[%swap3A_1337, %swap3A_1338], %swap3A_1341 {strides = array<i32>} : memref<64x128xf32, #tpu.memory_space<vmem>>, vector<1x16xf32>,
        %swap3A_1342 = arith.index_cast %scan3A_1220 : i32 to index
        %swap3A_1343 = arith.constant 48 : index
        %swap3A_1344 = tpu.vector_load %arg10[%swap3A_1342, %swap3A_1343] {strides = array<i32>} : memref<64x128xf32, #tpu.memory_space<vmem>>, vector<1x16xf32>,
        %swap3A_1345 = vector.shape_cast %swap3A_1344 : vector<1x16xf32> to vector<16xf32>
        %swap3A_1346 = vector.shape_cast %mul3A_1318 : vector<16xf32> to vector<1x16xf32>
        tpu.vector_store %arg10[%swap3A_1342, %swap3A_1343], %swap3A_1346 {strides = array<i32>} : memref<64x128xf32, #tpu.memory_space<vmem>>, vector<1x16xf32>,
        %swap3A_1347 = arith.index_cast %scan3A_1220 : i32 to index
        %swap3A_1348 = arith.constant 64 : index
        %swap3A_1349 = tpu.vector_load %arg10[%swap3A_1347, %swap3A_1348] {strides = array<i32>} : memref<64x128xf32, #tpu.memory_space<vmem>>, vector<1x16xf32>,
        %swap3A_1350 = vector.shape_cast %swap3A_1349 : vector<1x16xf32> to vector<16xf32>
        %swap3A_1351 = vector.shape_cast %mul3A_1305 : vector<16xf32> to vector<1x16xf32>
        tpu.vector_store %arg10[%swap3A_1347, %swap3A_1348], %swap3A_1351 {strides = array<i32>} : memref<64x128xf32, #tpu.memory_space<vmem>>, vector<1x16xf32>,
        %swap3A_1352 = arith.index_cast %scan3A_1220 : i32 to index
        %swap3A_1353 = arith.constant 80 : index
        %swap3A_1354 = tpu.vector_load %arg10[%swap3A_1352, %swap3A_1353] {strides = array<i32>} : memref<64x128xf32, #tpu.memory_space<vmem>>, vector<1x16xf32>,
        %swap3A_1355 = vector.shape_cast %swap3A_1354 : vector<1x16xf32> to vector<16xf32>
        %swap3A_1356 = vector.shape_cast %mul3A_1322 : vector<16xf32> to vector<1x16xf32>
        tpu.vector_store %arg10[%swap3A_1352, %swap3A_1353], %swap3A_1356 {strides = array<i32>} : memref<64x128xf32, #tpu.memory_space<vmem>>, vector<1x16xf32>,
        %swap3A_1357 = arith.index_cast %scan3A_1220 : i32 to index
        %swap3A_1358 = arith.constant 96 : index
        %swap3A_1359 = tpu.vector_load %arg10[%swap3A_1357, %swap3A_1358] {strides = array<i32>} : memref<64x128xf32, #tpu.memory_space<vmem>>, vector<1x16xf32>,
        %swap3A_1360 = vector.shape_cast %swap3A_1359 : vector<1x16xf32> to vector<16xf32>
        %swap3A_1361 = vector.shape_cast %mul3A_1310 : vector<16xf32> to vector<1x16xf32>
        tpu.vector_store %arg10[%swap3A_1357, %swap3A_1358], %swap3A_1361 {strides = array<i32>} : memref<64x128xf32, #tpu.memory_space<vmem>>, vector<1x16xf32>,
        %swap3A_1362 = arith.index_cast %scan3A_1220 : i32 to index
        %swap3A_1363 = arith.constant 112 : index
        %swap3A_1364 = tpu.vector_load %arg10[%swap3A_1362, %swap3A_1363] {strides = array<i32>} : memref<64x128xf32, #tpu.memory_space<vmem>>, vector<1x16xf32>,
        %swap3A_1365 = vector.shape_cast %swap3A_1364 : vector<1x16xf32> to vector<16xf32>
        %swap3A_1366 = vector.shape_cast %mul3A_1326 : vector<16xf32> to vector<1x16xf32>
        tpu.vector_store %arg10[%swap3A_1362, %swap3A_1363], %swap3A_1366 {strides = array<i32>} : memref<64x128xf32, #tpu.memory_space<vmem>>, vector<1x16xf32>,
        %scan3A_1367 = arith.constant 3 : i32
        %scan3A_1368 = arith.addi %scan3A_927, %scan3A_1367 : i32
        %shift_right_arithmetic3A_1369 = arith.constant 3 : i32
        %shift_right_arithmetic3A_1370 = arith.shrsi %scan3A_1368, %shift_right_arithmetic3A_1369 : i32
        %and3A_1371 = arith.constant 7 : i32
        %and3A_1372 = arith.andi %scan3A_1368, %and3A_1371 : i32
        %mul3A_1373 = arith.constant 64 : i32
        %mul3A_1374 = arith.muli %and3A_1372, %mul3A_1373 : i32
        %add3A_1375 = arith.constant 0 : i32
        %add3A_1376 = arith.addi %mul3A_1374, %add3A_1375 : i32
        %get3A_1377 = arith.constant 0 : i32
        %get3A_1378 = arith.index_cast %get3A_1377 : i32 to index
        %get3A_1379 = arith.index_cast %shift_right_arithmetic3A_1370 : i32 to index
        %get3A_1380 = arith.index_cast %add3A_1376 : i32 to index
        %get3A_1381 = tpu.vector_load %arg12[%get3A_1378, %get3A_1379, %get3A_1380] {strides = array<i32>} : memref<2x8x512xi32, #tpu.memory_space<vmem>>, vector<1x1x16xi32>,
        %get3A_1382 = vector.shape_cast %get3A_1381 : vector<1x1x16xi32> to vector<16xi32>
        %add3A_1383 = arith.constant 16 : i32
        %add3A_1384 = arith.addi %mul3A_1374, %add3A_1383 : i32
        %get3A_1385 = arith.constant 0 : i32
        %get3A_1386 = arith.index_cast %get3A_1385 : i32 to index
        %get3A_1387 = arith.index_cast %shift_right_arithmetic3A_1370 : i32 to index
        %get3A_1388 = arith.index_cast %add3A_1384 : i32 to index
        %get3A_1389 = tpu.vector_load %arg12[%get3A_1386, %get3A_1387, %get3A_1388] {strides = array<i32>} : memref<2x8x512xi32, #tpu.memory_space<vmem>>, vector<1x1x16xi32>,
        %get3A_1390 = vector.shape_cast %get3A_1389 : vector<1x1x16xi32> to vector<16xi32>
        %add3A_1391 = arith.constant 32 : i32
        %add3A_1392 = arith.addi %mul3A_1374, %add3A_1391 : i32
        %get3A_1393 = arith.constant 0 : i32
        %get3A_1394 = arith.index_cast %get3A_1393 : i32 to index
        %get3A_1395 = arith.index_cast %shift_right_arithmetic3A_1370 : i32 to index
        %get3A_1396 = arith.index_cast %add3A_1392 : i32 to index
        %get3A_1397 = tpu.vector_load %arg12[%get3A_1394, %get3A_1395, %get3A_1396] {strides = array<i32>} : memref<2x8x512xi32, #tpu.memory_space<vmem>>, vector<1x1x16xi32>,
        %get3A_1398 = vector.shape_cast %get3A_1397 : vector<1x1x16xi32> to vector<16xi32>
        %add3A_1399 = arith.constant 48 : i32
        %add3A_1400 = arith.addi %mul3A_1374, %add3A_1399 : i32
        %get3A_1401 = arith.constant 0 : i32
        %get3A_1402 = arith.index_cast %get3A_1401 : i32 to index
        %get3A_1403 = arith.index_cast %shift_right_arithmetic3A_1370 : i32 to index
        %get3A_1404 = arith.index_cast %add3A_1400 : i32 to index
        %get3A_1405 = tpu.vector_load %arg12[%get3A_1402, %get3A_1403, %get3A_1404] {strides = array<i32>} : memref<2x8x512xi32, #tpu.memory_space<vmem>>, vector<1x1x16xi32>,
        %get3A_1406 = vector.shape_cast %get3A_1405 : vector<1x1x16xi32> to vector<16xi32>
        %get3A_1407 = arith.index_cast %scan3A_1368 : i32 to index
        %get3A_1408 = arith.constant 0 : index
        %get3A_1409 = tpu.vector_load %arg10[%get3A_1407, %get3A_1408] {strides = array<i32>} : memref<64x128xf32, #tpu.memory_space<vmem>>, vector<1x16xf32>,
        %get3A_1410 = vector.shape_cast %get3A_1409 : vector<1x16xf32> to vector<16xf32>
        %get3A_1411 = arith.index_cast %scan3A_1368 : i32 to index
        %get3A_1412 = arith.constant 32 : index
        %get3A_1413 = tpu.vector_load %arg10[%get3A_1411, %get3A_1412] {strides = array<i32>} : memref<64x128xf32, #tpu.memory_space<vmem>>, vector<1x16xf32>,
        %get3A_1414 = vector.shape_cast %get3A_1413 : vector<1x16xf32> to vector<16xf32>
        %get3A_1415 = arith.index_cast %scan3A_1368 : i32 to index
        %get3A_1416 = arith.constant 64 : index
        %get3A_1417 = tpu.vector_load %arg10[%get3A_1415, %get3A_1416] {strides = array<i32>} : memref<64x128xf32, #tpu.memory_space<vmem>>, vector<1x16xf32>,
        %get3A_1418 = vector.shape_cast %get3A_1417 : vector<1x16xf32> to vector<16xf32>
        %get3A_1419 = arith.index_cast %scan3A_1368 : i32 to index
        %get3A_1420 = arith.constant 96 : index
        %get3A_1421 = tpu.vector_load %arg10[%get3A_1419, %get3A_1420] {strides = array<i32>} : memref<64x128xf32, #tpu.memory_space<vmem>>, vector<1x16xf32>,
        %get3A_1422 = vector.shape_cast %get3A_1421 : vector<1x16xf32> to vector<16xf32>
        %get3A_1423 = arith.index_cast %scan3A_1368 : i32 to index
        %get3A_1424 = arith.constant 16 : index
        %get3A_1425 = tpu.vector_load %arg10[%get3A_1423, %get3A_1424] {strides = array<i32>} : memref<64x128xf32, #tpu.memory_space<vmem>>, vector<1x16xf32>,
        %get3A_1426 = vector.shape_cast %get3A_1425 : vector<1x16xf32> to vector<16xf32>
        %get3A_1427 = arith.index_cast %scan3A_1368 : i32 to index
        %get3A_1428 = arith.constant 48 : index
        %get3A_1429 = tpu.vector_load %arg10[%get3A_1427, %get3A_1428] {strides = array<i32>} : memref<64x128xf32, #tpu.memory_space<vmem>>, vector<1x16xf32>,
        %get3A_1430 = vector.shape_cast %get3A_1429 : vector<1x16xf32> to vector<16xf32>
        %get3A_1431 = arith.index_cast %scan3A_1368 : i32 to index
        %get3A_1432 = arith.constant 80 : index
        %get3A_1433 = tpu.vector_load %arg10[%get3A_1431, %get3A_1432] {strides = array<i32>} : memref<64x128xf32, #tpu.memory_space<vmem>>, vector<1x16xf32>,
        %get3A_1434 = vector.shape_cast %get3A_1433 : vector<1x16xf32> to vector<16xf32>
        %get3A_1435 = arith.index_cast %scan3A_1368 : i32 to index
        %get3A_1436 = arith.constant 112 : index
        %get3A_1437 = tpu.vector_load %arg10[%get3A_1435, %get3A_1436] {strides = array<i32>} : memref<64x128xf32, #tpu.memory_space<vmem>>, vector<1x16xf32>,
        %get3A_1438 = vector.shape_cast %get3A_1437 : vector<1x16xf32> to vector<16xf32>
        %shift_left3A_1439 = arith.constant 16 : i32
        %shift_left3A_1440 = vector.broadcast %shift_left3A_1439 : i32 to vector<16xi32>
        %shift_left3A_1441 = arith.shli %get3A_1382, %shift_left3A_1440 : vector<16xi32>
        %bitcast_convert_type3A_1442 = tpu.bitcast %shift_left3A_1441 : vector<16xi32> -> vector<16xf32>
        %mul3A_1443 = arith.mulf %get3A_1410, %bitcast_convert_type3A_1442 : vector<16xf32>
        %shift_left3A_1444 = arith.constant 16 : i32
        %shift_left3A_1445 = vector.broadcast %shift_left3A_1444 : i32 to vector<16xi32>
        %shift_left3A_1446 = arith.shli %get3A_1390, %shift_left3A_1445 : vector<16xi32>
        %bitcast_convert_type3A_1447 = tpu.bitcast %shift_left3A_1446 : vector<16xi32> -> vector<16xf32>
        %mul3A_1448 = arith.mulf %get3A_1414, %bitcast_convert_type3A_1447 : vector<16xf32>
        %shift_left3A_1449 = arith.constant 16 : i32
        %shift_left3A_1450 = vector.broadcast %shift_left3A_1449 : i32 to vector<16xi32>
        %shift_left3A_1451 = arith.shli %get3A_1398, %shift_left3A_1450 : vector<16xi32>
        %bitcast_convert_type3A_1452 = tpu.bitcast %shift_left3A_1451 : vector<16xi32> -> vector<16xf32>
        %mul3A_1453 = arith.mulf %get3A_1418, %bitcast_convert_type3A_1452 : vector<16xf32>
        %shift_left3A_1454 = arith.constant 16 : i32
        %shift_left3A_1455 = vector.broadcast %shift_left3A_1454 : i32 to vector<16xi32>
        %shift_left3A_1456 = arith.shli %get3A_1406, %shift_left3A_1455 : vector<16xi32>
        %bitcast_convert_type3A_1457 = tpu.bitcast %shift_left3A_1456 : vector<16xi32> -> vector<16xf32>
        %mul3A_1458 = arith.mulf %get3A_1422, %bitcast_convert_type3A_1457 : vector<16xf32>
        %and3A_1459 = vector.broadcast %while3A_345 : i32 to vector<16xi32>
        %and3A_1460 = arith.andi %get3A_1382, %and3A_1459 : vector<16xi32>
        %bitcast_convert_type3A_1461 = tpu.bitcast %and3A_1460 : vector<16xi32> -> vector<16xf32>
        %mul3A_1462 = arith.mulf %get3A_1426, %bitcast_convert_type3A_1461 : vector<16xf32>
        %and3A_1463 = vector.broadcast %while3A_345 : i32 to vector<16xi32>
        %and3A_1464 = arith.andi %get3A_1390, %and3A_1463 : vector<16xi32>
        %bitcast_convert_type3A_1465 = tpu.bitcast %and3A_1464 : vector<16xi32> -> vector<16xf32>
        %mul3A_1466 = arith.mulf %get3A_1430, %bitcast_convert_type3A_1465 : vector<16xf32>
        %and3A_1467 = vector.broadcast %while3A_345 : i32 to vector<16xi32>
        %and3A_1468 = arith.andi %get3A_1398, %and3A_1467 : vector<16xi32>
        %bitcast_convert_type3A_1469 = tpu.bitcast %and3A_1468 : vector<16xi32> -> vector<16xf32>
        %mul3A_1470 = arith.mulf %get3A_1434, %bitcast_convert_type3A_1469 : vector<16xf32>
        %and3A_1471 = vector.broadcast %while3A_345 : i32 to vector<16xi32>
        %and3A_1472 = arith.andi %get3A_1406, %and3A_1471 : vector<16xi32>
        %bitcast_convert_type3A_1473 = tpu.bitcast %and3A_1472 : vector<16xi32> -> vector<16xf32>
        %mul3A_1474 = arith.mulf %get3A_1438, %bitcast_convert_type3A_1473 : vector<16xf32>
        %swap3A_1475 = arith.index_cast %scan3A_1368 : i32 to index
        %swap3A_1476 = arith.constant 0 : index
        %swap3A_1477 = tpu.vector_load %arg10[%swap3A_1475, %swap3A_1476] {strides = array<i32>} : memref<64x128xf32, #tpu.memory_space<vmem>>, vector<1x16xf32>,
        %swap3A_1478 = vector.shape_cast %swap3A_1477 : vector<1x16xf32> to vector<16xf32>
        %swap3A_1479 = vector.shape_cast %mul3A_1443 : vector<16xf32> to vector<1x16xf32>
        tpu.vector_store %arg10[%swap3A_1475, %swap3A_1476], %swap3A_1479 {strides = array<i32>} : memref<64x128xf32, #tpu.memory_space<vmem>>, vector<1x16xf32>,
        %swap3A_1480 = arith.index_cast %scan3A_1368 : i32 to index
        %swap3A_1481 = arith.constant 16 : index
        %swap3A_1482 = tpu.vector_load %arg10[%swap3A_1480, %swap3A_1481] {strides = array<i32>} : memref<64x128xf32, #tpu.memory_space<vmem>>, vector<1x16xf32>,
        %swap3A_1483 = vector.shape_cast %swap3A_1482 : vector<1x16xf32> to vector<16xf32>
        %swap3A_1484 = vector.shape_cast %mul3A_1462 : vector<16xf32> to vector<1x16xf32>
        tpu.vector_store %arg10[%swap3A_1480, %swap3A_1481], %swap3A_1484 {strides = array<i32>} : memref<64x128xf32, #tpu.memory_space<vmem>>, vector<1x16xf32>,
        %swap3A_1485 = arith.index_cast %scan3A_1368 : i32 to index
        %swap3A_1486 = arith.constant 32 : index
        %swap3A_1487 = tpu.vector_load %arg10[%swap3A_1485, %swap3A_1486] {strides = array<i32>} : memref<64x128xf32, #tpu.memory_space<vmem>>, vector<1x16xf32>,
        %swap3A_1488 = vector.shape_cast %swap3A_1487 : vector<1x16xf32> to vector<16xf32>
        %swap3A_1489 = vector.shape_cast %mul3A_1448 : vector<16xf32> to vector<1x16xf32>
        tpu.vector_store %arg10[%swap3A_1485, %swap3A_1486], %swap3A_1489 {strides = array<i32>} : memref<64x128xf32, #tpu.memory_space<vmem>>, vector<1x16xf32>,
        %swap3A_1490 = arith.index_cast %scan3A_1368 : i32 to index
        %swap3A_1491 = arith.constant 48 : index
        %swap3A_1492 = tpu.vector_load %arg10[%swap3A_1490, %swap3A_1491] {strides = array<i32>} : memref<64x128xf32, #tpu.memory_space<vmem>>, vector<1x16xf32>,
        %swap3A_1493 = vector.shape_cast %swap3A_1492 : vector<1x16xf32> to vector<16xf32>
        %swap3A_1494 = vector.shape_cast %mul3A_1466 : vector<16xf32> to vector<1x16xf32>
        tpu.vector_store %arg10[%swap3A_1490, %swap3A_1491], %swap3A_1494 {strides = array<i32>} : memref<64x128xf32, #tpu.memory_space<vmem>>, vector<1x16xf32>,
        %swap3A_1495 = arith.index_cast %scan3A_1368 : i32 to index
        %swap3A_1496 = arith.constant 64 : index
        %swap3A_1497 = tpu.vector_load %arg10[%swap3A_1495, %swap3A_1496] {strides = array<i32>} : memref<64x128xf32, #tpu.memory_space<vmem>>, vector<1x16xf32>,
        %swap3A_1498 = vector.shape_cast %swap3A_1497 : vector<1x16xf32> to vector<16xf32>
        %swap3A_1499 = vector.shape_cast %mul3A_1453 : vector<16xf32> to vector<1x16xf32>
        tpu.vector_store %arg10[%swap3A_1495, %swap3A_1496], %swap3A_1499 {strides = array<i32>} : memref<64x128xf32, #tpu.memory_space<vmem>>, vector<1x16xf32>,
        %swap3A_1500 = arith.index_cast %scan3A_1368 : i32 to index
        %swap3A_1501 = arith.constant 80 : index
        %swap3A_1502 = tpu.vector_load %arg10[%swap3A_1500, %swap3A_1501] {strides = array<i32>} : memref<64x128xf32, #tpu.memory_space<vmem>>, vector<1x16xf32>,
        %swap3A_1503 = vector.shape_cast %swap3A_1502 : vector<1x16xf32> to vector<16xf32>
        %swap3A_1504 = vector.shape_cast %mul3A_1470 : vector<16xf32> to vector<1x16xf32>
        tpu.vector_store %arg10[%swap3A_1500, %swap3A_1501], %swap3A_1504 {strides = array<i32>} : memref<64x128xf32, #tpu.memory_space<vmem>>, vector<1x16xf32>,
        %swap3A_1505 = arith.index_cast %scan3A_1368 : i32 to index
        %swap3A_1506 = arith.constant 96 : index
        %swap3A_1507 = tpu.vector_load %arg10[%swap3A_1505, %swap3A_1506] {strides = array<i32>} : memref<64x128xf32, #tpu.memory_space<vmem>>, vector<1x16xf32>,
        %swap3A_1508 = vector.shape_cast %swap3A_1507 : vector<1x16xf32> to vector<16xf32>
        %swap3A_1509 = vector.shape_cast %mul3A_1458 : vector<16xf32> to vector<1x16xf32>
        tpu.vector_store %arg10[%swap3A_1505, %swap3A_1506], %swap3A_1509 {strides = array<i32>} : memref<64x128xf32, #tpu.memory_space<vmem>>, vector<1x16xf32>,
        %swap3A_1510 = arith.index_cast %scan3A_1368 : i32 to index
        %swap3A_1511 = arith.constant 112 : index
        %swap3A_1512 = tpu.vector_load %arg10[%swap3A_1510, %swap3A_1511] {strides = array<i32>} : memref<64x128xf32, #tpu.memory_space<vmem>>, vector<1x16xf32>,
        %swap3A_1513 = vector.shape_cast %swap3A_1512 : vector<1x16xf32> to vector<16xf32>
        %swap3A_1514 = vector.shape_cast %mul3A_1474 : vector<16xf32> to vector<1x16xf32>
        tpu.vector_store %arg10[%swap3A_1510, %swap3A_1511], %swap3A_1514 {strides = array<i32>} : memref<64x128xf32, #tpu.memory_space<vmem>>, vector<1x16xf32>,
      }
      %scan3A_562 = arith.constant 64 : i32
      %run_scoped3A = arith.constant 0 : i32
      "tpu.region"() ({
        %run_scoped3A_927 = tpu.sem_alloc : memref<!tpu.dma_semaphore, #tpu.memory_space<semaphore_mem>>
        %dma_start3A_928 = arith.constant 0 : i32
        %dma_start3A_929 = tpu.memref_slice %arg9[%run_scoped3A, %dma_start3A_928] : memref<2x64xi32, #tpu.memory_space<vmem>> -> memref<1x64xi32, #tpu.memory_space<vmem>>
        %dma_start3A_930 = tpu.memref_squeeze %dma_start3A_929 : memref<1x64xi32, #tpu.memory_space<vmem>> -> memref<64xi32, #tpu.memory_space<vmem>>
        %dma_start3A_931 = arith.constant 0 : i32
        %dma_start3A_932 = arith.constant 0 : i32
        %dma_start3A_933 = tpu.memref_slice %arg13[%dma_start3A_931, %dma_start3A_932] : memref<10240x128xf32, #tpu.memory_space<vmem_shared>> -> memref<10240x128xf32, #tpu.memory_space<vmem_shared>>
        tpu.enqueue_indirect_dma source(%arg10 : memref<64x128xf32, #tpu.memory_space<vmem>>) target(%dma_start3A_933 : memref<10240x128xf32, #tpu.memory_space<vmem_shared>>) offsets(%dma_start3A_930 : memref<64xi32, #tpu.memory_space<vmem>>) semaphore(%run_scoped3A_927 : memref<!tpu.dma_semaphore, #tpu.memory_space<semaphore_mem>>) {add = true}
        %dma_wait3A_934 = arith.constant 0 : i32
        %dma_wait3A_935 = tpu.memref_slice %arg9[%run_scoped3A, %dma_wait3A_934] : memref<2x64xi32, #tpu.memory_space<vmem>> -> memref<1x64xi32, #tpu.memory_space<vmem>>
        %dma_wait3A_936 = tpu.memref_squeeze %dma_wait3A_935 : memref<1x64xi32, #tpu.memory_space<vmem>> -> memref<64xi32, #tpu.memory_space<vmem>>
        %dma_wait3A_937 = arith.constant 0 : i32
        %dma_wait3A_938 = arith.constant 0 : i32
        %dma_wait3A_939 = tpu.memref_slice %arg13[%dma_wait3A_937, %dma_wait3A_938] : memref<10240x128xf32, #tpu.memory_space<vmem_shared>> -> memref<10240x128xf32, #tpu.memory_space<vmem_shared>>
        tpu.wait_indirect_dma semaphore(%run_scoped3A_927 : memref<!tpu.dma_semaphore, #tpu.memory_space<semaphore_mem>>) src(%arg10 : memref<64x128xf32, #tpu.memory_space<vmem>>) dst(%dma_wait3A_939 : memref<10240x128xf32, #tpu.memory_space<vmem_shared>>)
        tpu.yield
      }) : () -> ()
      %add3A_563 = arith.constant 2 : i32
      %add3A_564 = arith.addi %add3A_506, %add3A_563 : i32
      %sub3A_565 = arith.constant 1 : i32
      %sub3A_566 = arith.subi %select_n3A, %sub3A_565 : i32
      %min3A_567 = arith.minsi %add3A_564, %sub3A_566 : i32
      %mul3A_568 = arith.constant 64 : i32
      %mul3A_569 = arith.muli %min3A_567, %mul3A_568 : i32
      %add3A_570 = arith.constant 0 : i32
      %add3A_571 = arith.addi %mul3A_569, %add3A_570 : i32
      %get3A_572 = arith.index_cast %add3A_571 : i32 to index
      %get3A_573 = tpu.vector_load %arg7[%get3A_572] {strides = array<i32>} : memref<13312xi32, #tpu.memory_space<vmem>>, vector<16xi32>,
      %get3A_574 = vector.shape_cast %get3A_573 : vector<16xi32> to vector<16xi32>
      %shift_right_logical3A_575 = arith.constant 16 : i32
      %shift_right_logical3A_576 = vector.broadcast %shift_right_logical3A_575 : i32 to vector<16xi32>
      %shift_right_logical3A_577 = arith.shrui %get3A_574, %shift_right_logical3A_576 : vector<16xi32>
      %swap3A_578 = arith.constant 0 : i32
      %swap3A_579 = arith.index_cast %swap3A_578 : i32 to index
      %swap3A_580 = arith.constant 0 : index
      %swap3A_581 = tpu.vector_load %arg8[%swap3A_579, %swap3A_580] {strides = array<i32>} : memref<2x64xi32, #tpu.memory_space<vmem>>, vector<1x16xi32>,
      %swap3A_582 = vector.shape_cast %swap3A_581 : vector<1x16xi32> to vector<16xi32>
      %swap3A_583 = vector.shape_cast %shift_right_logical3A_577 : vector<16xi32> to vector<1x16xi32>
      tpu.vector_store %arg8[%swap3A_579, %swap3A_580], %swap3A_583 {strides = array<i32>} : memref<2x64xi32, #tpu.memory_space<vmem>>, vector<1x16xi32>,
      %and3A_584 = arith.constant 65535 : i32
      %and3A_585 = vector.broadcast %and3A_584 : i32 to vector<16xi32>
      %and3A_586 = arith.andi %get3A_574, %and3A_585 : vector<16xi32>
      %swap3A_587 = arith.constant 0 : i32
      %swap3A_588 = arith.index_cast %swap3A_587 : i32 to index
      %swap3A_589 = arith.constant 0 : index
      %swap3A_590 = tpu.vector_load %arg9[%swap3A_588, %swap3A_589] {strides = array<i32>} : memref<2x64xi32, #tpu.memory_space<vmem>>, vector<1x16xi32>,
      %swap3A_591 = vector.shape_cast %swap3A_590 : vector<1x16xi32> to vector<16xi32>
      %swap3A_592 = vector.shape_cast %and3A_586 : vector<16xi32> to vector<1x16xi32>
      tpu.vector_store %arg9[%swap3A_588, %swap3A_589], %swap3A_592 {strides = array<i32>} : memref<2x64xi32, #tpu.memory_space<vmem>>, vector<1x16xi32>,
      %add3A_593 = arith.constant 16 : i32
      %add3A_594 = arith.addi %mul3A_569, %add3A_593 : i32
      %get3A_595 = arith.index_cast %add3A_594 : i32 to index
      %get3A_596 = tpu.vector_load %arg7[%get3A_595] {strides = array<i32>} : memref<13312xi32, #tpu.memory_space<vmem>>, vector<16xi32>,
      %get3A_597 = vector.shape_cast %get3A_596 : vector<16xi32> to vector<16xi32>
      %shift_right_logical3A_598 = arith.constant 16 : i32
      %shift_right_logical3A_599 = vector.broadcast %shift_right_logical3A_598 : i32 to vector<16xi32>
      %shift_right_logical3A_600 = arith.shrui %get3A_597, %shift_right_logical3A_599 : vector<16xi32>
      %swap3A_601 = arith.constant 0 : i32
      %swap3A_602 = arith.index_cast %swap3A_601 : i32 to index
      %swap3A_603 = arith.constant 16 : index
      %swap3A_604 = tpu.vector_load %arg8[%swap3A_602, %swap3A_603] {strides = array<i32>} : memref<2x64xi32, #tpu.memory_space<vmem>>, vector<1x16xi32>,
      %swap3A_605 = vector.shape_cast %swap3A_604 : vector<1x16xi32> to vector<16xi32>
      %swap3A_606 = vector.shape_cast %shift_right_logical3A_600 : vector<16xi32> to vector<1x16xi32>
      tpu.vector_store %arg8[%swap3A_602, %swap3A_603], %swap3A_606 {strides = array<i32>} : memref<2x64xi32, #tpu.memory_space<vmem>>, vector<1x16xi32>,
      %and3A_607 = arith.constant 65535 : i32
      %and3A_608 = vector.broadcast %and3A_607 : i32 to vector<16xi32>
      %and3A_609 = arith.andi %get3A_597, %and3A_608 : vector<16xi32>
      %swap3A_610 = arith.constant 0 : i32
      %swap3A_611 = arith.index_cast %swap3A_610 : i32 to index
      %swap3A_612 = arith.constant 16 : index
      %swap3A_613 = tpu.vector_load %arg9[%swap3A_611, %swap3A_612] {strides = array<i32>} : memref<2x64xi32, #tpu.memory_space<vmem>>, vector<1x16xi32>,
      %swap3A_614 = vector.shape_cast %swap3A_613 : vector<1x16xi32> to vector<16xi32>
      %swap3A_615 = vector.shape_cast %and3A_609 : vector<16xi32> to vector<1x16xi32>
      tpu.vector_store %arg9[%swap3A_611, %swap3A_612], %swap3A_615 {strides = array<i32>} : memref<2x64xi32, #tpu.memory_space<vmem>>, vector<1x16xi32>,
      %add3A_616 = arith.constant 32 : i32
      %add3A_617 = arith.addi %mul3A_569, %add3A_616 : i32
      %get3A_618 = arith.index_cast %add3A_617 : i32 to index
      %get3A_619 = tpu.vector_load %arg7[%get3A_618] {strides = array<i32>} : memref<13312xi32, #tpu.memory_space<vmem>>, vector<16xi32>,
      %get3A_620 = vector.shape_cast %get3A_619 : vector<16xi32> to vector<16xi32>
      %shift_right_logical3A_621 = arith.constant 16 : i32
      %shift_right_logical3A_622 = vector.broadcast %shift_right_logical3A_621 : i32 to vector<16xi32>
      %shift_right_logical3A_623 = arith.shrui %get3A_620, %shift_right_logical3A_622 : vector<16xi32>
      %swap3A_624 = arith.constant 0 : i32
      %swap3A_625 = arith.index_cast %swap3A_624 : i32 to index
      %swap3A_626 = arith.constant 32 : index
      %swap3A_627 = tpu.vector_load %arg8[%swap3A_625, %swap3A_626] {strides = array<i32>} : memref<2x64xi32, #tpu.memory_space<vmem>>, vector<1x16xi32>,
      %swap3A_628 = vector.shape_cast %swap3A_627 : vector<1x16xi32> to vector<16xi32>
      %swap3A_629 = vector.shape_cast %shift_right_logical3A_623 : vector<16xi32> to vector<1x16xi32>
      tpu.vector_store %arg8[%swap3A_625, %swap3A_626], %swap3A_629 {strides = array<i32>} : memref<2x64xi32, #tpu.memory_space<vmem>>, vector<1x16xi32>,
      %and3A_630 = arith.constant 65535 : i32
      %and3A_631 = vector.broadcast %and3A_630 : i32 to vector<16xi32>
      %and3A_632 = arith.andi %get3A_620, %and3A_631 : vector<16xi32>
      %swap3A_633 = arith.constant 0 : i32
      %swap3A_634 = arith.index_cast %swap3A_633 : i32 to index
      %swap3A_635 = arith.constant 32 : index
      %swap3A_636 = tpu.vector_load %arg9[%swap3A_634, %swap3A_635] {strides = array<i32>} : memref<2x64xi32, #tpu.memory_space<vmem>>, vector<1x16xi32>,
      %swap3A_637 = vector.shape_cast %swap3A_636 : vector<1x16xi32> to vector<16xi32>
      %swap3A_638 = vector.shape_cast %and3A_632 : vector<16xi32> to vector<1x16xi32>
      tpu.vector_store %arg9[%swap3A_634, %swap3A_635], %swap3A_638 {strides = array<i32>} : memref<2x64xi32, #tpu.memory_space<vmem>>, vector<1x16xi32>,
      %add3A_639 = arith.constant 48 : i32
      %add3A_640 = arith.addi %mul3A_569, %add3A_639 : i32
      %get3A_641 = arith.index_cast %add3A_640 : i32 to index
      %get3A_642 = tpu.vector_load %arg7[%get3A_641] {strides = array<i32>} : memref<13312xi32, #tpu.memory_space<vmem>>, vector<16xi32>,
      %get3A_643 = vector.shape_cast %get3A_642 : vector<16xi32> to vector<16xi32>
      %shift_right_logical3A_644 = arith.constant 16 : i32
      %shift_right_logical3A_645 = vector.broadcast %shift_right_logical3A_644 : i32 to vector<16xi32>
      %shift_right_logical3A_646 = arith.shrui %get3A_643, %shift_right_logical3A_645 : vector<16xi32>
      %swap3A_647 = arith.constant 0 : i32
      %swap3A_648 = arith.index_cast %swap3A_647 : i32 to index
      %swap3A_649 = arith.constant 48 : index
      %swap3A_650 = tpu.vector_load %arg8[%swap3A_648, %swap3A_649] {strides = array<i32>} : memref<2x64xi32, #tpu.memory_space<vmem>>, vector<1x16xi32>,
      %swap3A_651 = vector.shape_cast %swap3A_650 : vector<1x16xi32> to vector<16xi32>
      %swap3A_652 = vector.shape_cast %shift_right_logical3A_646 : vector<16xi32> to vector<1x16xi32>
      tpu.vector_store %arg8[%swap3A_648, %swap3A_649], %swap3A_652 {strides = array<i32>} : memref<2x64xi32, #tpu.memory_space<vmem>>, vector<1x16xi32>,
      %and3A_653 = arith.constant 65535 : i32
      %and3A_654 = vector.broadcast %and3A_653 : i32 to vector<16xi32>
      %and3A_655 = arith.andi %get3A_643, %and3A_654 : vector<16xi32>
      %swap3A_656 = arith.constant 0 : i32
      %swap3A_657 = arith.index_cast %swap3A_656 : i32 to index
      %swap3A_658 = arith.constant 48 : index
      %swap3A_659 = tpu.vector_load %arg9[%swap3A_657, %swap3A_658] {strides = array<i32>} : memref<2x64xi32, #tpu.memory_space<vmem>>, vector<1x16xi32>,
      %swap3A_660 = vector.shape_cast %swap3A_659 : vector<1x16xi32> to vector<16xi32>
      %swap3A_661 = vector.shape_cast %and3A_655 : vector<16xi32> to vector<1x16xi32>
      tpu.vector_store %arg9[%swap3A_657, %swap3A_658], %swap3A_661 {strides = array<i32>} : memref<2x64xi32, #tpu.memory_space<vmem>>, vector<1x16xi32>,
      %add3A_662 = arith.constant 2 : i32
      %add3A_663 = arith.addi %add3A_506, %add3A_662 : i32
      %sub3A_664 = arith.constant 1 : i32
      %sub3A_665 = arith.subi %select_n3A, %sub3A_664 : i32
      %min3A_666 = arith.minsi %add3A_663, %sub3A_665 : i32
      %dma_start3A_667 = arith.constant 0 : i32
      %dma_start3A_668 = arith.constant 0 : i32
      %dma_start3A_669 = tpu.memref_slice %arg8[%dma_start3A_667, %dma_start3A_668] : memref<2x64xi32, #tpu.memory_space<vmem>> -> memref<1x64xi32, #tpu.memory_space<vmem>>
      %dma_start3A_670 = tpu.memref_squeeze %dma_start3A_669 : memref<1x64xi32, #tpu.memory_space<vmem>> -> memref<64xi32, #tpu.memory_space<vmem>>
      %dma_start3A_671 = arith.constant 0 : i32
      %dma_start3A_672 = arith.constant 0 : i32
      %dma_start3A_673 = tpu.memref_slice %arg2[%dma_start3A_671, %dma_start3A_672] : memref<10000x128xf32, #tpu.memory_space<hbm>> -> memref<10000x128xf32, #tpu.memory_space<hbm>>
      tpu.enqueue_indirect_dma source(%dma_start3A_673 : memref<10000x128xf32, #tpu.memory_space<hbm>>) target(%arg10 : memref<64x128xf32, #tpu.memory_space<vmem>>) offsets(%dma_start3A_670 : memref<64xi32, #tpu.memory_space<vmem>>) semaphore(%arg14 : memref<!tpu.dma_semaphore, #tpu.memory_space<semaphore_mem>>)
      %mul3A_674 = arith.constant 64 : i32
      %mul3A_675 = arith.muli %min3A_666, %mul3A_674 : i32
      %add3A_676 = arith.addi %mul3A_12, %mul3A_675 : i32
      %jit3A_677 = arith.constant 8 : i32
      %div3A_678 = arith.divsi %add3A_676, %jit3A_677 : i32
      %sign3A_679 = arith.constant 0 : i32
      %sign3A_680 = arith.cmpi sgt, %add3A_676, %sign3A_679 : i32
      %sign3A_681 = arith.extui %sign3A_680 : i1 to i32
      %sign3A_682 = arith.constant 0 : i32
      %sign3A_683 = arith.cmpi slt, %add3A_676, %sign3A_682 : i32
      %sign3A_684 = arith.extui %sign3A_683 : i1 to i32
      %sign3A_685 = arith.subi %sign3A_681, %sign3A_684 : i32
      %sign3A_686 = arith.constant 0 : i32
      %sign3A_687 = arith.cmpi sgt, %jit3A_677, %sign3A_686 : i32
      %sign3A_688 = arith.extui %sign3A_687 : i1 to i32
      %sign3A_689 = arith.constant 0 : i32
      %sign3A_690 = arith.cmpi slt, %jit3A_677, %sign3A_689 : i32
      %sign3A_691 = arith.extui %sign3A_690 : i1 to i32
      %sign3A_692 = arith.subi %sign3A_688, %sign3A_691 : i32
      %ne3A_693 = arith.cmpi ne, %sign3A_685, %sign3A_692 : i32
      %rem3A_694 = arith.remsi %add3A_676, %jit3A_677 : i32
      %ne3A_695 = arith.constant 0 : i32
      %ne3A_696 = arith.cmpi ne, %rem3A_694, %ne3A_695 : i32
      %and3A_697 = arith.andi %ne3A_693, %ne3A_696 : i1
      %sub3A_698 = arith.constant 1 : i32
      %sub3A_699 = arith.subi %div3A_678, %sub3A_698 : i32
      %select_n3A_700 = arith.select %and3A_697, %sub3A_699, %div3A_678 : i32
      %multiple_of3A_701 = tpu.assume_multiple %select_n3A_700, 8 : i32
      %dma_start3A_702 = arith.constant 0 : i32
      %dma_start3A_703 = arith.constant 0 : i32
      %dma_start3A_704 = arith.constant 0 : i32
      %dma_start3A_705 = tpu.memref_slice %arg12[%dma_start3A_702, %dma_start3A_703, %dma_start3A_704] : memref<2x8x512xi32, #tpu.memory_space<vmem>> -> memref<1x8x512xi32, #tpu.memory_space<vmem>>
      %dma_start3A_706 = tpu.memref_squeeze %dma_start3A_705 : memref<1x8x512xi32, #tpu.memory_space<vmem>> -> memref<8x512xi32, #tpu.memory_space<vmem>>
      %dma_start3A_707 = arith.constant 0 : i32
      %dma_start3A_708 = tpu.memref_slice %arg4[%multiple_of3A_701, %dma_start3A_707] : memref<40448x512xi32, #tpu.memory_space<hbm>> -> memref<8x512xi32, #tpu.memory_space<hbm>>
      %dma_start3A_709 = arith.constant 0 : i32
      %dma_start3A_710 = arith.constant 0 : i32
      %dma_start3A_711 = tpu.memref_slice %arg12[%dma_start3A_702, %dma_start3A_709, %dma_start3A_710] : memref<2x8x512xi32, #tpu.memory_space<vmem>> -> memref<1x8x512xi32, #tpu.memory_space<vmem>>
      %dma_start3A_712 = tpu.memref_squeeze %dma_start3A_711 : memref<1x8x512xi32, #tpu.memory_space<vmem>> -> memref<8x512xi32, #tpu.memory_space<vmem>>
      %dma_start3A_713 = arith.constant 0 : i32
      %dma_start3A_714 = tpu.memref_slice %arg4[%multiple_of3A_701, %dma_start3A_713] : memref<40448x512xi32, #tpu.memory_space<hbm>> -> memref<8x512xi32, #tpu.memory_space<hbm>>
      tpu.enqueue_dma source(%dma_start3A_714 : memref<8x512xi32, #tpu.memory_space<hbm>>) target(%dma_start3A_712 : memref<8x512xi32, #tpu.memory_space<vmem>>) target_semaphore(%arg14 : memref<!tpu.dma_semaphore, #tpu.memory_space<semaphore_mem>>)
      %add3A_715 = arith.constant 1 : i32
      %add3A_716 = arith.addi %mul3A_504, %add3A_715 : i32
      %sub3A_717 = arith.constant 1 : i32
      %sub3A_718 = arith.subi %select_n3A, %sub3A_717 : i32
      %min3A_719 = arith.minsi %add3A_716, %sub3A_718 : i32
      %dma_wait3A_720 = arith.constant 1 : i32
      %dma_wait3A_721 = arith.constant 0 : i32
      %dma_wait3A_722 = tpu.memref_slice %arg8[%dma_wait3A_720, %dma_wait3A_721] : memref<2x64xi32, #tpu.memory_space<vmem>> -> memref<1x64xi32, #tpu.memory_space<vmem>>
      %dma_wait3A_723 = tpu.memref_squeeze %dma_wait3A_722 : memref<1x64xi32, #tpu.memory_space<vmem>> -> memref<64xi32, #tpu.memory_space<vmem>>
      %dma_wait3A_724 = arith.constant 0 : i32
      %dma_wait3A_725 = arith.constant 0 : i32
      %dma_wait3A_726 = tpu.memref_slice %arg2[%dma_wait3A_724, %dma_wait3A_725] : memref<10000x128xf32, #tpu.memory_space<hbm>> -> memref<10000x128xf32, #tpu.memory_space<hbm>>
      tpu.wait_indirect_dma semaphore(%arg15 : memref<!tpu.dma_semaphore, #tpu.memory_space<semaphore_mem>>) src(%dma_wait3A_726 : memref<10000x128xf32, #tpu.memory_space<hbm>>) dst(%arg11 : memref<64x128xf32, #tpu.memory_space<vmem>>)
      %mul3A_727 = arith.constant 64 : i32
      %mul3A_728 = arith.muli %min3A_719, %mul3A_727 : i32
      %add3A_729 = arith.addi %mul3A_12, %mul3A_728 : i32
      %jit3A_730 = arith.constant 8 : i32
      %div3A_731 = arith.divsi %add3A_729, %jit3A_730 : i32
      %sign3A_732 = arith.constant 0 : i32
      %sign3A_733 = arith.cmpi sgt, %add3A_729, %sign3A_732 : i32
      %sign3A_734 = arith.extui %sign3A_733 : i1 to i32
      %sign3A_735 = arith.constant 0 : i32
      %sign3A_736 = arith.cmpi slt, %add3A_729, %sign3A_735 : i32
      %sign3A_737 = arith.extui %sign3A_736 : i1 to i32
      %sign3A_738 = arith.subi %sign3A_734, %sign3A_737 : i32
      %sign3A_739 = arith.constant 0 : i32
      %sign3A_740 = arith.cmpi sgt, %jit3A_730, %sign3A_739 : i32
      %sign3A_741 = arith.extui %sign3A_740 : i1 to i32
      %sign3A_742 = arith.constant 0 : i32
      %sign3A_743 = arith.cmpi slt, %jit3A_730, %sign3A_742 : i32
      %sign3A_744 = arith.extui %sign3A_743 : i1 to i32
      %sign3A_745 = arith.subi %sign3A_741, %sign3A_744 : i32
      %ne3A_746 = arith.cmpi ne, %sign3A_738, %sign3A_745 : i32
      %rem3A_747 = arith.remsi %add3A_729, %jit3A_730 : i32
      %ne3A_748 = arith.constant 0 : i32
      %ne3A_749 = arith.cmpi ne, %rem3A_747, %ne3A_748 : i32
      %and3A_750 = arith.andi %ne3A_746, %ne3A_749 : i1
      %sub3A_751 = arith.constant 1 : i32
      %sub3A_752 = arith.subi %div3A_731, %sub3A_751 : i32
      %select_n3A_753 = arith.select %and3A_750, %sub3A_752, %div3A_731 : i32
      %multiple_of3A_754 = tpu.assume_multiple %select_n3A_753, 8 : i32
      %dma_wait3A_755 = arith.constant 1 : i32
      %dma_wait3A_756 = arith.constant 0 : i32
      %dma_wait3A_757 = arith.constant 0 : i32
      %dma_wait3A_758 = tpu.memref_slice %arg12[%dma_wait3A_755, %dma_wait3A_756, %dma_wait3A_757] : memref<2x8x512xi32, #tpu.memory_space<vmem>> -> memref<1x8x512xi32, #tpu.memory_space<vmem>>
      %dma_wait3A_759 = tpu.memref_squeeze %dma_wait3A_758 : memref<1x8x512xi32, #tpu.memory_space<vmem>> -> memref<8x512xi32, #tpu.memory_space<vmem>>
      %dma_wait3A_760 = arith.constant 0 : i32
      %dma_wait3A_761 = tpu.memref_slice %arg4[%multiple_of3A_754, %dma_wait3A_760] : memref<40448x512xi32, #tpu.memory_space<hbm>> -> memref<8x512xi32, #tpu.memory_space<hbm>>
      %dma_wait3A_762 = arith.constant 0 : i32
      %dma_wait3A_763 = arith.constant 0 : i32
      %dma_wait3A_764 = tpu.memref_slice %arg12[%dma_wait3A_755, %dma_wait3A_762, %dma_wait3A_763] : memref<2x8x512xi32, #tpu.memory_space<vmem>> -> memref<1x8x512xi32, #tpu.memory_space<vmem>>
      %dma_wait3A_765 = tpu.memref_squeeze %dma_wait3A_764 : memref<1x8x512xi32, #tpu.memory_space<vmem>> -> memref<8x512xi32, #tpu.memory_space<vmem>>
      %dma_wait3A_766 = arith.constant 0 : i32
      %dma_wait3A_767 = tpu.memref_slice %arg4[%multiple_of3A_754, %dma_wait3A_766] : memref<40448x512xi32, #tpu.memory_space<hbm>> -> memref<8x512xi32, #tpu.memory_space<hbm>>
      tpu.wait_dma2 semaphore(%arg15 : memref<!tpu.dma_semaphore, #tpu.memory_space<semaphore_mem>>) src(%dma_wait3A_767 : memref<8x512xi32, #tpu.memory_space<hbm>>) dst(%dma_wait3A_765 : memref<8x512xi32, #tpu.memory_space<vmem>>)
      %scan3A_768 = arith.constant 0 : i32
      %scan3A_769 = arith.constant 0 : i32
      %scan3A_770 = arith.constant 64 : i32
      %scan3A_771 = arith.addi %scan3A_769, %scan3A_770 : i32
      %scan3A_772 = arith.constant 4 : i32
      scf.for %scan3A_927 = %scan3A_769 to %scan3A_771 step %scan3A_772  : i32 {
        %shift_right_arithmetic3A = arith.constant 3 : i32
        %shift_right_arithmetic3A_928 = arith.shrsi %scan3A_927, %shift_right_arithmetic3A : i32
        %and3A_929 = arith.constant 7 : i32
        %and3A_930 = arith.andi %scan3A_927, %and3A_929 : i32
        %mul3A_931 = arith.constant 64 : i32
        %mul3A_932 = arith.muli %and3A_930, %mul3A_931 : i32
        %add3A_933 = arith.constant 0 : i32
        %add3A_934 = arith.addi %mul3A_932, %add3A_933 : i32
        %get3A_935 = arith.constant 1 : i32
        %get3A_936 = arith.index_cast %get3A_935 : i32 to index
        %get3A_937 = arith.index_cast %shift_right_arithmetic3A_928 : i32 to index
        %get3A_938 = arith.index_cast %add3A_934 : i32 to index
        %get3A_939 = tpu.vector_load %arg12[%get3A_936, %get3A_937, %get3A_938] {strides = array<i32>} : memref<2x8x512xi32, #tpu.memory_space<vmem>>, vector<1x1x16xi32>,
        %get3A_940 = vector.shape_cast %get3A_939 : vector<1x1x16xi32> to vector<16xi32>
        %add3A_941 = arith.constant 16 : i32
        %add3A_942 = arith.addi %mul3A_932, %add3A_941 : i32
        %get3A_943 = arith.constant 1 : i32
        %get3A_944 = arith.index_cast %get3A_943 : i32 to index
        %get3A_945 = arith.index_cast %shift_right_arithmetic3A_928 : i32 to index
        %get3A_946 = arith.index_cast %add3A_942 : i32 to index
        %get3A_947 = tpu.vector_load %arg12[%get3A_944, %get3A_945, %get3A_946] {strides = array<i32>} : memref<2x8x512xi32, #tpu.memory_space<vmem>>, vector<1x1x16xi32>,
        %get3A_948 = vector.shape_cast %get3A_947 : vector<1x1x16xi32> to vector<16xi32>
        %add3A_949 = arith.constant 32 : i32
        %add3A_950 = arith.addi %mul3A_932, %add3A_949 : i32
        %get3A_951 = arith.constant 1 : i32
        %get3A_952 = arith.index_cast %get3A_951 : i32 to index
        %get3A_953 = arith.index_cast %shift_right_arithmetic3A_928 : i32 to index
        %get3A_954 = arith.index_cast %add3A_950 : i32 to index
        %get3A_955 = tpu.vector_load %arg12[%get3A_952, %get3A_953, %get3A_954] {strides = array<i32>} : memref<2x8x512xi32, #tpu.memory_space<vmem>>, vector<1x1x16xi32>,
        %get3A_956 = vector.shape_cast %get3A_955 : vector<1x1x16xi32> to vector<16xi32>
        %add3A_957 = arith.constant 48 : i32
        %add3A_958 = arith.addi %mul3A_932, %add3A_957 : i32
        %get3A_959 = arith.constant 1 : i32
        %get3A_960 = arith.index_cast %get3A_959 : i32 to index
        %get3A_961 = arith.index_cast %shift_right_arithmetic3A_928 : i32 to index
        %get3A_962 = arith.index_cast %add3A_958 : i32 to index
        %get3A_963 = tpu.vector_load %arg12[%get3A_960, %get3A_961, %get3A_962] {strides = array<i32>} : memref<2x8x512xi32, #tpu.memory_space<vmem>>, vector<1x1x16xi32>,
        %get3A_964 = vector.shape_cast %get3A_963 : vector<1x1x16xi32> to vector<16xi32>
        %get3A_965 = arith.index_cast %scan3A_927 : i32 to index
        %get3A_966 = arith.constant 0 : index
        %get3A_967 = tpu.vector_load %arg11[%get3A_965, %get3A_966] {strides = array<i32>} : memref<64x128xf32, #tpu.memory_space<vmem>>, vector<1x16xf32>,
        %get3A_968 = vector.shape_cast %get3A_967 : vector<1x16xf32> to vector<16xf32>
        %get3A_969 = arith.index_cast %scan3A_927 : i32 to index
        %get3A_970 = arith.constant 32 : index
        %get3A_971 = tpu.vector_load %arg11[%get3A_969, %get3A_970] {strides = array<i32>} : memref<64x128xf32, #tpu.memory_space<vmem>>, vector<1x16xf32>,
        %get3A_972 = vector.shape_cast %get3A_971 : vector<1x16xf32> to vector<16xf32>
        %get3A_973 = arith.index_cast %scan3A_927 : i32 to index
        %get3A_974 = arith.constant 64 : index
        %get3A_975 = tpu.vector_load %arg11[%get3A_973, %get3A_974] {strides = array<i32>} : memref<64x128xf32, #tpu.memory_space<vmem>>, vector<1x16xf32>,
        %get3A_976 = vector.shape_cast %get3A_975 : vector<1x16xf32> to vector<16xf32>
        %get3A_977 = arith.index_cast %scan3A_927 : i32 to index
        %get3A_978 = arith.constant 96 : index
        %get3A_979 = tpu.vector_load %arg11[%get3A_977, %get3A_978] {strides = array<i32>} : memref<64x128xf32, #tpu.memory_space<vmem>>, vector<1x16xf32>,
        %get3A_980 = vector.shape_cast %get3A_979 : vector<1x16xf32> to vector<16xf32>
        %get3A_981 = arith.index_cast %scan3A_927 : i32 to index
        %get3A_982 = arith.constant 16 : index
        %get3A_983 = tpu.vector_load %arg11[%get3A_981, %get3A_982] {strides = array<i32>} : memref<64x128xf32, #tpu.memory_space<vmem>>, vector<1x16xf32>,
        %get3A_984 = vector.shape_cast %get3A_983 : vector<1x16xf32> to vector<16xf32>
        %get3A_985 = arith.index_cast %scan3A_927 : i32 to index
        %get3A_986 = arith.constant 48 : index
        %get3A_987 = tpu.vector_load %arg11[%get3A_985, %get3A_986] {strides = array<i32>} : memref<64x128xf32, #tpu.memory_space<vmem>>, vector<1x16xf32>,
        %get3A_988 = vector.shape_cast %get3A_987 : vector<1x16xf32> to vector<16xf32>
        %get3A_989 = arith.index_cast %scan3A_927 : i32 to index
        %get3A_990 = arith.constant 80 : index
        %get3A_991 = tpu.vector_load %arg11[%get3A_989, %get3A_990] {strides = array<i32>} : memref<64x128xf32, #tpu.memory_space<vmem>>, vector<1x16xf32>,
        %get3A_992 = vector.shape_cast %get3A_991 : vector<1x16xf32> to vector<16xf32>
        %get3A_993 = arith.index_cast %scan3A_927 : i32 to index
        %get3A_994 = arith.constant 112 : index
        %get3A_995 = tpu.vector_load %arg11[%get3A_993, %get3A_994] {strides = array<i32>} : memref<64x128xf32, #tpu.memory_space<vmem>>, vector<1x16xf32>,
        %get3A_996 = vector.shape_cast %get3A_995 : vector<1x16xf32> to vector<16xf32>
        %shift_left3A = arith.constant 16 : i32
        %shift_left3A_997 = vector.broadcast %shift_left3A : i32 to vector<16xi32>
        %shift_left3A_998 = arith.shli %get3A_940, %shift_left3A_997 : vector<16xi32>
        %bitcast_convert_type3A = tpu.bitcast %shift_left3A_998 : vector<16xi32> -> vector<16xf32>
        %mul3A_999 = arith.mulf %get3A_968, %bitcast_convert_type3A : vector<16xf32>
        %shift_left3A_1000 = arith.constant 16 : i32
        %shift_left3A_1001 = vector.broadcast %shift_left3A_1000 : i32 to vector<16xi32>
        %shift_left3A_1002 = arith.shli %get3A_948, %shift_left3A_1001 : vector<16xi32>
        %bitcast_convert_type3A_1003 = tpu.bitcast %shift_left3A_1002 : vector<16xi32> -> vector<16xf32>
        %mul3A_1004 = arith.mulf %get3A_972, %bitcast_convert_type3A_1003 : vector<16xf32>
        %shift_left3A_1005 = arith.constant 16 : i32
        %shift_left3A_1006 = vector.broadcast %shift_left3A_1005 : i32 to vector<16xi32>
        %shift_left3A_1007 = arith.shli %get3A_956, %shift_left3A_1006 : vector<16xi32>
        %bitcast_convert_type3A_1008 = tpu.bitcast %shift_left3A_1007 : vector<16xi32> -> vector<16xf32>
        %mul3A_1009 = arith.mulf %get3A_976, %bitcast_convert_type3A_1008 : vector<16xf32>
        %shift_left3A_1010 = arith.constant 16 : i32
        %shift_left3A_1011 = vector.broadcast %shift_left3A_1010 : i32 to vector<16xi32>
        %shift_left3A_1012 = arith.shli %get3A_964, %shift_left3A_1011 : vector<16xi32>
        %bitcast_convert_type3A_1013 = tpu.bitcast %shift_left3A_1012 : vector<16xi32> -> vector<16xf32>
        %mul3A_1014 = arith.mulf %get3A_980, %bitcast_convert_type3A_1013 : vector<16xf32>
        %and3A_1015 = vector.broadcast %while3A_345 : i32 to vector<16xi32>
        %and3A_1016 = arith.andi %get3A_940, %and3A_1015 : vector<16xi32>
        %bitcast_convert_type3A_1017 = tpu.bitcast %and3A_1016 : vector<16xi32> -> vector<16xf32>
        %mul3A_1018 = arith.mulf %get3A_984, %bitcast_convert_type3A_1017 : vector<16xf32>
        %and3A_1019 = vector.broadcast %while3A_345 : i32 to vector<16xi32>
        %and3A_1020 = arith.andi %get3A_948, %and3A_1019 : vector<16xi32>
        %bitcast_convert_type3A_1021 = tpu.bitcast %and3A_1020 : vector<16xi32> -> vector<16xf32>
        %mul3A_1022 = arith.mulf %get3A_988, %bitcast_convert_type3A_1021 : vector<16xf32>
        %and3A_1023 = vector.broadcast %while3A_345 : i32 to vector<16xi32>
        %and3A_1024 = arith.andi %get3A_956, %and3A_1023 : vector<16xi32>
        %bitcast_convert_type3A_1025 = tpu.bitcast %and3A_1024 : vector<16xi32> -> vector<16xf32>
        %mul3A_1026 = arith.mulf %get3A_992, %bitcast_convert_type3A_1025 : vector<16xf32>
        %and3A_1027 = vector.broadcast %while3A_345 : i32 to vector<16xi32>
        %and3A_1028 = arith.andi %get3A_964, %and3A_1027 : vector<16xi32>
        %bitcast_convert_type3A_1029 = tpu.bitcast %and3A_1028 : vector<16xi32> -> vector<16xf32>
        %mul3A_1030 = arith.mulf %get3A_996, %bitcast_convert_type3A_1029 : vector<16xf32>
        %swap3A_1031 = arith.index_cast %scan3A_927 : i32 to index
        %swap3A_1032 = arith.constant 0 : index
        %swap3A_1033 = tpu.vector_load %arg11[%swap3A_1031, %swap3A_1032] {strides = array<i32>} : memref<64x128xf32, #tpu.memory_space<vmem>>, vector<1x16xf32>,
        %swap3A_1034 = vector.shape_cast %swap3A_1033 : vector<1x16xf32> to vector<16xf32>
        %swap3A_1035 = vector.shape_cast %mul3A_999 : vector<16xf32> to vector<1x16xf32>
        tpu.vector_store %arg11[%swap3A_1031, %swap3A_1032], %swap3A_1035 {strides = array<i32>} : memref<64x128xf32, #tpu.memory_space<vmem>>, vector<1x16xf32>,
        %swap3A_1036 = arith.index_cast %scan3A_927 : i32 to index
        %swap3A_1037 = arith.constant 16 : index
        %swap3A_1038 = tpu.vector_load %arg11[%swap3A_1036, %swap3A_1037] {strides = array<i32>} : memref<64x128xf32, #tpu.memory_space<vmem>>, vector<1x16xf32>,
        %swap3A_1039 = vector.shape_cast %swap3A_1038 : vector<1x16xf32> to vector<16xf32>
        %swap3A_1040 = vector.shape_cast %mul3A_1018 : vector<16xf32> to vector<1x16xf32>
        tpu.vector_store %arg11[%swap3A_1036, %swap3A_1037], %swap3A_1040 {strides = array<i32>} : memref<64x128xf32, #tpu.memory_space<vmem>>, vector<1x16xf32>,
        %swap3A_1041 = arith.index_cast %scan3A_927 : i32 to index
        %swap3A_1042 = arith.constant 32 : index
        %swap3A_1043 = tpu.vector_load %arg11[%swap3A_1041, %swap3A_1042] {strides = array<i32>} : memref<64x128xf32, #tpu.memory_space<vmem>>, vector<1x16xf32>,
        %swap3A_1044 = vector.shape_cast %swap3A_1043 : vector<1x16xf32> to vector<16xf32>
        %swap3A_1045 = vector.shape_cast %mul3A_1004 : vector<16xf32> to vector<1x16xf32>
        tpu.vector_store %arg11[%swap3A_1041, %swap3A_1042], %swap3A_1045 {strides = array<i32>} : memref<64x128xf32, #tpu.memory_space<vmem>>, vector<1x16xf32>,
        %swap3A_1046 = arith.index_cast %scan3A_927 : i32 to index
        %swap3A_1047 = arith.constant 48 : index
        %swap3A_1048 = tpu.vector_load %arg11[%swap3A_1046, %swap3A_1047] {strides = array<i32>} : memref<64x128xf32, #tpu.memory_space<vmem>>, vector<1x16xf32>,
        %swap3A_1049 = vector.shape_cast %swap3A_1048 : vector<1x16xf32> to vector<16xf32>
        %swap3A_1050 = vector.shape_cast %mul3A_1022 : vector<16xf32> to vector<1x16xf32>
        tpu.vector_store %arg11[%swap3A_1046, %swap3A_1047], %swap3A_1050 {strides = array<i32>} : memref<64x128xf32, #tpu.memory_space<vmem>>, vector<1x16xf32>,
        %swap3A_1051 = arith.index_cast %scan3A_927 : i32 to index
        %swap3A_1052 = arith.constant 64 : index
        %swap3A_1053 = tpu.vector_load %arg11[%swap3A_1051, %swap3A_1052] {strides = array<i32>} : memref<64x128xf32, #tpu.memory_space<vmem>>, vector<1x16xf32>,
        %swap3A_1054 = vector.shape_cast %swap3A_1053 : vector<1x16xf32> to vector<16xf32>
        %swap3A_1055 = vector.shape_cast %mul3A_1009 : vector<16xf32> to vector<1x16xf32>
        tpu.vector_store %arg11[%swap3A_1051, %swap3A_1052], %swap3A_1055 {strides = array<i32>} : memref<64x128xf32, #tpu.memory_space<vmem>>, vector<1x16xf32>,
        %swap3A_1056 = arith.index_cast %scan3A_927 : i32 to index
        %swap3A_1057 = arith.constant 80 : index
        %swap3A_1058 = tpu.vector_load %arg11[%swap3A_1056, %swap3A_1057] {strides = array<i32>} : memref<64x128xf32, #tpu.memory_space<vmem>>, vector<1x16xf32>,
        %swap3A_1059 = vector.shape_cast %swap3A_1058 : vector<1x16xf32> to vector<16xf32>
        %swap3A_1060 = vector.shape_cast %mul3A_1026 : vector<16xf32> to vector<1x16xf32>
        tpu.vector_store %arg11[%swap3A_1056, %swap3A_1057], %swap3A_1060 {strides = array<i32>} : memref<64x128xf32, #tpu.memory_space<vmem>>, vector<1x16xf32>,
        %swap3A_1061 = arith.index_cast %scan3A_927 : i32 to index
        %swap3A_1062 = arith.constant 96 : index
        %swap3A_1063 = tpu.vector_load %arg11[%swap3A_1061, %swap3A_1062] {strides = array<i32>} : memref<64x128xf32, #tpu.memory_space<vmem>>, vector<1x16xf32>,
        %swap3A_1064 = vector.shape_cast %swap3A_1063 : vector<1x16xf32> to vector<16xf32>
        %swap3A_1065 = vector.shape_cast %mul3A_1014 : vector<16xf32> to vector<1x16xf32>
        tpu.vector_store %arg11[%swap3A_1061, %swap3A_1062], %swap3A_1065 {strides = array<i32>} : memref<64x128xf32, #tpu.memory_space<vmem>>, vector<1x16xf32>,
        %swap3A_1066 = arith.index_cast %scan3A_927 : i32 to index
        %swap3A_1067 = arith.constant 112 : index
        %swap3A_1068 = tpu.vector_load %arg11[%swap3A_1066, %swap3A_1067] {strides = array<i32>} : memref<64x128xf32, #tpu.memory_space<vmem>>, vector<1x16xf32>,
        %swap3A_1069 = vector.shape_cast %swap3A_1068 : vector<1x16xf32> to vector<16xf32>
        %swap3A_1070 = vector.shape_cast %mul3A_1030 : vector<16xf32> to vector<1x16xf32>
        tpu.vector_store %arg11[%swap3A_1066, %swap3A_1067], %swap3A_1070 {strides = array<i32>} : memref<64x128xf32, #tpu.memory_space<vmem>>, vector<1x16xf32>,
        %scan3A_1071 = arith.constant 1 : i32
        %scan3A_1072 = arith.addi %scan3A_927, %scan3A_1071 : i32
        %shift_right_arithmetic3A_1073 = arith.constant 3 : i32
        %shift_right_arithmetic3A_1074 = arith.shrsi %scan3A_1072, %shift_right_arithmetic3A_1073 : i32
        %and3A_1075 = arith.constant 7 : i32
        %and3A_1076 = arith.andi %scan3A_1072, %and3A_1075 : i32
        %mul3A_1077 = arith.constant 64 : i32
        %mul3A_1078 = arith.muli %and3A_1076, %mul3A_1077 : i32
        %add3A_1079 = arith.constant 0 : i32
        %add3A_1080 = arith.addi %mul3A_1078, %add3A_1079 : i32
        %get3A_1081 = arith.constant 1 : i32
        %get3A_1082 = arith.index_cast %get3A_1081 : i32 to index
        %get3A_1083 = arith.index_cast %shift_right_arithmetic3A_1074 : i32 to index
        %get3A_1084 = arith.index_cast %add3A_1080 : i32 to index
        %get3A_1085 = tpu.vector_load %arg12[%get3A_1082, %get3A_1083, %get3A_1084] {strides = array<i32>} : memref<2x8x512xi32, #tpu.memory_space<vmem>>, vector<1x1x16xi32>,
        %get3A_1086 = vector.shape_cast %get3A_1085 : vector<1x1x16xi32> to vector<16xi32>
        %add3A_1087 = arith.constant 16 : i32
        %add3A_1088 = arith.addi %mul3A_1078, %add3A_1087 : i32
        %get3A_1089 = arith.constant 1 : i32
        %get3A_1090 = arith.index_cast %get3A_1089 : i32 to index
        %get3A_1091 = arith.index_cast %shift_right_arithmetic3A_1074 : i32 to index
        %get3A_1092 = arith.index_cast %add3A_1088 : i32 to index
        %get3A_1093 = tpu.vector_load %arg12[%get3A_1090, %get3A_1091, %get3A_1092] {strides = array<i32>} : memref<2x8x512xi32, #tpu.memory_space<vmem>>, vector<1x1x16xi32>,
        %get3A_1094 = vector.shape_cast %get3A_1093 : vector<1x1x16xi32> to vector<16xi32>
        %add3A_1095 = arith.constant 32 : i32
        %add3A_1096 = arith.addi %mul3A_1078, %add3A_1095 : i32
        %get3A_1097 = arith.constant 1 : i32
        %get3A_1098 = arith.index_cast %get3A_1097 : i32 to index
        %get3A_1099 = arith.index_cast %shift_right_arithmetic3A_1074 : i32 to index
        %get3A_1100 = arith.index_cast %add3A_1096 : i32 to index
        %get3A_1101 = tpu.vector_load %arg12[%get3A_1098, %get3A_1099, %get3A_1100] {strides = array<i32>} : memref<2x8x512xi32, #tpu.memory_space<vmem>>, vector<1x1x16xi32>,
        %get3A_1102 = vector.shape_cast %get3A_1101 : vector<1x1x16xi32> to vector<16xi32>
        %add3A_1103 = arith.constant 48 : i32
        %add3A_1104 = arith.addi %mul3A_1078, %add3A_1103 : i32
        %get3A_1105 = arith.constant 1 : i32
        %get3A_1106 = arith.index_cast %get3A_1105 : i32 to index
        %get3A_1107 = arith.index_cast %shift_right_arithmetic3A_1074 : i32 to index
        %get3A_1108 = arith.index_cast %add3A_1104 : i32 to index
        %get3A_1109 = tpu.vector_load %arg12[%get3A_1106, %get3A_1107, %get3A_1108] {strides = array<i32>} : memref<2x8x512xi32, #tpu.memory_space<vmem>>, vector<1x1x16xi32>,
        %get3A_1110 = vector.shape_cast %get3A_1109 : vector<1x1x16xi32> to vector<16xi32>
        %get3A_1111 = arith.index_cast %scan3A_1072 : i32 to index
        %get3A_1112 = arith.constant 0 : index
        %get3A_1113 = tpu.vector_load %arg11[%get3A_1111, %get3A_1112] {strides = array<i32>} : memref<64x128xf32, #tpu.memory_space<vmem>>, vector<1x16xf32>,
        %get3A_1114 = vector.shape_cast %get3A_1113 : vector<1x16xf32> to vector<16xf32>
        %get3A_1115 = arith.index_cast %scan3A_1072 : i32 to index
        %get3A_1116 = arith.constant 32 : index
        %get3A_1117 = tpu.vector_load %arg11[%get3A_1115, %get3A_1116] {strides = array<i32>} : memref<64x128xf32, #tpu.memory_space<vmem>>, vector<1x16xf32>,
        %get3A_1118 = vector.shape_cast %get3A_1117 : vector<1x16xf32> to vector<16xf32>
        %get3A_1119 = arith.index_cast %scan3A_1072 : i32 to index
        %get3A_1120 = arith.constant 64 : index
        %get3A_1121 = tpu.vector_load %arg11[%get3A_1119, %get3A_1120] {strides = array<i32>} : memref<64x128xf32, #tpu.memory_space<vmem>>, vector<1x16xf32>,
        %get3A_1122 = vector.shape_cast %get3A_1121 : vector<1x16xf32> to vector<16xf32>
        %get3A_1123 = arith.index_cast %scan3A_1072 : i32 to index
        %get3A_1124 = arith.constant 96 : index
        %get3A_1125 = tpu.vector_load %arg11[%get3A_1123, %get3A_1124] {strides = array<i32>} : memref<64x128xf32, #tpu.memory_space<vmem>>, vector<1x16xf32>,
        %get3A_1126 = vector.shape_cast %get3A_1125 : vector<1x16xf32> to vector<16xf32>
        %get3A_1127 = arith.index_cast %scan3A_1072 : i32 to index
        %get3A_1128 = arith.constant 16 : index
        %get3A_1129 = tpu.vector_load %arg11[%get3A_1127, %get3A_1128] {strides = array<i32>} : memref<64x128xf32, #tpu.memory_space<vmem>>, vector<1x16xf32>,
        %get3A_1130 = vector.shape_cast %get3A_1129 : vector<1x16xf32> to vector<16xf32>
        %get3A_1131 = arith.index_cast %scan3A_1072 : i32 to index
        %get3A_1132 = arith.constant 48 : index
        %get3A_1133 = tpu.vector_load %arg11[%get3A_1131, %get3A_1132] {strides = array<i32>} : memref<64x128xf32, #tpu.memory_space<vmem>>, vector<1x16xf32>,
        %get3A_1134 = vector.shape_cast %get3A_1133 : vector<1x16xf32> to vector<16xf32>
        %get3A_1135 = arith.index_cast %scan3A_1072 : i32 to index
        %get3A_1136 = arith.constant 80 : index
        %get3A_1137 = tpu.vector_load %arg11[%get3A_1135, %get3A_1136] {strides = array<i32>} : memref<64x128xf32, #tpu.memory_space<vmem>>, vector<1x16xf32>,
        %get3A_1138 = vector.shape_cast %get3A_1137 : vector<1x16xf32> to vector<16xf32>
        %get3A_1139 = arith.index_cast %scan3A_1072 : i32 to index
        %get3A_1140 = arith.constant 112 : index
        %get3A_1141 = tpu.vector_load %arg11[%get3A_1139, %get3A_1140] {strides = array<i32>} : memref<64x128xf32, #tpu.memory_space<vmem>>, vector<1x16xf32>,
        %get3A_1142 = vector.shape_cast %get3A_1141 : vector<1x16xf32> to vector<16xf32>
        %shift_left3A_1143 = arith.constant 16 : i32
        %shift_left3A_1144 = vector.broadcast %shift_left3A_1143 : i32 to vector<16xi32>
        %shift_left3A_1145 = arith.shli %get3A_1086, %shift_left3A_1144 : vector<16xi32>
        %bitcast_convert_type3A_1146 = tpu.bitcast %shift_left3A_1145 : vector<16xi32> -> vector<16xf32>
        %mul3A_1147 = arith.mulf %get3A_1114, %bitcast_convert_type3A_1146 : vector<16xf32>
        %shift_left3A_1148 = arith.constant 16 : i32
        %shift_left3A_1149 = vector.broadcast %shift_left3A_1148 : i32 to vector<16xi32>
        %shift_left3A_1150 = arith.shli %get3A_1094, %shift_left3A_1149 : vector<16xi32>
        %bitcast_convert_type3A_1151 = tpu.bitcast %shift_left3A_1150 : vector<16xi32> -> vector<16xf32>
        %mul3A_1152 = arith.mulf %get3A_1118, %bitcast_convert_type3A_1151 : vector<16xf32>
        %shift_left3A_1153 = arith.constant 16 : i32
        %shift_left3A_1154 = vector.broadcast %shift_left3A_1153 : i32 to vector<16xi32>
        %shift_left3A_1155 = arith.shli %get3A_1102, %shift_left3A_1154 : vector<16xi32>
        %bitcast_convert_type3A_1156 = tpu.bitcast %shift_left3A_1155 : vector<16xi32> -> vector<16xf32>
        %mul3A_1157 = arith.mulf %get3A_1122, %bitcast_convert_type3A_1156 : vector<16xf32>
        %shift_left3A_1158 = arith.constant 16 : i32
        %shift_left3A_1159 = vector.broadcast %shift_left3A_1158 : i32 to vector<16xi32>
        %shift_left3A_1160 = arith.shli %get3A_1110, %shift_left3A_1159 : vector<16xi32>
        %bitcast_convert_type3A_1161 = tpu.bitcast %shift_left3A_1160 : vector<16xi32> -> vector<16xf32>
        %mul3A_1162 = arith.mulf %get3A_1126, %bitcast_convert_type3A_1161 : vector<16xf32>
        %and3A_1163 = vector.broadcast %while3A_345 : i32 to vector<16xi32>
        %and3A_1164 = arith.andi %get3A_1086, %and3A_1163 : vector<16xi32>
        %bitcast_convert_type3A_1165 = tpu.bitcast %and3A_1164 : vector<16xi32> -> vector<16xf32>
        %mul3A_1166 = arith.mulf %get3A_1130, %bitcast_convert_type3A_1165 : vector<16xf32>
        %and3A_1167 = vector.broadcast %while3A_345 : i32 to vector<16xi32>
        %and3A_1168 = arith.andi %get3A_1094, %and3A_1167 : vector<16xi32>
        %bitcast_convert_type3A_1169 = tpu.bitcast %and3A_1168 : vector<16xi32> -> vector<16xf32>
        %mul3A_1170 = arith.mulf %get3A_1134, %bitcast_convert_type3A_1169 : vector<16xf32>
        %and3A_1171 = vector.broadcast %while3A_345 : i32 to vector<16xi32>
        %and3A_1172 = arith.andi %get3A_1102, %and3A_1171 : vector<16xi32>
        %bitcast_convert_type3A_1173 = tpu.bitcast %and3A_1172 : vector<16xi32> -> vector<16xf32>
        %mul3A_1174 = arith.mulf %get3A_1138, %bitcast_convert_type3A_1173 : vector<16xf32>
        %and3A_1175 = vector.broadcast %while3A_345 : i32 to vector<16xi32>
        %and3A_1176 = arith.andi %get3A_1110, %and3A_1175 : vector<16xi32>
        %bitcast_convert_type3A_1177 = tpu.bitcast %and3A_1176 : vector<16xi32> -> vector<16xf32>
        %mul3A_1178 = arith.mulf %get3A_1142, %bitcast_convert_type3A_1177 : vector<16xf32>
        %swap3A_1179 = arith.index_cast %scan3A_1072 : i32 to index
        %swap3A_1180 = arith.constant 0 : index
        %swap3A_1181 = tpu.vector_load %arg11[%swap3A_1179, %swap3A_1180] {strides = array<i32>} : memref<64x128xf32, #tpu.memory_space<vmem>>, vector<1x16xf32>,
        %swap3A_1182 = vector.shape_cast %swap3A_1181 : vector<1x16xf32> to vector<16xf32>
        %swap3A_1183 = vector.shape_cast %mul3A_1147 : vector<16xf32> to vector<1x16xf32>
        tpu.vector_store %arg11[%swap3A_1179, %swap3A_1180], %swap3A_1183 {strides = array<i32>} : memref<64x128xf32, #tpu.memory_space<vmem>>, vector<1x16xf32>,
        %swap3A_1184 = arith.index_cast %scan3A_1072 : i32 to index
        %swap3A_1185 = arith.constant 16 : index
        %swap3A_1186 = tpu.vector_load %arg11[%swap3A_1184, %swap3A_1185] {strides = array<i32>} : memref<64x128xf32, #tpu.memory_space<vmem>>, vector<1x16xf32>,
        %swap3A_1187 = vector.shape_cast %swap3A_1186 : vector<1x16xf32> to vector<16xf32>
        %swap3A_1188 = vector.shape_cast %mul3A_1166 : vector<16xf32> to vector<1x16xf32>
        tpu.vector_store %arg11[%swap3A_1184, %swap3A_1185], %swap3A_1188 {strides = array<i32>} : memref<64x128xf32, #tpu.memory_space<vmem>>, vector<1x16xf32>,
        %swap3A_1189 = arith.index_cast %scan3A_1072 : i32 to index
        %swap3A_1190 = arith.constant 32 : index
        %swap3A_1191 = tpu.vector_load %arg11[%swap3A_1189, %swap3A_1190] {strides = array<i32>} : memref<64x128xf32, #tpu.memory_space<vmem>>, vector<1x16xf32>,
        %swap3A_1192 = vector.shape_cast %swap3A_1191 : vector<1x16xf32> to vector<16xf32>
        %swap3A_1193 = vector.shape_cast %mul3A_1152 : vector<16xf32> to vector<1x16xf32>
        tpu.vector_store %arg11[%swap3A_1189, %swap3A_1190], %swap3A_1193 {strides = array<i32>} : memref<64x128xf32, #tpu.memory_space<vmem>>, vector<1x16xf32>,
        %swap3A_1194 = arith.index_cast %scan3A_1072 : i32 to index
        %swap3A_1195 = arith.constant 48 : index
        %swap3A_1196 = tpu.vector_load %arg11[%swap3A_1194, %swap3A_1195] {strides = array<i32>} : memref<64x128xf32, #tpu.memory_space<vmem>>, vector<1x16xf32>,
        %swap3A_1197 = vector.shape_cast %swap3A_1196 : vector<1x16xf32> to vector<16xf32>
        %swap3A_1198 = vector.shape_cast %mul3A_1170 : vector<16xf32> to vector<1x16xf32>
        tpu.vector_store %arg11[%swap3A_1194, %swap3A_1195], %swap3A_1198 {strides = array<i32>} : memref<64x128xf32, #tpu.memory_space<vmem>>, vector<1x16xf32>,
        %swap3A_1199 = arith.index_cast %scan3A_1072 : i32 to index
        %swap3A_1200 = arith.constant 64 : index
        %swap3A_1201 = tpu.vector_load %arg11[%swap3A_1199, %swap3A_1200] {strides = array<i32>} : memref<64x128xf32, #tpu.memory_space<vmem>>, vector<1x16xf32>,
        %swap3A_1202 = vector.shape_cast %swap3A_1201 : vector<1x16xf32> to vector<16xf32>
        %swap3A_1203 = vector.shape_cast %mul3A_1157 : vector<16xf32> to vector<1x16xf32>
        tpu.vector_store %arg11[%swap3A_1199, %swap3A_1200], %swap3A_1203 {strides = array<i32>} : memref<64x128xf32, #tpu.memory_space<vmem>>, vector<1x16xf32>,
        %swap3A_1204 = arith.index_cast %scan3A_1072 : i32 to index
        %swap3A_1205 = arith.constant 80 : index
        %swap3A_1206 = tpu.vector_load %arg11[%swap3A_1204, %swap3A_1205] {strides = array<i32>} : memref<64x128xf32, #tpu.memory_space<vmem>>, vector<1x16xf32>,
        %swap3A_1207 = vector.shape_cast %swap3A_1206 : vector<1x16xf32> to vector<16xf32>
        %swap3A_1208 = vector.shape_cast %mul3A_1174 : vector<16xf32> to vector<1x16xf32>
        tpu.vector_store %arg11[%swap3A_1204, %swap3A_1205], %swap3A_1208 {strides = array<i32>} : memref<64x128xf32, #tpu.memory_space<vmem>>, vector<1x16xf32>,
        %swap3A_1209 = arith.index_cast %scan3A_1072 : i32 to index
        %swap3A_1210 = arith.constant 96 : index
        %swap3A_1211 = tpu.vector_load %arg11[%swap3A_1209, %swap3A_1210] {strides = array<i32>} : memref<64x128xf32, #tpu.memory_space<vmem>>, vector<1x16xf32>,
        %swap3A_1212 = vector.shape_cast %swap3A_1211 : vector<1x16xf32> to vector<16xf32>
        %swap3A_1213 = vector.shape_cast %mul3A_1162 : vector<16xf32> to vector<1x16xf32>
        tpu.vector_store %arg11[%swap3A_1209, %swap3A_1210], %swap3A_1213 {strides = array<i32>} : memref<64x128xf32, #tpu.memory_space<vmem>>, vector<1x16xf32>,
        %swap3A_1214 = arith.index_cast %scan3A_1072 : i32 to index
        %swap3A_1215 = arith.constant 112 : index
        %swap3A_1216 = tpu.vector_load %arg11[%swap3A_1214, %swap3A_1215] {strides = array<i32>} : memref<64x128xf32, #tpu.memory_space<vmem>>, vector<1x16xf32>,
        %swap3A_1217 = vector.shape_cast %swap3A_1216 : vector<1x16xf32> to vector<16xf32>
        %swap3A_1218 = vector.shape_cast %mul3A_1178 : vector<16xf32> to vector<1x16xf32>
        tpu.vector_store %arg11[%swap3A_1214, %swap3A_1215], %swap3A_1218 {strides = array<i32>} : memref<64x128xf32, #tpu.memory_space<vmem>>, vector<1x16xf32>,
        %scan3A_1219 = arith.constant 2 : i32
        %scan3A_1220 = arith.addi %scan3A_927, %scan3A_1219 : i32
        %shift_right_arithmetic3A_1221 = arith.constant 3 : i32
        %shift_right_arithmetic3A_1222 = arith.shrsi %scan3A_1220, %shift_right_arithmetic3A_1221 : i32
        %and3A_1223 = arith.constant 7 : i32
        %and3A_1224 = arith.andi %scan3A_1220, %and3A_1223 : i32
        %mul3A_1225 = arith.constant 64 : i32
        %mul3A_1226 = arith.muli %and3A_1224, %mul3A_1225 : i32
        %add3A_1227 = arith.constant 0 : i32
        %add3A_1228 = arith.addi %mul3A_1226, %add3A_1227 : i32
        %get3A_1229 = arith.constant 1 : i32
        %get3A_1230 = arith.index_cast %get3A_1229 : i32 to index
        %get3A_1231 = arith.index_cast %shift_right_arithmetic3A_1222 : i32 to index
        %get3A_1232 = arith.index_cast %add3A_1228 : i32 to index
        %get3A_1233 = tpu.vector_load %arg12[%get3A_1230, %get3A_1231, %get3A_1232] {strides = array<i32>} : memref<2x8x512xi32, #tpu.memory_space<vmem>>, vector<1x1x16xi32>,
        %get3A_1234 = vector.shape_cast %get3A_1233 : vector<1x1x16xi32> to vector<16xi32>
        %add3A_1235 = arith.constant 16 : i32
        %add3A_1236 = arith.addi %mul3A_1226, %add3A_1235 : i32
        %get3A_1237 = arith.constant 1 : i32
        %get3A_1238 = arith.index_cast %get3A_1237 : i32 to index
        %get3A_1239 = arith.index_cast %shift_right_arithmetic3A_1222 : i32 to index
        %get3A_1240 = arith.index_cast %add3A_1236 : i32 to index
        %get3A_1241 = tpu.vector_load %arg12[%get3A_1238, %get3A_1239, %get3A_1240] {strides = array<i32>} : memref<2x8x512xi32, #tpu.memory_space<vmem>>, vector<1x1x16xi32>,
        %get3A_1242 = vector.shape_cast %get3A_1241 : vector<1x1x16xi32> to vector<16xi32>
        %add3A_1243 = arith.constant 32 : i32
        %add3A_1244 = arith.addi %mul3A_1226, %add3A_1243 : i32
        %get3A_1245 = arith.constant 1 : i32
        %get3A_1246 = arith.index_cast %get3A_1245 : i32 to index
        %get3A_1247 = arith.index_cast %shift_right_arithmetic3A_1222 : i32 to index
        %get3A_1248 = arith.index_cast %add3A_1244 : i32 to index
        %get3A_1249 = tpu.vector_load %arg12[%get3A_1246, %get3A_1247, %get3A_1248] {strides = array<i32>} : memref<2x8x512xi32, #tpu.memory_space<vmem>>, vector<1x1x16xi32>,
        %get3A_1250 = vector.shape_cast %get3A_1249 : vector<1x1x16xi32> to vector<16xi32>
        %add3A_1251 = arith.constant 48 : i32
        %add3A_1252 = arith.addi %mul3A_1226, %add3A_1251 : i32
        %get3A_1253 = arith.constant 1 : i32
        %get3A_1254 = arith.index_cast %get3A_1253 : i32 to index
        %get3A_1255 = arith.index_cast %shift_right_arithmetic3A_1222 : i32 to index
        %get3A_1256 = arith.index_cast %add3A_1252 : i32 to index
        %get3A_1257 = tpu.vector_load %arg12[%get3A_1254, %get3A_1255, %get3A_1256] {strides = array<i32>} : memref<2x8x512xi32, #tpu.memory_space<vmem>>, vector<1x1x16xi32>,
        %get3A_1258 = vector.shape_cast %get3A_1257 : vector<1x1x16xi32> to vector<16xi32>
        %get3A_1259 = arith.index_cast %scan3A_1220 : i32 to index
        %get3A_1260 = arith.constant 0 : index
        %get3A_1261 = tpu.vector_load %arg11[%get3A_1259, %get3A_1260] {strides = array<i32>} : memref<64x128xf32, #tpu.memory_space<vmem>>, vector<1x16xf32>,
        %get3A_1262 = vector.shape_cast %get3A_1261 : vector<1x16xf32> to vector<16xf32>
        %get3A_1263 = arith.index_cast %scan3A_1220 : i32 to index
        %get3A_1264 = arith.constant 32 : index
        %get3A_1265 = tpu.vector_load %arg11[%get3A_1263, %get3A_1264] {strides = array<i32>} : memref<64x128xf32, #tpu.memory_space<vmem>>, vector<1x16xf32>,
        %get3A_1266 = vector.shape_cast %get3A_1265 : vector<1x16xf32> to vector<16xf32>
        %get3A_1267 = arith.index_cast %scan3A_1220 : i32 to index
        %get3A_1268 = arith.constant 64 : index
        %get3A_1269 = tpu.vector_load %arg11[%get3A_1267, %get3A_1268] {strides = array<i32>} : memref<64x128xf32, #tpu.memory_space<vmem>>, vector<1x16xf32>,
        %get3A_1270 = vector.shape_cast %get3A_1269 : vector<1x16xf32> to vector<16xf32>
        %get3A_1271 = arith.index_cast %scan3A_1220 : i32 to index
        %get3A_1272 = arith.constant 96 : index
        %get3A_1273 = tpu.vector_load %arg11[%get3A_1271, %get3A_1272] {strides = array<i32>} : memref<64x128xf32, #tpu.memory_space<vmem>>, vector<1x16xf32>,
        %get3A_1274 = vector.shape_cast %get3A_1273 : vector<1x16xf32> to vector<16xf32>
        %get3A_1275 = arith.index_cast %scan3A_1220 : i32 to index
        %get3A_1276 = arith.constant 16 : index
        %get3A_1277 = tpu.vector_load %arg11[%get3A_1275, %get3A_1276] {strides = array<i32>} : memref<64x128xf32, #tpu.memory_space<vmem>>, vector<1x16xf32>,
        %get3A_1278 = vector.shape_cast %get3A_1277 : vector<1x16xf32> to vector<16xf32>
        %get3A_1279 = arith.index_cast %scan3A_1220 : i32 to index
        %get3A_1280 = arith.constant 48 : index
        %get3A_1281 = tpu.vector_load %arg11[%get3A_1279, %get3A_1280] {strides = array<i32>} : memref<64x128xf32, #tpu.memory_space<vmem>>, vector<1x16xf32>,
        %get3A_1282 = vector.shape_cast %get3A_1281 : vector<1x16xf32> to vector<16xf32>
        %get3A_1283 = arith.index_cast %scan3A_1220 : i32 to index
        %get3A_1284 = arith.constant 80 : index
        %get3A_1285 = tpu.vector_load %arg11[%get3A_1283, %get3A_1284] {strides = array<i32>} : memref<64x128xf32, #tpu.memory_space<vmem>>, vector<1x16xf32>,
        %get3A_1286 = vector.shape_cast %get3A_1285 : vector<1x16xf32> to vector<16xf32>
        %get3A_1287 = arith.index_cast %scan3A_1220 : i32 to index
        %get3A_1288 = arith.constant 112 : index
        %get3A_1289 = tpu.vector_load %arg11[%get3A_1287, %get3A_1288] {strides = array<i32>} : memref<64x128xf32, #tpu.memory_space<vmem>>, vector<1x16xf32>,
        %get3A_1290 = vector.shape_cast %get3A_1289 : vector<1x16xf32> to vector<16xf32>
        %shift_left3A_1291 = arith.constant 16 : i32
        %shift_left3A_1292 = vector.broadcast %shift_left3A_1291 : i32 to vector<16xi32>
        %shift_left3A_1293 = arith.shli %get3A_1234, %shift_left3A_1292 : vector<16xi32>
        %bitcast_convert_type3A_1294 = tpu.bitcast %shift_left3A_1293 : vector<16xi32> -> vector<16xf32>
        %mul3A_1295 = arith.mulf %get3A_1262, %bitcast_convert_type3A_1294 : vector<16xf32>
        %shift_left3A_1296 = arith.constant 16 : i32
        %shift_left3A_1297 = vector.broadcast %shift_left3A_1296 : i32 to vector<16xi32>
        %shift_left3A_1298 = arith.shli %get3A_1242, %shift_left3A_1297 : vector<16xi32>
        %bitcast_convert_type3A_1299 = tpu.bitcast %shift_left3A_1298 : vector<16xi32> -> vector<16xf32>
        %mul3A_1300 = arith.mulf %get3A_1266, %bitcast_convert_type3A_1299 : vector<16xf32>
        %shift_left3A_1301 = arith.constant 16 : i32
        %shift_left3A_1302 = vector.broadcast %shift_left3A_1301 : i32 to vector<16xi32>
        %shift_left3A_1303 = arith.shli %get3A_1250, %shift_left3A_1302 : vector<16xi32>
        %bitcast_convert_type3A_1304 = tpu.bitcast %shift_left3A_1303 : vector<16xi32> -> vector<16xf32>
        %mul3A_1305 = arith.mulf %get3A_1270, %bitcast_convert_type3A_1304 : vector<16xf32>
        %shift_left3A_1306 = arith.constant 16 : i32
        %shift_left3A_1307 = vector.broadcast %shift_left3A_1306 : i32 to vector<16xi32>
        %shift_left3A_1308 = arith.shli %get3A_1258, %shift_left3A_1307 : vector<16xi32>
        %bitcast_convert_type3A_1309 = tpu.bitcast %shift_left3A_1308 : vector<16xi32> -> vector<16xf32>
        %mul3A_1310 = arith.mulf %get3A_1274, %bitcast_convert_type3A_1309 : vector<16xf32>
        %and3A_1311 = vector.broadcast %while3A_345 : i32 to vector<16xi32>
        %and3A_1312 = arith.andi %get3A_1234, %and3A_1311 : vector<16xi32>
        %bitcast_convert_type3A_1313 = tpu.bitcast %and3A_1312 : vector<16xi32> -> vector<16xf32>
        %mul3A_1314 = arith.mulf %get3A_1278, %bitcast_convert_type3A_1313 : vector<16xf32>
        %and3A_1315 = vector.broadcast %while3A_345 : i32 to vector<16xi32>
        %and3A_1316 = arith.andi %get3A_1242, %and3A_1315 : vector<16xi32>
        %bitcast_convert_type3A_1317 = tpu.bitcast %and3A_1316 : vector<16xi32> -> vector<16xf32>
        %mul3A_1318 = arith.mulf %get3A_1282, %bitcast_convert_type3A_1317 : vector<16xf32>
        %and3A_1319 = vector.broadcast %while3A_345 : i32 to vector<16xi32>
        %and3A_1320 = arith.andi %get3A_1250, %and3A_1319 : vector<16xi32>
        %bitcast_convert_type3A_1321 = tpu.bitcast %and3A_1320 : vector<16xi32> -> vector<16xf32>
        %mul3A_1322 = arith.mulf %get3A_1286, %bitcast_convert_type3A_1321 : vector<16xf32>
        %and3A_1323 = vector.broadcast %while3A_345 : i32 to vector<16xi32>
        %and3A_1324 = arith.andi %get3A_1258, %and3A_1323 : vector<16xi32>
        %bitcast_convert_type3A_1325 = tpu.bitcast %and3A_1324 : vector<16xi32> -> vector<16xf32>
        %mul3A_1326 = arith.mulf %get3A_1290, %bitcast_convert_type3A_1325 : vector<16xf32>
        %swap3A_1327 = arith.index_cast %scan3A_1220 : i32 to index
        %swap3A_1328 = arith.constant 0 : index
        %swap3A_1329 = tpu.vector_load %arg11[%swap3A_1327, %swap3A_1328] {strides = array<i32>} : memref<64x128xf32, #tpu.memory_space<vmem>>, vector<1x16xf32>,
        %swap3A_1330 = vector.shape_cast %swap3A_1329 : vector<1x16xf32> to vector<16xf32>
        %swap3A_1331 = vector.shape_cast %mul3A_1295 : vector<16xf32> to vector<1x16xf32>
        tpu.vector_store %arg11[%swap3A_1327, %swap3A_1328], %swap3A_1331 {strides = array<i32>} : memref<64x128xf32, #tpu.memory_space<vmem>>, vector<1x16xf32>,
        %swap3A_1332 = arith.index_cast %scan3A_1220 : i32 to index
        %swap3A_1333 = arith.constant 16 : index
        %swap3A_1334 = tpu.vector_load %arg11[%swap3A_1332, %swap3A_1333] {strides = array<i32>} : memref<64x128xf32, #tpu.memory_space<vmem>>, vector<1x16xf32>,
        %swap3A_1335 = vector.shape_cast %swap3A_1334 : vector<1x16xf32> to vector<16xf32>
        %swap3A_1336 = vector.shape_cast %mul3A_1314 : vector<16xf32> to vector<1x16xf32>
        tpu.vector_store %arg11[%swap3A_1332, %swap3A_1333], %swap3A_1336 {strides = array<i32>} : memref<64x128xf32, #tpu.memory_space<vmem>>, vector<1x16xf32>,
        %swap3A_1337 = arith.index_cast %scan3A_1220 : i32 to index
        %swap3A_1338 = arith.constant 32 : index
        %swap3A_1339 = tpu.vector_load %arg11[%swap3A_1337, %swap3A_1338] {strides = array<i32>} : memref<64x128xf32, #tpu.memory_space<vmem>>, vector<1x16xf32>,
        %swap3A_1340 = vector.shape_cast %swap3A_1339 : vector<1x16xf32> to vector<16xf32>
        %swap3A_1341 = vector.shape_cast %mul3A_1300 : vector<16xf32> to vector<1x16xf32>
        tpu.vector_store %arg11[%swap3A_1337, %swap3A_1338], %swap3A_1341 {strides = array<i32>} : memref<64x128xf32, #tpu.memory_space<vmem>>, vector<1x16xf32>,
        %swap3A_1342 = arith.index_cast %scan3A_1220 : i32 to index
        %swap3A_1343 = arith.constant 48 : index
        %swap3A_1344 = tpu.vector_load %arg11[%swap3A_1342, %swap3A_1343] {strides = array<i32>} : memref<64x128xf32, #tpu.memory_space<vmem>>, vector<1x16xf32>,
        %swap3A_1345 = vector.shape_cast %swap3A_1344 : vector<1x16xf32> to vector<16xf32>
        %swap3A_1346 = vector.shape_cast %mul3A_1318 : vector<16xf32> to vector<1x16xf32>
        tpu.vector_store %arg11[%swap3A_1342, %swap3A_1343], %swap3A_1346 {strides = array<i32>} : memref<64x128xf32, #tpu.memory_space<vmem>>, vector<1x16xf32>,
        %swap3A_1347 = arith.index_cast %scan3A_1220 : i32 to index
        %swap3A_1348 = arith.constant 64 : index
        %swap3A_1349 = tpu.vector_load %arg11[%swap3A_1347, %swap3A_1348] {strides = array<i32>} : memref<64x128xf32, #tpu.memory_space<vmem>>, vector<1x16xf32>,
        %swap3A_1350 = vector.shape_cast %swap3A_1349 : vector<1x16xf32> to vector<16xf32>
        %swap3A_1351 = vector.shape_cast %mul3A_1305 : vector<16xf32> to vector<1x16xf32>
        tpu.vector_store %arg11[%swap3A_1347, %swap3A_1348], %swap3A_1351 {strides = array<i32>} : memref<64x128xf32, #tpu.memory_space<vmem>>, vector<1x16xf32>,
        %swap3A_1352 = arith.index_cast %scan3A_1220 : i32 to index
        %swap3A_1353 = arith.constant 80 : index
        %swap3A_1354 = tpu.vector_load %arg11[%swap3A_1352, %swap3A_1353] {strides = array<i32>} : memref<64x128xf32, #tpu.memory_space<vmem>>, vector<1x16xf32>,
        %swap3A_1355 = vector.shape_cast %swap3A_1354 : vector<1x16xf32> to vector<16xf32>
        %swap3A_1356 = vector.shape_cast %mul3A_1322 : vector<16xf32> to vector<1x16xf32>
        tpu.vector_store %arg11[%swap3A_1352, %swap3A_1353], %swap3A_1356 {strides = array<i32>} : memref<64x128xf32, #tpu.memory_space<vmem>>, vector<1x16xf32>,
        %swap3A_1357 = arith.index_cast %scan3A_1220 : i32 to index
        %swap3A_1358 = arith.constant 96 : index
        %swap3A_1359 = tpu.vector_load %arg11[%swap3A_1357, %swap3A_1358] {strides = array<i32>} : memref<64x128xf32, #tpu.memory_space<vmem>>, vector<1x16xf32>,
        %swap3A_1360 = vector.shape_cast %swap3A_1359 : vector<1x16xf32> to vector<16xf32>
        %swap3A_1361 = vector.shape_cast %mul3A_1310 : vector<16xf32> to vector<1x16xf32>
        tpu.vector_store %arg11[%swap3A_1357, %swap3A_1358], %swap3A_1361 {strides = array<i32>} : memref<64x128xf32, #tpu.memory_space<vmem>>, vector<1x16xf32>,
        %swap3A_1362 = arith.index_cast %scan3A_1220 : i32 to index
        %swap3A_1363 = arith.constant 112 : index
        %swap3A_1364 = tpu.vector_load %arg11[%swap3A_1362, %swap3A_1363] {strides = array<i32>} : memref<64x128xf32, #tpu.memory_space<vmem>>, vector<1x16xf32>,
        %swap3A_1365 = vector.shape_cast %swap3A_1364 : vector<1x16xf32> to vector<16xf32>
        %swap3A_1366 = vector.shape_cast %mul3A_1326 : vector<16xf32> to vector<1x16xf32>
        tpu.vector_store %arg11[%swap3A_1362, %swap3A_1363], %swap3A_1366 {strides = array<i32>} : memref<64x128xf32, #tpu.memory_space<vmem>>, vector<1x16xf32>,
        %scan3A_1367 = arith.constant 3 : i32
        %scan3A_1368 = arith.addi %scan3A_927, %scan3A_1367 : i32
        %shift_right_arithmetic3A_1369 = arith.constant 3 : i32
        %shift_right_arithmetic3A_1370 = arith.shrsi %scan3A_1368, %shift_right_arithmetic3A_1369 : i32
        %and3A_1371 = arith.constant 7 : i32
        %and3A_1372 = arith.andi %scan3A_1368, %and3A_1371 : i32
        %mul3A_1373 = arith.constant 64 : i32
        %mul3A_1374 = arith.muli %and3A_1372, %mul3A_1373 : i32
        %add3A_1375 = arith.constant 0 : i32
        %add3A_1376 = arith.addi %mul3A_1374, %add3A_1375 : i32
        %get3A_1377 = arith.constant 1 : i32
        %get3A_1378 = arith.index_cast %get3A_1377 : i32 to index
        %get3A_1379 = arith.index_cast %shift_right_arithmetic3A_1370 : i32 to index
        %get3A_1380 = arith.index_cast %add3A_1376 : i32 to index
        %get3A_1381 = tpu.vector_load %arg12[%get3A_1378, %get3A_1379, %get3A_1380] {strides = array<i32>} : memref<2x8x512xi32, #tpu.memory_space<vmem>>, vector<1x1x16xi32>,
        %get3A_1382 = vector.shape_cast %get3A_1381 : vector<1x1x16xi32> to vector<16xi32>
        %add3A_1383 = arith.constant 16 : i32
        %add3A_1384 = arith.addi %mul3A_1374, %add3A_1383 : i32
        %get3A_1385 = arith.constant 1 : i32
        %get3A_1386 = arith.index_cast %get3A_1385 : i32 to index
        %get3A_1387 = arith.index_cast %shift_right_arithmetic3A_1370 : i32 to index
        %get3A_1388 = arith.index_cast %add3A_1384 : i32 to index
        %get3A_1389 = tpu.vector_load %arg12[%get3A_1386, %get3A_1387, %get3A_1388] {strides = array<i32>} : memref<2x8x512xi32, #tpu.memory_space<vmem>>, vector<1x1x16xi32>,
        %get3A_1390 = vector.shape_cast %get3A_1389 : vector<1x1x16xi32> to vector<16xi32>
        %add3A_1391 = arith.constant 32 : i32
        %add3A_1392 = arith.addi %mul3A_1374, %add3A_1391 : i32
        %get3A_1393 = arith.constant 1 : i32
        %get3A_1394 = arith.index_cast %get3A_1393 : i32 to index
        %get3A_1395 = arith.index_cast %shift_right_arithmetic3A_1370 : i32 to index
        %get3A_1396 = arith.index_cast %add3A_1392 : i32 to index
        %get3A_1397 = tpu.vector_load %arg12[%get3A_1394, %get3A_1395, %get3A_1396] {strides = array<i32>} : memref<2x8x512xi32, #tpu.memory_space<vmem>>, vector<1x1x16xi32>,
        %get3A_1398 = vector.shape_cast %get3A_1397 : vector<1x1x16xi32> to vector<16xi32>
        %add3A_1399 = arith.constant 48 : i32
        %add3A_1400 = arith.addi %mul3A_1374, %add3A_1399 : i32
        %get3A_1401 = arith.constant 1 : i32
        %get3A_1402 = arith.index_cast %get3A_1401 : i32 to index
        %get3A_1403 = arith.index_cast %shift_right_arithmetic3A_1370 : i32 to index
        %get3A_1404 = arith.index_cast %add3A_1400 : i32 to index
        %get3A_1405 = tpu.vector_load %arg12[%get3A_1402, %get3A_1403, %get3A_1404] {strides = array<i32>} : memref<2x8x512xi32, #tpu.memory_space<vmem>>, vector<1x1x16xi32>,
        %get3A_1406 = vector.shape_cast %get3A_1405 : vector<1x1x16xi32> to vector<16xi32>
        %get3A_1407 = arith.index_cast %scan3A_1368 : i32 to index
        %get3A_1408 = arith.constant 0 : index
        %get3A_1409 = tpu.vector_load %arg11[%get3A_1407, %get3A_1408] {strides = array<i32>} : memref<64x128xf32, #tpu.memory_space<vmem>>, vector<1x16xf32>,
        %get3A_1410 = vector.shape_cast %get3A_1409 : vector<1x16xf32> to vector<16xf32>
        %get3A_1411 = arith.index_cast %scan3A_1368 : i32 to index
        %get3A_1412 = arith.constant 32 : index
        %get3A_1413 = tpu.vector_load %arg11[%get3A_1411, %get3A_1412] {strides = array<i32>} : memref<64x128xf32, #tpu.memory_space<vmem>>, vector<1x16xf32>,
        %get3A_1414 = vector.shape_cast %get3A_1413 : vector<1x16xf32> to vector<16xf32>
        %get3A_1415 = arith.index_cast %scan3A_1368 : i32 to index
        %get3A_1416 = arith.constant 64 : index
        %get3A_1417 = tpu.vector_load %arg11[%get3A_1415, %get3A_1416] {strides = array<i32>} : memref<64x128xf32, #tpu.memory_space<vmem>>, vector<1x16xf32>,
        %get3A_1418 = vector.shape_cast %get3A_1417 : vector<1x16xf32> to vector<16xf32>
        %get3A_1419 = arith.index_cast %scan3A_1368 : i32 to index
        %get3A_1420 = arith.constant 96 : index
        %get3A_1421 = tpu.vector_load %arg11[%get3A_1419, %get3A_1420] {strides = array<i32>} : memref<64x128xf32, #tpu.memory_space<vmem>>, vector<1x16xf32>,
        %get3A_1422 = vector.shape_cast %get3A_1421 : vector<1x16xf32> to vector<16xf32>
        %get3A_1423 = arith.index_cast %scan3A_1368 : i32 to index
        %get3A_1424 = arith.constant 16 : index
        %get3A_1425 = tpu.vector_load %arg11[%get3A_1423, %get3A_1424] {strides = array<i32>} : memref<64x128xf32, #tpu.memory_space<vmem>>, vector<1x16xf32>,
        %get3A_1426 = vector.shape_cast %get3A_1425 : vector<1x16xf32> to vector<16xf32>
        %get3A_1427 = arith.index_cast %scan3A_1368 : i32 to index
        %get3A_1428 = arith.constant 48 : index
        %get3A_1429 = tpu.vector_load %arg11[%get3A_1427, %get3A_1428] {strides = array<i32>} : memref<64x128xf32, #tpu.memory_space<vmem>>, vector<1x16xf32>,
        %get3A_1430 = vector.shape_cast %get3A_1429 : vector<1x16xf32> to vector<16xf32>
        %get3A_1431 = arith.index_cast %scan3A_1368 : i32 to index
        %get3A_1432 = arith.constant 80 : index
        %get3A_1433 = tpu.vector_load %arg11[%get3A_1431, %get3A_1432] {strides = array<i32>} : memref<64x128xf32, #tpu.memory_space<vmem>>, vector<1x16xf32>,
        %get3A_1434 = vector.shape_cast %get3A_1433 : vector<1x16xf32> to vector<16xf32>
        %get3A_1435 = arith.index_cast %scan3A_1368 : i32 to index
        %get3A_1436 = arith.constant 112 : index
        %get3A_1437 = tpu.vector_load %arg11[%get3A_1435, %get3A_1436] {strides = array<i32>} : memref<64x128xf32, #tpu.memory_space<vmem>>, vector<1x16xf32>,
        %get3A_1438 = vector.shape_cast %get3A_1437 : vector<1x16xf32> to vector<16xf32>
        %shift_left3A_1439 = arith.constant 16 : i32
        %shift_left3A_1440 = vector.broadcast %shift_left3A_1439 : i32 to vector<16xi32>
        %shift_left3A_1441 = arith.shli %get3A_1382, %shift_left3A_1440 : vector<16xi32>
        %bitcast_convert_type3A_1442 = tpu.bitcast %shift_left3A_1441 : vector<16xi32> -> vector<16xf32>
        %mul3A_1443 = arith.mulf %get3A_1410, %bitcast_convert_type3A_1442 : vector<16xf32>
        %shift_left3A_1444 = arith.constant 16 : i32
        %shift_left3A_1445 = vector.broadcast %shift_left3A_1444 : i32 to vector<16xi32>
        %shift_left3A_1446 = arith.shli %get3A_1390, %shift_left3A_1445 : vector<16xi32>
        %bitcast_convert_type3A_1447 = tpu.bitcast %shift_left3A_1446 : vector<16xi32> -> vector<16xf32>
        %mul3A_1448 = arith.mulf %get3A_1414, %bitcast_convert_type3A_1447 : vector<16xf32>
        %shift_left3A_1449 = arith.constant 16 : i32
        %shift_left3A_1450 = vector.broadcast %shift_left3A_1449 : i32 to vector<16xi32>
        %shift_left3A_1451 = arith.shli %get3A_1398, %shift_left3A_1450 : vector<16xi32>
        %bitcast_convert_type3A_1452 = tpu.bitcast %shift_left3A_1451 : vector<16xi32> -> vector<16xf32>
        %mul3A_1453 = arith.mulf %get3A_1418, %bitcast_convert_type3A_1452 : vector<16xf32>
        %shift_left3A_1454 = arith.constant 16 : i32
        %shift_left3A_1455 = vector.broadcast %shift_left3A_1454 : i32 to vector<16xi32>
        %shift_left3A_1456 = arith.shli %get3A_1406, %shift_left3A_1455 : vector<16xi32>
        %bitcast_convert_type3A_1457 = tpu.bitcast %shift_left3A_1456 : vector<16xi32> -> vector<16xf32>
        %mul3A_1458 = arith.mulf %get3A_1422, %bitcast_convert_type3A_1457 : vector<16xf32>
        %and3A_1459 = vector.broadcast %while3A_345 : i32 to vector<16xi32>
        %and3A_1460 = arith.andi %get3A_1382, %and3A_1459 : vector<16xi32>
        %bitcast_convert_type3A_1461 = tpu.bitcast %and3A_1460 : vector<16xi32> -> vector<16xf32>
        %mul3A_1462 = arith.mulf %get3A_1426, %bitcast_convert_type3A_1461 : vector<16xf32>
        %and3A_1463 = vector.broadcast %while3A_345 : i32 to vector<16xi32>
        %and3A_1464 = arith.andi %get3A_1390, %and3A_1463 : vector<16xi32>
        %bitcast_convert_type3A_1465 = tpu.bitcast %and3A_1464 : vector<16xi32> -> vector<16xf32>
        %mul3A_1466 = arith.mulf %get3A_1430, %bitcast_convert_type3A_1465 : vector<16xf32>
        %and3A_1467 = vector.broadcast %while3A_345 : i32 to vector<16xi32>
        %and3A_1468 = arith.andi %get3A_1398, %and3A_1467 : vector<16xi32>
        %bitcast_convert_type3A_1469 = tpu.bitcast %and3A_1468 : vector<16xi32> -> vector<16xf32>
        %mul3A_1470 = arith.mulf %get3A_1434, %bitcast_convert_type3A_1469 : vector<16xf32>
        %and3A_1471 = vector.broadcast %while3A_345 : i32 to vector<16xi32>
        %and3A_1472 = arith.andi %get3A_1406, %and3A_1471 : vector<16xi32>
        %bitcast_convert_type3A_1473 = tpu.bitcast %and3A_1472 : vector<16xi32> -> vector<16xf32>
        %mul3A_1474 = arith.mulf %get3A_1438, %bitcast_convert_type3A_1473 : vector<16xf32>
        %swap3A_1475 = arith.index_cast %scan3A_1368 : i32 to index
        %swap3A_1476 = arith.constant 0 : index
        %swap3A_1477 = tpu.vector_load %arg11[%swap3A_1475, %swap3A_1476] {strides = array<i32>} : memref<64x128xf32, #tpu.memory_space<vmem>>, vector<1x16xf32>,
        %swap3A_1478 = vector.shape_cast %swap3A_1477 : vector<1x16xf32> to vector<16xf32>
        %swap3A_1479 = vector.shape_cast %mul3A_1443 : vector<16xf32> to vector<1x16xf32>
        tpu.vector_store %arg11[%swap3A_1475, %swap3A_1476], %swap3A_1479 {strides = array<i32>} : memref<64x128xf32, #tpu.memory_space<vmem>>, vector<1x16xf32>,
        %swap3A_1480 = arith.index_cast %scan3A_1368 : i32 to index
        %swap3A_1481 = arith.constant 16 : index
        %swap3A_1482 = tpu.vector_load %arg11[%swap3A_1480, %swap3A_1481] {strides = array<i32>} : memref<64x128xf32, #tpu.memory_space<vmem>>, vector<1x16xf32>,
        %swap3A_1483 = vector.shape_cast %swap3A_1482 : vector<1x16xf32> to vector<16xf32>
        %swap3A_1484 = vector.shape_cast %mul3A_1462 : vector<16xf32> to vector<1x16xf32>
        tpu.vector_store %arg11[%swap3A_1480, %swap3A_1481], %swap3A_1484 {strides = array<i32>} : memref<64x128xf32, #tpu.memory_space<vmem>>, vector<1x16xf32>,
        %swap3A_1485 = arith.index_cast %scan3A_1368 : i32 to index
        %swap3A_1486 = arith.constant 32 : index
        %swap3A_1487 = tpu.vector_load %arg11[%swap3A_1485, %swap3A_1486] {strides = array<i32>} : memref<64x128xf32, #tpu.memory_space<vmem>>, vector<1x16xf32>,
        %swap3A_1488 = vector.shape_cast %swap3A_1487 : vector<1x16xf32> to vector<16xf32>
        %swap3A_1489 = vector.shape_cast %mul3A_1448 : vector<16xf32> to vector<1x16xf32>
        tpu.vector_store %arg11[%swap3A_1485, %swap3A_1486], %swap3A_1489 {strides = array<i32>} : memref<64x128xf32, #tpu.memory_space<vmem>>, vector<1x16xf32>,
        %swap3A_1490 = arith.index_cast %scan3A_1368 : i32 to index
        %swap3A_1491 = arith.constant 48 : index
        %swap3A_1492 = tpu.vector_load %arg11[%swap3A_1490, %swap3A_1491] {strides = array<i32>} : memref<64x128xf32, #tpu.memory_space<vmem>>, vector<1x16xf32>,
        %swap3A_1493 = vector.shape_cast %swap3A_1492 : vector<1x16xf32> to vector<16xf32>
        %swap3A_1494 = vector.shape_cast %mul3A_1466 : vector<16xf32> to vector<1x16xf32>
        tpu.vector_store %arg11[%swap3A_1490, %swap3A_1491], %swap3A_1494 {strides = array<i32>} : memref<64x128xf32, #tpu.memory_space<vmem>>, vector<1x16xf32>,
        %swap3A_1495 = arith.index_cast %scan3A_1368 : i32 to index
        %swap3A_1496 = arith.constant 64 : index
        %swap3A_1497 = tpu.vector_load %arg11[%swap3A_1495, %swap3A_1496] {strides = array<i32>} : memref<64x128xf32, #tpu.memory_space<vmem>>, vector<1x16xf32>,
        %swap3A_1498 = vector.shape_cast %swap3A_1497 : vector<1x16xf32> to vector<16xf32>
        %swap3A_1499 = vector.shape_cast %mul3A_1453 : vector<16xf32> to vector<1x16xf32>
        tpu.vector_store %arg11[%swap3A_1495, %swap3A_1496], %swap3A_1499 {strides = array<i32>} : memref<64x128xf32, #tpu.memory_space<vmem>>, vector<1x16xf32>,
        %swap3A_1500 = arith.index_cast %scan3A_1368 : i32 to index
        %swap3A_1501 = arith.constant 80 : index
        %swap3A_1502 = tpu.vector_load %arg11[%swap3A_1500, %swap3A_1501] {strides = array<i32>} : memref<64x128xf32, #tpu.memory_space<vmem>>, vector<1x16xf32>,
        %swap3A_1503 = vector.shape_cast %swap3A_1502 : vector<1x16xf32> to vector<16xf32>
        %swap3A_1504 = vector.shape_cast %mul3A_1470 : vector<16xf32> to vector<1x16xf32>
        tpu.vector_store %arg11[%swap3A_1500, %swap3A_1501], %swap3A_1504 {strides = array<i32>} : memref<64x128xf32, #tpu.memory_space<vmem>>, vector<1x16xf32>,
        %swap3A_1505 = arith.index_cast %scan3A_1368 : i32 to index
        %swap3A_1506 = arith.constant 96 : index
        %swap3A_1507 = tpu.vector_load %arg11[%swap3A_1505, %swap3A_1506] {strides = array<i32>} : memref<64x128xf32, #tpu.memory_space<vmem>>, vector<1x16xf32>,
        %swap3A_1508 = vector.shape_cast %swap3A_1507 : vector<1x16xf32> to vector<16xf32>
        %swap3A_1509 = vector.shape_cast %mul3A_1458 : vector<16xf32> to vector<1x16xf32>
        tpu.vector_store %arg11[%swap3A_1505, %swap3A_1506], %swap3A_1509 {strides = array<i32>} : memref<64x128xf32, #tpu.memory_space<vmem>>, vector<1x16xf32>,
        %swap3A_1510 = arith.index_cast %scan3A_1368 : i32 to index
        %swap3A_1511 = arith.constant 112 : index
        %swap3A_1512 = tpu.vector_load %arg11[%swap3A_1510, %swap3A_1511] {strides = array<i32>} : memref<64x128xf32, #tpu.memory_space<vmem>>, vector<1x16xf32>,
        %swap3A_1513 = vector.shape_cast %swap3A_1512 : vector<1x16xf32> to vector<16xf32>
        %swap3A_1514 = vector.shape_cast %mul3A_1474 : vector<16xf32> to vector<1x16xf32>
        tpu.vector_store %arg11[%swap3A_1510, %swap3A_1511], %swap3A_1514 {strides = array<i32>} : memref<64x128xf32, #tpu.memory_space<vmem>>, vector<1x16xf32>,
      }
      %scan3A_773 = arith.constant 64 : i32
      %run_scoped3A_774 = arith.constant 1 : i32
      "tpu.region"() ({
        %run_scoped3A_927 = tpu.sem_alloc : memref<!tpu.dma_semaphore, #tpu.memory_space<semaphore_mem>>
        %dma_start3A_928 = arith.constant 0 : i32
        %dma_start3A_929 = tpu.memref_slice %arg9[%run_scoped3A_774, %dma_start3A_928] : memref<2x64xi32, #tpu.memory_space<vmem>> -> memref<1x64xi32, #tpu.memory_space<vmem>>
        %dma_start3A_930 = tpu.memref_squeeze %dma_start3A_929 : memref<1x64xi32, #tpu.memory_space<vmem>> -> memref<64xi32, #tpu.memory_space<vmem>>
        %dma_start3A_931 = arith.constant 0 : i32
        %dma_start3A_932 = arith.constant 0 : i32
        %dma_start3A_933 = tpu.memref_slice %arg13[%dma_start3A_931, %dma_start3A_932] : memref<10240x128xf32, #tpu.memory_space<vmem_shared>> -> memref<10240x128xf32, #tpu.memory_space<vmem_shared>>
        tpu.enqueue_indirect_dma source(%arg11 : memref<64x128xf32, #tpu.memory_space<vmem>>) target(%dma_start3A_933 : memref<10240x128xf32, #tpu.memory_space<vmem_shared>>) offsets(%dma_start3A_930 : memref<64xi32, #tpu.memory_space<vmem>>) semaphore(%run_scoped3A_927 : memref<!tpu.dma_semaphore, #tpu.memory_space<semaphore_mem>>) {add = true}
        %dma_wait3A_934 = arith.constant 0 : i32
        %dma_wait3A_935 = tpu.memref_slice %arg9[%run_scoped3A_774, %dma_wait3A_934] : memref<2x64xi32, #tpu.memory_space<vmem>> -> memref<1x64xi32, #tpu.memory_space<vmem>>
        %dma_wait3A_936 = tpu.memref_squeeze %dma_wait3A_935 : memref<1x64xi32, #tpu.memory_space<vmem>> -> memref<64xi32, #tpu.memory_space<vmem>>
        %dma_wait3A_937 = arith.constant 0 : i32
        %dma_wait3A_938 = arith.constant 0 : i32
        %dma_wait3A_939 = tpu.memref_slice %arg13[%dma_wait3A_937, %dma_wait3A_938] : memref<10240x128xf32, #tpu.memory_space<vmem_shared>> -> memref<10240x128xf32, #tpu.memory_space<vmem_shared>>
        tpu.wait_indirect_dma semaphore(%run_scoped3A_927 : memref<!tpu.dma_semaphore, #tpu.memory_space<semaphore_mem>>) src(%arg11 : memref<64x128xf32, #tpu.memory_space<vmem>>) dst(%dma_wait3A_939 : memref<10240x128xf32, #tpu.memory_space<vmem_shared>>)
        tpu.yield
      }) : () -> ()
      %add3A_775 = arith.constant 2 : i32
      %add3A_776 = arith.addi %add3A_716, %add3A_775 : i32
      %sub3A_777 = arith.constant 1 : i32
      %sub3A_778 = arith.subi %select_n3A, %sub3A_777 : i32
      %min3A_779 = arith.minsi %add3A_776, %sub3A_778 : i32
      %mul3A_780 = arith.constant 64 : i32
      %mul3A_781 = arith.muli %min3A_779, %mul3A_780 : i32
      %add3A_782 = arith.constant 0 : i32
      %add3A_783 = arith.addi %mul3A_781, %add3A_782 : i32
      %get3A_784 = arith.index_cast %add3A_783 : i32 to index
      %get3A_785 = tpu.vector_load %arg7[%get3A_784] {strides = array<i32>} : memref<13312xi32, #tpu.memory_space<vmem>>, vector<16xi32>,
      %get3A_786 = vector.shape_cast %get3A_785 : vector<16xi32> to vector<16xi32>
      %shift_right_logical3A_787 = arith.constant 16 : i32
      %shift_right_logical3A_788 = vector.broadcast %shift_right_logical3A_787 : i32 to vector<16xi32>
      %shift_right_logical3A_789 = arith.shrui %get3A_786, %shift_right_logical3A_788 : vector<16xi32>
      %swap3A_790 = arith.constant 1 : i32
      %swap3A_791 = arith.index_cast %swap3A_790 : i32 to index
      %swap3A_792 = arith.constant 0 : index
      %swap3A_793 = tpu.vector_load %arg8[%swap3A_791, %swap3A_792] {strides = array<i32>} : memref<2x64xi32, #tpu.memory_space<vmem>>, vector<1x16xi32>,
      %swap3A_794 = vector.shape_cast %swap3A_793 : vector<1x16xi32> to vector<16xi32>
      %swap3A_795 = vector.shape_cast %shift_right_logical3A_789 : vector<16xi32> to vector<1x16xi32>
      tpu.vector_store %arg8[%swap3A_791, %swap3A_792], %swap3A_795 {strides = array<i32>} : memref<2x64xi32, #tpu.memory_space<vmem>>, vector<1x16xi32>,
      %and3A_796 = arith.constant 65535 : i32
      %and3A_797 = vector.broadcast %and3A_796 : i32 to vector<16xi32>
      %and3A_798 = arith.andi %get3A_786, %and3A_797 : vector<16xi32>
      %swap3A_799 = arith.constant 1 : i32
      %swap3A_800 = arith.index_cast %swap3A_799 : i32 to index
      %swap3A_801 = arith.constant 0 : index
      %swap3A_802 = tpu.vector_load %arg9[%swap3A_800, %swap3A_801] {strides = array<i32>} : memref<2x64xi32, #tpu.memory_space<vmem>>, vector<1x16xi32>,
      %swap3A_803 = vector.shape_cast %swap3A_802 : vector<1x16xi32> to vector<16xi32>
      %swap3A_804 = vector.shape_cast %and3A_798 : vector<16xi32> to vector<1x16xi32>
      tpu.vector_store %arg9[%swap3A_800, %swap3A_801], %swap3A_804 {strides = array<i32>} : memref<2x64xi32, #tpu.memory_space<vmem>>, vector<1x16xi32>,
      %add3A_805 = arith.constant 16 : i32
      %add3A_806 = arith.addi %mul3A_781, %add3A_805 : i32
      %get3A_807 = arith.index_cast %add3A_806 : i32 to index
      %get3A_808 = tpu.vector_load %arg7[%get3A_807] {strides = array<i32>} : memref<13312xi32, #tpu.memory_space<vmem>>, vector<16xi32>,
      %get3A_809 = vector.shape_cast %get3A_808 : vector<16xi32> to vector<16xi32>
      %shift_right_logical3A_810 = arith.constant 16 : i32
      %shift_right_logical3A_811 = vector.broadcast %shift_right_logical3A_810 : i32 to vector<16xi32>
      %shift_right_logical3A_812 = arith.shrui %get3A_809, %shift_right_logical3A_811 : vector<16xi32>
      %swap3A_813 = arith.constant 1 : i32
      %swap3A_814 = arith.index_cast %swap3A_813 : i32 to index
      %swap3A_815 = arith.constant 16 : index
      %swap3A_816 = tpu.vector_load %arg8[%swap3A_814, %swap3A_815] {strides = array<i32>} : memref<2x64xi32, #tpu.memory_space<vmem>>, vector<1x16xi32>,
      %swap3A_817 = vector.shape_cast %swap3A_816 : vector<1x16xi32> to vector<16xi32>
      %swap3A_818 = vector.shape_cast %shift_right_logical3A_812 : vector<16xi32> to vector<1x16xi32>
      tpu.vector_store %arg8[%swap3A_814, %swap3A_815], %swap3A_818 {strides = array<i32>} : memref<2x64xi32, #tpu.memory_space<vmem>>, vector<1x16xi32>,
      %and3A_819 = arith.constant 65535 : i32
      %and3A_820 = vector.broadcast %and3A_819 : i32 to vector<16xi32>
      %and3A_821 = arith.andi %get3A_809, %and3A_820 : vector<16xi32>
      %swap3A_822 = arith.constant 1 : i32
      %swap3A_823 = arith.index_cast %swap3A_822 : i32 to index
      %swap3A_824 = arith.constant 16 : index
      %swap3A_825 = tpu.vector_load %arg9[%swap3A_823, %swap3A_824] {strides = array<i32>} : memref<2x64xi32, #tpu.memory_space<vmem>>, vector<1x16xi32>,
      %swap3A_826 = vector.shape_cast %swap3A_825 : vector<1x16xi32> to vector<16xi32>
      %swap3A_827 = vector.shape_cast %and3A_821 : vector<16xi32> to vector<1x16xi32>
      tpu.vector_store %arg9[%swap3A_823, %swap3A_824], %swap3A_827 {strides = array<i32>} : memref<2x64xi32, #tpu.memory_space<vmem>>, vector<1x16xi32>,
      %add3A_828 = arith.constant 32 : i32
      %add3A_829 = arith.addi %mul3A_781, %add3A_828 : i32
      %get3A_830 = arith.index_cast %add3A_829 : i32 to index
      %get3A_831 = tpu.vector_load %arg7[%get3A_830] {strides = array<i32>} : memref<13312xi32, #tpu.memory_space<vmem>>, vector<16xi32>,
      %get3A_832 = vector.shape_cast %get3A_831 : vector<16xi32> to vector<16xi32>
      %shift_right_logical3A_833 = arith.constant 16 : i32
      %shift_right_logical3A_834 = vector.broadcast %shift_right_logical3A_833 : i32 to vector<16xi32>
      %shift_right_logical3A_835 = arith.shrui %get3A_832, %shift_right_logical3A_834 : vector<16xi32>
      %swap3A_836 = arith.constant 1 : i32
      %swap3A_837 = arith.index_cast %swap3A_836 : i32 to index
      %swap3A_838 = arith.constant 32 : index
      %swap3A_839 = tpu.vector_load %arg8[%swap3A_837, %swap3A_838] {strides = array<i32>} : memref<2x64xi32, #tpu.memory_space<vmem>>, vector<1x16xi32>,
      %swap3A_840 = vector.shape_cast %swap3A_839 : vector<1x16xi32> to vector<16xi32>
      %swap3A_841 = vector.shape_cast %shift_right_logical3A_835 : vector<16xi32> to vector<1x16xi32>
      tpu.vector_store %arg8[%swap3A_837, %swap3A_838], %swap3A_841 {strides = array<i32>} : memref<2x64xi32, #tpu.memory_space<vmem>>, vector<1x16xi32>,
      %and3A_842 = arith.constant 65535 : i32
      %and3A_843 = vector.broadcast %and3A_842 : i32 to vector<16xi32>
      %and3A_844 = arith.andi %get3A_832, %and3A_843 : vector<16xi32>
      %swap3A_845 = arith.constant 1 : i32
      %swap3A_846 = arith.index_cast %swap3A_845 : i32 to index
      %swap3A_847 = arith.constant 32 : index
      %swap3A_848 = tpu.vector_load %arg9[%swap3A_846, %swap3A_847] {strides = array<i32>} : memref<2x64xi32, #tpu.memory_space<vmem>>, vector<1x16xi32>,
      %swap3A_849 = vector.shape_cast %swap3A_848 : vector<1x16xi32> to vector<16xi32>
      %swap3A_850 = vector.shape_cast %and3A_844 : vector<16xi32> to vector<1x16xi32>
      tpu.vector_store %arg9[%swap3A_846, %swap3A_847], %swap3A_850 {strides = array<i32>} : memref<2x64xi32, #tpu.memory_space<vmem>>, vector<1x16xi32>,
      %add3A_851 = arith.constant 48 : i32
      %add3A_852 = arith.addi %mul3A_781, %add3A_851 : i32
      %get3A_853 = arith.index_cast %add3A_852 : i32 to index
      %get3A_854 = tpu.vector_load %arg7[%get3A_853] {strides = array<i32>} : memref<13312xi32, #tpu.memory_space<vmem>>, vector<16xi32>,
      %get3A_855 = vector.shape_cast %get3A_854 : vector<16xi32> to vector<16xi32>
      %shift_right_logical3A_856 = arith.constant 16 : i32
      %shift_right_logical3A_857 = vector.broadcast %shift_right_logical3A_856 : i32 to vector<16xi32>
      %shift_right_logical3A_858 = arith.shrui %get3A_855, %shift_right_logical3A_857 : vector<16xi32>
      %swap3A_859 = arith.constant 1 : i32
      %swap3A_860 = arith.index_cast %swap3A_859 : i32 to index
      %swap3A_861 = arith.constant 48 : index
      %swap3A_862 = tpu.vector_load %arg8[%swap3A_860, %swap3A_861] {strides = array<i32>} : memref<2x64xi32, #tpu.memory_space<vmem>>, vector<1x16xi32>,
      %swap3A_863 = vector.shape_cast %swap3A_862 : vector<1x16xi32> to vector<16xi32>
      %swap3A_864 = vector.shape_cast %shift_right_logical3A_858 : vector<16xi32> to vector<1x16xi32>
      tpu.vector_store %arg8[%swap3A_860, %swap3A_861], %swap3A_864 {strides = array<i32>} : memref<2x64xi32, #tpu.memory_space<vmem>>, vector<1x16xi32>,
      %and3A_865 = arith.constant 65535 : i32
      %and3A_866 = vector.broadcast %and3A_865 : i32 to vector<16xi32>
      %and3A_867 = arith.andi %get3A_855, %and3A_866 : vector<16xi32>
      %swap3A_868 = arith.constant 1 : i32
      %swap3A_869 = arith.index_cast %swap3A_868 : i32 to index
      %swap3A_870 = arith.constant 48 : index
      %swap3A_871 = tpu.vector_load %arg9[%swap3A_869, %swap3A_870] {strides = array<i32>} : memref<2x64xi32, #tpu.memory_space<vmem>>, vector<1x16xi32>,
      %swap3A_872 = vector.shape_cast %swap3A_871 : vector<1x16xi32> to vector<16xi32>
      %swap3A_873 = vector.shape_cast %and3A_867 : vector<16xi32> to vector<1x16xi32>
      tpu.vector_store %arg9[%swap3A_869, %swap3A_870], %swap3A_873 {strides = array<i32>} : memref<2x64xi32, #tpu.memory_space<vmem>>, vector<1x16xi32>,
      %add3A_874 = arith.constant 2 : i32
      %add3A_875 = arith.addi %add3A_716, %add3A_874 : i32
      %sub3A_876 = arith.constant 1 : i32
      %sub3A_877 = arith.subi %select_n3A, %sub3A_876 : i32
      %min3A_878 = arith.minsi %add3A_875, %sub3A_877 : i32
      %dma_start3A_879 = arith.constant 1 : i32
      %dma_start3A_880 = arith.constant 0 : i32
      %dma_start3A_881 = tpu.memref_slice %arg8[%dma_start3A_879, %dma_start3A_880] : memref<2x64xi32, #tpu.memory_space<vmem>> -> memref<1x64xi32, #tpu.memory_space<vmem>>
      %dma_start3A_882 = tpu.memref_squeeze %dma_start3A_881 : memref<1x64xi32, #tpu.memory_space<vmem>> -> memref<64xi32, #tpu.memory_space<vmem>>
      %dma_start3A_883 = arith.constant 0 : i32
      %dma_start3A_884 = arith.constant 0 : i32
      %dma_start3A_885 = tpu.memref_slice %arg2[%dma_start3A_883, %dma_start3A_884] : memref<10000x128xf32, #tpu.memory_space<hbm>> -> memref<10000x128xf32, #tpu.memory_space<hbm>>
      tpu.enqueue_indirect_dma source(%dma_start3A_885 : memref<10000x128xf32, #tpu.memory_space<hbm>>) target(%arg11 : memref<64x128xf32, #tpu.memory_space<vmem>>) offsets(%dma_start3A_882 : memref<64xi32, #tpu.memory_space<vmem>>) semaphore(%arg15 : memref<!tpu.dma_semaphore, #tpu.memory_space<semaphore_mem>>)
      %mul3A_886 = arith.constant 64 : i32
      %mul3A_887 = arith.muli %min3A_878, %mul3A_886 : i32
      %add3A_888 = arith.addi %mul3A_12, %mul3A_887 : i32
      %jit3A_889 = arith.constant 8 : i32
      %div3A_890 = arith.divsi %add3A_888, %jit3A_889 : i32
      %sign3A_891 = arith.constant 0 : i32
      %sign3A_892 = arith.cmpi sgt, %add3A_888, %sign3A_891 : i32
      %sign3A_893 = arith.extui %sign3A_892 : i1 to i32
      %sign3A_894 = arith.constant 0 : i32
      %sign3A_895 = arith.cmpi slt, %add3A_888, %sign3A_894 : i32
      %sign3A_896 = arith.extui %sign3A_895 : i1 to i32
      %sign3A_897 = arith.subi %sign3A_893, %sign3A_896 : i32
      %sign3A_898 = arith.constant 0 : i32
      %sign3A_899 = arith.cmpi sgt, %jit3A_889, %sign3A_898 : i32
      %sign3A_900 = arith.extui %sign3A_899 : i1 to i32
      %sign3A_901 = arith.constant 0 : i32
      %sign3A_902 = arith.cmpi slt, %jit3A_889, %sign3A_901 : i32
      %sign3A_903 = arith.extui %sign3A_902 : i1 to i32
      %sign3A_904 = arith.subi %sign3A_900, %sign3A_903 : i32
      %ne3A_905 = arith.cmpi ne, %sign3A_897, %sign3A_904 : i32
      %rem3A_906 = arith.remsi %add3A_888, %jit3A_889 : i32
      %ne3A_907 = arith.constant 0 : i32
      %ne3A_908 = arith.cmpi ne, %rem3A_906, %ne3A_907 : i32
      %and3A_909 = arith.andi %ne3A_905, %ne3A_908 : i1
      %sub3A_910 = arith.constant 1 : i32
      %sub3A_911 = arith.subi %div3A_890, %sub3A_910 : i32
      %select_n3A_912 = arith.select %and3A_909, %sub3A_911, %div3A_890 : i32
      %multiple_of3A_913 = tpu.assume_multiple %select_n3A_912, 8 : i32
      %dma_start3A_914 = arith.constant 1 : i32
      %dma_start3A_915 = arith.constant 0 : i32
      %dma_start3A_916 = arith.constant 0 : i32
      %dma_start3A_917 = tpu.memref_slice %arg12[%dma_start3A_914, %dma_start3A_915, %dma_start3A_916] : memref<2x8x512xi32, #tpu.memory_space<vmem>> -> memref<1x8x512xi32, #tpu.memory_space<vmem>>
      %dma_start3A_918 = tpu.memref_squeeze %dma_start3A_917 : memref<1x8x512xi32, #tpu.memory_space<vmem>> -> memref<8x512xi32, #tpu.memory_space<vmem>>
      %dma_start3A_919 = arith.constant 0 : i32
      %dma_start3A_920 = tpu.memref_slice %arg4[%multiple_of3A_913, %dma_start3A_919] : memref<40448x512xi32, #tpu.memory_space<hbm>> -> memref<8x512xi32, #tpu.memory_space<hbm>>
      %dma_start3A_921 = arith.constant 0 : i32
      %dma_start3A_922 = arith.constant 0 : i32
      %dma_start3A_923 = tpu.memref_slice %arg12[%dma_start3A_914, %dma_start3A_921, %dma_start3A_922] : memref<2x8x512xi32, #tpu.memory_space<vmem>> -> memref<1x8x512xi32, #tpu.memory_space<vmem>>
      %dma_start3A_924 = tpu.memref_squeeze %dma_start3A_923 : memref<1x8x512xi32, #tpu.memory_space<vmem>> -> memref<8x512xi32, #tpu.memory_space<vmem>>
      %dma_start3A_925 = arith.constant 0 : i32
      %dma_start3A_926 = tpu.memref_slice %arg4[%multiple_of3A_913, %dma_start3A_925] : memref<40448x512xi32, #tpu.memory_space<hbm>> -> memref<8x512xi32, #tpu.memory_space<hbm>>
      tpu.enqueue_dma source(%dma_start3A_926 : memref<8x512xi32, #tpu.memory_space<hbm>>) target(%dma_start3A_924 : memref<8x512xi32, #tpu.memory_space<vmem>>) target_semaphore(%arg15 : memref<!tpu.dma_semaphore, #tpu.memory_space<semaphore_mem>>)
    }
    %sub3A_355 = arith.constant 1 : i32
    %sub3A_356 = arith.subi %select_n3A, %sub3A_355 : i32
    %min3A_357 = arith.minsi %select_n3A, %sub3A_356 : i32
    %dma_wait3A = arith.constant 0 : i32
    %dma_wait3A_358 = arith.constant 0 : i32
    %dma_wait3A_359 = tpu.memref_slice %arg8[%dma_wait3A, %dma_wait3A_358] : memref<2x64xi32, #tpu.memory_space<vmem>> -> memref<1x64xi32, #tpu.memory_space<vmem>>
    %dma_wait3A_360 = tpu.memref_squeeze %dma_wait3A_359 : memref<1x64xi32, #tpu.memory_space<vmem>> -> memref<64xi32, #tpu.memory_space<vmem>>
    %dma_wait3A_361 = arith.constant 0 : i32
    %dma_wait3A_362 = arith.constant 0 : i32
    %dma_wait3A_363 = tpu.memref_slice %arg2[%dma_wait3A_361, %dma_wait3A_362] : memref<10000x128xf32, #tpu.memory_space<hbm>> -> memref<10000x128xf32, #tpu.memory_space<hbm>>
    tpu.wait_indirect_dma semaphore(%arg14 : memref<!tpu.dma_semaphore, #tpu.memory_space<semaphore_mem>>) src(%dma_wait3A_363 : memref<10000x128xf32, #tpu.memory_space<hbm>>) dst(%arg10 : memref<64x128xf32, #tpu.memory_space<vmem>>)
    %mul3A_364 = arith.constant 64 : i32
    %mul3A_365 = arith.muli %min3A_357, %mul3A_364 : i32
    %add3A_366 = arith.addi %mul3A_12, %mul3A_365 : i32
    %jit3A_367 = arith.constant 8 : i32
    %div3A_368 = arith.divsi %add3A_366, %jit3A_367 : i32
    %sign3A_369 = arith.constant 0 : i32
    %sign3A_370 = arith.cmpi sgt, %add3A_366, %sign3A_369 : i32
    %sign3A_371 = arith.extui %sign3A_370 : i1 to i32
    %sign3A_372 = arith.constant 0 : i32
    %sign3A_373 = arith.cmpi slt, %add3A_366, %sign3A_372 : i32
    %sign3A_374 = arith.extui %sign3A_373 : i1 to i32
    %sign3A_375 = arith.subi %sign3A_371, %sign3A_374 : i32
    %sign3A_376 = arith.constant 0 : i32
    %sign3A_377 = arith.cmpi sgt, %jit3A_367, %sign3A_376 : i32
    %sign3A_378 = arith.extui %sign3A_377 : i1 to i32
    %sign3A_379 = arith.constant 0 : i32
    %sign3A_380 = arith.cmpi slt, %jit3A_367, %sign3A_379 : i32
    %sign3A_381 = arith.extui %sign3A_380 : i1 to i32
    %sign3A_382 = arith.subi %sign3A_378, %sign3A_381 : i32
    %ne3A_383 = arith.cmpi ne, %sign3A_375, %sign3A_382 : i32
    %rem3A_384 = arith.remsi %add3A_366, %jit3A_367 : i32
    %ne3A_385 = arith.constant 0 : i32
    %ne3A_386 = arith.cmpi ne, %rem3A_384, %ne3A_385 : i32
    %and3A_387 = arith.andi %ne3A_383, %ne3A_386 : i1
    %sub3A_388 = arith.constant 1 : i32
    %sub3A_389 = arith.subi %div3A_368, %sub3A_388 : i32
    %select_n3A_390 = arith.select %and3A_387, %sub3A_389, %div3A_368 : i32
    %multiple_of3A_391 = tpu.assume_multiple %select_n3A_390, 8 : i32
    %dma_wait3A_392 = arith.constant 0 : i32
    %dma_wait3A_393 = arith.constant 0 : i32
    %dma_wait3A_394 = arith.constant 0 : i32
    %dma_wait3A_395 = tpu.memref_slice %arg12[%dma_wait3A_392, %dma_wait3A_393, %dma_wait3A_394] : memref<2x8x512xi32, #tpu.memory_space<vmem>> -> memref<1x8x512xi32, #tpu.memory_space<vmem>>
    %dma_wait3A_396 = tpu.memref_squeeze %dma_wait3A_395 : memref<1x8x512xi32, #tpu.memory_space<vmem>> -> memref<8x512xi32, #tpu.memory_space<vmem>>
    %dma_wait3A_397 = arith.constant 0 : i32
    %dma_wait3A_398 = tpu.memref_slice %arg4[%multiple_of3A_391, %dma_wait3A_397] : memref<40448x512xi32, #tpu.memory_space<hbm>> -> memref<8x512xi32, #tpu.memory_space<hbm>>
    %dma_wait3A_399 = arith.constant 0 : i32
    %dma_wait3A_400 = arith.constant 0 : i32
    %dma_wait3A_401 = tpu.memref_slice %arg12[%dma_wait3A_392, %dma_wait3A_399, %dma_wait3A_400] : memref<2x8x512xi32, #tpu.memory_space<vmem>> -> memref<1x8x512xi32, #tpu.memory_space<vmem>>
    %dma_wait3A_402 = tpu.memref_squeeze %dma_wait3A_401 : memref<1x8x512xi32, #tpu.memory_space<vmem>> -> memref<8x512xi32, #tpu.memory_space<vmem>>
    %dma_wait3A_403 = arith.constant 0 : i32
    %dma_wait3A_404 = tpu.memref_slice %arg4[%multiple_of3A_391, %dma_wait3A_403] : memref<40448x512xi32, #tpu.memory_space<hbm>> -> memref<8x512xi32, #tpu.memory_space<hbm>>
    tpu.wait_dma2 semaphore(%arg14 : memref<!tpu.dma_semaphore, #tpu.memory_space<semaphore_mem>>) src(%dma_wait3A_404 : memref<8x512xi32, #tpu.memory_space<hbm>>) dst(%dma_wait3A_402 : memref<8x512xi32, #tpu.memory_space<vmem>>)
    %add3A_405 = arith.constant 1 : i32
    %add3A_406 = arith.addi %select_n3A, %add3A_405 : i32
    %sub3A_407 = arith.constant 1 : i32
    %sub3A_408 = arith.subi %select_n3A, %sub3A_407 : i32
    %min3A_409 = arith.minsi %add3A_406, %sub3A_408 : i32
    %dma_wait3A_410 = arith.constant 1 : i32
    %dma_wait3A_411 = arith.constant 0 : i32
    %dma_wait3A_412 = tpu.memref_slice %arg8[%dma_wait3A_410, %dma_wait3A_411] : memref<2x64xi32, #tpu.memory_space<vmem>> -> memref<1x64xi32, #tpu.memory_space<vmem>>
    %dma_wait3A_413 = tpu.memref_squeeze %dma_wait3A_412 : memref<1x64xi32, #tpu.memory_space<vmem>> -> memref<64xi32, #tpu.memory_space<vmem>>
    %dma_wait3A_414 = arith.constant 0 : i32
    %dma_wait3A_415 = arith.constant 0 : i32
    %dma_wait3A_416 = tpu.memref_slice %arg2[%dma_wait3A_414, %dma_wait3A_415] : memref<10000x128xf32, #tpu.memory_space<hbm>> -> memref<10000x128xf32, #tpu.memory_space<hbm>>
    tpu.wait_indirect_dma semaphore(%arg15 : memref<!tpu.dma_semaphore, #tpu.memory_space<semaphore_mem>>) src(%dma_wait3A_416 : memref<10000x128xf32, #tpu.memory_space<hbm>>) dst(%arg11 : memref<64x128xf32, #tpu.memory_space<vmem>>)
    %mul3A_417 = arith.constant 64 : i32
    %mul3A_418 = arith.muli %min3A_409, %mul3A_417 : i32
    %add3A_419 = arith.addi %mul3A_12, %mul3A_418 : i32
    %jit3A_420 = arith.constant 8 : i32
    %div3A_421 = arith.divsi %add3A_419, %jit3A_420 : i32
    %sign3A_422 = arith.constant 0 : i32
    %sign3A_423 = arith.cmpi sgt, %add3A_419, %sign3A_422 : i32
    %sign3A_424 = arith.extui %sign3A_423 : i1 to i32
    %sign3A_425 = arith.constant 0 : i32
    %sign3A_426 = arith.cmpi slt, %add3A_419, %sign3A_425 : i32
    %sign3A_427 = arith.extui %sign3A_426 : i1 to i32
    %sign3A_428 = arith.subi %sign3A_424, %sign3A_427 : i32
    %sign3A_429 = arith.constant 0 : i32
    %sign3A_430 = arith.cmpi sgt, %jit3A_420, %sign3A_429 : i32
    %sign3A_431 = arith.extui %sign3A_430 : i1 to i32
    %sign3A_432 = arith.constant 0 : i32
    %sign3A_433 = arith.cmpi slt, %jit3A_420, %sign3A_432 : i32
    %sign3A_434 = arith.extui %sign3A_433 : i1 to i32
    %sign3A_435 = arith.subi %sign3A_431, %sign3A_434 : i32
    %ne3A_436 = arith.cmpi ne, %sign3A_428, %sign3A_435 : i32
    %rem3A_437 = arith.remsi %add3A_419, %jit3A_420 : i32
    %ne3A_438 = arith.constant 0 : i32
    %ne3A_439 = arith.cmpi ne, %rem3A_437, %ne3A_438 : i32
    %and3A_440 = arith.andi %ne3A_436, %ne3A_439 : i1
    %sub3A_441 = arith.constant 1 : i32
    %sub3A_442 = arith.subi %div3A_421, %sub3A_441 : i32
    %select_n3A_443 = arith.select %and3A_440, %sub3A_442, %div3A_421 : i32
    %multiple_of3A_444 = tpu.assume_multiple %select_n3A_443, 8 : i32
    %dma_wait3A_445 = arith.constant 1 : i32
    %dma_wait3A_446 = arith.constant 0 : i32
    %dma_wait3A_447 = arith.constant 0 : i32
    %dma_wait3A_448 = tpu.memref_slice %arg12[%dma_wait3A_445, %dma_wait3A_446, %dma_wait3A_447] : memref<2x8x512xi32, #tpu.memory_space<vmem>> -> memref<1x8x512xi32, #tpu.memory_space<vmem>>
    %dma_wait3A_449 = tpu.memref_squeeze %dma_wait3A_448 : memref<1x8x512xi32, #tpu.memory_space<vmem>> -> memref<8x512xi32, #tpu.memory_space<vmem>>
    %dma_wait3A_450 = arith.constant 0 : i32
    %dma_wait3A_451 = tpu.memref_slice %arg4[%multiple_of3A_444, %dma_wait3A_450] : memref<40448x512xi32, #tpu.memory_space<hbm>> -> memref<8x512xi32, #tpu.memory_space<hbm>>
    %dma_wait3A_452 = arith.constant 0 : i32
    %dma_wait3A_453 = arith.constant 0 : i32
    %dma_wait3A_454 = tpu.memref_slice %arg12[%dma_wait3A_445, %dma_wait3A_452, %dma_wait3A_453] : memref<2x8x512xi32, #tpu.memory_space<vmem>> -> memref<1x8x512xi32, #tpu.memory_space<vmem>>
    %dma_wait3A_455 = tpu.memref_squeeze %dma_wait3A_454 : memref<1x8x512xi32, #tpu.memory_space<vmem>> -> memref<8x512xi32, #tpu.memory_space<vmem>>
    %dma_wait3A_456 = arith.constant 0 : i32
    %dma_wait3A_457 = tpu.memref_slice %arg4[%multiple_of3A_444, %dma_wait3A_456] : memref<40448x512xi32, #tpu.memory_space<hbm>> -> memref<8x512xi32, #tpu.memory_space<hbm>>
    tpu.wait_dma2 semaphore(%arg15 : memref<!tpu.dma_semaphore, #tpu.memory_space<semaphore_mem>>) src(%dma_wait3A_457 : memref<8x512xi32, #tpu.memory_space<hbm>>) dst(%dma_wait3A_455 : memref<8x512xi32, #tpu.memory_space<vmem>>)
    %barrier3A_458 = arith.constant 0 : index
    tpu.barrier barrier_id(%barrier3A_458)
    %mul3A_459 = arith.constant 10240 : i32
    %mul3A_460 = arith.muli %arg0, %mul3A_459 : i32
    %add3A_461 = arith.addi %mul3A_460, %mul3A_0 : i32
    %add3A_462 = arith.constant 0 : i32
    %add3A_463 = arith.addi %mul3A_0, %add3A_462 : i32
    "tpu.region"() ({
      %run_scoped3A = tpu.sem_alloc : memref<!tpu.dma_semaphore, #tpu.memory_space<semaphore_mem>>
      %dma_start3A_502 = arith.constant 0 : i32
      %dma_start3A_503 = arith.constant 0 : i32
      %dma_start3A_504 = tpu.memref_slice %arg10[%dma_start3A_502, %dma_start3A_503] : memref<64x128xf32, #tpu.memory_space<vmem>> -> memref<64x128xf32, #tpu.memory_space<vmem>>
      %dma_start3A_505 = arith.constant 0 : i32
      %dma_start3A_506 = tpu.memref_slice %arg13[%add3A_463, %dma_start3A_505] : memref<10240x128xf32, #tpu.memory_space<vmem_shared>> -> memref<64x128xf32, #tpu.memory_space<vmem_shared>>
      %dma_start3A_507 = arith.constant 0 : i32
      %dma_start3A_508 = arith.constant 0 : i32
      %dma_start3A_509 = tpu.memref_slice %arg10[%dma_start3A_507, %dma_start3A_508] : memref<64x128xf32, #tpu.memory_space<vmem>> -> memref<64x128xf32, #tpu.memory_space<vmem>>
      %dma_start3A_510 = arith.constant 0 : i32
      %dma_start3A_511 = tpu.memref_slice %arg13[%add3A_463, %dma_start3A_510] : memref<10240x128xf32, #tpu.memory_space<vmem_shared>> -> memref<64x128xf32, #tpu.memory_space<vmem_shared>>
      tpu.enqueue_dma source(%dma_start3A_511 : memref<64x128xf32, #tpu.memory_space<vmem_shared>>) target(%dma_start3A_509 : memref<64x128xf32, #tpu.memory_space<vmem>>) target_semaphore(%run_scoped3A : memref<!tpu.dma_semaphore, #tpu.memory_space<semaphore_mem>>)
      %dma_wait3A_512 = arith.constant 0 : i32
      %dma_wait3A_513 = arith.constant 0 : i32
      %dma_wait3A_514 = tpu.memref_slice %arg10[%dma_wait3A_512, %dma_wait3A_513] : memref<64x128xf32, #tpu.memory_space<vmem>> -> memref<64x128xf32, #tpu.memory_space<vmem>>
      %dma_wait3A_515 = arith.constant 0 : i32
      %dma_wait3A_516 = tpu.memref_slice %arg13[%add3A_463, %dma_wait3A_515] : memref<10240x128xf32, #tpu.memory_space<vmem_shared>> -> memref<64x128xf32, #tpu.memory_space<vmem_shared>>
      %dma_wait3A_517 = arith.constant 0 : i32
      %dma_wait3A_518 = arith.constant 0 : i32
      %dma_wait3A_519 = tpu.memref_slice %arg10[%dma_wait3A_517, %dma_wait3A_518] : memref<64x128xf32, #tpu.memory_space<vmem>> -> memref<64x128xf32, #tpu.memory_space<vmem>>
      %dma_wait3A_520 = arith.constant 0 : i32
      %dma_wait3A_521 = tpu.memref_slice %arg13[%add3A_463, %dma_wait3A_520] : memref<10240x128xf32, #tpu.memory_space<vmem_shared>> -> memref<64x128xf32, #tpu.memory_space<vmem_shared>>
      tpu.wait_dma2 semaphore(%run_scoped3A : memref<!tpu.dma_semaphore, #tpu.memory_space<semaphore_mem>>) src(%dma_wait3A_521 : memref<64x128xf32, #tpu.memory_space<vmem_shared>>) dst(%dma_wait3A_519 : memref<64x128xf32, #tpu.memory_space<vmem>>)
      tpu.yield
    }) : () -> ()
    %add3A_464 = arith.constant 0 : i32
    %add3A_465 = arith.addi %add3A_461, %add3A_464 : i32
    "tpu.region"() ({
      %run_scoped3A = tpu.sem_alloc : memref<!tpu.dma_semaphore, #tpu.memory_space<semaphore_mem>>
      %dma_start3A_502 = arith.constant 0 : i32
      %dma_start3A_503 = arith.constant 0 : i32
      %dma_start3A_504 = tpu.memref_slice %arg10[%dma_start3A_502, %dma_start3A_503] : memref<64x128xf32, #tpu.memory_space<vmem>> -> memref<64x128xf32, #tpu.memory_space<vmem>>
      %dma_start3A_505 = arith.constant 0 : i32
      %dma_start3A_506 = tpu.memref_slice %arg6[%add3A_465, %dma_start3A_505] : memref<20480x128xf32, #tpu.memory_space<hbm>> -> memref<64x128xf32, #tpu.memory_space<hbm>>
      %dma_start3A_507 = arith.constant 0 : i32
      %dma_start3A_508 = tpu.memref_slice %arg6[%add3A_465, %dma_start3A_507] : memref<20480x128xf32, #tpu.memory_space<hbm>> -> memref<64x128xf32, #tpu.memory_space<hbm>>
      %dma_start3A_509 = arith.constant 0 : i32
      %dma_start3A_510 = arith.constant 0 : i32
      %dma_start3A_511 = tpu.memref_slice %arg10[%dma_start3A_509, %dma_start3A_510] : memref<64x128xf32, #tpu.memory_space<vmem>> -> memref<64x128xf32, #tpu.memory_space<vmem>>
      tpu.enqueue_dma source(%dma_start3A_511 : memref<64x128xf32, #tpu.memory_space<vmem>>) target(%dma_start3A_508 : memref<64x128xf32, #tpu.memory_space<hbm>>) target_semaphore(%run_scoped3A : memref<!tpu.dma_semaphore, #tpu.memory_space<semaphore_mem>>)
      %dma_wait3A_512 = arith.constant 0 : i32
      %dma_wait3A_513 = arith.constant 0 : i32
      %dma_wait3A_514 = tpu.memref_slice %arg10[%dma_wait3A_512, %dma_wait3A_513] : memref<64x128xf32, #tpu.memory_space<vmem>> -> memref<64x128xf32, #tpu.memory_space<vmem>>
      %dma_wait3A_515 = arith.constant 0 : i32
      %dma_wait3A_516 = tpu.memref_slice %arg6[%add3A_465, %dma_wait3A_515] : memref<20480x128xf32, #tpu.memory_space<hbm>> -> memref<64x128xf32, #tpu.memory_space<hbm>>
      %dma_wait3A_517 = arith.constant 0 : i32
      %dma_wait3A_518 = tpu.memref_slice %arg6[%add3A_465, %dma_wait3A_517] : memref<20480x128xf32, #tpu.memory_space<hbm>> -> memref<64x128xf32, #tpu.memory_space<hbm>>
      %dma_wait3A_519 = arith.constant 0 : i32
      %dma_wait3A_520 = arith.constant 0 : i32
      %dma_wait3A_521 = tpu.memref_slice %arg10[%dma_wait3A_519, %dma_wait3A_520] : memref<64x128xf32, #tpu.memory_space<vmem>> -> memref<64x128xf32, #tpu.memory_space<vmem>>
      tpu.wait_dma2 semaphore(%run_scoped3A : memref<!tpu.dma_semaphore, #tpu.memory_space<semaphore_mem>>) src(%dma_wait3A_521 : memref<64x128xf32, #tpu.memory_space<vmem>>) dst(%dma_wait3A_518 : memref<64x128xf32, #tpu.memory_space<hbm>>)
      tpu.yield
    }) : () -> ()
    %add3A_466 = arith.constant 64 : i32
    %add3A_467 = arith.addi %mul3A_0, %add3A_466 : i32
    "tpu.region"() ({
      %run_scoped3A = tpu.sem_alloc : memref<!tpu.dma_semaphore, #tpu.memory_space<semaphore_mem>>
      %dma_start3A_502 = arith.constant 0 : i32
      %dma_start3A_503 = arith.constant 0 : i32
      %dma_start3A_504 = tpu.memref_slice %arg10[%dma_start3A_502, %dma_start3A_503] : memref<64x128xf32, #tpu.memory_space<vmem>> -> memref<64x128xf32, #tpu.memory_space<vmem>>
      %dma_start3A_505 = arith.constant 0 : i32
      %dma_start3A_506 = tpu.memref_slice %arg13[%add3A_467, %dma_start3A_505] : memref<10240x128xf32, #tpu.memory_space<vmem_shared>> -> memref<64x128xf32, #tpu.memory_space<vmem_shared>>
      %dma_start3A_507 = arith.constant 0 : i32
      %dma_start3A_508 = arith.constant 0 : i32
      %dma_start3A_509 = tpu.memref_slice %arg10[%dma_start3A_507, %dma_start3A_508] : memref<64x128xf32, #tpu.memory_space<vmem>> -> memref<64x128xf32, #tpu.memory_space<vmem>>
      %dma_start3A_510 = arith.constant 0 : i32
      %dma_start3A_511 = tpu.memref_slice %arg13[%add3A_467, %dma_start3A_510] : memref<10240x128xf32, #tpu.memory_space<vmem_shared>> -> memref<64x128xf32, #tpu.memory_space<vmem_shared>>
      tpu.enqueue_dma source(%dma_start3A_511 : memref<64x128xf32, #tpu.memory_space<vmem_shared>>) target(%dma_start3A_509 : memref<64x128xf32, #tpu.memory_space<vmem>>) target_semaphore(%run_scoped3A : memref<!tpu.dma_semaphore, #tpu.memory_space<semaphore_mem>>)
      %dma_wait3A_512 = arith.constant 0 : i32
      %dma_wait3A_513 = arith.constant 0 : i32
      %dma_wait3A_514 = tpu.memref_slice %arg10[%dma_wait3A_512, %dma_wait3A_513] : memref<64x128xf32, #tpu.memory_space<vmem>> -> memref<64x128xf32, #tpu.memory_space<vmem>>
      %dma_wait3A_515 = arith.constant 0 : i32
      %dma_wait3A_516 = tpu.memref_slice %arg13[%add3A_467, %dma_wait3A_515] : memref<10240x128xf32, #tpu.memory_space<vmem_shared>> -> memref<64x128xf32, #tpu.memory_space<vmem_shared>>
      %dma_wait3A_517 = arith.constant 0 : i32
      %dma_wait3A_518 = arith.constant 0 : i32
      %dma_wait3A_519 = tpu.memref_slice %arg10[%dma_wait3A_517, %dma_wait3A_518] : memref<64x128xf32, #tpu.memory_space<vmem>> -> memref<64x128xf32, #tpu.memory_space<vmem>>
      %dma_wait3A_520 = arith.constant 0 : i32
      %dma_wait3A_521 = tpu.memref_slice %arg13[%add3A_467, %dma_wait3A_520] : memref<10240x128xf32, #tpu.memory_space<vmem_shared>> -> memref<64x128xf32, #tpu.memory_space<vmem_shared>>
      tpu.wait_dma2 semaphore(%run_scoped3A : memref<!tpu.dma_semaphore, #tpu.memory_space<semaphore_mem>>) src(%dma_wait3A_521 : memref<64x128xf32, #tpu.memory_space<vmem_shared>>) dst(%dma_wait3A_519 : memref<64x128xf32, #tpu.memory_space<vmem>>)
      tpu.yield
    }) : () -> ()
    %add3A_468 = arith.constant 64 : i32
    %add3A_469 = arith.addi %add3A_461, %add3A_468 : i32
    "tpu.region"() ({
      %run_scoped3A = tpu.sem_alloc : memref<!tpu.dma_semaphore, #tpu.memory_space<semaphore_mem>>
      %dma_start3A_502 = arith.constant 0 : i32
      %dma_start3A_503 = arith.constant 0 : i32
      %dma_start3A_504 = tpu.memref_slice %arg10[%dma_start3A_502, %dma_start3A_503] : memref<64x128xf32, #tpu.memory_space<vmem>> -> memref<64x128xf32, #tpu.memory_space<vmem>>
      %dma_start3A_505 = arith.constant 0 : i32
      %dma_start3A_506 = tpu.memref_slice %arg6[%add3A_469, %dma_start3A_505] : memref<20480x128xf32, #tpu.memory_space<hbm>> -> memref<64x128xf32, #tpu.memory_space<hbm>>
      %dma_start3A_507 = arith.constant 0 : i32
      %dma_start3A_508 = tpu.memref_slice %arg6[%add3A_469, %dma_start3A_507] : memref<20480x128xf32, #tpu.memory_space<hbm>> -> memref<64x128xf32, #tpu.memory_space<hbm>>
      %dma_start3A_509 = arith.constant 0 : i32
      %dma_start3A_510 = arith.constant 0 : i32
      %dma_start3A_511 = tpu.memref_slice %arg10[%dma_start3A_509, %dma_start3A_510] : memref<64x128xf32, #tpu.memory_space<vmem>> -> memref<64x128xf32, #tpu.memory_space<vmem>>
      tpu.enqueue_dma source(%dma_start3A_511 : memref<64x128xf32, #tpu.memory_space<vmem>>) target(%dma_start3A_508 : memref<64x128xf32, #tpu.memory_space<hbm>>) target_semaphore(%run_scoped3A : memref<!tpu.dma_semaphore, #tpu.memory_space<semaphore_mem>>)
      %dma_wait3A_512 = arith.constant 0 : i32
      %dma_wait3A_513 = arith.constant 0 : i32
      %dma_wait3A_514 = tpu.memref_slice %arg10[%dma_wait3A_512, %dma_wait3A_513] : memref<64x128xf32, #tpu.memory_space<vmem>> -> memref<64x128xf32, #tpu.memory_space<vmem>>
      %dma_wait3A_515 = arith.constant 0 : i32
      %dma_wait3A_516 = tpu.memref_slice %arg6[%add3A_469, %dma_wait3A_515] : memref<20480x128xf32, #tpu.memory_space<hbm>> -> memref<64x128xf32, #tpu.memory_space<hbm>>
      %dma_wait3A_517 = arith.constant 0 : i32
      %dma_wait3A_518 = tpu.memref_slice %arg6[%add3A_469, %dma_wait3A_517] : memref<20480x128xf32, #tpu.memory_space<hbm>> -> memref<64x128xf32, #tpu.memory_space<hbm>>
      %dma_wait3A_519 = arith.constant 0 : i32
      %dma_wait3A_520 = arith.constant 0 : i32
      %dma_wait3A_521 = tpu.memref_slice %arg10[%dma_wait3A_519, %dma_wait3A_520] : memref<64x128xf32, #tpu.memory_space<vmem>> -> memref<64x128xf32, #tpu.memory_space<vmem>>
      tpu.wait_dma2 semaphore(%run_scoped3A : memref<!tpu.dma_semaphore, #tpu.memory_space<semaphore_mem>>) src(%dma_wait3A_521 : memref<64x128xf32, #tpu.memory_space<vmem>>) dst(%dma_wait3A_518 : memref<64x128xf32, #tpu.memory_space<hbm>>)
      tpu.yield
    }) : () -> ()
    %add3A_470 = arith.constant 128 : i32
    %add3A_471 = arith.addi %mul3A_0, %add3A_470 : i32
    "tpu.region"() ({
      %run_scoped3A = tpu.sem_alloc : memref<!tpu.dma_semaphore, #tpu.memory_space<semaphore_mem>>
      %dma_start3A_502 = arith.constant 0 : i32
      %dma_start3A_503 = arith.constant 0 : i32
      %dma_start3A_504 = tpu.memref_slice %arg10[%dma_start3A_502, %dma_start3A_503] : memref<64x128xf32, #tpu.memory_space<vmem>> -> memref<64x128xf32, #tpu.memory_space<vmem>>
      %dma_start3A_505 = arith.constant 0 : i32
      %dma_start3A_506 = tpu.memref_slice %arg13[%add3A_471, %dma_start3A_505] : memref<10240x128xf32, #tpu.memory_space<vmem_shared>> -> memref<64x128xf32, #tpu.memory_space<vmem_shared>>
      %dma_start3A_507 = arith.constant 0 : i32
      %dma_start3A_508 = arith.constant 0 : i32
      %dma_start3A_509 = tpu.memref_slice %arg10[%dma_start3A_507, %dma_start3A_508] : memref<64x128xf32, #tpu.memory_space<vmem>> -> memref<64x128xf32, #tpu.memory_space<vmem>>
      %dma_start3A_510 = arith.constant 0 : i32
      %dma_start3A_511 = tpu.memref_slice %arg13[%add3A_471, %dma_start3A_510] : memref<10240x128xf32, #tpu.memory_space<vmem_shared>> -> memref<64x128xf32, #tpu.memory_space<vmem_shared>>
      tpu.enqueue_dma source(%dma_start3A_511 : memref<64x128xf32, #tpu.memory_space<vmem_shared>>) target(%dma_start3A_509 : memref<64x128xf32, #tpu.memory_space<vmem>>) target_semaphore(%run_scoped3A : memref<!tpu.dma_semaphore, #tpu.memory_space<semaphore_mem>>)
      %dma_wait3A_512 = arith.constant 0 : i32
      %dma_wait3A_513 = arith.constant 0 : i32
      %dma_wait3A_514 = tpu.memref_slice %arg10[%dma_wait3A_512, %dma_wait3A_513] : memref<64x128xf32, #tpu.memory_space<vmem>> -> memref<64x128xf32, #tpu.memory_space<vmem>>
      %dma_wait3A_515 = arith.constant 0 : i32
      %dma_wait3A_516 = tpu.memref_slice %arg13[%add3A_471, %dma_wait3A_515] : memref<10240x128xf32, #tpu.memory_space<vmem_shared>> -> memref<64x128xf32, #tpu.memory_space<vmem_shared>>
      %dma_wait3A_517 = arith.constant 0 : i32
      %dma_wait3A_518 = arith.constant 0 : i32
      %dma_wait3A_519 = tpu.memref_slice %arg10[%dma_wait3A_517, %dma_wait3A_518] : memref<64x128xf32, #tpu.memory_space<vmem>> -> memref<64x128xf32, #tpu.memory_space<vmem>>
      %dma_wait3A_520 = arith.constant 0 : i32
      %dma_wait3A_521 = tpu.memref_slice %arg13[%add3A_471, %dma_wait3A_520] : memref<10240x128xf32, #tpu.memory_space<vmem_shared>> -> memref<64x128xf32, #tpu.memory_space<vmem_shared>>
      tpu.wait_dma2 semaphore(%run_scoped3A : memref<!tpu.dma_semaphore, #tpu.memory_space<semaphore_mem>>) src(%dma_wait3A_521 : memref<64x128xf32, #tpu.memory_space<vmem_shared>>) dst(%dma_wait3A_519 : memref<64x128xf32, #tpu.memory_space<vmem>>)
      tpu.yield
    }) : () -> ()
    %add3A_472 = arith.constant 128 : i32
    %add3A_473 = arith.addi %add3A_461, %add3A_472 : i32
    "tpu.region"() ({
      %run_scoped3A = tpu.sem_alloc : memref<!tpu.dma_semaphore, #tpu.memory_space<semaphore_mem>>
      %dma_start3A_502 = arith.constant 0 : i32
      %dma_start3A_503 = arith.constant 0 : i32
      %dma_start3A_504 = tpu.memref_slice %arg10[%dma_start3A_502, %dma_start3A_503] : memref<64x128xf32, #tpu.memory_space<vmem>> -> memref<64x128xf32, #tpu.memory_space<vmem>>
      %dma_start3A_505 = arith.constant 0 : i32
      %dma_start3A_506 = tpu.memref_slice %arg6[%add3A_473, %dma_start3A_505] : memref<20480x128xf32, #tpu.memory_space<hbm>> -> memref<64x128xf32, #tpu.memory_space<hbm>>
      %dma_start3A_507 = arith.constant 0 : i32
      %dma_start3A_508 = tpu.memref_slice %arg6[%add3A_473, %dma_start3A_507] : memref<20480x128xf32, #tpu.memory_space<hbm>> -> memref<64x128xf32, #tpu.memory_space<hbm>>
      %dma_start3A_509 = arith.constant 0 : i32
      %dma_start3A_510 = arith.constant 0 : i32
      %dma_start3A_511 = tpu.memref_slice %arg10[%dma_start3A_509, %dma_start3A_510] : memref<64x128xf32, #tpu.memory_space<vmem>> -> memref<64x128xf32, #tpu.memory_space<vmem>>
      tpu.enqueue_dma source(%dma_start3A_511 : memref<64x128xf32, #tpu.memory_space<vmem>>) target(%dma_start3A_508 : memref<64x128xf32, #tpu.memory_space<hbm>>) target_semaphore(%run_scoped3A : memref<!tpu.dma_semaphore, #tpu.memory_space<semaphore_mem>>)
      %dma_wait3A_512 = arith.constant 0 : i32
      %dma_wait3A_513 = arith.constant 0 : i32
      %dma_wait3A_514 = tpu.memref_slice %arg10[%dma_wait3A_512, %dma_wait3A_513] : memref<64x128xf32, #tpu.memory_space<vmem>> -> memref<64x128xf32, #tpu.memory_space<vmem>>
      %dma_wait3A_515 = arith.constant 0 : i32
      %dma_wait3A_516 = tpu.memref_slice %arg6[%add3A_473, %dma_wait3A_515] : memref<20480x128xf32, #tpu.memory_space<hbm>> -> memref<64x128xf32, #tpu.memory_space<hbm>>
      %dma_wait3A_517 = arith.constant 0 : i32
      %dma_wait3A_518 = tpu.memref_slice %arg6[%add3A_473, %dma_wait3A_517] : memref<20480x128xf32, #tpu.memory_space<hbm>> -> memref<64x128xf32, #tpu.memory_space<hbm>>
      %dma_wait3A_519 = arith.constant 0 : i32
      %dma_wait3A_520 = arith.constant 0 : i32
      %dma_wait3A_521 = tpu.memref_slice %arg10[%dma_wait3A_519, %dma_wait3A_520] : memref<64x128xf32, #tpu.memory_space<vmem>> -> memref<64x128xf32, #tpu.memory_space<vmem>>
      tpu.wait_dma2 semaphore(%run_scoped3A : memref<!tpu.dma_semaphore, #tpu.memory_space<semaphore_mem>>) src(%dma_wait3A_521 : memref<64x128xf32, #tpu.memory_space<vmem>>) dst(%dma_wait3A_518 : memref<64x128xf32, #tpu.memory_space<hbm>>)
      tpu.yield
    }) : () -> ()
    %add3A_474 = arith.constant 192 : i32
    %add3A_475 = arith.addi %mul3A_0, %add3A_474 : i32
    "tpu.region"() ({
      %run_scoped3A = tpu.sem_alloc : memref<!tpu.dma_semaphore, #tpu.memory_space<semaphore_mem>>
      %dma_start3A_502 = arith.constant 0 : i32
      %dma_start3A_503 = arith.constant 0 : i32
      %dma_start3A_504 = tpu.memref_slice %arg10[%dma_start3A_502, %dma_start3A_503] : memref<64x128xf32, #tpu.memory_space<vmem>> -> memref<64x128xf32, #tpu.memory_space<vmem>>
      %dma_start3A_505 = arith.constant 0 : i32
      %dma_start3A_506 = tpu.memref_slice %arg13[%add3A_475, %dma_start3A_505] : memref<10240x128xf32, #tpu.memory_space<vmem_shared>> -> memref<64x128xf32, #tpu.memory_space<vmem_shared>>
      %dma_start3A_507 = arith.constant 0 : i32
      %dma_start3A_508 = arith.constant 0 : i32
      %dma_start3A_509 = tpu.memref_slice %arg10[%dma_start3A_507, %dma_start3A_508] : memref<64x128xf32, #tpu.memory_space<vmem>> -> memref<64x128xf32, #tpu.memory_space<vmem>>
      %dma_start3A_510 = arith.constant 0 : i32
      %dma_start3A_511 = tpu.memref_slice %arg13[%add3A_475, %dma_start3A_510] : memref<10240x128xf32, #tpu.memory_space<vmem_shared>> -> memref<64x128xf32, #tpu.memory_space<vmem_shared>>
      tpu.enqueue_dma source(%dma_start3A_511 : memref<64x128xf32, #tpu.memory_space<vmem_shared>>) target(%dma_start3A_509 : memref<64x128xf32, #tpu.memory_space<vmem>>) target_semaphore(%run_scoped3A : memref<!tpu.dma_semaphore, #tpu.memory_space<semaphore_mem>>)
      %dma_wait3A_512 = arith.constant 0 : i32
      %dma_wait3A_513 = arith.constant 0 : i32
      %dma_wait3A_514 = tpu.memref_slice %arg10[%dma_wait3A_512, %dma_wait3A_513] : memref<64x128xf32, #tpu.memory_space<vmem>> -> memref<64x128xf32, #tpu.memory_space<vmem>>
      %dma_wait3A_515 = arith.constant 0 : i32
      %dma_wait3A_516 = tpu.memref_slice %arg13[%add3A_475, %dma_wait3A_515] : memref<10240x128xf32, #tpu.memory_space<vmem_shared>> -> memref<64x128xf32, #tpu.memory_space<vmem_shared>>
      %dma_wait3A_517 = arith.constant 0 : i32
      %dma_wait3A_518 = arith.constant 0 : i32
      %dma_wait3A_519 = tpu.memref_slice %arg10[%dma_wait3A_517, %dma_wait3A_518] : memref<64x128xf32, #tpu.memory_space<vmem>> -> memref<64x128xf32, #tpu.memory_space<vmem>>
      %dma_wait3A_520 = arith.constant 0 : i32
      %dma_wait3A_521 = tpu.memref_slice %arg13[%add3A_475, %dma_wait3A_520] : memref<10240x128xf32, #tpu.memory_space<vmem_shared>> -> memref<64x128xf32, #tpu.memory_space<vmem_shared>>
      tpu.wait_dma2 semaphore(%run_scoped3A : memref<!tpu.dma_semaphore, #tpu.memory_space<semaphore_mem>>) src(%dma_wait3A_521 : memref<64x128xf32, #tpu.memory_space<vmem_shared>>) dst(%dma_wait3A_519 : memref<64x128xf32, #tpu.memory_space<vmem>>)
      tpu.yield
    }) : () -> ()
    %add3A_476 = arith.constant 192 : i32
    %add3A_477 = arith.addi %add3A_461, %add3A_476 : i32
    "tpu.region"() ({
      %run_scoped3A = tpu.sem_alloc : memref<!tpu.dma_semaphore, #tpu.memory_space<semaphore_mem>>
      %dma_start3A_502 = arith.constant 0 : i32
      %dma_start3A_503 = arith.constant 0 : i32
      %dma_start3A_504 = tpu.memref_slice %arg10[%dma_start3A_502, %dma_start3A_503] : memref<64x128xf32, #tpu.memory_space<vmem>> -> memref<64x128xf32, #tpu.memory_space<vmem>>
      %dma_start3A_505 = arith.constant 0 : i32
      %dma_start3A_506 = tpu.memref_slice %arg6[%add3A_477, %dma_start3A_505] : memref<20480x128xf32, #tpu.memory_space<hbm>> -> memref<64x128xf32, #tpu.memory_space<hbm>>
      %dma_start3A_507 = arith.constant 0 : i32
      %dma_start3A_508 = tpu.memref_slice %arg6[%add3A_477, %dma_start3A_507] : memref<20480x128xf32, #tpu.memory_space<hbm>> -> memref<64x128xf32, #tpu.memory_space<hbm>>
      %dma_start3A_509 = arith.constant 0 : i32
      %dma_start3A_510 = arith.constant 0 : i32
      %dma_start3A_511 = tpu.memref_slice %arg10[%dma_start3A_509, %dma_start3A_510] : memref<64x128xf32, #tpu.memory_space<vmem>> -> memref<64x128xf32, #tpu.memory_space<vmem>>
      tpu.enqueue_dma source(%dma_start3A_511 : memref<64x128xf32, #tpu.memory_space<vmem>>) target(%dma_start3A_508 : memref<64x128xf32, #tpu.memory_space<hbm>>) target_semaphore(%run_scoped3A : memref<!tpu.dma_semaphore, #tpu.memory_space<semaphore_mem>>)
      %dma_wait3A_512 = arith.constant 0 : i32
      %dma_wait3A_513 = arith.constant 0 : i32
      %dma_wait3A_514 = tpu.memref_slice %arg10[%dma_wait3A_512, %dma_wait3A_513] : memref<64x128xf32, #tpu.memory_space<vmem>> -> memref<64x128xf32, #tpu.memory_space<vmem>>
      %dma_wait3A_515 = arith.constant 0 : i32
      %dma_wait3A_516 = tpu.memref_slice %arg6[%add3A_477, %dma_wait3A_515] : memref<20480x128xf32, #tpu.memory_space<hbm>> -> memref<64x128xf32, #tpu.memory_space<hbm>>
      %dma_wait3A_517 = arith.constant 0 : i32
      %dma_wait3A_518 = tpu.memref_slice %arg6[%add3A_477, %dma_wait3A_517] : memref<20480x128xf32, #tpu.memory_space<hbm>> -> memref<64x128xf32, #tpu.memory_space<hbm>>
      %dma_wait3A_519 = arith.constant 0 : i32
      %dma_wait3A_520 = arith.constant 0 : i32
      %dma_wait3A_521 = tpu.memref_slice %arg10[%dma_wait3A_519, %dma_wait3A_520] : memref<64x128xf32, #tpu.memory_space<vmem>> -> memref<64x128xf32, #tpu.memory_space<vmem>>
      tpu.wait_dma2 semaphore(%run_scoped3A : memref<!tpu.dma_semaphore, #tpu.memory_space<semaphore_mem>>) src(%dma_wait3A_521 : memref<64x128xf32, #tpu.memory_space<vmem>>) dst(%dma_wait3A_518 : memref<64x128xf32, #tpu.memory_space<hbm>>)
      tpu.yield
    }) : () -> ()
    %add3A_478 = arith.constant 256 : i32
    %add3A_479 = arith.addi %mul3A_0, %add3A_478 : i32
    "tpu.region"() ({
      %run_scoped3A = tpu.sem_alloc : memref<!tpu.dma_semaphore, #tpu.memory_space<semaphore_mem>>
      %dma_start3A_502 = arith.constant 0 : i32
      %dma_start3A_503 = arith.constant 0 : i32
      %dma_start3A_504 = tpu.memref_slice %arg10[%dma_start3A_502, %dma_start3A_503] : memref<64x128xf32, #tpu.memory_space<vmem>> -> memref<64x128xf32, #tpu.memory_space<vmem>>
      %dma_start3A_505 = arith.constant 0 : i32
      %dma_start3A_506 = tpu.memref_slice %arg13[%add3A_479, %dma_start3A_505] : memref<10240x128xf32, #tpu.memory_space<vmem_shared>> -> memref<64x128xf32, #tpu.memory_space<vmem_shared>>
      %dma_start3A_507 = arith.constant 0 : i32
      %dma_start3A_508 = arith.constant 0 : i32
      %dma_start3A_509 = tpu.memref_slice %arg10[%dma_start3A_507, %dma_start3A_508] : memref<64x128xf32, #tpu.memory_space<vmem>> -> memref<64x128xf32, #tpu.memory_space<vmem>>
      %dma_start3A_510 = arith.constant 0 : i32
      %dma_start3A_511 = tpu.memref_slice %arg13[%add3A_479, %dma_start3A_510] : memref<10240x128xf32, #tpu.memory_space<vmem_shared>> -> memref<64x128xf32, #tpu.memory_space<vmem_shared>>
      tpu.enqueue_dma source(%dma_start3A_511 : memref<64x128xf32, #tpu.memory_space<vmem_shared>>) target(%dma_start3A_509 : memref<64x128xf32, #tpu.memory_space<vmem>>) target_semaphore(%run_scoped3A : memref<!tpu.dma_semaphore, #tpu.memory_space<semaphore_mem>>)
      %dma_wait3A_512 = arith.constant 0 : i32
      %dma_wait3A_513 = arith.constant 0 : i32
      %dma_wait3A_514 = tpu.memref_slice %arg10[%dma_wait3A_512, %dma_wait3A_513] : memref<64x128xf32, #tpu.memory_space<vmem>> -> memref<64x128xf32, #tpu.memory_space<vmem>>
      %dma_wait3A_515 = arith.constant 0 : i32
      %dma_wait3A_516 = tpu.memref_slice %arg13[%add3A_479, %dma_wait3A_515] : memref<10240x128xf32, #tpu.memory_space<vmem_shared>> -> memref<64x128xf32, #tpu.memory_space<vmem_shared>>
      %dma_wait3A_517 = arith.constant 0 : i32
      %dma_wait3A_518 = arith.constant 0 : i32
      %dma_wait3A_519 = tpu.memref_slice %arg10[%dma_wait3A_517, %dma_wait3A_518] : memref<64x128xf32, #tpu.memory_space<vmem>> -> memref<64x128xf32, #tpu.memory_space<vmem>>
      %dma_wait3A_520 = arith.constant 0 : i32
      %dma_wait3A_521 = tpu.memref_slice %arg13[%add3A_479, %dma_wait3A_520] : memref<10240x128xf32, #tpu.memory_space<vmem_shared>> -> memref<64x128xf32, #tpu.memory_space<vmem_shared>>
      tpu.wait_dma2 semaphore(%run_scoped3A : memref<!tpu.dma_semaphore, #tpu.memory_space<semaphore_mem>>) src(%dma_wait3A_521 : memref<64x128xf32, #tpu.memory_space<vmem_shared>>) dst(%dma_wait3A_519 : memref<64x128xf32, #tpu.memory_space<vmem>>)
      tpu.yield
    }) : () -> ()
    %add3A_480 = arith.constant 256 : i32
    %add3A_481 = arith.addi %add3A_461, %add3A_480 : i32
    "tpu.region"() ({
      %run_scoped3A = tpu.sem_alloc : memref<!tpu.dma_semaphore, #tpu.memory_space<semaphore_mem>>
      %dma_start3A_502 = arith.constant 0 : i32
      %dma_start3A_503 = arith.constant 0 : i32
      %dma_start3A_504 = tpu.memref_slice %arg10[%dma_start3A_502, %dma_start3A_503] : memref<64x128xf32, #tpu.memory_space<vmem>> -> memref<64x128xf32, #tpu.memory_space<vmem>>
      %dma_start3A_505 = arith.constant 0 : i32
      %dma_start3A_506 = tpu.memref_slice %arg6[%add3A_481, %dma_start3A_505] : memref<20480x128xf32, #tpu.memory_space<hbm>> -> memref<64x128xf32, #tpu.memory_space<hbm>>
      %dma_start3A_507 = arith.constant 0 : i32
      %dma_start3A_508 = tpu.memref_slice %arg6[%add3A_481, %dma_start3A_507] : memref<20480x128xf32, #tpu.memory_space<hbm>> -> memref<64x128xf32, #tpu.memory_space<hbm>>
      %dma_start3A_509 = arith.constant 0 : i32
      %dma_start3A_510 = arith.constant 0 : i32
      %dma_start3A_511 = tpu.memref_slice %arg10[%dma_start3A_509, %dma_start3A_510] : memref<64x128xf32, #tpu.memory_space<vmem>> -> memref<64x128xf32, #tpu.memory_space<vmem>>
      tpu.enqueue_dma source(%dma_start3A_511 : memref<64x128xf32, #tpu.memory_space<vmem>>) target(%dma_start3A_508 : memref<64x128xf32, #tpu.memory_space<hbm>>) target_semaphore(%run_scoped3A : memref<!tpu.dma_semaphore, #tpu.memory_space<semaphore_mem>>)
      %dma_wait3A_512 = arith.constant 0 : i32
      %dma_wait3A_513 = arith.constant 0 : i32
      %dma_wait3A_514 = tpu.memref_slice %arg10[%dma_wait3A_512, %dma_wait3A_513] : memref<64x128xf32, #tpu.memory_space<vmem>> -> memref<64x128xf32, #tpu.memory_space<vmem>>
      %dma_wait3A_515 = arith.constant 0 : i32
      %dma_wait3A_516 = tpu.memref_slice %arg6[%add3A_481, %dma_wait3A_515] : memref<20480x128xf32, #tpu.memory_space<hbm>> -> memref<64x128xf32, #tpu.memory_space<hbm>>
      %dma_wait3A_517 = arith.constant 0 : i32
      %dma_wait3A_518 = tpu.memref_slice %arg6[%add3A_481, %dma_wait3A_517] : memref<20480x128xf32, #tpu.memory_space<hbm>> -> memref<64x128xf32, #tpu.memory_space<hbm>>
      %dma_wait3A_519 = arith.constant 0 : i32
      %dma_wait3A_520 = arith.constant 0 : i32
      %dma_wait3A_521 = tpu.memref_slice %arg10[%dma_wait3A_519, %dma_wait3A_520] : memref<64x128xf32, #tpu.memory_space<vmem>> -> memref<64x128xf32, #tpu.memory_space<vmem>>
      tpu.wait_dma2 semaphore(%run_scoped3A : memref<!tpu.dma_semaphore, #tpu.memory_space<semaphore_mem>>) src(%dma_wait3A_521 : memref<64x128xf32, #tpu.memory_space<vmem>>) dst(%dma_wait3A_518 : memref<64x128xf32, #tpu.memory_space<hbm>>)
      tpu.yield
    }) : () -> ()
    %add3A_482 = arith.constant 320 : i32
    %add3A_483 = arith.addi %mul3A_0, %add3A_482 : i32
    "tpu.region"() ({
      %run_scoped3A = tpu.sem_alloc : memref<!tpu.dma_semaphore, #tpu.memory_space<semaphore_mem>>
      %dma_start3A_502 = arith.constant 0 : i32
      %dma_start3A_503 = arith.constant 0 : i32
      %dma_start3A_504 = tpu.memref_slice %arg10[%dma_start3A_502, %dma_start3A_503] : memref<64x128xf32, #tpu.memory_space<vmem>> -> memref<64x128xf32, #tpu.memory_space<vmem>>
      %dma_start3A_505 = arith.constant 0 : i32
      %dma_start3A_506 = tpu.memref_slice %arg13[%add3A_483, %dma_start3A_505] : memref<10240x128xf32, #tpu.memory_space<vmem_shared>> -> memref<64x128xf32, #tpu.memory_space<vmem_shared>>
      %dma_start3A_507 = arith.constant 0 : i32
      %dma_start3A_508 = arith.constant 0 : i32
      %dma_start3A_509 = tpu.memref_slice %arg10[%dma_start3A_507, %dma_start3A_508] : memref<64x128xf32, #tpu.memory_space<vmem>> -> memref<64x128xf32, #tpu.memory_space<vmem>>
      %dma_start3A_510 = arith.constant 0 : i32
      %dma_start3A_511 = tpu.memref_slice %arg13[%add3A_483, %dma_start3A_510] : memref<10240x128xf32, #tpu.memory_space<vmem_shared>> -> memref<64x128xf32, #tpu.memory_space<vmem_shared>>
      tpu.enqueue_dma source(%dma_start3A_511 : memref<64x128xf32, #tpu.memory_space<vmem_shared>>) target(%dma_start3A_509 : memref<64x128xf32, #tpu.memory_space<vmem>>) target_semaphore(%run_scoped3A : memref<!tpu.dma_semaphore, #tpu.memory_space<semaphore_mem>>)
      %dma_wait3A_512 = arith.constant 0 : i32
      %dma_wait3A_513 = arith.constant 0 : i32
      %dma_wait3A_514 = tpu.memref_slice %arg10[%dma_wait3A_512, %dma_wait3A_513] : memref<64x128xf32, #tpu.memory_space<vmem>> -> memref<64x128xf32, #tpu.memory_space<vmem>>
      %dma_wait3A_515 = arith.constant 0 : i32
      %dma_wait3A_516 = tpu.memref_slice %arg13[%add3A_483, %dma_wait3A_515] : memref<10240x128xf32, #tpu.memory_space<vmem_shared>> -> memref<64x128xf32, #tpu.memory_space<vmem_shared>>
      %dma_wait3A_517 = arith.constant 0 : i32
      %dma_wait3A_518 = arith.constant 0 : i32
      %dma_wait3A_519 = tpu.memref_slice %arg10[%dma_wait3A_517, %dma_wait3A_518] : memref<64x128xf32, #tpu.memory_space<vmem>> -> memref<64x128xf32, #tpu.memory_space<vmem>>
      %dma_wait3A_520 = arith.constant 0 : i32
      %dma_wait3A_521 = tpu.memref_slice %arg13[%add3A_483, %dma_wait3A_520] : memref<10240x128xf32, #tpu.memory_space<vmem_shared>> -> memref<64x128xf32, #tpu.memory_space<vmem_shared>>
      tpu.wait_dma2 semaphore(%run_scoped3A : memref<!tpu.dma_semaphore, #tpu.memory_space<semaphore_mem>>) src(%dma_wait3A_521 : memref<64x128xf32, #tpu.memory_space<vmem_shared>>) dst(%dma_wait3A_519 : memref<64x128xf32, #tpu.memory_space<vmem>>)
      tpu.yield
    }) : () -> ()
    %add3A_484 = arith.constant 320 : i32
    %add3A_485 = arith.addi %add3A_461, %add3A_484 : i32
    "tpu.region"() ({
      %run_scoped3A = tpu.sem_alloc : memref<!tpu.dma_semaphore, #tpu.memory_space<semaphore_mem>>
      %dma_start3A_502 = arith.constant 0 : i32
      %dma_start3A_503 = arith.constant 0 : i32
      %dma_start3A_504 = tpu.memref_slice %arg10[%dma_start3A_502, %dma_start3A_503] : memref<64x128xf32, #tpu.memory_space<vmem>> -> memref<64x128xf32, #tpu.memory_space<vmem>>
      %dma_start3A_505 = arith.constant 0 : i32
      %dma_start3A_506 = tpu.memref_slice %arg6[%add3A_485, %dma_start3A_505] : memref<20480x128xf32, #tpu.memory_space<hbm>> -> memref<64x128xf32, #tpu.memory_space<hbm>>
      %dma_start3A_507 = arith.constant 0 : i32
      %dma_start3A_508 = tpu.memref_slice %arg6[%add3A_485, %dma_start3A_507] : memref<20480x128xf32, #tpu.memory_space<hbm>> -> memref<64x128xf32, #tpu.memory_space<hbm>>
      %dma_start3A_509 = arith.constant 0 : i32
      %dma_start3A_510 = arith.constant 0 : i32
      %dma_start3A_511 = tpu.memref_slice %arg10[%dma_start3A_509, %dma_start3A_510] : memref<64x128xf32, #tpu.memory_space<vmem>> -> memref<64x128xf32, #tpu.memory_space<vmem>>
      tpu.enqueue_dma source(%dma_start3A_511 : memref<64x128xf32, #tpu.memory_space<vmem>>) target(%dma_start3A_508 : memref<64x128xf32, #tpu.memory_space<hbm>>) target_semaphore(%run_scoped3A : memref<!tpu.dma_semaphore, #tpu.memory_space<semaphore_mem>>)
      %dma_wait3A_512 = arith.constant 0 : i32
      %dma_wait3A_513 = arith.constant 0 : i32
      %dma_wait3A_514 = tpu.memref_slice %arg10[%dma_wait3A_512, %dma_wait3A_513] : memref<64x128xf32, #tpu.memory_space<vmem>> -> memref<64x128xf32, #tpu.memory_space<vmem>>
      %dma_wait3A_515 = arith.constant 0 : i32
      %dma_wait3A_516 = tpu.memref_slice %arg6[%add3A_485, %dma_wait3A_515] : memref<20480x128xf32, #tpu.memory_space<hbm>> -> memref<64x128xf32, #tpu.memory_space<hbm>>
      %dma_wait3A_517 = arith.constant 0 : i32
      %dma_wait3A_518 = tpu.memref_slice %arg6[%add3A_485, %dma_wait3A_517] : memref<20480x128xf32, #tpu.memory_space<hbm>> -> memref<64x128xf32, #tpu.memory_space<hbm>>
      %dma_wait3A_519 = arith.constant 0 : i32
      %dma_wait3A_520 = arith.constant 0 : i32
      %dma_wait3A_521 = tpu.memref_slice %arg10[%dma_wait3A_519, %dma_wait3A_520] : memref<64x128xf32, #tpu.memory_space<vmem>> -> memref<64x128xf32, #tpu.memory_space<vmem>>
      tpu.wait_dma2 semaphore(%run_scoped3A : memref<!tpu.dma_semaphore, #tpu.memory_space<semaphore_mem>>) src(%dma_wait3A_521 : memref<64x128xf32, #tpu.memory_space<vmem>>) dst(%dma_wait3A_518 : memref<64x128xf32, #tpu.memory_space<hbm>>)
      tpu.yield
    }) : () -> ()
    %add3A_486 = arith.constant 384 : i32
    %add3A_487 = arith.addi %mul3A_0, %add3A_486 : i32
    "tpu.region"() ({
      %run_scoped3A = tpu.sem_alloc : memref<!tpu.dma_semaphore, #tpu.memory_space<semaphore_mem>>
      %dma_start3A_502 = arith.constant 0 : i32
      %dma_start3A_503 = arith.constant 0 : i32
      %dma_start3A_504 = tpu.memref_slice %arg10[%dma_start3A_502, %dma_start3A_503] : memref<64x128xf32, #tpu.memory_space<vmem>> -> memref<64x128xf32, #tpu.memory_space<vmem>>
      %dma_start3A_505 = arith.constant 0 : i32
      %dma_start3A_506 = tpu.memref_slice %arg13[%add3A_487, %dma_start3A_505] : memref<10240x128xf32, #tpu.memory_space<vmem_shared>> -> memref<64x128xf32, #tpu.memory_space<vmem_shared>>
      %dma_start3A_507 = arith.constant 0 : i32
      %dma_start3A_508 = arith.constant 0 : i32
      %dma_start3A_509 = tpu.memref_slice %arg10[%dma_start3A_507, %dma_start3A_508] : memref<64x128xf32, #tpu.memory_space<vmem>> -> memref<64x128xf32, #tpu.memory_space<vmem>>
      %dma_start3A_510 = arith.constant 0 : i32
      %dma_start3A_511 = tpu.memref_slice %arg13[%add3A_487, %dma_start3A_510] : memref<10240x128xf32, #tpu.memory_space<vmem_shared>> -> memref<64x128xf32, #tpu.memory_space<vmem_shared>>
      tpu.enqueue_dma source(%dma_start3A_511 : memref<64x128xf32, #tpu.memory_space<vmem_shared>>) target(%dma_start3A_509 : memref<64x128xf32, #tpu.memory_space<vmem>>) target_semaphore(%run_scoped3A : memref<!tpu.dma_semaphore, #tpu.memory_space<semaphore_mem>>)
      %dma_wait3A_512 = arith.constant 0 : i32
      %dma_wait3A_513 = arith.constant 0 : i32
      %dma_wait3A_514 = tpu.memref_slice %arg10[%dma_wait3A_512, %dma_wait3A_513] : memref<64x128xf32, #tpu.memory_space<vmem>> -> memref<64x128xf32, #tpu.memory_space<vmem>>
      %dma_wait3A_515 = arith.constant 0 : i32
      %dma_wait3A_516 = tpu.memref_slice %arg13[%add3A_487, %dma_wait3A_515] : memref<10240x128xf32, #tpu.memory_space<vmem_shared>> -> memref<64x128xf32, #tpu.memory_space<vmem_shared>>
      %dma_wait3A_517 = arith.constant 0 : i32
      %dma_wait3A_518 = arith.constant 0 : i32
      %dma_wait3A_519 = tpu.memref_slice %arg10[%dma_wait3A_517, %dma_wait3A_518] : memref<64x128xf32, #tpu.memory_space<vmem>> -> memref<64x128xf32, #tpu.memory_space<vmem>>
      %dma_wait3A_520 = arith.constant 0 : i32
      %dma_wait3A_521 = tpu.memref_slice %arg13[%add3A_487, %dma_wait3A_520] : memref<10240x128xf32, #tpu.memory_space<vmem_shared>> -> memref<64x128xf32, #tpu.memory_space<vmem_shared>>
      tpu.wait_dma2 semaphore(%run_scoped3A : memref<!tpu.dma_semaphore, #tpu.memory_space<semaphore_mem>>) src(%dma_wait3A_521 : memref<64x128xf32, #tpu.memory_space<vmem_shared>>) dst(%dma_wait3A_519 : memref<64x128xf32, #tpu.memory_space<vmem>>)
      tpu.yield
    }) : () -> ()
    %add3A_488 = arith.constant 384 : i32
    %add3A_489 = arith.addi %add3A_461, %add3A_488 : i32
    "tpu.region"() ({
      %run_scoped3A = tpu.sem_alloc : memref<!tpu.dma_semaphore, #tpu.memory_space<semaphore_mem>>
      %dma_start3A_502 = arith.constant 0 : i32
      %dma_start3A_503 = arith.constant 0 : i32
      %dma_start3A_504 = tpu.memref_slice %arg10[%dma_start3A_502, %dma_start3A_503] : memref<64x128xf32, #tpu.memory_space<vmem>> -> memref<64x128xf32, #tpu.memory_space<vmem>>
      %dma_start3A_505 = arith.constant 0 : i32
      %dma_start3A_506 = tpu.memref_slice %arg6[%add3A_489, %dma_start3A_505] : memref<20480x128xf32, #tpu.memory_space<hbm>> -> memref<64x128xf32, #tpu.memory_space<hbm>>
      %dma_start3A_507 = arith.constant 0 : i32
      %dma_start3A_508 = tpu.memref_slice %arg6[%add3A_489, %dma_start3A_507] : memref<20480x128xf32, #tpu.memory_space<hbm>> -> memref<64x128xf32, #tpu.memory_space<hbm>>
      %dma_start3A_509 = arith.constant 0 : i32
      %dma_start3A_510 = arith.constant 0 : i32
      %dma_start3A_511 = tpu.memref_slice %arg10[%dma_start3A_509, %dma_start3A_510] : memref<64x128xf32, #tpu.memory_space<vmem>> -> memref<64x128xf32, #tpu.memory_space<vmem>>
      tpu.enqueue_dma source(%dma_start3A_511 : memref<64x128xf32, #tpu.memory_space<vmem>>) target(%dma_start3A_508 : memref<64x128xf32, #tpu.memory_space<hbm>>) target_semaphore(%run_scoped3A : memref<!tpu.dma_semaphore, #tpu.memory_space<semaphore_mem>>)
      %dma_wait3A_512 = arith.constant 0 : i32
      %dma_wait3A_513 = arith.constant 0 : i32
      %dma_wait3A_514 = tpu.memref_slice %arg10[%dma_wait3A_512, %dma_wait3A_513] : memref<64x128xf32, #tpu.memory_space<vmem>> -> memref<64x128xf32, #tpu.memory_space<vmem>>
      %dma_wait3A_515 = arith.constant 0 : i32
      %dma_wait3A_516 = tpu.memref_slice %arg6[%add3A_489, %dma_wait3A_515] : memref<20480x128xf32, #tpu.memory_space<hbm>> -> memref<64x128xf32, #tpu.memory_space<hbm>>
      %dma_wait3A_517 = arith.constant 0 : i32
      %dma_wait3A_518 = tpu.memref_slice %arg6[%add3A_489, %dma_wait3A_517] : memref<20480x128xf32, #tpu.memory_space<hbm>> -> memref<64x128xf32, #tpu.memory_space<hbm>>
      %dma_wait3A_519 = arith.constant 0 : i32
      %dma_wait3A_520 = arith.constant 0 : i32
      %dma_wait3A_521 = tpu.memref_slice %arg10[%dma_wait3A_519, %dma_wait3A_520] : memref<64x128xf32, #tpu.memory_space<vmem>> -> memref<64x128xf32, #tpu.memory_space<vmem>>
      tpu.wait_dma2 semaphore(%run_scoped3A : memref<!tpu.dma_semaphore, #tpu.memory_space<semaphore_mem>>) src(%dma_wait3A_521 : memref<64x128xf32, #tpu.memory_space<vmem>>) dst(%dma_wait3A_518 : memref<64x128xf32, #tpu.memory_space<hbm>>)
      tpu.yield
    }) : () -> ()
    %add3A_490 = arith.constant 448 : i32
    %add3A_491 = arith.addi %mul3A_0, %add3A_490 : i32
    "tpu.region"() ({
      %run_scoped3A = tpu.sem_alloc : memref<!tpu.dma_semaphore, #tpu.memory_space<semaphore_mem>>
      %dma_start3A_502 = arith.constant 0 : i32
      %dma_start3A_503 = arith.constant 0 : i32
      %dma_start3A_504 = tpu.memref_slice %arg10[%dma_start3A_502, %dma_start3A_503] : memref<64x128xf32, #tpu.memory_space<vmem>> -> memref<64x128xf32, #tpu.memory_space<vmem>>
      %dma_start3A_505 = arith.constant 0 : i32
      %dma_start3A_506 = tpu.memref_slice %arg13[%add3A_491, %dma_start3A_505] : memref<10240x128xf32, #tpu.memory_space<vmem_shared>> -> memref<64x128xf32, #tpu.memory_space<vmem_shared>>
      %dma_start3A_507 = arith.constant 0 : i32
      %dma_start3A_508 = arith.constant 0 : i32
      %dma_start3A_509 = tpu.memref_slice %arg10[%dma_start3A_507, %dma_start3A_508] : memref<64x128xf32, #tpu.memory_space<vmem>> -> memref<64x128xf32, #tpu.memory_space<vmem>>
      %dma_start3A_510 = arith.constant 0 : i32
      %dma_start3A_511 = tpu.memref_slice %arg13[%add3A_491, %dma_start3A_510] : memref<10240x128xf32, #tpu.memory_space<vmem_shared>> -> memref<64x128xf32, #tpu.memory_space<vmem_shared>>
      tpu.enqueue_dma source(%dma_start3A_511 : memref<64x128xf32, #tpu.memory_space<vmem_shared>>) target(%dma_start3A_509 : memref<64x128xf32, #tpu.memory_space<vmem>>) target_semaphore(%run_scoped3A : memref<!tpu.dma_semaphore, #tpu.memory_space<semaphore_mem>>)
      %dma_wait3A_512 = arith.constant 0 : i32
      %dma_wait3A_513 = arith.constant 0 : i32
      %dma_wait3A_514 = tpu.memref_slice %arg10[%dma_wait3A_512, %dma_wait3A_513] : memref<64x128xf32, #tpu.memory_space<vmem>> -> memref<64x128xf32, #tpu.memory_space<vmem>>
      %dma_wait3A_515 = arith.constant 0 : i32
      %dma_wait3A_516 = tpu.memref_slice %arg13[%add3A_491, %dma_wait3A_515] : memref<10240x128xf32, #tpu.memory_space<vmem_shared>> -> memref<64x128xf32, #tpu.memory_space<vmem_shared>>
      %dma_wait3A_517 = arith.constant 0 : i32
      %dma_wait3A_518 = arith.constant 0 : i32
      %dma_wait3A_519 = tpu.memref_slice %arg10[%dma_wait3A_517, %dma_wait3A_518] : memref<64x128xf32, #tpu.memory_space<vmem>> -> memref<64x128xf32, #tpu.memory_space<vmem>>
      %dma_wait3A_520 = arith.constant 0 : i32
      %dma_wait3A_521 = tpu.memref_slice %arg13[%add3A_491, %dma_wait3A_520] : memref<10240x128xf32, #tpu.memory_space<vmem_shared>> -> memref<64x128xf32, #tpu.memory_space<vmem_shared>>
      tpu.wait_dma2 semaphore(%run_scoped3A : memref<!tpu.dma_semaphore, #tpu.memory_space<semaphore_mem>>) src(%dma_wait3A_521 : memref<64x128xf32, #tpu.memory_space<vmem_shared>>) dst(%dma_wait3A_519 : memref<64x128xf32, #tpu.memory_space<vmem>>)
      tpu.yield
    }) : () -> ()
    %add3A_492 = arith.constant 448 : i32
    %add3A_493 = arith.addi %add3A_461, %add3A_492 : i32
    "tpu.region"() ({
      %run_scoped3A = tpu.sem_alloc : memref<!tpu.dma_semaphore, #tpu.memory_space<semaphore_mem>>
      %dma_start3A_502 = arith.constant 0 : i32
      %dma_start3A_503 = arith.constant 0 : i32
      %dma_start3A_504 = tpu.memref_slice %arg10[%dma_start3A_502, %dma_start3A_503] : memref<64x128xf32, #tpu.memory_space<vmem>> -> memref<64x128xf32, #tpu.memory_space<vmem>>
      %dma_start3A_505 = arith.constant 0 : i32
      %dma_start3A_506 = tpu.memref_slice %arg6[%add3A_493, %dma_start3A_505] : memref<20480x128xf32, #tpu.memory_space<hbm>> -> memref<64x128xf32, #tpu.memory_space<hbm>>
      %dma_start3A_507 = arith.constant 0 : i32
      %dma_start3A_508 = tpu.memref_slice %arg6[%add3A_493, %dma_start3A_507] : memref<20480x128xf32, #tpu.memory_space<hbm>> -> memref<64x128xf32, #tpu.memory_space<hbm>>
      %dma_start3A_509 = arith.constant 0 : i32
      %dma_start3A_510 = arith.constant 0 : i32
      %dma_start3A_511 = tpu.memref_slice %arg10[%dma_start3A_509, %dma_start3A_510] : memref<64x128xf32, #tpu.memory_space<vmem>> -> memref<64x128xf32, #tpu.memory_space<vmem>>
      tpu.enqueue_dma source(%dma_start3A_511 : memref<64x128xf32, #tpu.memory_space<vmem>>) target(%dma_start3A_508 : memref<64x128xf32, #tpu.memory_space<hbm>>) target_semaphore(%run_scoped3A : memref<!tpu.dma_semaphore, #tpu.memory_space<semaphore_mem>>)
      %dma_wait3A_512 = arith.constant 0 : i32
      %dma_wait3A_513 = arith.constant 0 : i32
      %dma_wait3A_514 = tpu.memref_slice %arg10[%dma_wait3A_512, %dma_wait3A_513] : memref<64x128xf32, #tpu.memory_space<vmem>> -> memref<64x128xf32, #tpu.memory_space<vmem>>
      %dma_wait3A_515 = arith.constant 0 : i32
      %dma_wait3A_516 = tpu.memref_slice %arg6[%add3A_493, %dma_wait3A_515] : memref<20480x128xf32, #tpu.memory_space<hbm>> -> memref<64x128xf32, #tpu.memory_space<hbm>>
      %dma_wait3A_517 = arith.constant 0 : i32
      %dma_wait3A_518 = tpu.memref_slice %arg6[%add3A_493, %dma_wait3A_517] : memref<20480x128xf32, #tpu.memory_space<hbm>> -> memref<64x128xf32, #tpu.memory_space<hbm>>
      %dma_wait3A_519 = arith.constant 0 : i32
      %dma_wait3A_520 = arith.constant 0 : i32
      %dma_wait3A_521 = tpu.memref_slice %arg10[%dma_wait3A_519, %dma_wait3A_520] : memref<64x128xf32, #tpu.memory_space<vmem>> -> memref<64x128xf32, #tpu.memory_space<vmem>>
      tpu.wait_dma2 semaphore(%run_scoped3A : memref<!tpu.dma_semaphore, #tpu.memory_space<semaphore_mem>>) src(%dma_wait3A_521 : memref<64x128xf32, #tpu.memory_space<vmem>>) dst(%dma_wait3A_518 : memref<64x128xf32, #tpu.memory_space<hbm>>)
      tpu.yield
    }) : () -> ()
    %add3A_494 = arith.constant 512 : i32
    %add3A_495 = arith.addi %mul3A_0, %add3A_494 : i32
    "tpu.region"() ({
      %run_scoped3A = tpu.sem_alloc : memref<!tpu.dma_semaphore, #tpu.memory_space<semaphore_mem>>
      %dma_start3A_502 = arith.constant 0 : i32
      %dma_start3A_503 = arith.constant 0 : i32
      %dma_start3A_504 = tpu.memref_slice %arg10[%dma_start3A_502, %dma_start3A_503] : memref<64x128xf32, #tpu.memory_space<vmem>> -> memref<64x128xf32, #tpu.memory_space<vmem>>
      %dma_start3A_505 = arith.constant 0 : i32
      %dma_start3A_506 = tpu.memref_slice %arg13[%add3A_495, %dma_start3A_505] : memref<10240x128xf32, #tpu.memory_space<vmem_shared>> -> memref<64x128xf32, #tpu.memory_space<vmem_shared>>
      %dma_start3A_507 = arith.constant 0 : i32
      %dma_start3A_508 = arith.constant 0 : i32
      %dma_start3A_509 = tpu.memref_slice %arg10[%dma_start3A_507, %dma_start3A_508] : memref<64x128xf32, #tpu.memory_space<vmem>> -> memref<64x128xf32, #tpu.memory_space<vmem>>
      %dma_start3A_510 = arith.constant 0 : i32
      %dma_start3A_511 = tpu.memref_slice %arg13[%add3A_495, %dma_start3A_510] : memref<10240x128xf32, #tpu.memory_space<vmem_shared>> -> memref<64x128xf32, #tpu.memory_space<vmem_shared>>
      tpu.enqueue_dma source(%dma_start3A_511 : memref<64x128xf32, #tpu.memory_space<vmem_shared>>) target(%dma_start3A_509 : memref<64x128xf32, #tpu.memory_space<vmem>>) target_semaphore(%run_scoped3A : memref<!tpu.dma_semaphore, #tpu.memory_space<semaphore_mem>>)
      %dma_wait3A_512 = arith.constant 0 : i32
      %dma_wait3A_513 = arith.constant 0 : i32
      %dma_wait3A_514 = tpu.memref_slice %arg10[%dma_wait3A_512, %dma_wait3A_513] : memref<64x128xf32, #tpu.memory_space<vmem>> -> memref<64x128xf32, #tpu.memory_space<vmem>>
      %dma_wait3A_515 = arith.constant 0 : i32
      %dma_wait3A_516 = tpu.memref_slice %arg13[%add3A_495, %dma_wait3A_515] : memref<10240x128xf32, #tpu.memory_space<vmem_shared>> -> memref<64x128xf32, #tpu.memory_space<vmem_shared>>
      %dma_wait3A_517 = arith.constant 0 : i32
      %dma_wait3A_518 = arith.constant 0 : i32
      %dma_wait3A_519 = tpu.memref_slice %arg10[%dma_wait3A_517, %dma_wait3A_518] : memref<64x128xf32, #tpu.memory_space<vmem>> -> memref<64x128xf32, #tpu.memory_space<vmem>>
      %dma_wait3A_520 = arith.constant 0 : i32
      %dma_wait3A_521 = tpu.memref_slice %arg13[%add3A_495, %dma_wait3A_520] : memref<10240x128xf32, #tpu.memory_space<vmem_shared>> -> memref<64x128xf32, #tpu.memory_space<vmem_shared>>
      tpu.wait_dma2 semaphore(%run_scoped3A : memref<!tpu.dma_semaphore, #tpu.memory_space<semaphore_mem>>) src(%dma_wait3A_521 : memref<64x128xf32, #tpu.memory_space<vmem_shared>>) dst(%dma_wait3A_519 : memref<64x128xf32, #tpu.memory_space<vmem>>)
      tpu.yield
    }) : () -> ()
    %add3A_496 = arith.constant 512 : i32
    %add3A_497 = arith.addi %add3A_461, %add3A_496 : i32
    "tpu.region"() ({
      %run_scoped3A = tpu.sem_alloc : memref<!tpu.dma_semaphore, #tpu.memory_space<semaphore_mem>>
      %dma_start3A_502 = arith.constant 0 : i32
      %dma_start3A_503 = arith.constant 0 : i32
      %dma_start3A_504 = tpu.memref_slice %arg10[%dma_start3A_502, %dma_start3A_503] : memref<64x128xf32, #tpu.memory_space<vmem>> -> memref<64x128xf32, #tpu.memory_space<vmem>>
      %dma_start3A_505 = arith.constant 0 : i32
      %dma_start3A_506 = tpu.memref_slice %arg6[%add3A_497, %dma_start3A_505] : memref<20480x128xf32, #tpu.memory_space<hbm>> -> memref<64x128xf32, #tpu.memory_space<hbm>>
      %dma_start3A_507 = arith.constant 0 : i32
      %dma_start3A_508 = tpu.memref_slice %arg6[%add3A_497, %dma_start3A_507] : memref<20480x128xf32, #tpu.memory_space<hbm>> -> memref<64x128xf32, #tpu.memory_space<hbm>>
      %dma_start3A_509 = arith.constant 0 : i32
      %dma_start3A_510 = arith.constant 0 : i32
      %dma_start3A_511 = tpu.memref_slice %arg10[%dma_start3A_509, %dma_start3A_510] : memref<64x128xf32, #tpu.memory_space<vmem>> -> memref<64x128xf32, #tpu.memory_space<vmem>>
      tpu.enqueue_dma source(%dma_start3A_511 : memref<64x128xf32, #tpu.memory_space<vmem>>) target(%dma_start3A_508 : memref<64x128xf32, #tpu.memory_space<hbm>>) target_semaphore(%run_scoped3A : memref<!tpu.dma_semaphore, #tpu.memory_space<semaphore_mem>>)
      %dma_wait3A_512 = arith.constant 0 : i32
      %dma_wait3A_513 = arith.constant 0 : i32
      %dma_wait3A_514 = tpu.memref_slice %arg10[%dma_wait3A_512, %dma_wait3A_513] : memref<64x128xf32, #tpu.memory_space<vmem>> -> memref<64x128xf32, #tpu.memory_space<vmem>>
      %dma_wait3A_515 = arith.constant 0 : i32
      %dma_wait3A_516 = tpu.memref_slice %arg6[%add3A_497, %dma_wait3A_515] : memref<20480x128xf32, #tpu.memory_space<hbm>> -> memref<64x128xf32, #tpu.memory_space<hbm>>
      %dma_wait3A_517 = arith.constant 0 : i32
      %dma_wait3A_518 = tpu.memref_slice %arg6[%add3A_497, %dma_wait3A_517] : memref<20480x128xf32, #tpu.memory_space<hbm>> -> memref<64x128xf32, #tpu.memory_space<hbm>>
      %dma_wait3A_519 = arith.constant 0 : i32
      %dma_wait3A_520 = arith.constant 0 : i32
      %dma_wait3A_521 = tpu.memref_slice %arg10[%dma_wait3A_519, %dma_wait3A_520] : memref<64x128xf32, #tpu.memory_space<vmem>> -> memref<64x128xf32, #tpu.memory_space<vmem>>
      tpu.wait_dma2 semaphore(%run_scoped3A : memref<!tpu.dma_semaphore, #tpu.memory_space<semaphore_mem>>) src(%dma_wait3A_521 : memref<64x128xf32, #tpu.memory_space<vmem>>) dst(%dma_wait3A_518 : memref<64x128xf32, #tpu.memory_space<hbm>>)
      tpu.yield
    }) : () -> ()
    %add3A_498 = arith.constant 576 : i32
    %add3A_499 = arith.addi %mul3A_0, %add3A_498 : i32
    "tpu.region"() ({
      %run_scoped3A = tpu.sem_alloc : memref<!tpu.dma_semaphore, #tpu.memory_space<semaphore_mem>>
      %dma_start3A_502 = arith.constant 0 : i32
      %dma_start3A_503 = arith.constant 0 : i32
      %dma_start3A_504 = tpu.memref_slice %arg10[%dma_start3A_502, %dma_start3A_503] : memref<64x128xf32, #tpu.memory_space<vmem>> -> memref<64x128xf32, #tpu.memory_space<vmem>>
      %dma_start3A_505 = arith.constant 0 : i32
      %dma_start3A_506 = tpu.memref_slice %arg13[%add3A_499, %dma_start3A_505] : memref<10240x128xf32, #tpu.memory_space<vmem_shared>> -> memref<64x128xf32, #tpu.memory_space<vmem_shared>>
      %dma_start3A_507 = arith.constant 0 : i32
      %dma_start3A_508 = arith.constant 0 : i32
      %dma_start3A_509 = tpu.memref_slice %arg10[%dma_start3A_507, %dma_start3A_508] : memref<64x128xf32, #tpu.memory_space<vmem>> -> memref<64x128xf32, #tpu.memory_space<vmem>>
      %dma_start3A_510 = arith.constant 0 : i32
      %dma_start3A_511 = tpu.memref_slice %arg13[%add3A_499, %dma_start3A_510] : memref<10240x128xf32, #tpu.memory_space<vmem_shared>> -> memref<64x128xf32, #tpu.memory_space<vmem_shared>>
      tpu.enqueue_dma source(%dma_start3A_511 : memref<64x128xf32, #tpu.memory_space<vmem_shared>>) target(%dma_start3A_509 : memref<64x128xf32, #tpu.memory_space<vmem>>) target_semaphore(%run_scoped3A : memref<!tpu.dma_semaphore, #tpu.memory_space<semaphore_mem>>)
      %dma_wait3A_512 = arith.constant 0 : i32
      %dma_wait3A_513 = arith.constant 0 : i32
      %dma_wait3A_514 = tpu.memref_slice %arg10[%dma_wait3A_512, %dma_wait3A_513] : memref<64x128xf32, #tpu.memory_space<vmem>> -> memref<64x128xf32, #tpu.memory_space<vmem>>
      %dma_wait3A_515 = arith.constant 0 : i32
      %dma_wait3A_516 = tpu.memref_slice %arg13[%add3A_499, %dma_wait3A_515] : memref<10240x128xf32, #tpu.memory_space<vmem_shared>> -> memref<64x128xf32, #tpu.memory_space<vmem_shared>>
      %dma_wait3A_517 = arith.constant 0 : i32
      %dma_wait3A_518 = arith.constant 0 : i32
      %dma_wait3A_519 = tpu.memref_slice %arg10[%dma_wait3A_517, %dma_wait3A_518] : memref<64x128xf32, #tpu.memory_space<vmem>> -> memref<64x128xf32, #tpu.memory_space<vmem>>
      %dma_wait3A_520 = arith.constant 0 : i32
      %dma_wait3A_521 = tpu.memref_slice %arg13[%add3A_499, %dma_wait3A_520] : memref<10240x128xf32, #tpu.memory_space<vmem_shared>> -> memref<64x128xf32, #tpu.memory_space<vmem_shared>>
      tpu.wait_dma2 semaphore(%run_scoped3A : memref<!tpu.dma_semaphore, #tpu.memory_space<semaphore_mem>>) src(%dma_wait3A_521 : memref<64x128xf32, #tpu.memory_space<vmem_shared>>) dst(%dma_wait3A_519 : memref<64x128xf32, #tpu.memory_space<vmem>>)
      tpu.yield
    }) : () -> ()
    %add3A_500 = arith.constant 576 : i32
    %add3A_501 = arith.addi %add3A_461, %add3A_500 : i32
    "tpu.region"() ({
      %run_scoped3A = tpu.sem_alloc : memref<!tpu.dma_semaphore, #tpu.memory_space<semaphore_mem>>
      %dma_start3A_502 = arith.constant 0 : i32
      %dma_start3A_503 = arith.constant 0 : i32
      %dma_start3A_504 = tpu.memref_slice %arg10[%dma_start3A_502, %dma_start3A_503] : memref<64x128xf32, #tpu.memory_space<vmem>> -> memref<64x128xf32, #tpu.memory_space<vmem>>
      %dma_start3A_505 = arith.constant 0 : i32
      %dma_start3A_506 = tpu.memref_slice %arg6[%add3A_501, %dma_start3A_505] : memref<20480x128xf32, #tpu.memory_space<hbm>> -> memref<64x128xf32, #tpu.memory_space<hbm>>
      %dma_start3A_507 = arith.constant 0 : i32
      %dma_start3A_508 = tpu.memref_slice %arg6[%add3A_501, %dma_start3A_507] : memref<20480x128xf32, #tpu.memory_space<hbm>> -> memref<64x128xf32, #tpu.memory_space<hbm>>
      %dma_start3A_509 = arith.constant 0 : i32
      %dma_start3A_510 = arith.constant 0 : i32
      %dma_start3A_511 = tpu.memref_slice %arg10[%dma_start3A_509, %dma_start3A_510] : memref<64x128xf32, #tpu.memory_space<vmem>> -> memref<64x128xf32, #tpu.memory_space<vmem>>
      tpu.enqueue_dma source(%dma_start3A_511 : memref<64x128xf32, #tpu.memory_space<vmem>>) target(%dma_start3A_508 : memref<64x128xf32, #tpu.memory_space<hbm>>) target_semaphore(%run_scoped3A : memref<!tpu.dma_semaphore, #tpu.memory_space<semaphore_mem>>)
      %dma_wait3A_512 = arith.constant 0 : i32
      %dma_wait3A_513 = arith.constant 0 : i32
      %dma_wait3A_514 = tpu.memref_slice %arg10[%dma_wait3A_512, %dma_wait3A_513] : memref<64x128xf32, #tpu.memory_space<vmem>> -> memref<64x128xf32, #tpu.memory_space<vmem>>
      %dma_wait3A_515 = arith.constant 0 : i32
      %dma_wait3A_516 = tpu.memref_slice %arg6[%add3A_501, %dma_wait3A_515] : memref<20480x128xf32, #tpu.memory_space<hbm>> -> memref<64x128xf32, #tpu.memory_space<hbm>>
      %dma_wait3A_517 = arith.constant 0 : i32
      %dma_wait3A_518 = tpu.memref_slice %arg6[%add3A_501, %dma_wait3A_517] : memref<20480x128xf32, #tpu.memory_space<hbm>> -> memref<64x128xf32, #tpu.memory_space<hbm>>
      %dma_wait3A_519 = arith.constant 0 : i32
      %dma_wait3A_520 = arith.constant 0 : i32
      %dma_wait3A_521 = tpu.memref_slice %arg10[%dma_wait3A_519, %dma_wait3A_520] : memref<64x128xf32, #tpu.memory_space<vmem>> -> memref<64x128xf32, #tpu.memory_space<vmem>>
      tpu.wait_dma2 semaphore(%run_scoped3A : memref<!tpu.dma_semaphore, #tpu.memory_space<semaphore_mem>>) src(%dma_wait3A_521 : memref<64x128xf32, #tpu.memory_space<vmem>>) dst(%dma_wait3A_518 : memref<64x128xf32, #tpu.memory_space<hbm>>)
      tpu.yield
    }) : () -> ()
    return
  }
}

module attributes {stable_mosaic.version = 14 : i64} {
  func.func @body(%arg0: i32, %arg1: memref<512x128xbf16, #tpu.memory_space<vmem>>, %arg2: memref<128x512xbf16, #tpu.memory_space<vmem>>, %arg3: memref<128x512xbf16, #tpu.memory_space<vmem>>, %arg4: memref<512x512xi32, #tpu.memory_space<vmem>>) attributes {dimension_semantics = [#tpu.dimension_semantics<arbitrary>], iteration_bounds = array<i64: 79>, scalar_prefetch = 0 : i64, scratch_operands = 0 : i64, tpu.core_type = #tpu.core_type<tc>, window_params = [{transform_indices = @transform_0, window_bounds = array<i64: 512, 128>}, {pipeline_mode = #tpu.pipeline_mode<synchronous>, transform_indices = @transform_1, window_bounds = array<i64: 128, 512>}, {pipeline_mode = #tpu.pipeline_mode<synchronous>, transform_indices = @transform_2, window_bounds = array<i64: 128, 512>}, {transform_indices = @transform_3, window_bounds = array<i64: 512, 512>}]} {
    %get3A = arith.constant 0 : index
    %get3A_0 = arith.constant 0 : index
    %get3A_1 = vector.load %arg1[%get3A, %get3A_0] : memref<512x128xbf16, #tpu.memory_space<vmem>>, vector<512x128xbf16>
    %get3A_2 = arith.constant 0 : index
    %get3A_3 = arith.constant 0 : index
    %get3A_4 = vector.load %arg2[%get3A_2, %get3A_3] : memref<128x512xbf16, #tpu.memory_space<vmem>>, vector<128x512xbf16>
    %dot_general3A = arith.constant dense<0.000000e+00> : vector<512x512xf32>
    %dot_general3A_5 = tpu.matmul %get3A_1, %get3A_4, %dot_general3A {dimension_numbers = #tpu.dot_dimension_numbers<[1], [0], [0], [1], [0, 0, 1, 1], [], []>, transpose_lhs_hint = false} : vector<512x128xbf16>, vector<128x512xbf16>, vector<512x512xf32> -> vector<512x512xf32>
    %get3A_6 = arith.constant 0 : index
    %get3A_7 = arith.constant 0 : index
    %get3A_8 = vector.load %arg3[%get3A_6, %get3A_7] : memref<128x512xbf16, #tpu.memory_space<vmem>>, vector<128x512xbf16>
    %dot_general3A_9 = arith.constant dense<0.000000e+00> : vector<512x512xf32>
    %dot_general3A_10 = tpu.matmul %get3A_1, %get3A_8, %dot_general3A_9 {dimension_numbers = #tpu.dot_dimension_numbers<[1], [0], [0], [1], [0, 0, 1, 1], [], []>, transpose_lhs_hint = false} : vector<512x128xbf16>, vector<128x512xbf16>, vector<512x512xf32> -> vector<512x512xf32>
    %bitcast_convert_type3A = tpu.bitcast %dot_general3A_5 : vector<512x512xf32> -> vector<512x512xi32>
    %add3A = arith.constant 32768 : i32
    %add3A_11 = vector.broadcast %add3A : i32 to vector<512x512xi32>
    %add3A_12 = arith.addi %bitcast_convert_type3A, %add3A_11 : vector<512x512xi32>
    %bitcast_convert_type3A_13 = tpu.bitcast %dot_general3A_10 : vector<512x512xf32> -> vector<512x512xi32>
    %add3A_14 = arith.constant 32768 : i32
    %add3A_15 = vector.broadcast %add3A_14 : i32 to vector<512x512xi32>
    %add3A_16 = arith.addi %bitcast_convert_type3A_13, %add3A_15 : vector<512x512xi32>
    %and3A = arith.constant -65536 : i32
    %and3A_17 = vector.broadcast %and3A : i32 to vector<512x512xi32>
    %and3A_18 = arith.andi %add3A_16, %and3A_17 : vector<512x512xi32>
    %shift_right_logical3A = arith.constant 16 : i32
    %shift_right_logical3A_19 = vector.broadcast %shift_right_logical3A : i32 to vector<512x512xi32>
    %shift_right_logical3A_20 = arith.shrui %add3A_12, %shift_right_logical3A_19 : vector<512x512xi32>
    %or3A = arith.ori %and3A_18, %shift_right_logical3A_20 : vector<512x512xi32>
    %swap3A = arith.constant 0 : index
    %swap3A_21 = arith.constant 0 : index
    %swap3A_22 = vector.load %arg4[%swap3A, %swap3A_21] : memref<512x512xi32, #tpu.memory_space<vmem>>, vector<512x512xi32>
    tpu.vector_store %arg4[%swap3A, %swap3A_21], %or3A {strides = array<i32>} : memref<512x512xi32, #tpu.memory_space<vmem>>, vector<512x512xi32>,
    %ge3A = arith.constant 78 : i32
    %ge3A_23 = arith.cmpi sge, %arg0, %ge3A : i32
    %convert_element_type3A = arith.extui %ge3A_23 : i1 to i32
    %cond3A = arith.constant 0 : i32
    %cond3A_24 = arith.cmpi ne, %convert_element_type3A, %cond3A : i32
    scf.if %cond3A_24 {
      %iota3A = tpu.iota {dimensions = array<i32: 0>} : vector<512x512xi32>
      %mul3A = arith.constant 512 : i32
      %mul3A_25 = arith.muli %arg0, %mul3A : i32
      %add3A_26 = vector.broadcast %mul3A_25 : i32 to vector<512x512xi32>
      %add3A_27 = arith.addi %iota3A, %add3A_26 : vector<512x512xi32>
      %lt3A = arith.constant 40000 : i32
      %lt3A_28 = vector.broadcast %lt3A : i32 to vector<512x512xi32>
      %lt3A_29 = arith.cmpi slt, %add3A_27, %lt3A_28 : vector<512x512xi32>
      %get3A_30 = arith.constant 0 : index
      %get3A_31 = arith.constant 0 : index
      %get3A_32 = vector.load %arg4[%get3A_30, %get3A_31] : memref<512x512xi32, #tpu.memory_space<vmem>>, vector<512x512xi32>
      %jit3A = arith.constant 0 : i32
      %broadcast_in_dim3A = vector.broadcast %jit3A : i32 to vector<512x512xi32>
      %select_n3A = arith.select %lt3A_29, %get3A_32, %broadcast_in_dim3A : vector<512x512xi1>, vector<512x512xi32>
      %swap3A_33 = arith.constant 0 : index
      %swap3A_34 = arith.constant 0 : index
      %swap3A_35 = vector.load %arg4[%swap3A_33, %swap3A_34] : memref<512x512xi32, #tpu.memory_space<vmem>>, vector<512x512xi32>
      tpu.vector_store %arg4[%swap3A_33, %swap3A_34], %select_n3A {strides = array<i32>} : memref<512x512xi32, #tpu.memory_space<vmem>>, vector<512x512xi32>,
    } else {
    }
    return
  }
  func.func @transform_0(%arg0: i32) -> (i32, i32) {
    %min3A = arith.constant 78 : i32
    %min3A_0 = arith.minsi %arg0, %min3A : i32
    %c0_i32 = arith.constant 0 : i32
    %c0_i32_1 = arith.constant 0 : i32
    return %min3A_0, %c0_i32 : i32, i32
  }
  func.func @transform_1(%arg0: i32) -> (i32, i32) {
    %c0_i32 = arith.constant 0 : i32
    %c0_i32_0 = arith.constant 0 : i32
    %c0_i32_1 = arith.constant 0 : i32
    return %c0_i32, %c0_i32_0 : i32, i32
  }
  func.func @transform_2(%arg0: i32) -> (i32, i32) {
    %c0_i32 = arith.constant 0 : i32
    %c0_i32_0 = arith.constant 0 : i32
    %c0_i32_1 = arith.constant 0 : i32
    return %c0_i32, %c0_i32_0 : i32, i32
  }
  func.func @transform_3(%arg0: i32) -> (i32, i32) {
    %c0_i32 = arith.constant 0 : i32
    %c0_i32_0 = arith.constant 0 : i32
    return %arg0, %c0_i32 : i32, i32
  }
}

module attributes {stable_mosaic.version = 14 : i64} {
  func.func @_node_body(%arg0: i32, %arg1: memref<1000x128xf32, #tpu.memory_space<vmem>>, %arg2: memref<128x128xf32, #tpu.memory_space<vmem>>, %arg3: memref<1x128xf32, #tpu.memory_space<vmem>>, %arg4: memref<128x128xf32, #tpu.memory_space<vmem>>, %arg5: memref<1x128xf32, #tpu.memory_space<vmem>>, %arg6: memref<1000x128xf32, #tpu.memory_space<vmem>>, %arg7: memref<1000x128xf32, #tpu.memory_space<vmem>>) attributes {dimension_semantics = [#tpu.dimension_semantics<arbitrary>], iteration_bounds = array<i64: 10>, scalar_prefetch = 0 : i64, scratch_operands = 0 : i64, tpu.core_type = #tpu.core_type<tc>, window_params = [{transform_indices = @transform_0, window_bounds = array<i64: 1000, 128>}, {pipeline_mode = #tpu.pipeline_mode<synchronous>, transform_indices = @transform_1, window_bounds = array<i64: 128, 128>}, {pipeline_mode = #tpu.pipeline_mode<synchronous>, transform_indices = @transform_2, window_bounds = array<i64: 1, 128>}, {pipeline_mode = #tpu.pipeline_mode<synchronous>, transform_indices = @transform_3, window_bounds = array<i64: 128, 128>}, {pipeline_mode = #tpu.pipeline_mode<synchronous>, transform_indices = @transform_4, window_bounds = array<i64: 1, 128>}, {transform_indices = @transform_5, window_bounds = array<i64: 1000, 128>}, {transform_indices = @transform_6, window_bounds = array<i64: 1000, 128>}]} {
    %get3A = arith.constant 0 : index
    %get3A_0 = arith.constant 0 : index
    %get3A_1 = vector.load %arg1[%get3A, %get3A_0] : memref<1000x128xf32, #tpu.memory_space<vmem>>, vector<1000x128xf32>
    %custom_jvp_call3A = arith.constant 0.000000e+00 : f32
    %max3A = vector.broadcast %custom_jvp_call3A : f32 to vector<1000x128xf32>
    %max3A_2 = arith.maximumf %get3A_1, %max3A : vector<1000x128xf32>
    %sub3A = vector.broadcast %custom_jvp_call3A : f32 to vector<1000x128xf32>
    %sub3A_3 = arith.subf %get3A_1, %sub3A : vector<1000x128xf32>
    %ne3A = arith.cmpf one, %sub3A_3, %sub3A_3 : vector<1000x128xf32>
    %add3A = vector.broadcast %custom_jvp_call3A : f32 to vector<1000x128xf32>
    %add3A_4 = arith.addf %get3A_1, %add3A : vector<1000x128xf32>
    %abs3A = math.absf %sub3A_3 : vector<1000x128xf32>
    %neg3A = arith.constant 0.000000e+00 : f32
    %neg3A_5 = vector.broadcast %neg3A : f32 to vector<1000x128xf32>
    %neg3A_6 = arith.subf %neg3A_5, %abs3A : vector<1000x128xf32>
    %exp3A = math.exp %neg3A_6 : vector<1000x128xf32>
    %log1p3A = math.log1p %exp3A : vector<1000x128xf32>
    %add3A_7 = arith.addf %max3A_2, %log1p3A : vector<1000x128xf32>
    %select_n3A = arith.select %ne3A, %add3A_4, %add3A_7 : vector<1000x128xi1>, vector<1000x128xf32>
    %sub3A_8 = arith.constant 0.693147182 : f32
    %sub3A_9 = vector.broadcast %sub3A_8 : f32 to vector<1000x128xf32>
    %sub3A_10 = arith.subf %select_n3A, %sub3A_9 : vector<1000x128xf32>
    %get3A_11 = arith.constant 0 : index
    %get3A_12 = arith.constant 0 : index
    %get3A_13 = vector.load %arg2[%get3A_11, %get3A_12] : memref<128x128xf32, #tpu.memory_space<vmem>>, vector<128x128xf32>
    %dot_general3A = arith.constant dense<0.000000e+00> : vector<1000x128xf32>
    %dot_general3A_14 = tpu.matmul %sub3A_10, %get3A_13, %dot_general3A {dimension_numbers = #tpu.dot_dimension_numbers<[1], [0], [0], [1], [0, 0, 1, 1], [], []>, transpose_lhs_hint = false} : vector<1000x128xf32>, vector<128x128xf32>, vector<1000x128xf32> -> vector<1000x128xf32>
    %get3A_15 = arith.constant 0 : index
    %get3A_16 = arith.constant 0 : index
    %get3A_17 = vector.load %arg3[%get3A_15, %get3A_16] : memref<1x128xf32, #tpu.memory_space<vmem>>, vector<1x128xf32>
    %add3A_18 = vector.broadcast %get3A_17 : vector<1x128xf32> to vector<1000x128xf32>
    %add3A_19 = arith.addf %dot_general3A_14, %add3A_18 : vector<1000x128xf32>
    %custom_jvp_call3A_20 = arith.constant 0.000000e+00 : f32
    %max3A_21 = vector.broadcast %custom_jvp_call3A_20 : f32 to vector<1000x128xf32>
    %max3A_22 = arith.maximumf %add3A_19, %max3A_21 : vector<1000x128xf32>
    %sub3A_23 = vector.broadcast %custom_jvp_call3A_20 : f32 to vector<1000x128xf32>
    %sub3A_24 = arith.subf %add3A_19, %sub3A_23 : vector<1000x128xf32>
    %ne3A_25 = arith.cmpf one, %sub3A_24, %sub3A_24 : vector<1000x128xf32>
    %add3A_26 = vector.broadcast %custom_jvp_call3A_20 : f32 to vector<1000x128xf32>
    %add3A_27 = arith.addf %add3A_19, %add3A_26 : vector<1000x128xf32>
    %abs3A_28 = math.absf %sub3A_24 : vector<1000x128xf32>
    %neg3A_29 = arith.constant 0.000000e+00 : f32
    %neg3A_30 = vector.broadcast %neg3A_29 : f32 to vector<1000x128xf32>
    %neg3A_31 = arith.subf %neg3A_30, %abs3A_28 : vector<1000x128xf32>
    %exp3A_32 = math.exp %neg3A_31 : vector<1000x128xf32>
    %log1p3A_33 = math.log1p %exp3A_32 : vector<1000x128xf32>
    %add3A_34 = arith.addf %max3A_22, %log1p3A_33 : vector<1000x128xf32>
    %select_n3A_35 = arith.select %ne3A_25, %add3A_27, %add3A_34 : vector<1000x128xi1>, vector<1000x128xf32>
    %swap3A = arith.constant 0 : index
    %swap3A_36 = arith.constant 0 : index
    %swap3A_37 = vector.load %arg6[%swap3A, %swap3A_36] : memref<1000x128xf32, #tpu.memory_space<vmem>>, vector<1000x128xf32>
    tpu.vector_store %arg6[%swap3A, %swap3A_36], %select_n3A_35 {strides = array<i32>} : memref<1000x128xf32, #tpu.memory_space<vmem>>, vector<1000x128xf32>,
    %get3A_38 = arith.constant 0 : index
    %get3A_39 = arith.constant 0 : index
    %get3A_40 = vector.load %arg4[%get3A_38, %get3A_39] : memref<128x128xf32, #tpu.memory_space<vmem>>, vector<128x128xf32>
    %dot_general3A_41 = arith.constant dense<0.000000e+00> : vector<1000x128xf32>
    %dot_general3A_42 = tpu.matmul %sub3A_10, %get3A_40, %dot_general3A_41 {dimension_numbers = #tpu.dot_dimension_numbers<[1], [0], [0], [1], [0, 0, 1, 1], [], []>, transpose_lhs_hint = false} : vector<1000x128xf32>, vector<128x128xf32>, vector<1000x128xf32> -> vector<1000x128xf32>
    %get3A_43 = arith.constant 0 : index
    %get3A_44 = arith.constant 0 : index
    %get3A_45 = vector.load %arg5[%get3A_43, %get3A_44] : memref<1x128xf32, #tpu.memory_space<vmem>>, vector<1x128xf32>
    %add3A_46 = vector.broadcast %get3A_45 : vector<1x128xf32> to vector<1000x128xf32>
    %add3A_47 = arith.addf %dot_general3A_42, %add3A_46 : vector<1000x128xf32>
    %custom_jvp_call3A_48 = arith.constant 0.000000e+00 : f32
    %max3A_49 = vector.broadcast %custom_jvp_call3A_48 : f32 to vector<1000x128xf32>
    %max3A_50 = arith.maximumf %add3A_47, %max3A_49 : vector<1000x128xf32>
    %sub3A_51 = vector.broadcast %custom_jvp_call3A_48 : f32 to vector<1000x128xf32>
    %sub3A_52 = arith.subf %add3A_47, %sub3A_51 : vector<1000x128xf32>
    %ne3A_53 = arith.cmpf one, %sub3A_52, %sub3A_52 : vector<1000x128xf32>
    %add3A_54 = vector.broadcast %custom_jvp_call3A_48 : f32 to vector<1000x128xf32>
    %add3A_55 = arith.addf %add3A_47, %add3A_54 : vector<1000x128xf32>
    %abs3A_56 = math.absf %sub3A_52 : vector<1000x128xf32>
    %neg3A_57 = arith.constant 0.000000e+00 : f32
    %neg3A_58 = vector.broadcast %neg3A_57 : f32 to vector<1000x128xf32>
    %neg3A_59 = arith.subf %neg3A_58, %abs3A_56 : vector<1000x128xf32>
    %exp3A_60 = math.exp %neg3A_59 : vector<1000x128xf32>
    %log1p3A_61 = math.log1p %exp3A_60 : vector<1000x128xf32>
    %add3A_62 = arith.addf %max3A_50, %log1p3A_61 : vector<1000x128xf32>
    %select_n3A_63 = arith.select %ne3A_53, %add3A_55, %add3A_62 : vector<1000x128xi1>, vector<1000x128xf32>
    %swap3A_64 = arith.constant 0 : index
    %swap3A_65 = arith.constant 0 : index
    %swap3A_66 = vector.load %arg7[%swap3A_64, %swap3A_65] : memref<1000x128xf32, #tpu.memory_space<vmem>>, vector<1000x128xf32>
    tpu.vector_store %arg7[%swap3A_64, %swap3A_65], %select_n3A_63 {strides = array<i32>} : memref<1000x128xf32, #tpu.memory_space<vmem>>, vector<1000x128xf32>,
    return
  }
  func.func @transform_0(%arg0: i32) -> (i32, i32) {
    %c0_i32 = arith.constant 0 : i32
    %c0_i32_0 = arith.constant 0 : i32
    return %arg0, %c0_i32 : i32, i32
  }
  func.func @transform_1(%arg0: i32) -> (i32, i32) {
    %c0_i32 = arith.constant 0 : i32
    %c0_i32_0 = arith.constant 0 : i32
    %c0_i32_1 = arith.constant 0 : i32
    return %c0_i32, %c0_i32_0 : i32, i32
  }
  func.func @transform_2(%arg0: i32) -> (i32, i32) {
    %c0_i32 = arith.constant 0 : i32
    %c0_i32_0 = arith.constant 0 : i32
    %c0_i32_1 = arith.constant 0 : i32
    return %c0_i32, %c0_i32_0 : i32, i32
  }
  func.func @transform_3(%arg0: i32) -> (i32, i32) {
    %c0_i32 = arith.constant 0 : i32
    %c0_i32_0 = arith.constant 0 : i32
    %c0_i32_1 = arith.constant 0 : i32
    return %c0_i32, %c0_i32_0 : i32, i32
  }
  func.func @transform_4(%arg0: i32) -> (i32, i32) {
    %c0_i32 = arith.constant 0 : i32
    %c0_i32_0 = arith.constant 0 : i32
    %c0_i32_1 = arith.constant 0 : i32
    return %c0_i32, %c0_i32_0 : i32, i32
  }
  func.func @transform_5(%arg0: i32) -> (i32, i32) {
    %c0_i32 = arith.constant 0 : i32
    %c0_i32_0 = arith.constant 0 : i32
    return %arg0, %c0_i32 : i32, i32
  }
  func.func @transform_6(%arg0: i32) -> (i32, i32) {
    %c0_i32 = arith.constant 0 : i32
    %c0_i32_0 = arith.constant 0 : i32
    return %arg0, %c0_i32 : i32, i32
  }
}

module attributes {stable_mosaic.version = 14 : i64} {
  func.func @_out_body(%arg0: i32, %arg1: memref<1000x128xf32, #tpu.memory_space<vmem>>, %arg2: memref<2x1000x128xf32, #tpu.memory_space<vmem>>, %arg3: memref<1000x128xf32, #tpu.memory_space<vmem>>, %arg4: memref<3x128x128xf32, #tpu.memory_space<vmem>>, %arg5: memref<3x128xf32, #tpu.memory_space<vmem>>, %arg6: memref<3x128x128xf32, #tpu.memory_space<vmem>>, %arg7: memref<3x128xf32, #tpu.memory_space<vmem>>, %arg8: memref<128x128xf32, #tpu.memory_space<vmem>>, %arg9: memref<1x128xf32, #tpu.memory_space<vmem>>, %arg10: memref<1x128xf32, #tpu.memory_space<vmem>>, %arg11: memref<1000x128xf32, #tpu.memory_space<vmem>>) attributes {dimension_semantics = [#tpu.dimension_semantics<arbitrary>], iteration_bounds = array<i64: 10>, scalar_prefetch = 0 : i64, scratch_operands = 0 : i64, tpu.core_type = #tpu.core_type<tc>, window_params = [{transform_indices = @transform_0, window_bounds = array<i64: 1000, 128>}, {transform_indices = @transform_1, window_bounds = array<i64: 2, 1000, 128>}, {transform_indices = @transform_2, window_bounds = array<i64: 1000, 128>}, {pipeline_mode = #tpu.pipeline_mode<synchronous>, transform_indices = @transform_3, window_bounds = array<i64: 3, 128, 128>}, {pipeline_mode = #tpu.pipeline_mode<synchronous>, transform_indices = @transform_4, window_bounds = array<i64: 3, 128>}, {pipeline_mode = #tpu.pipeline_mode<synchronous>, transform_indices = @transform_5, window_bounds = array<i64: 3, 128, 128>}, {pipeline_mode = #tpu.pipeline_mode<synchronous>, transform_indices = @transform_6, window_bounds = array<i64: 3, 128>}, {pipeline_mode = #tpu.pipeline_mode<synchronous>, transform_indices = @transform_7, window_bounds = array<i64: 128, 128>}, {pipeline_mode = #tpu.pipeline_mode<synchronous>, transform_indices = @transform_8, window_bounds = array<i64: 1, 128>}, {pipeline_mode = #tpu.pipeline_mode<synchronous>, transform_indices = @transform_9, window_bounds = array<i64: 1, 128>}, {transform_indices = @transform_10, window_bounds = array<i64: 1000, 128>}]} {
    %get3A = arith.constant 0 : index
    %get3A_0 = arith.constant 0 : index
    %get3A_1 = vector.load %arg1[%get3A, %get3A_0] : memref<1000x128xf32, #tpu.memory_space<vmem>>, vector<1000x128xf32>
    %get3A_2 = arith.constant 0 : index
    %get3A_3 = arith.constant 0 : index
    %get3A_4 = arith.constant 0 : index
    %get3A_5 = vector.load %arg2[%get3A_2, %get3A_3, %get3A_4] : memref<2x1000x128xf32, #tpu.memory_space<vmem>>, vector<1x1000x128xf32>
    %get3A_6 = vector.shape_cast %get3A_5 : vector<1x1000x128xf32> to vector<1000x128xf32>
    %add3A = arith.addf %get3A_1, %get3A_6 : vector<1000x128xf32>
    %get3A_7 = arith.constant 1 : index
    %get3A_8 = arith.constant 0 : index
    %get3A_9 = arith.constant 0 : index
    %get3A_10 = vector.load %arg2[%get3A_7, %get3A_8, %get3A_9] : memref<2x1000x128xf32, #tpu.memory_space<vmem>>, vector<1x1000x128xf32>
    %get3A_11 = vector.shape_cast %get3A_10 : vector<1x1000x128xf32> to vector<1000x128xf32>
    %add3A_12 = arith.addf %add3A, %get3A_11 : vector<1000x128xf32>
    %get3A_13 = arith.constant 0 : index
    %get3A_14 = arith.constant 0 : index
    %get3A_15 = arith.constant 0 : index
    %get3A_16 = vector.load %arg4[%get3A_13, %get3A_14, %get3A_15] : memref<3x128x128xf32, #tpu.memory_space<vmem>>, vector<1x128x128xf32>
    %get3A_17 = vector.shape_cast %get3A_16 : vector<1x128x128xf32> to vector<128x128xf32>
    %dot_general3A = arith.constant dense<0.000000e+00> : vector<1000x128xf32>
    %dot_general3A_18 = tpu.matmul %add3A_12, %get3A_17, %dot_general3A {dimension_numbers = #tpu.dot_dimension_numbers<[1], [0], [0], [1], [0, 0, 1, 1], [], []>, transpose_lhs_hint = false} : vector<1000x128xf32>, vector<128x128xf32>, vector<1000x128xf32> -> vector<1000x128xf32>
    %get3A_19 = arith.constant 0 : index
    %get3A_20 = arith.constant 0 : index
    %get3A_21 = vector.load %arg5[%get3A_19, %get3A_20] : memref<3x128xf32, #tpu.memory_space<vmem>>, vector<1x128xf32>
    %add3A_22 = vector.broadcast %get3A_21 : vector<1x128xf32> to vector<1000x128xf32>
    %add3A_23 = arith.addf %dot_general3A_18, %add3A_22 : vector<1000x128xf32>
    %custom_jvp_call3A = arith.constant 0.000000e+00 : f32
    %max3A = vector.broadcast %custom_jvp_call3A : f32 to vector<1000x128xf32>
    %max3A_24 = arith.maximumf %add3A_23, %max3A : vector<1000x128xf32>
    %sub3A = vector.broadcast %custom_jvp_call3A : f32 to vector<1000x128xf32>
    %sub3A_25 = arith.subf %add3A_23, %sub3A : vector<1000x128xf32>
    %ne3A = arith.cmpf one, %sub3A_25, %sub3A_25 : vector<1000x128xf32>
    %add3A_26 = vector.broadcast %custom_jvp_call3A : f32 to vector<1000x128xf32>
    %add3A_27 = arith.addf %add3A_23, %add3A_26 : vector<1000x128xf32>
    %abs3A = math.absf %sub3A_25 : vector<1000x128xf32>
    %neg3A = arith.constant 0.000000e+00 : f32
    %neg3A_28 = vector.broadcast %neg3A : f32 to vector<1000x128xf32>
    %neg3A_29 = arith.subf %neg3A_28, %abs3A : vector<1000x128xf32>
    %exp3A = math.exp %neg3A_29 : vector<1000x128xf32>
    %log1p3A = math.log1p %exp3A : vector<1000x128xf32>
    %add3A_30 = arith.addf %max3A_24, %log1p3A : vector<1000x128xf32>
    %select_n3A = arith.select %ne3A, %add3A_27, %add3A_30 : vector<1000x128xi1>, vector<1000x128xf32>
    %get3A_31 = arith.constant 0 : index
    %get3A_32 = arith.constant 0 : index
    %get3A_33 = arith.constant 0 : index
    %get3A_34 = vector.load %arg6[%get3A_31, %get3A_32, %get3A_33] : memref<3x128x128xf32, #tpu.memory_space<vmem>>, vector<1x128x128xf32>
    %get3A_35 = vector.shape_cast %get3A_34 : vector<1x128x128xf32> to vector<128x128xf32>
    %dot_general3A_36 = arith.constant dense<0.000000e+00> : vector<1000x128xf32>
    %dot_general3A_37 = tpu.matmul %select_n3A, %get3A_35, %dot_general3A_36 {dimension_numbers = #tpu.dot_dimension_numbers<[1], [0], [0], [1], [0, 0, 1, 1], [], []>, transpose_lhs_hint = false} : vector<1000x128xf32>, vector<128x128xf32>, vector<1000x128xf32> -> vector<1000x128xf32>
    %get3A_38 = arith.constant 0 : index
    %get3A_39 = arith.constant 0 : index
    %get3A_40 = vector.load %arg7[%get3A_38, %get3A_39] : memref<3x128xf32, #tpu.memory_space<vmem>>, vector<1x128xf32>
    %add3A_41 = vector.broadcast %get3A_40 : vector<1x128xf32> to vector<1000x128xf32>
    %add3A_42 = arith.addf %dot_general3A_37, %add3A_41 : vector<1000x128xf32>
    %add3A_43 = arith.addf %add3A_12, %add3A_42 : vector<1000x128xf32>
    %get3A_44 = arith.constant 1 : index
    %get3A_45 = arith.constant 0 : index
    %get3A_46 = arith.constant 0 : index
    %get3A_47 = vector.load %arg4[%get3A_44, %get3A_45, %get3A_46] : memref<3x128x128xf32, #tpu.memory_space<vmem>>, vector<1x128x128xf32>
    %get3A_48 = vector.shape_cast %get3A_47 : vector<1x128x128xf32> to vector<128x128xf32>
    %dot_general3A_49 = arith.constant dense<0.000000e+00> : vector<1000x128xf32>
    %dot_general3A_50 = tpu.matmul %add3A_43, %get3A_48, %dot_general3A_49 {dimension_numbers = #tpu.dot_dimension_numbers<[1], [0], [0], [1], [0, 0, 1, 1], [], []>, transpose_lhs_hint = false} : vector<1000x128xf32>, vector<128x128xf32>, vector<1000x128xf32> -> vector<1000x128xf32>
    %get3A_51 = arith.constant 1 : index
    %get3A_52 = arith.constant 0 : index
    %get3A_53 = vector.load %arg5[%get3A_51, %get3A_52] : memref<3x128xf32, #tpu.memory_space<vmem>>, vector<1x128xf32>
    %add3A_54 = vector.broadcast %get3A_53 : vector<1x128xf32> to vector<1000x128xf32>
    %add3A_55 = arith.addf %dot_general3A_50, %add3A_54 : vector<1000x128xf32>
    %custom_jvp_call3A_56 = arith.constant 0.000000e+00 : f32
    %max3A_57 = vector.broadcast %custom_jvp_call3A_56 : f32 to vector<1000x128xf32>
    %max3A_58 = arith.maximumf %add3A_55, %max3A_57 : vector<1000x128xf32>
    %sub3A_59 = vector.broadcast %custom_jvp_call3A_56 : f32 to vector<1000x128xf32>
    %sub3A_60 = arith.subf %add3A_55, %sub3A_59 : vector<1000x128xf32>
    %ne3A_61 = arith.cmpf one, %sub3A_60, %sub3A_60 : vector<1000x128xf32>
    %add3A_62 = vector.broadcast %custom_jvp_call3A_56 : f32 to vector<1000x128xf32>
    %add3A_63 = arith.addf %add3A_55, %add3A_62 : vector<1000x128xf32>
    %abs3A_64 = math.absf %sub3A_60 : vector<1000x128xf32>
    %neg3A_65 = arith.constant 0.000000e+00 : f32
    %neg3A_66 = vector.broadcast %neg3A_65 : f32 to vector<1000x128xf32>
    %neg3A_67 = arith.subf %neg3A_66, %abs3A_64 : vector<1000x128xf32>
    %exp3A_68 = math.exp %neg3A_67 : vector<1000x128xf32>
    %log1p3A_69 = math.log1p %exp3A_68 : vector<1000x128xf32>
    %add3A_70 = arith.addf %max3A_58, %log1p3A_69 : vector<1000x128xf32>
    %select_n3A_71 = arith.select %ne3A_61, %add3A_63, %add3A_70 : vector<1000x128xi1>, vector<1000x128xf32>
    %get3A_72 = arith.constant 1 : index
    %get3A_73 = arith.constant 0 : index
    %get3A_74 = arith.constant 0 : index
    %get3A_75 = vector.load %arg6[%get3A_72, %get3A_73, %get3A_74] : memref<3x128x128xf32, #tpu.memory_space<vmem>>, vector<1x128x128xf32>
    %get3A_76 = vector.shape_cast %get3A_75 : vector<1x128x128xf32> to vector<128x128xf32>
    %dot_general3A_77 = arith.constant dense<0.000000e+00> : vector<1000x128xf32>
    %dot_general3A_78 = tpu.matmul %select_n3A_71, %get3A_76, %dot_general3A_77 {dimension_numbers = #tpu.dot_dimension_numbers<[1], [0], [0], [1], [0, 0, 1, 1], [], []>, transpose_lhs_hint = false} : vector<1000x128xf32>, vector<128x128xf32>, vector<1000x128xf32> -> vector<1000x128xf32>
    %get3A_79 = arith.constant 1 : index
    %get3A_80 = arith.constant 0 : index
    %get3A_81 = vector.load %arg7[%get3A_79, %get3A_80] : memref<3x128xf32, #tpu.memory_space<vmem>>, vector<1x128xf32>
    %add3A_82 = vector.broadcast %get3A_81 : vector<1x128xf32> to vector<1000x128xf32>
    %add3A_83 = arith.addf %dot_general3A_78, %add3A_82 : vector<1000x128xf32>
    %add3A_84 = arith.addf %add3A_43, %add3A_83 : vector<1000x128xf32>
    %get3A_85 = arith.constant 2 : index
    %get3A_86 = arith.constant 0 : index
    %get3A_87 = arith.constant 0 : index
    %get3A_88 = vector.load %arg4[%get3A_85, %get3A_86, %get3A_87] : memref<3x128x128xf32, #tpu.memory_space<vmem>>, vector<1x128x128xf32>
    %get3A_89 = vector.shape_cast %get3A_88 : vector<1x128x128xf32> to vector<128x128xf32>
    %dot_general3A_90 = arith.constant dense<0.000000e+00> : vector<1000x128xf32>
    %dot_general3A_91 = tpu.matmul %add3A_84, %get3A_89, %dot_general3A_90 {dimension_numbers = #tpu.dot_dimension_numbers<[1], [0], [0], [1], [0, 0, 1, 1], [], []>, transpose_lhs_hint = false} : vector<1000x128xf32>, vector<128x128xf32>, vector<1000x128xf32> -> vector<1000x128xf32>
    %get3A_92 = arith.constant 2 : index
    %get3A_93 = arith.constant 0 : index
    %get3A_94 = vector.load %arg5[%get3A_92, %get3A_93] : memref<3x128xf32, #tpu.memory_space<vmem>>, vector<1x128xf32>
    %add3A_95 = vector.broadcast %get3A_94 : vector<1x128xf32> to vector<1000x128xf32>
    %add3A_96 = arith.addf %dot_general3A_91, %add3A_95 : vector<1000x128xf32>
    %custom_jvp_call3A_97 = arith.constant 0.000000e+00 : f32
    %max3A_98 = vector.broadcast %custom_jvp_call3A_97 : f32 to vector<1000x128xf32>
    %max3A_99 = arith.maximumf %add3A_96, %max3A_98 : vector<1000x128xf32>
    %sub3A_100 = vector.broadcast %custom_jvp_call3A_97 : f32 to vector<1000x128xf32>
    %sub3A_101 = arith.subf %add3A_96, %sub3A_100 : vector<1000x128xf32>
    %ne3A_102 = arith.cmpf one, %sub3A_101, %sub3A_101 : vector<1000x128xf32>
    %add3A_103 = vector.broadcast %custom_jvp_call3A_97 : f32 to vector<1000x128xf32>
    %add3A_104 = arith.addf %add3A_96, %add3A_103 : vector<1000x128xf32>
    %abs3A_105 = math.absf %sub3A_101 : vector<1000x128xf32>
    %neg3A_106 = arith.constant 0.000000e+00 : f32
    %neg3A_107 = vector.broadcast %neg3A_106 : f32 to vector<1000x128xf32>
    %neg3A_108 = arith.subf %neg3A_107, %abs3A_105 : vector<1000x128xf32>
    %exp3A_109 = math.exp %neg3A_108 : vector<1000x128xf32>
    %log1p3A_110 = math.log1p %exp3A_109 : vector<1000x128xf32>
    %add3A_111 = arith.addf %max3A_99, %log1p3A_110 : vector<1000x128xf32>
    %select_n3A_112 = arith.select %ne3A_102, %add3A_104, %add3A_111 : vector<1000x128xi1>, vector<1000x128xf32>
    %get3A_113 = arith.constant 2 : index
    %get3A_114 = arith.constant 0 : index
    %get3A_115 = arith.constant 0 : index
    %get3A_116 = vector.load %arg6[%get3A_113, %get3A_114, %get3A_115] : memref<3x128x128xf32, #tpu.memory_space<vmem>>, vector<1x128x128xf32>
    %get3A_117 = vector.shape_cast %get3A_116 : vector<1x128x128xf32> to vector<128x128xf32>
    %dot_general3A_118 = arith.constant dense<0.000000e+00> : vector<1000x128xf32>
    %dot_general3A_119 = tpu.matmul %select_n3A_112, %get3A_117, %dot_general3A_118 {dimension_numbers = #tpu.dot_dimension_numbers<[1], [0], [0], [1], [0, 0, 1, 1], [], []>, transpose_lhs_hint = false} : vector<1000x128xf32>, vector<128x128xf32>, vector<1000x128xf32> -> vector<1000x128xf32>
    %get3A_120 = arith.constant 2 : index
    %get3A_121 = arith.constant 0 : index
    %get3A_122 = vector.load %arg7[%get3A_120, %get3A_121] : memref<3x128xf32, #tpu.memory_space<vmem>>, vector<1x128xf32>
    %add3A_123 = vector.broadcast %get3A_122 : vector<1x128xf32> to vector<1000x128xf32>
    %add3A_124 = arith.addf %dot_general3A_119, %add3A_123 : vector<1000x128xf32>
    %add3A_125 = arith.addf %add3A_84, %add3A_124 : vector<1000x128xf32>
    %custom_jvp_call3A_126 = arith.constant 0.000000e+00 : f32
    %max3A_127 = vector.broadcast %custom_jvp_call3A_126 : f32 to vector<1000x128xf32>
    %max3A_128 = arith.maximumf %add3A_125, %max3A_127 : vector<1000x128xf32>
    %sub3A_129 = vector.broadcast %custom_jvp_call3A_126 : f32 to vector<1000x128xf32>
    %sub3A_130 = arith.subf %add3A_125, %sub3A_129 : vector<1000x128xf32>
    %ne3A_131 = arith.cmpf one, %sub3A_130, %sub3A_130 : vector<1000x128xf32>
    %add3A_132 = vector.broadcast %custom_jvp_call3A_126 : f32 to vector<1000x128xf32>
    %add3A_133 = arith.addf %add3A_125, %add3A_132 : vector<1000x128xf32>
    %abs3A_134 = math.absf %sub3A_130 : vector<1000x128xf32>
    %neg3A_135 = arith.constant 0.000000e+00 : f32
    %neg3A_136 = vector.broadcast %neg3A_135 : f32 to vector<1000x128xf32>
    %neg3A_137 = arith.subf %neg3A_136, %abs3A_134 : vector<1000x128xf32>
    %exp3A_138 = math.exp %neg3A_137 : vector<1000x128xf32>
    %log1p3A_139 = math.log1p %exp3A_138 : vector<1000x128xf32>
    %add3A_140 = arith.addf %max3A_128, %log1p3A_139 : vector<1000x128xf32>
    %select_n3A_141 = arith.select %ne3A_131, %add3A_133, %add3A_140 : vector<1000x128xi1>, vector<1000x128xf32>
    %get3A_142 = arith.constant 0 : index
    %get3A_143 = arith.constant 0 : index
    %get3A_144 = vector.load %arg8[%get3A_142, %get3A_143] : memref<128x128xf32, #tpu.memory_space<vmem>>, vector<128x128xf32>
    %dot_general3A_145 = arith.constant dense<0.000000e+00> : vector<1000x128xf32>
    %dot_general3A_146 = tpu.matmul %select_n3A_141, %get3A_144, %dot_general3A_145 {dimension_numbers = #tpu.dot_dimension_numbers<[1], [0], [0], [1], [0, 0, 1, 1], [], []>, transpose_lhs_hint = false} : vector<1000x128xf32>, vector<128x128xf32>, vector<1000x128xf32> -> vector<1000x128xf32>
    %get3A_147 = arith.constant 0 : index
    %get3A_148 = arith.constant 0 : index
    %get3A_149 = vector.load %arg9[%get3A_147, %get3A_148] : memref<1x128xf32, #tpu.memory_space<vmem>>, vector<1x128xf32>
    %add3A_150 = vector.broadcast %get3A_149 : vector<1x128xf32> to vector<1000x128xf32>
    %add3A_151 = arith.addf %dot_general3A_146, %add3A_150 : vector<1000x128xf32>
    %get3A_152 = arith.constant 0 : index
    %get3A_153 = arith.constant 0 : index
    %get3A_154 = vector.load %arg10[%get3A_152, %get3A_153] : memref<1x128xf32, #tpu.memory_space<vmem>>, vector<1x128xf32>
    %logistic3A = arith.negf %get3A_154 : vector<1x128xf32>
    %logistic3A_155 = math.exp %logistic3A : vector<1x128xf32>
    %logistic3A_156 = arith.constant 1.000000e+00 : f32
    %logistic3A_157 = vector.broadcast %logistic3A_156 : f32 to vector<1x128xf32>
    %logistic3A_158 = arith.addf %logistic3A_157, %logistic3A_155 : vector<1x128xf32>
    %logistic3A_159 = arith.divf %logistic3A_157, %logistic3A_158 : vector<1x128xf32>
    %get3A_160 = arith.constant 0 : index
    %get3A_161 = arith.constant 0 : index
    %get3A_162 = vector.load %arg3[%get3A_160, %get3A_161] : memref<1000x128xf32, #tpu.memory_space<vmem>>, vector<1000x128xf32>
    %mul3A = vector.broadcast %logistic3A_159 : vector<1x128xf32> to vector<1000x128xf32>
    %mul3A_163 = arith.mulf %mul3A, %get3A_162 : vector<1000x128xf32>
    %add3A_164 = arith.addf %mul3A_163, %add3A_151 : vector<1000x128xf32>
    %swap3A = arith.constant 0 : index
    %swap3A_165 = arith.constant 0 : index
    %swap3A_166 = vector.load %arg11[%swap3A, %swap3A_165] : memref<1000x128xf32, #tpu.memory_space<vmem>>, vector<1000x128xf32>
    tpu.vector_store %arg11[%swap3A, %swap3A_165], %add3A_164 {strides = array<i32>} : memref<1000x128xf32, #tpu.memory_space<vmem>>, vector<1000x128xf32>,
    return
  }
  func.func @transform_0(%arg0: i32) -> (i32, i32) {
    %c0_i32 = arith.constant 0 : i32
    %c0_i32_0 = arith.constant 0 : i32
    return %arg0, %c0_i32 : i32, i32
  }
  func.func @transform_1(%arg0: i32) -> (i32, i32, i32) {
    %c0_i32 = arith.constant 0 : i32
    %c0_i32_0 = arith.constant 0 : i32
    %c0_i32_1 = arith.constant 0 : i32
    return %c0_i32, %arg0, %c0_i32_0 : i32, i32, i32
  }
  func.func @transform_2(%arg0: i32) -> (i32, i32) {
    %c0_i32 = arith.constant 0 : i32
    %c0_i32_0 = arith.constant 0 : i32
    return %arg0, %c0_i32 : i32, i32
  }
  func.func @transform_3(%arg0: i32) -> (i32, i32, i32) {
    %c0_i32 = arith.constant 0 : i32
    %c0_i32_0 = arith.constant 0 : i32
    %c0_i32_1 = arith.constant 0 : i32
    %c0_i32_2 = arith.constant 0 : i32
    return %c0_i32, %c0_i32_0, %c0_i32_1 : i32, i32, i32
  }
  func.func @transform_4(%arg0: i32) -> (i32, i32) {
    %c0_i32 = arith.constant 0 : i32
    %c0_i32_0 = arith.constant 0 : i32
    %c0_i32_1 = arith.constant 0 : i32
    return %c0_i32, %c0_i32_0 : i32, i32
  }
  func.func @transform_5(%arg0: i32) -> (i32, i32, i32) {
    %c0_i32 = arith.constant 0 : i32
    %c0_i32_0 = arith.constant 0 : i32
    %c0_i32_1 = arith.constant 0 : i32
    %c0_i32_2 = arith.constant 0 : i32
    return %c0_i32, %c0_i32_0, %c0_i32_1 : i32, i32, i32
  }
  func.func @transform_6(%arg0: i32) -> (i32, i32) {
    %c0_i32 = arith.constant 0 : i32
    %c0_i32_0 = arith.constant 0 : i32
    %c0_i32_1 = arith.constant 0 : i32
    return %c0_i32, %c0_i32_0 : i32, i32
  }
  func.func @transform_7(%arg0: i32) -> (i32, i32) {
    %c0_i32 = arith.constant 0 : i32
    %c0_i32_0 = arith.constant 0 : i32
    %c0_i32_1 = arith.constant 0 : i32
    return %c0_i32, %c0_i32_0 : i32, i32
  }
  func.func @transform_8(%arg0: i32) -> (i32, i32) {
    %c0_i32 = arith.constant 0 : i32
    %c0_i32_0 = arith.constant 0 : i32
    %c0_i32_1 = arith.constant 0 : i32
    return %c0_i32, %c0_i32_0 : i32, i32
  }
  func.func @transform_9(%arg0: i32) -> (i32, i32) {
    %c0_i32 = arith.constant 0 : i32
    %c0_i32_0 = arith.constant 0 : i32
    %c0_i32_1 = arith.constant 0 : i32
    return %c0_i32, %c0_i32_0 : i32, i32
  }
  func.func @transform_10(%arg0: i32) -> (i32, i32) {
    %c0_i32 = arith.constant 0 : i32
    %c0_i32_0 = arith.constant 0 : i32
    return %arg0, %c0_i32 : i32, i32
  }
}

</mosaic_0001>

<sc_bundles>
// kernel: kernel.6.cloned.1.call-start
scs
__scs_entry_jumppad:
0x0: {  	(pc) =	sbr.rel $0x88, $3  }
0x1: {  	(tag) =	ssettag $0x0;
	lr =	simm.s32 $0x1  }
0x2: {  	[smem:$0x3F92] =	sst lr;
	_ =	strace $0xD0000000  }
0x3: {  	_ = 	snop  }
0x4: {  	_ = 	snop  }
0x5: {  	_ = 	snop  }
0x6: {  	_ = 	snop  }
0x7: {  	_ = 	snop  }
__scs_overlays_trampoline_lowered:
0x8: {  	[smem:$0x3FA1] =	sst s0  }
0x9: {  	[smem:$0x3FA2] =	sst s1  }
0xa: {  	[smem:$0x3FA3] =	sst s2  }
0xb: {  	[smem:$0x3FA4] =	sst s3  }
0xc: {  	[smem:$0x3FA5] =	sst s4  }
0xd: {  	[smem:$0x3FA6] =	sst s5  }
0xe: {  	[smem:$0x3FA7] =	sst s6  }
0xf: {  	[smem:$0x3FA8] =	sst s7  }
0x10: {  	[smem:$0x3FA9] =	sst s8  }
0x11: {  	[smem:$0x3FAA] =	sst s9;
	s0 =	simm.s32 @!p0 $0x0  }
0x12: {  	s1 =	sld [smem:$0x3F90];
	s0 =	simm.s32 @p0 $0x1  }
0x13: {  	[smem:$0x3FAB] =	sst s0;
	s0 =	simm.s32 @!p1 $0x0  }
0x14: {  	s2 =	sld [smem:$0x3F8F];
	s0 =	simm.s32 @p1 $0x1  }
0x15: {  	[smem:$0x3FAC] =	sst s0;
	s0 =	simm.s32 @!p2 $0x0  }
0x16: {  	s3 =	sld [smem:$0x3FDB];
	s0 =	simm.s32 @p2 $0x1  }
0x17: {  	s4 =	simm.s32 $0x1BF5;
	[smem:$0x3FAE] =	sst s0  }
0x18: {  	s0 =	sld [smem:$0x3F91];
	_ =	swait.ge [sflag:s4], $0x0  }
0x19: {  	s7 =	sld [smem:$0x3F92]  }
0x1a: {  	s8 =	sadd.s32 $0xFFFFE003, lr  }
0x1b: {  	s9 =	sadd.s32 $0xFFFFFEF7, lr;
	s5 =	simm.s32 $0xFFFFFFFF;
	p2 =	slt.u32 s8, $0xFFFFF086  }
0x1c: {  	p1 =	slt.u32 s9, $0xF7A;
	s5 =	simm.s32 @!p2 $0x0  }
0x1d: {  	s5 =	simm.s32 @p1 $0x1;
	p0 =	seq.s32 s7, s2  }
0x1e: {  	s7 =	smul.u32 @!p0 $0xF7A, s2;
	p2 =	seq.s32 @!p0 s5, $0x0  }
0x1f: {  	s9 =	smul.u32 $0xF7A, s1;
	s8 =	simm.s32 @!p0 $0x1BF5;
	p2 =	por !p2, p0  }
0x20: {  	[sflag:s8] =	ssyncset.s32 @!p0 $0xFFFFF086;
	s6 =	sadd.s32 @!p0 s3, s7;
	s7 =	simm.s32 @!p0 $0x108  }
0x21: {  	s3 =	sadd.s32 s3, s9;
	s6 =	sadd.s32 @!p0 $0x88, s6;
	s7 =	simm.s32 @p2 $0x1082  }
0x22: {  	[simem:s7], [sflag:s8] =	dma.local @!p0 [hbm:s6], $0xF7A  }
0x23: {  	s9 =	sor.u32 $0xD0000000, s2;
	s6 =	simm.s32 $0x108;
	_ =	swait.ge @!p0 [sflag:s8], $0x0  }
0x24: {  	s3 =	sadd.s32 $0x88, s3;
	s6 =	simm.s32 @!p1 $0x1082;
	[sflag:s4] =	ssyncset.s32 $0xFFFFF086  }
0x25: {  	[simem:s6], [sflag:s4] =	dma.local [hbm:s3], $0xF7A  }
0x26: {  	[smem:$0x3F92] =	sst s1;
	(tag) =	ssettag s2;
	_ =	strace s9  }
0x27: {  	s1 =	sld [smem:$0x3FA2]  }
0x28: {  	s2 =	sld [smem:$0x3FA3]  }
0x29: {  	s4 =	sld [smem:$0x3FA5]  }
0x2a: {  	p0 =	seq.s32 s5, $0x0;
	s5 =	sld [smem:$0x3FA6]  }
0x2b: {  	s6 =	sld [smem:$0x3FA7]  }
0x2c: {  	s7 =	sld [smem:$0x3FA8]  }
0x2d: {  	s3 =	simm.s32 $0x108;
	s8 =	sld [smem:$0x3FA9]  }
0x2e: {  	s3 =	simm.s32 @!p0 $0x1082;
	s9 =	sld [smem:$0x3FAA]  }
0x2f: {  	lr =	sadd.s32 s0, s3;
	s0 =	sld [smem:$0x3FA1]  }
0x30: {  	s3 =	sld [smem:$0x3FA4]  }
0x31: {  	[smem:$0x3FAD] =	sst s10  }
0x32: {  	s10 =	sld [smem:$0x3FAB];
	_ =	sdelay $0x3  }
0x33: {  	p0 =	seq.s32 s10, $0x1;
	s10 =	sld [smem:$0x3FAD];
	_ =	sdelay $0x3  }
0x34: {  	[smem:$0x3FAD] =	sst s10  }
0x35: {  	s10 =	sld [smem:$0x3FAC];
	_ =	sdelay $0x3  }
0x36: {  	p1 =	seq.s32 s10, $0x1;
	s10 =	sld [smem:$0x3FAD];
	_ =	sdelay $0x3  }
0x37: {  	[smem:$0x3FAD] =	sst s10  }
0x38: {  	s10 =	sld [smem:$0x3FAE]  }
0x39: {  	_ = 	snop;
	(pc) =	sbr.ind lr, $3  }
0x3a: {  	_ = 	snop  }
0x3b: {  	_ = 	snop  }
0x3c: {  	p2 =	seq.s32 s10, $0x1;
	s10 =	sld [smem:$0x3FAD]  }
0x3d: {  	_ =	shalt  }
0x3e: {  	_ =	shalt  }
0x3f: {  	_ =	shalt  }
0x40: {  	_ =	shalt  }
0x41: {  	_ =	shalt  }
0x42: {  	_ =	shalt  }
0x43: {  	_ =	shalt  }
0x44: {  	_ =	shalt  }
0x45: {  	_ =	shalt  }
0x46: {  	_ =	shalt  }
0x47: {  	_ =	shalt  }
0x48: {  	_ =	shalt  }
0x49: {  	_ =	shalt  }
0x4a: {  	_ =	shalt  }
0x4b: {  	_ =	shalt  }
0x4c: {  	_ =	shalt  }
0x4d: {  	_ =	shalt  }
0x4e: {  	_ =	shalt  }
0x4f: {  	_ =	shalt  }
0x50: {  	_ =	shalt  }
0x51: {  	_ =	shalt  }
0x52: {  	_ =	shalt  }
0x53: {  	_ =	shalt  }
0x54: {  	_ =	shalt  }
0x55: {  	_ =	shalt  }
0x56: {  	_ =	shalt  }
0x57: {  	_ =	shalt  }
0x58: {  	_ =	shalt  }
0x59: {  	_ =	shalt  }
0x5a: {  	_ =	shalt  }
0x5b: {  	_ =	shalt  }
0x5c: {  	_ =	shalt  }
0x5d: {  	_ =	shalt  }
0x5e: {  	_ =	shalt  }
0x5f: {  	_ =	shalt  }
0x60: {  	_ =	shalt  }
0x61: {  	_ =	shalt  }
0x62: {  	_ =	shalt  }
0x63: {  	_ =	shalt  }
0x64: {  	_ =	shalt  }
0x65: {  	_ =	shalt  }
0x66: {  	_ =	shalt  }
0x67: {  	_ =	shalt  }
0x68: {  	_ =	shalt  }
0x69: {  	_ =	shalt  }
0x6a: {  	_ =	shalt  }
0x6b: {  	_ =	shalt  }
0x6c: {  	_ =	shalt  }
0x6d: {  	_ =	shalt  }
0x6e: {  	_ =	shalt  }
0x6f: {  	_ =	shalt  }
0x70: {  	_ =	shalt  }
0x71: {  	_ =	shalt  }
0x72: {  	_ =	shalt  }
0x73: {  	_ =	shalt  }
0x74: {  	_ =	shalt  }
0x75: {  	_ =	shalt  }
0x76: {  	_ =	shalt  }
0x77: {  	_ =	shalt  }
0x78: {  	_ =	shalt  }
0x79: {  	_ =	shalt  }
0x7a: {  	_ =	shalt  }
0x7b: {  	_ =	shalt  }
0x7c: {  	_ =	shalt  }
0x7d: {  	_ =	shalt  }
0x7e: {  	_ =	shalt  }
0x7f: {  	_ =	shalt  }
0x80: {  	_ =	shalt  }
0x81: {  	_ =	shalt  }
0x82: {  	_ =	shalt  }
0x83: {  	_ =	shalt  }
0x84: {  	_ =	shalt  }
0x85: {  	_ =	shalt  }
0x86: {  	_ =	shalt  }
0x87: {  	_ =	shalt  }
.Lfunc_end0:
.L_simem_size_0:
called_computation_lowered:
.L_overlay_start_0:
0x88: {  	s2 =	sld [smem:$0x3FD9]  }
0x89: {  	s3 =	sld [smem:$0x3FFE];
	_ =	sdelay $0x1  }
0x8a: {  	s1 =	srdreg.scid  }
0x8b: {  	s0 =	sand.u32 $0x1, s1  }
0x8c: {  	s17 =	sshll.u32 s0, $0xA;
	s2 =	sadd.s32 s3, s2  }
0x8d: {  	s2 =	sadd.s32 s2, s17  }
0x8e: {  	[smem:$0x3FB9] =	sst s2  }
0x8f: {  	_ = 	snop  }
0x90: {  	s2 =	sld [smem:$0x3FD0];
	(tm) =	ssettm $0x1  }
0x91: {  	s18 =	sld [smem:$0x3FFB];
	_ =	sdelay $0x3  }
0x92: {  	_ =	strace s18  }
0x93: {  	s3 =	sld [smem:$0x3FFC];
	_ =	sdelay $0x3  }
0x94: {  	_ =	strace s3  }
0x95: {  	s3 =	sld [smem:$0x3FFD];
	_ =	sdelay $0x3  }
0x96: {  	_ =	strace s3  }
0x97: {  	_ =	strace $0x8FFFFFFF  }
0x98: {  	s19 =	sld [smem:$0x3FDB];
	_ =	sdelay $0x1  }
0x99: {  	s4 =	simm.s32 $_scs_section_size  }
0x9a: {  	s5 =	simm.s32 $_size__tile_overlayer_lowered;
	s6 =	simm.s32 $_tile_overlayer_lowered  }
0x9b: {  	s22 =	simm.s32 $0x1BFF;
	s21 =	sshll.u32 s6, $0x1;
	s3 =	sadd.s32 s4, s19  }
0x9c: {  	s7 =	simm.s32 $0x0;
	s20 =	sshll.u32 s5, $0x1;
	s5 =	sadd.s32 s21, s3  }
0x9d: {  	[timem:s7], [sflag:s22] =	dma.local [hbm:s5], s20  }
0x9e: {  	_ =	swait.ge [sflag:s22], s20  }
0x9f: {  	s4 =	ssub.s32 $0x0, s20;
	[sflag:s22] =	ssyncset.done $0x0  }
0xa0: {  	[sflag:s22] =	ssyncadd.s32 s4;
	_ =	sdelay $0x1  }
0xa1: {  	s23 =	simm.s32 $0x1B8B  }
0xa2: {  	_ =	swait.ge [sflag:s23], $0x1  }
0xa3: {  	[sflag:s23] =	ssyncset.done $0x0  }
0xa4: {  	s25 =	simm.s32 $0x1B8E;
	s24 =	sld [smem:$0x3FFE];
	[sflag:s23] =	ssyncadd.s32 $0xFFFFFFFF  }
0xa5: {  	s26 =	simm.s32 $execute0_lowered;
	[smem:$0x3FD2] =	sst s25  }
0xa6: {  	s5 =	sshll.u32 s26, $0x1;
	_ =	strace $0x80000046;
	[dreg:$0x1] =	wrdreg $0xFFFFFFFF  }
0xa7: {  	s28 =	simm.s32 $_size_execute0_lowered;
	s3 =	sadd.s32 s3, s5;
	[dreg:$0x0] =	wrdreg $0x0  }
0xa8: {  	s5 =	sshll.u32 s28, $0x1;
	[dreg:$0x2] =	wrdreg s3  }
0xa9: {  	[dreg:$0x3] =	wrdreg s5  }
0xaa: {  	[dreg:$0x4] =	wrdreg $0xC0  }
0xab: {  	_ =	task [dreg:s7], $0x5FFFF  }
0xac: {  	[dreg:$0x1] =	wrdreg $0xFFFFFFFF  }
0xad: {  	[dreg:$0x0] =	wrdreg $0x60  }
0xae: {  	[dreg:$0x2] =	wrdreg s2  }
0xaf: {  	[dreg:$0x3] =	wrdreg s24  }
0xb0: {  	[dreg:$0x4] =	wrdreg $0x96000  }
0xb1: {  	[dreg:$0x5] =	wrdreg $0x9  }
0xb2: {  	_ =	task.clear_ibuf [dreg:s7], $0x6FFFF;
	_ =	strace $0x90000046  }
0xb3: {  	s29 =	simm.s32 $0x9;
	_ =	strace $0x80000048  }
0xb4: {  	_ =	swait.ge [sflag:s29], $0x1  }
0xb5: {  	[sflag:s29] =	ssyncadd.s32 $0xFFFFFFFF  }
0xb6: {  	_ =	strace $0x90000048  }
0xb7: {  	_ =	sfence  }
0xb8: {  	s30 =	sld [smem:$0x0];
	_ =	sdelay $0x2  }
0xb9: {  	s31 =	sshll.u32 s1, $0xD;
	s1 =	sshrl.u32 s1, $0x2  }
0xba: {  	s3 =	sand.u32 $0x4000, s31;
	s1 =	sadd.s32 s1, s30  }
0xbb: {  	s0 =	sor.u32 s3, s0;
	s1 =	sshll.u32 s1, $0x11  }
0xbc: {  	s0 =	sor.u32 s1, s0  }
0xbd: {  	s0 =	sadd.s32 $0x8F2B, s0  }
0xbe: {  	[sflag:s0] =	ssyncadd.remote.s32 $0x1  }
0xbf: {  	_ =	sfence.sel $0xFFFF  }
0xc0: {  	[dreg:$0x0] =	wrdreg $0xFFFFFFFF;
	(pc) =	sbr.abs _section_cstart, $3  }
0xc1: {  	[dreg:$0x1] =	wrdreg $0xFFFFFFFF  }
0xc2: {  	_ =	task.clear_ibuf [dreg:s7], $0x2FFFF;
	_ =	strace $0x9FFFFFFF  }
0xc3: {  	(tm) =	ssettm $0x7FFFFFFF  }
tec
execute0_lowered:
.L_overlay_start_1:
0x0: {  	(tag) =	ssettag $0x1  }
0x1: {  	s2 =	rddreg [dreg:$0x0]  }
0x2: {  	s0 =	rddreg [dreg:$0x1];
	s9 =	stileid.u32  }
0x3: {  	s3 =	rddreg [dreg:$0x2];
	s5 =	smul.u32 $0x6C, s9  }
0x4: {  	s4 =	simm.s32 $0x0;
	s1 =	srdreg.scid;
	s6 =	smul.u32 $0xD0, s9  }
0x5: {  	[smem:$0x7FF] =	sst s4;
	s14 =	smul.u32 $0x280, s9  }
0x6: {  	s1 =	sand.u32 $0x1, s1;
	s9 =	smul.u32 $0x50000, s9;
	s10 =	sadd.s32 $0x284A00, s0  }
0x7: {  	p0 =	seq.s32 s1, $0x0;
	s15 =	smul.u32 $0x2800, s1;
	_ =	strace $0x80000047  }
0x8: {  	[dreg:$0x4] =	wrdreg s10;
	s1 =	ssub.s32 $0x2, s1;
	s7 =	sadd.s32 $0xD00, s5  }
0x9: {  	s16 =	sshrl.u32 s9, $0x2;
	s17 =	sshrl.u32 s1, $0x1;
	s7 =	smov.u32 @p0 s6  }
0xa: {  	s6 =	sadd.s32 s14, s15;
	s15 =	sadd.s32 s16, s3;
	s1 =	ssub.s32 s1, s17  }
0xb: {  	s5 =	sadd.s32 $0xCA00, s0;
	s30 =	smax.u32 s1, $0x1;
	[dreg:$0x5] =	wrdreg s15  }
0xc: {  	s8 =	sshll.u32 s7, $0x3;
	s9 =	sadd.s32 $0x2000, s15;
	[dreg:$0x14] =	wrdreg s30  }
0xd: {  	s6 =	sshll.u32 s6, $0x4;
	s16 =	sadd.s32 $0x4000, s15;
	[dreg:$0x6] =	wrdreg s9  }
0xe: {  	s19 =	sshll.u32 s7, $0x9;
	s1 =	sadd.s32 $0x6000, s15;
	[dreg:$0x7] =	wrdreg s16  }
0xf: {  	s11 =	sshll.u32 s7, $0x6;
	s7 =	sadd.s32 $0x8000, s15;
	[dreg:$0x15] =	wrdreg s1  }
0x10: {  	s17 =	sadd.s32 $0xC000, s15;
	s8 =	sadd.s32 s8, s0;
	[dreg:$0x16] =	wrdreg s7  }
0x11: {  	s0 =	sadd.s32 s6, s0;
	s6 =	sadd.s32 s5, s19;
	[dreg:$0x18] =	wrdreg s17  }
0x12: {  	s18 =	sadd.s32 $0x2800, s8;
	[dreg:$0xd] =	wrdreg s6  }
0x13: {  	s20 =	sadd.s32 $0x284E00, s0;
	[dreg:$0x8] =	wrdreg s18  }
0x14: {  	s21 =	sadd.s32 $0x285200, s0;
	[dreg:$0x9] =	wrdreg s20  }
0x15: {  	s22 =	sadd.s32 $0x285600, s0;
	[dreg:$0xa] =	wrdreg s21  }
0x16: {  	s23 =	sadd.s32 $0x285A00, s0;
	[dreg:$0xb] =	wrdreg s22  }
0x17: {  	s12 =	simm.s32 $0x3;
	s24 =	sadd.s32 $0x285E00, s0;
	[dreg:$0xc] =	wrdreg s23  }
0x18: {  	s13 =	simm.s32 $0x40;
	s25 =	sadd.s32 $0x286200, s0;
	[dreg:$0xe] =	wrdreg s24  }
0x19: {  	s10 =	simm.s32 $0xD0;
	s26 =	sadd.s32 $0x286600, s0;
	[dreg:$0xf] =	wrdreg s25  }
0x1a: {  	s10 =	simm.s32 @!p0 $0x6C;
	s28 =	sadd.s32 $0x286A00, s0;
	[dreg:$0x10] =	wrdreg s26  }
0x1b: {  	s14 =	sadd.s32 $0xFFFFFFFF, s10;
	s29 =	sadd.s32 $0x286E00, s0;
	[dreg:$0x11] =	wrdreg s28  }
0x1c: {  	s19 =	simm.s32 $0x5600;
	s0 =	sadd.s32 $0x287200, s0;
	[dreg:$0x12] =	wrdreg s29  }
0x1d: {  	s8 =	sadd.s32 $0xA000, s15;
	s31 =	sadd.s32 $0x200, s6;
	[dreg:$0x13] =	wrdreg s0  }
0x1e: {  	s6 =	simm.s32 $0x0;
	s20 =	sshrl.u32 s10, $0x1;
	[dreg:$0x1c] =	wrdreg s31  }
0x1f: {  	s23 =	sadd.s32 $0xE000, s15;
	s25 =	sadd.s32 $0x10000, s15;
	[dreg:$0x17] =	wrdreg s8  }
0x20: {  	s26 =	sadd.s32 $0x12000, s15;
	s10 =	simm.s32 $0x3600;
	[dreg:$0x19] =	wrdreg s23  }
0x21: {  	s18 =	simm.s32 $0x3480;
	s21 =	simm.s32 $0x8600;
	[dreg:$0x1a] =	wrdreg s25  }
0x22: {  	s22 =	simm.s32 $0x1;
	s24 =	simm.s32 $0x2;
	[dreg:$0x1b] =	wrdreg s26  }
.LBB2_1:
0x23: {  	[dreg:$0x1d] =	wrdreg s6  }
0x24: {  	s0 =	rddreg [dreg:$0x4]  }
0x25: {  	[tilespmem:s10], [sflag:$0x3] =	stream.linear.gather [hbm4b:s0+s4], $0x2000, $0x38;
	[tilespmem:$0x1D600] =	vst v63  }
0x26: {  	_ =	swait.ge [sflag:s12], $0x2000  }
0x27: {  	[sflag:s12] =	ssyncset.done $0x0  }
0x28: {  	[sflag:s12] =	ssyncadd.s32 $0xFFFFE000  }
0x29: {  	[spmem:s15] =	stream.linear.scatter [tilespmem:s10], [sflag:$0x3], $0x2000, $0x38;
	[tilespmem:$0x1D600] =	vst v63  }
0x2a: {  	_ =	swait.ge [sflag:s12], $0x2000  }
0x2b: {  	[sflag:s12] =	ssyncset.done $0x0  }
0x2c: {  	[sflag:s12] =	ssyncadd.s32 $0xFFFFE000  }
0x2d: {  	[spmem:s9] =	stream.linear.scatter [tilespmem:s10], [sflag:$0x3], $0x2000, $0x38;
	[tilespmem:$0x1D600] =	vst v63  }
0x2e: {  	_ =	swait.ge [sflag:s12], $0x2000  }
0x2f: {  	[sflag:s12] =	ssyncset.done $0x0  }
0x30: {  	[sflag:s12] =	ssyncadd.s32 $0xFFFFE000  }
0x31: {  	[spmem:s16] =	stream.linear.scatter [tilespmem:s10], [sflag:$0x3], $0x2000, $0x38;
	[tilespmem:$0x1D600] =	vst v63  }
0x32: {  	_ =	swait.ge [sflag:s12], $0x2000  }
0x33: {  	[sflag:s12] =	ssyncset.done $0x0  }
0x34: {  	[sflag:s12] =	ssyncadd.s32 $0xFFFFE000  }
0x35: {  	[spmem:s1] =	stream.linear.scatter [tilespmem:s10], [sflag:$0x3], $0x2000, $0x38;
	[tilespmem:$0x1D600] =	vst v63  }
0x36: {  	_ =	swait.ge [sflag:s12], $0x2000  }
0x37: {  	[sflag:s12] =	ssyncset.done $0x0  }
0x38: {  	[sflag:s12] =	ssyncadd.s32 $0xFFFFE000  }
0x39: {  	[spmem:s7] =	stream.linear.scatter [tilespmem:s10], [sflag:$0x3], $0x2000, $0x38;
	[tilespmem:$0x1D600] =	vst v63  }
0x3a: {  	_ =	swait.ge [sflag:s12], $0x2000  }
0x3b: {  	[sflag:s12] =	ssyncset.done $0x0  }
0x3c: {  	[sflag:s12] =	ssyncadd.s32 $0xFFFFE000  }
0x3d: {  	[spmem:s8] =	stream.linear.scatter [tilespmem:s10], [sflag:$0x3], $0x2000, $0x38;
	[tilespmem:$0x1D600] =	vst v63  }
0x3e: {  	_ =	swait.ge [sflag:s12], $0x2000  }
0x3f: {  	[sflag:s12] =	ssyncset.done $0x0  }
0x40: {  	[sflag:s12] =	ssyncadd.s32 $0xFFFFE000  }
0x41: {  	[spmem:s17] =	stream.linear.scatter [tilespmem:s10], [sflag:$0x3], $0x2000, $0x38;
	[tilespmem:$0x1D600] =	vst v63  }
0x42: {  	_ =	swait.ge [sflag:s12], $0x2000  }
0x43: {  	[sflag:s12] =	ssyncset.done $0x0  }
0x44: {  	[sflag:s12] =	ssyncadd.s32 $0xFFFFE000  }
0x45: {  	[spmem:s23] =	stream.linear.scatter [tilespmem:s10], [sflag:$0x3], $0x2000, $0x38;
	[tilespmem:$0x1D600] =	vst v63  }
0x46: {  	_ =	swait.ge [sflag:s12], $0x2000  }
0x47: {  	[sflag:s12] =	ssyncset.done $0x0  }
0x48: {  	[sflag:s12] =	ssyncadd.s32 $0xFFFFE000  }
0x49: {  	[spmem:s25] =	stream.linear.scatter [tilespmem:s10], [sflag:$0x3], $0x2000, $0x38;
	[tilespmem:$0x1D600] =	vst v63  }
0x4a: {  	_ =	swait.ge [sflag:s12], $0x2000  }
0x4b: {  	[sflag:s12] =	ssyncset.done $0x0  }
0x4c: {  	[sflag:s12] =	ssyncadd.s32 $0xFFFFE000  }
0x4d: {  	[spmem:s26] =	stream.linear.scatter [tilespmem:s10], [sflag:$0x3], $0x2000, $0x38;
	[tilespmem:$0x1D600] =	vst v63  }
0x4e: {  	_ =	swait.ge [sflag:s12], $0x2000  }
0x4f: {  	[sflag:s12] =	ssyncset.done $0x0  }
0x50: {  	s26 =	rddreg [dreg:$0x8];
	[sflag:s12] =	ssyncadd.s32 $0xFFFFE000  }
0x51: {  	[tilespmem:s4], [sflag:$0x3] =	stream.linear.gather [hbm4b:s26+s4], $0x3400, $0x38;
	[tilespmem:$0x1D600] =	vst v63  }
0x52: {  	_ =	swait.ge [sflag:s12], $0x3400  }
0x53: {  	[sflag:s12] =	ssyncset.done $0x0  }
0x54: {  	[sflag:s12] =	ssyncadd.s32 $0xFFFFCC00  }
0x55: {  	[bflag:$0x0] =	sbarrier.arrive $0xFFFF  }
0x56: {  	v0 =	vld [tilespmem:$0x0];
	_ =	sdelay $0x1  }
0x57: {  	v1 =	vld [tilespmem:$0x10];
	_ =	sdelay $0x1  }
0x58: {  	v2 =	vld [tilespmem:$0x20]  }
0x59: {  	v3 =	vshrl.u32 v0, $0x10  }
0x5a: {  	v46 =	vld [tilespmem:$0x30];
	v0 =	vand.u32 $0xFFFF, v0;
	[tilespmem:$0x3400] =	vst v3  }
0x5b: {  	v47 =	vshrl.u32 v1, $0x10;
	[tilespmem:$0x3500] =	vst v0  }
0x5c: {  	v48 =	vand.u32 $0xFFFF, v1;
	[tilespmem:$0x3410] =	vst v47  }
0x5d: {  	v49 =	vshrl.u32 v2, $0x10;
	[tilespmem:$0x3510] =	vst v48  }
0x5e: {  	v50 =	vand.u32 $0xFFFF, v2;
	[tilespmem:$0x3420] =	vst v49  }
0x5f: {  	v51 =	vshrl.u32 v46, $0x10;
	[tilespmem:$0x3520] =	vst v50  }
0x60: {  	v52 =	vand.u32 $0xFFFF, v46;
	[tilespmem:$0x3430] =	vst v51  }
0x61: {  	s28 =	simm.s32 $0x3400;
	[tilespmem:$0x3530] =	vst v52  }
0x62: {  	[tilespmem:s10], [sflag:$0x1] =	stream.indirect.gather [hbm4b:s2+s13], $0x80, s28, s13, $0xb8;
	[tilespmem:$0x1D600] =	vst v63  }
0x63: {  	s30 =	simm.s32 $0x7600;
	s29 =	rddreg [dreg:$0xd]  }
0x64: {  	[tilespmem:s30], [sflag:$0x1] =	stream.linear.gather [hbm4b:s29+s4], $0x1000, $0x38;
	[tilespmem:$0x1D600] =	vst v63  }
0x65: {  	v53 =	vld [tilespmem:$0x40];
	_ =	sdelay $0x1  }
0x66: {  	v54 =	vld [tilespmem:$0x50];
	_ =	sdelay $0x1  }
0x67: {  	v55 =	vld [tilespmem:$0x60]  }
0x68: {  	v56 =	vshrl.u32 v53, $0x10  }
0x69: {  	v57 =	vld [tilespmem:$0x70];
	v0 =	vand.u32 $0xFFFF, v53;
	[tilespmem:$0x3480] =	vst v56  }
0x6a: {  	v58 =	vshrl.u32 v54, $0x10;
	[tilespmem:$0x3580] =	vst v0  }
0x6b: {  	v59 =	vand.u32 $0xFFFF, v54;
	[tilespmem:$0x3490] =	vst v58  }
0x6c: {  	v60 =	vshrl.u32 v55, $0x10;
	[tilespmem:$0x3590] =	vst v59  }
0x6d: {  	v61 =	vand.u32 $0xFFFF, v55;
	[tilespmem:$0x34A0] =	vst v60  }
0x6e: {  	v62 =	vshrl.u32 v57, $0x10;
	[tilespmem:$0x35A0] =	vst v61  }
0x6f: {  	v63 =	vand.u32 $0xFFFF, v57;
	[tilespmem:$0x34B0] =	vst v62  }
0x70: {  	[tilespmem:$0x35B0] =	vst v63  }
0x71: {  	[tilespmem:s19], [sflag:$0x2] =	stream.indirect.gather [hbm4b:s2+s13], $0x80, s18, s13, $0xb8;
	[tilespmem:$0x1D600] =	vst v63  }
0x72: {  	s17 =	simm.s32 $0x0;
	s31 =	rddreg [dreg:$0x1c]  }
0x73: {  	[tilespmem:s21], [sflag:$0x2] =	stream.linear.gather [hbm4b:s31+s4], $0x1000, $0x38;
	[tilespmem:$0x1D600] =	vst v63  }
.LBB2_2:
0x74: {  	_ =	swait.ge [sflag:s22], $0x2000  }
0x75: {  	[sflag:s22] =	ssyncset.done $0x0  }
0x76: {  	[sflag:s22] =	ssyncadd.s32 $0xFFFFE000  }
0x77: {  	_ =	swait.ge [sflag:s22], $0x1000  }
0x78: {  	[sflag:s22] =	ssyncset.done $0x0  }
0x79: {  	s8 =	simm.s32 $0x0;
	[sflag:s22] =	ssyncadd.s32 $0xFFFFF000  }
0x7a: {  	s29 =	simm.s32 $0x0;
	v2 =	vld [tilespmem:s8+$0x3620]  }
0x7b: {  	s0 =	sand.u32 $0x2000, s29;
	v3 =	vld [tilespmem:s8+$0x3600]  }
0x7c: {  	s9 =	sand.u32 $0x380, s29;
	s0 =	sshrl.u32 s0, $0x2;
	v5 =	vld [tilespmem:s8+$0x3630]  }
0x7d: {  	s0 =	sor.u32 s9, s0;
	v6 =	vld [tilespmem:s8+$0x3650]  }
0x7e: {  	v4 =	vld [tilespmem:s0+$0x7610]  }
0x7f: {  	v7 =	vld [tilespmem:s0+$0x7600]  }
0x80: {  	v8 =	vld [tilespmem:s0+$0x7620]  }
0x81: {  	v9 =	vld [tilespmem:s8+$0x3640]  }
0x82: {  	v10 =	vld [tilespmem:s8+$0x3610]  }
0x83: {  	v0 =	vld [tilespmem:s8+$0x3670];
	v11 =	vshll.u32 v4, $0x10  }
0x84: {  	v11 =	vmul.f32 v11, v2;
	v2 =	vld [tilespmem:s0+$0x7630]  }
0x85: {  	v1 =	vld [tilespmem:s8+$0x3660];
	v12 =	vand.u32 $0xFFFF0000, v4;
	v4 =	vshll.u32 v7, $0x10  }
0x86: {  	v13 =	vmul.f32 v4, v3;
	v3 =	vshll.u32 v8, $0x10;
	v8 =	vand.u32 $0xFFFF0000, v8  }
0x87: {  	s31 =	simm.s32 $0x0;
	s26 =	simm.s32 $0x600;
	s1 =	simm.s32 $0x0;
	v7 =	vand.u32 $0xFFFF0000, v7;
	v5 =	vmul.f32 v12, v5;
	v6 =	vmul.f32 v8, v6;
	[tilespmem:s8+$0x3620] =	vst v11  }
0x88: {  	s30 =	simm.s32 $0x0;
	s28 =	simm.s32 $0x0;
	s0 =	simm.s32 $0x2000;
	v4 =	vmul.f32 v3, v9;
	v3 =	vmul.f32 v7, v10;
	[tilespmem:s8+$0x3600] =	vst v13  }
.LBB2_3:
0x89: {  	s31 =	sadd.s32 $0x4, s31;
	v7 =	vshll.u32 v2, $0x10;
	v2 =	vand.u32 $0xFFFF0000, v2;
	[tilespmem:s8+$0x3650] =	vst v6;
	s29 =	sadd.s32 $0x800, s29;
	s1 =	sadd.s32 $0x40, s1  }
0x8a: {  	s7 =	sadd.s32 $0x600, s29;
	p0 =	slt.u32 s31, $0x3C;
	v1 =	vmul.f32 v7, v1;
	v0 =	vmul.f32 v2, v0;
	[tilespmem:s8+$0x3640] =	vst v4;
	v2 =	vld [tilespmem:s8+$0x36C0]  }
0x8b: {  	[tilespmem:s8+$0x3630] =	vst v5;
	v4 =	vld [tilespmem:s8+$0x36D0]  }
0x8c: {  	[tilespmem:s8+$0x3610] =	vst v3;
	v3 =	vld [tilespmem:s8+$0x36B0]  }
0x8d: {  	s6 =	sand.u32 $0x800, s30;
	s30 =	smov.u32 s29;
	[tilespmem:s8+$0x3670] =	vst v0;
	v0 =	vld [tilespmem:s8+$0x3680]  }
0x8e: {  	s6 =	sor.u32 s9, s6;
	[tilespmem:s8+$0x3660] =	vst v1;
	v1 =	vld [tilespmem:s8+$0x36E0]  }
0x8f: {  	v5 =	vld [tilespmem:s6+$0x7670]  }
0x90: {  	v6 =	vld [tilespmem:s6+$0x7640]  }
0x91: {  	v7 =	vld [tilespmem:s6+$0x7650]  }
0x92: {  	v8 =	vld [tilespmem:s6+$0x7660]  }
0x93: {  	v9 =	vld [tilespmem:s8+$0x3690]  }
0x94: {  	v10 =	vld [tilespmem:s8+$0x36A0];
	v11 =	vshll.u32 v5, $0x10  }
0x95: {  	v12 =	vld [tilespmem:s8+$0x36F0];
	v13 =	vshll.u32 v6, $0x10;
	v1 =	vmul.f32 v11, v1;
	v6 =	vand.u32 $0xFFFF0000, v6  }
0x96: {  	v0 =	vmul.f32 v13, v0;
	v11 =	vshll.u32 v7, $0x10;
	v7 =	vand.u32 $0xFFFF0000, v7  }
0x97: {  	v13 =	vshll.u32 v8, $0x10;
	v3 =	vmul.f32 v7, v3;
	v7 =	vand.u32 $0xFFFF0000, v8;
	[tilespmem:s8+$0x36E0] =	vst v1  }
0x98: {  	v1 =	vmul.f32 v6, v9;
	v4 =	vmul.f32 v7, v4;
	[tilespmem:s8+$0x3680] =	vst v0  }
0x99: {  	v5 =	vand.u32 $0xFFFF0000, v5;
	v2 =	vmul.f32 v13, v2;
	v0 =	vmul.f32 v11, v10;
	[tilespmem:s8+$0x36B0] =	vst v3  }
0x9a: {  	v3 =	vmul.f32 v5, v12;
	[tilespmem:s8+$0x3690] =	vst v1;
	v1 =	vld [tilespmem:s8+$0x3740]  }
0x9b: {  	s6 =	sadd.s32 $0x1000, s28;
	s28 =	smov.u32 s0;
	[tilespmem:s8+$0x36C0] =	vst v2;
	v2 =	vld [tilespmem:s8+$0x3760]  }
0x9c: {  	s6 =	sand.u32 $0x3000, s6;
	[tilespmem:s8+$0x36A0] =	vst v0;
	v0 =	vld [tilespmem:s8+$0x3750]  }
0x9d: {  	s6 =	sshrl.u32 s6, $0x2;
	[tilespmem:s8+$0x36F0] =	vst v3;
	v3 =	vld [tilespmem:s8+$0x3700]  }
0x9e: {  	s6 =	sor.u32 s9, s6;
	[tilespmem:s8+$0x36D0] =	vst v4;
	v4 =	vld [tilespmem:s8+$0x3710]  }
0x9f: {  	v5 =	vld [tilespmem:s6+$0x7600]  }
0xa0: {  	v6 =	vld [tilespmem:s6+$0x7610]  }
0xa1: {  	v7 =	vld [tilespmem:s6+$0x7620]  }
0xa2: {  	v8 =	vld [tilespmem:s6+$0x7630]  }
0xa3: {  	s6 =	sand.u32 $0x2000, s0;
	v9 =	vld [tilespmem:s8+$0x3770]  }
0xa4: {  	s25 =	sand.u32 $0x380, s1;
	s6 =	sshrl.u32 s6, $0x2;
	v10 =	vld [tilespmem:s8+$0x3730];
	v11 =	vshll.u32 v5, $0x10;
	v5 =	vand.u32 $0xFFFF0000, v5  }
0xa5: {  	s6 =	sor.u32 s25, s6;
	v12 =	vshll.u32 v6, $0x10;
	v4 =	vmul.f32 v5, v4;
	v5 =	vand.u32 $0xFFFF0000, v6;
	v6 =	vld [tilespmem:s8+$0x37E0]  }
0xa6: {  	s23 =	sshra.s32 s29, $0x2;
	v3 =	vmul.f32 v11, v3;
	v11 =	vshll.u32 v7, $0x10;
	v7 =	vand.u32 $0xFFFF0000, v7;
	v13 =	vld [tilespmem:s8+$0x37B0]  }
0xa7: {  	v14 =	vld [tilespmem:s8+$0x3720];
	v15 =	vshll.u32 v8, $0x10;
	v7 =	vmul.f32 v7, v0;
	v0 =	vand.u32 $0xFFFF0000, v8;
	[tilespmem:s8+$0x3710] =	vst v4  }
0xa8: {  	v2 =	vmul.f32 v15, v2;
	v4 =	vmul.f32 v0, v9;
	[tilespmem:s8+$0x3700] =	vst v3;
	v3 =	vld [tilespmem:s8+$0x37C0]  }
0xa9: {  	v1 =	vmul.f32 v11, v1;
	v0 =	vld [tilespmem:s23+$0x3670];
	v5 =	vmul.f32 v5, v10;
	[tilespmem:s8+$0x3750] =	vst v7  }
0xaa: {  	v7 =	vld [tilespmem:s23+$0x3620];
	[tilespmem:s8+$0x3760] =	vst v2  }
0xab: {  	v8 =	vld [tilespmem:s23+$0x3600];
	[tilespmem:s8+$0x3740] =	vst v1  }
0xac: {  	v1 =	vmul.f32 v12, v14;
	[tilespmem:s8+$0x3770] =	vst v4;
	v2 =	vld [tilespmem:s8+$0x37A0]  }
0xad: {  	s15 =	sand.u32 $0xC00, s26;
	s26 =	smov.u32 s7;
	[tilespmem:s8+$0x3730] =	vst v5;
	v4 =	vld [tilespmem:s8+$0x3780]  }
0xae: {  	s7 =	sor.u32 s9, s15;
	s9 =	smov.u32 s25;
	[tilespmem:s8+$0x3720] =	vst v1;
	v5 =	vld [tilespmem:s8+$0x37D0]  }
0xaf: {  	v1 =	vld [tilespmem:s7+$0x7640]  }
0xb0: {  	v9 =	vld [tilespmem:s7+$0x7650]  }
0xb1: {  	v10 =	vld [tilespmem:s7+$0x7660]  }
0xb2: {  	v11 =	vld [tilespmem:s23+$0x3630]  }
0xb3: {  	v12 =	vld [tilespmem:s7+$0x7670]  }
0xb4: {  	v14 =	vld [tilespmem:s8+$0x37F0];
	v15 =	vshll.u32 v1, $0x10;
	v16 =	vand.u32 $0xFFFF0000, v1  }
0xb5: {  	v17 =	vld [tilespmem:s8+$0x3790];
	v4 =	vmul.f32 v15, v4;
	v15 =	vshll.u32 v9, $0x10;
	v9 =	vand.u32 $0xFFFF0000, v9  }
0xb6: {  	v1 =	vld [tilespmem:s23+$0x3660];
	v18 =	vshll.u32 v10, $0x10;
	v9 =	vmul.f32 v9, v13;
	v10 =	vand.u32 $0xFFFF0000, v10  }
0xb7: {  	v3 =	vmul.f32 v18, v3;
	v5 =	vmul.f32 v10, v5;
	[tilespmem:s8+$0x3780] =	vst v4  }
0xb8: {  	v2 =	vmul.f32 v15, v2;
	v4 =	vshll.u32 v12, $0x10;
	v10 =	vand.u32 $0xFFFF0000, v12;
	[tilespmem:s8+$0x37B0] =	vst v9  }
0xb9: {  	v4 =	vmul.f32 v4, v6;
	v6 =	vmul.f32 v10, v14;
	[tilespmem:s8+$0x37C0] =	vst v3  }
0xba: {  	v3 =	vmul.f32 v16, v17;
	[tilespmem:s8+$0x37D0] =	vst v5  }
0xbb: {  	[tilespmem:s8+$0x37E0] =	vst v4  }
0xbc: {  	[tilespmem:s8+$0x37F0] =	vst v6  }
0xbd: {  	[tilespmem:s8+$0x37A0] =	vst v2  }
0xbe: {  	v5 =	vld [tilespmem:s23+$0x3650];
	[tilespmem:s8+$0x3790] =	vst v3;
	s8 =	smov.u32 s23  }
0xbf: {  	v3 =	vld [tilespmem:s6+$0x7610]  }
0xc0: {  	v4 =	vld [tilespmem:s6+$0x7600]  }
0xc1: {  	v6 =	vld [tilespmem:s6+$0x7620]  }
0xc2: {  	v9 =	vld [tilespmem:s8+$0x3640]  }
0xc3: {  	v10 =	vld [tilespmem:s8+$0x3610]  }
.Ltmp0:
0xc4: {  	v2 =	vld [tilespmem:s6+$0x7630];
	v12 =	vshll.u32 v3, $0x10;
	v13 =	vand.u32 $0xFFFF0000, v3;
	(pc) =	sbr.rel @p0 .LBB2_3-.Ltmp0, $4  }
0xc5: {  	v3 =	vshll.u32 v4, $0x10;
	v7 =	vmul.f32 v12, v7;
	v12 =	vand.u32 $0xFFFF0000, v4  }
0xc6: {  	v8 =	vmul.f32 v3, v8;
	v3 =	vshll.u32 v6, $0x10;
	v6 =	vand.u32 $0xFFFF0000, v6  }
0xc7: {  	v4 =	vmul.f32 v3, v9;
	v6 =	vmul.f32 v6, v5;
	[tilespmem:s8+$0x3620] =	vst v7  }
0xc8: {  	s0 =	sadd.s32 $0x2000, s0;
	v5 =	vmul.f32 v13, v11;
	v3 =	vmul.f32 v12, v10;
	[tilespmem:s8+$0x3600] =	vst v8  }
0xc9: {  	[tilespmem:s8+$0x3650] =	vst v6  }
0xca: {  	[tilespmem:s8+$0x3630] =	vst v5;
	v5 =	vand.u32 $0xFFFF0000, v2  }
0xcb: {  	[tilespmem:s8+$0x3640] =	vst v4;
	v2 =	vshll.u32 v2, $0x10;
	v0 =	vmul.f32 v5, v0  }
0xcc: {  	[tilespmem:s8+$0x3610] =	vst v3;
	v1 =	vmul.f32 v2, v1  }
0xcd: {  	v4 =	vld [tilespmem:s8+$0x36C0];
	s0 =	sand.u32 $0x800, s30;
	[tilespmem:s8+$0x3670] =	vst v0  }
0xce: {  	s0 =	sor.u32 s9, s0;
	[tilespmem:s8+$0x3660] =	vst v1;
	v1 =	vld [tilespmem:s8+$0x36E0]  }
0xcf: {  	v2 =	vld [tilespmem:s0+$0x7670]  }
0xd0: {  	v5 =	vld [tilespmem:s0+$0x7640]  }
0xd1: {  	v0 =	vld [tilespmem:s8+$0x3680]  }
0xd2: {  	v8 =	vld [tilespmem:s8+$0x3690]  }
0xd3: {  	v9 =	vld [tilespmem:s0+$0x7660]  }
0xd4: {  	v7 =	vld [tilespmem:s0+$0x7650];
	v10 =	vshll.u32 v2, $0x10  }
0xd5: {  	v11 =	vld [tilespmem:s8+$0x36A0];
	v12 =	vshll.u32 v5, $0x10;
	v1 =	vmul.f32 v10, v1  }
0xd6: {  	v3 =	vld [tilespmem:s8+$0x36B0];
	v5 =	vand.u32 $0xFFFF0000, v5;
	v0 =	vmul.f32 v12, v0  }
0xd7: {  	v49 =	vld [tilespmem:s8+$0x36F0];
	[tilespmem:s8+$0x36E0] =	vst v1;
	v1 =	vmul.f32 v5, v8  }
0xd8: {  	v6 =	vld [tilespmem:s8+$0x36D0];
	[tilespmem:s8+$0x3680] =	vst v0;
	v0 =	vshll.u32 v9, $0x10  }
0xd9: {  	v0 =	vmul.f32 v0, v4;
	[tilespmem:s8+$0x3690] =	vst v1;
	v1 =	vshll.u32 v7, $0x10  }
0xda: {  	v50 =	vand.u32 $0xFFFF0000, v7;
	v1 =	vmul.f32 v1, v11  }
0xdb: {  	v3 =	vmul.f32 v50, v3;
	[tilespmem:s8+$0x36C0] =	vst v0;
	v0 =	vand.u32 $0xFFFF0000, v2  }
0xdc: {  	s6 =	sadd.s32 $0x1000, s28;
	v0 =	vmul.f32 v0, v49;
	[tilespmem:s8+$0x36A0] =	vst v1;
	v1 =	vand.u32 $0xFFFF0000, v9  }
0xdd: {  	v51 =	vld [tilespmem:s8+$0x3770];
	s0 =	sand.u32 $0x3000, s6;
	[tilespmem:s8+$0x36B0] =	vst v3;
	v1 =	vmul.f32 v1, v6  }
0xde: {  	s0 =	sshrl.u32 s0, $0x2;
	v4 =	vld [tilespmem:s8+$0x3750];
	[tilespmem:s8+$0x36F0] =	vst v0  }
0xdf: {  	s0 =	sor.u32 s9, s0;
	v0 =	vld [tilespmem:s8+$0x3700];
	[tilespmem:s8+$0x36D0] =	vst v1  }
0xe0: {  	v5 =	vld [tilespmem:s0+$0x7600]  }
0xe1: {  	v1 =	vld [tilespmem:s8+$0x3710]  }
0xe2: {  	v7 =	vld [tilespmem:s0+$0x7620]  }
0xe3: {  	v8 =	vld [tilespmem:s0+$0x7630]  }
0xe4: {  	v2 =	vld [tilespmem:s8+$0x3760]  }
0xe5: {  	v3 =	vld [tilespmem:s8+$0x3740];
	v53 =	vand.u32 $0xFFFF0000, v5  }
0xe6: {  	v6 =	vld [tilespmem:s0+$0x7610];
	v5 =	vshll.u32 v5, $0x10;
	v1 =	vmul.f32 v53, v1  }
0xe7: {  	v52 =	vld [tilespmem:s8+$0x3730];
	v13 =	vand.u32 $0xFFFF0000, v7;
	v0 =	vmul.f32 v5, v0  }
0xe8: {  	v5 =	vld [tilespmem:s8+$0x3720];
	v4 =	vmul.f32 v13, v4;
	[tilespmem:s8+$0x3710] =	vst v1;
	v1 =	vshll.u32 v8, $0x10  }
0xe9: {  	[tilespmem:s8+$0x3700] =	vst v0;
	v0 =	vshll.u32 v7, $0x10;
	v1 =	vmul.f32 v1, v2  }
0xea: {  	v7 =	vand.u32 $0xFFFF0000, v8;
	[tilespmem:s8+$0x3750] =	vst v4;
	v0 =	vmul.f32 v0, v3  }
0xeb: {  	v3 =	vmul.f32 v7, v51;
	[tilespmem:s8+$0x3760] =	vst v1;
	v1 =	vand.u32 $0xFFFF0000, v6  }
0xec: {  	[tilespmem:s8+$0x3740] =	vst v0;
	v0 =	vmul.f32 v1, v52;
	v1 =	vshll.u32 v6, $0x10  }
0xed: {  	v55 =	vld [tilespmem:s8+$0x37B0];
	[tilespmem:s8+$0x3770] =	vst v3;
	v1 =	vmul.f32 v1, v5  }
0xee: {  	s7 =	sand.u32 $0xC00, s26;
	v2 =	vld [tilespmem:s8+$0x37C0];
	[tilespmem:s8+$0x3730] =	vst v0  }
0xef: {  	s0 =	sor.u32 s9, s7;
	v0 =	vld [tilespmem:s8+$0x3780];
	[tilespmem:s8+$0x3720] =	vst v1  }
0xf0: {  	v1 =	vld [tilespmem:s0+$0x7640]  }
0xf1: {  	v5 =	vld [tilespmem:s0+$0x7660]  }
0xf2: {  	v4 =	vld [tilespmem:s0+$0x7650]  }
0xf3: {  	v6 =	vld [tilespmem:s8+$0x37D0]  }
0xf4: {  	v7 =	vld [tilespmem:s0+$0x7670]  }
0xf5: {  	v54 =	vld [tilespmem:s8+$0x37E0];
	v8 =	vshll.u32 v1, $0x10  }
0xf6: {  	v56 =	vld [tilespmem:s8+$0x37F0];
	v58 =	vshll.u32 v5, $0x10;
	v0 =	vmul.f32 v8, v0  }
0xf7: {  	v3 =	vld [tilespmem:s8+$0x37A0];
	v8 =	vand.u32 $0xFFFF0000, v4;
	v2 =	vmul.f32 v58, v2  }
0xf8: {  	v57 =	vld [tilespmem:s8+$0x3790];
	v5 =	vand.u32 $0xFFFF0000, v5;
	v8 =	vmul.f32 v8, v55;
	[tilespmem:s8+$0x3780] =	vst v0  }
0xf9: {  	v0 =	vmul.f32 v5, v6;
	v5 =	vshll.u32 v7, $0x10;
	[tilespmem:s8+$0x37C0] =	vst v2  }
0xfa: {  	v6 =	vand.u32 $0xFFFF0000, v7;
	[tilespmem:s8+$0x37B0] =	vst v8;
	v5 =	vmul.f32 v5, v54  }
0xfb: {  	v2 =	vshll.u32 v4, $0x10;
	v4 =	vmul.f32 v6, v56;
	[tilespmem:s8+$0x37D0] =	vst v0  }
0xfc: {  	v0 =	vand.u32 $0xFFFF0000, v1;
	v1 =	vmul.f32 v2, v3;
	[tilespmem:s8+$0x37E0] =	vst v5  }
0xfd: {  	v0 =	vmul.f32 v0, v57;
	[tilespmem:s8+$0x37F0] =	vst v4  }
0xfe: {  	[tilespmem:s8+$0x37A0] =	vst v1  }
0xff: {  	s15 =	simm.s32 $0x3500;
	[tilespmem:s8+$0x3790] =	vst v0;
	s8 =	sshll.u32 s17, $0x1  }
0x100: {  	[spmem:s3] =	stream.indirect.scatter.add.f32 [tilespmem:s10], [sflag:$0x3], $0x80, s15, s13, $0xb8;
	[tilespmem:$0x1D600] =	vst v63  }
0x101: {  	s0 =	sadd.s32 $0x2, s8  }
0x102: {  	s1 =	smov.u32 s14;
	_ =	swait.ge [sflag:s12], $0x2000;
	p0 =	slt.s32 s0, s14  }
0x103: {  	[sflag:s12] =	ssyncset.done $0x0;
	s1 =	smov.u32 @p0 s0  }
0x104: {  	[sflag:s12] =	ssyncadd.s32 $0xFFFFE000;
	s0 =	sshll.u32 s1, $0x6  }
0x105: {  	v0 =	vld [tilespmem:s0+$0x0];
	_ =	sdelay $0x4  }
0x106: {  	v1 =	vshrl.u32 v0, $0x10  }
0x107: {  	v0 =	vand.u32 $0xFFFF, v0;
	[tilespmem:$0x3400] =	vst v1  }
0x108: {  	[tilespmem:$0x3500] =	vst v0  }
0x109: {  	v0 =	vld [tilespmem:s0+$0x10];
	_ =	sdelay $0x4  }
0x10a: {  	v1 =	vshrl.u32 v0, $0x10  }
0x10b: {  	v0 =	vand.u32 $0xFFFF, v0;
	[tilespmem:$0x3410] =	vst v1  }
0x10c: {  	[tilespmem:$0x3510] =	vst v0  }
0x10d: {  	v0 =	vld [tilespmem:s0+$0x20];
	_ =	sdelay $0x4  }
0x10e: {  	v1 =	vshrl.u32 v0, $0x10  }
0x10f: {  	v0 =	vand.u32 $0xFFFF, v0;
	[tilespmem:$0x3420] =	vst v1  }
0x110: {  	[tilespmem:$0x3520] =	vst v0  }
0x111: {  	v0 =	vld [tilespmem:s0+$0x30];
	_ =	sdelay $0x4  }
0x112: {  	v1 =	vshrl.u32 v0, $0x10  }
0x113: {  	s0 =	sadd.s32 s11, s0;
	v0 =	vand.u32 $0xFFFF, v0;
	[tilespmem:$0x3430] =	vst v1  }
0x114: {  	s16 =	simm.s32 $0x3400;
	s0 =	sshll.u32 s0, $0x3;
	[tilespmem:$0x3530] =	vst v0  }
0x115: {  	[tilespmem:s10], [sflag:$0x1] =	stream.indirect.gather [hbm4b:s2+s13], $0x80, s16, s13, $0xb8;
	[tilespmem:$0x1D600] =	vst v63  }
0x116: {  	s30 =	simm.s32 $0x0;
	s23 =	simm.s32 $0x7600;
	s0 =	sadd.s32 s5, s0  }
0x117: {  	[tilespmem:s23], [sflag:$0x1] =	stream.linear.gather [hbm4b:s0+s30], $0x1000, $0x38;
	[tilespmem:$0x1D600] =	vst v63  }
0x118: {  	_ =	swait.ge [sflag:s24], $0x2000  }
0x119: {  	[sflag:s24] =	ssyncset.done $0x0  }
0x11a: {  	[sflag:s24] =	ssyncadd.s32 $0xFFFFE000  }
0x11b: {  	_ =	swait.ge [sflag:s24], $0x1000  }
0x11c: {  	[sflag:s24] =	ssyncset.done $0x0  }
0x11d: {  	s9 =	simm.s32 $0x0;
	[sflag:s24] =	ssyncadd.s32 $0xFFFFF000  }
0x11e: {  	v2 =	vld [tilespmem:s9+$0x5620]  }
0x11f: {  	s25 =	simm.s32 $0x0;
	v3 =	vld [tilespmem:s9+$0x5600]  }
0x120: {  	s26 =	sand.u32 $0x380, s30;
	s0 =	sand.u32 $0x800, s25;
	v5 =	vld [tilespmem:s9+$0x5630]  }
0x121: {  	s0 =	sor.u32 s26, s0;
	v6 =	vld [tilespmem:s9+$0x5650]  }
0x122: {  	v4 =	vld [tilespmem:s0+$0x8610]  }
0x123: {  	v7 =	vld [tilespmem:s0+$0x8600]  }
0x124: {  	v8 =	vld [tilespmem:s0+$0x8620]  }
0x125: {  	v59 =	vld [tilespmem:s9+$0x5640]  }
0x126: {  	v60 =	vld [tilespmem:s9+$0x5610]  }
0x127: {  	v0 =	vld [tilespmem:s9+$0x5670];
	v61 =	vshll.u32 v4, $0x10  }
0x128: {  	v11 =	vmul.f32 v61, v2;
	v2 =	vld [tilespmem:s0+$0x8630]  }
0x129: {  	v1 =	vld [tilespmem:s9+$0x5660];
	v62 =	vand.u32 $0xFFFF0000, v4;
	v4 =	vshll.u32 v7, $0x10  }
0x12a: {  	v63 =	vmul.f32 v4, v3;
	v3 =	vshll.u32 v8, $0x10;
	v8 =	vand.u32 $0xFFFF0000, v8  }
0x12b: {  	s28 =	simm.s32 $0x600;
	s31 =	simm.s32 $0x0;
	s29 =	simm.s32 $0x0;
	v7 =	vand.u32 $0xFFFF0000, v7;
	v5 =	vmul.f32 v62, v5;
	v6 =	vmul.f32 v8, v6;
	[tilespmem:s9+$0x5620] =	vst v11  }
0x12c: {  	s7 =	simm.s32 $0x0;
	s1 =	simm.s32 $0x2000;
	s0 =	simm.s32 $0x0;
	v4 =	vmul.f32 v3, v59;
	v3 =	vmul.f32 v7, v60;
	[tilespmem:s9+$0x5600] =	vst v63  }
.LBB2_5:
0x12d: {  	s0 =	sadd.s32 $0x4, s0;
	v7 =	vshll.u32 v2, $0x10;
	v2 =	vand.u32 $0xFFFF0000, v2;
	[tilespmem:s9+$0x5650] =	vst v6;
	s30 =	sadd.s32 $0x800, s30;
	s7 =	sadd.s32 $0x40, s7  }
0x12e: {  	s6 =	sadd.s32 $0x600, s30;
	p0 =	slt.u32 s0, $0x3C;
	v1 =	vmul.f32 v7, v1;
	v0 =	vmul.f32 v2, v0;
	[tilespmem:s9+$0x5640] =	vst v4;
	v2 =	vld [tilespmem:s9+$0x56C0]  }
0x12f: {  	[tilespmem:s9+$0x5630] =	vst v5;
	v4 =	vld [tilespmem:s9+$0x56D0]  }
0x130: {  	[tilespmem:s9+$0x5610] =	vst v3;
	v3 =	vld [tilespmem:s9+$0x56B0]  }
0x131: {  	s15 =	sand.u32 $0x800, s31;
	s31 =	smov.u32 s30;
	[tilespmem:s9+$0x5670] =	vst v0;
	v0 =	vld [tilespmem:s9+$0x5680]  }
0x132: {  	s15 =	sor.u32 s26, s15;
	[tilespmem:s9+$0x5660] =	vst v1;
	v1 =	vld [tilespmem:s9+$0x56E0]  }
0x133: {  	v5 =	vld [tilespmem:s15+$0x8670]  }
0x134: {  	v6 =	vld [tilespmem:s15+$0x8640]  }
0x135: {  	v7 =	vld [tilespmem:s15+$0x8650]  }
0x136: {  	v8 =	vld [tilespmem:s15+$0x8660]  }
0x137: {  	v9 =	vld [tilespmem:s9+$0x5690]  }
0x138: {  	v10 =	vld [tilespmem:s9+$0x56A0];
	v11 =	vshll.u32 v5, $0x10  }
0x139: {  	v12 =	vld [tilespmem:s9+$0x56F0];
	v13 =	vshll.u32 v6, $0x10;
	v1 =	vmul.f32 v11, v1;
	v6 =	vand.u32 $0xFFFF0000, v6  }
0x13a: {  	v0 =	vmul.f32 v13, v0;
	v11 =	vshll.u32 v7, $0x10;
	v7 =	vand.u32 $0xFFFF0000, v7  }
0x13b: {  	v13 =	vshll.u32 v8, $0x10;
	v3 =	vmul.f32 v7, v3;
	v7 =	vand.u32 $0xFFFF0000, v8;
	[tilespmem:s9+$0x56E0] =	vst v1  }
0x13c: {  	v1 =	vmul.f32 v6, v9;
	v4 =	vmul.f32 v7, v4;
	[tilespmem:s9+$0x5680] =	vst v0  }
0x13d: {  	v5 =	vand.u32 $0xFFFF0000, v5;
	v2 =	vmul.f32 v13, v2;
	v0 =	vmul.f32 v11, v10;
	[tilespmem:s9+$0x56B0] =	vst v3  }
0x13e: {  	v3 =	vmul.f32 v5, v12;
	[tilespmem:s9+$0x5690] =	vst v1;
	v1 =	vld [tilespmem:s9+$0x5740]  }
0x13f: {  	s15 =	sadd.s32 $0x1000, s29;
	s29 =	smov.u32 s1;
	[tilespmem:s9+$0x56C0] =	vst v2;
	v2 =	vld [tilespmem:s9+$0x5760]  }
0x140: {  	s15 =	sand.u32 $0x3000, s15;
	[tilespmem:s9+$0x56A0] =	vst v0;
	v0 =	vld [tilespmem:s9+$0x5750]  }
0x141: {  	s15 =	sshrl.u32 s15, $0x2;
	[tilespmem:s9+$0x56F0] =	vst v3;
	v3 =	vld [tilespmem:s9+$0x5700]  }
0x142: {  	s15 =	sor.u32 s26, s15;
	[tilespmem:s9+$0x56D0] =	vst v4;
	v4 =	vld [tilespmem:s9+$0x5710]  }
0x143: {  	v5 =	vld [tilespmem:s15+$0x8600]  }
0x144: {  	v6 =	vld [tilespmem:s15+$0x8610]  }
0x145: {  	v7 =	vld [tilespmem:s15+$0x8620]  }
0x146: {  	v8 =	vld [tilespmem:s15+$0x8630]  }
0x147: {  	s15 =	sshrl.u32 s1, $0x2;
	v9 =	vld [tilespmem:s9+$0x5770]  }
0x148: {  	s16 =	sand.u32 $0x380, s7;
	s15 =	sand.u32 $0x800, s15;
	v10 =	vld [tilespmem:s9+$0x5730];
	v11 =	vshll.u32 v5, $0x10;
	v5 =	vand.u32 $0xFFFF0000, v5  }
0x149: {  	s23 =	sor.u32 s16, s15;
	v12 =	vshll.u32 v6, $0x10;
	v4 =	vmul.f32 v5, v4;
	v5 =	vand.u32 $0xFFFF0000, v6;
	v6 =	vld [tilespmem:s9+$0x57E0]  }
0x14a: {  	s25 =	sshra.s32 s30, $0x2;
	v3 =	vmul.f32 v11, v3;
	v11 =	vshll.u32 v7, $0x10;
	v7 =	vand.u32 $0xFFFF0000, v7;
	v13 =	vld [tilespmem:s9+$0x57B0]  }
0x14b: {  	v14 =	vld [tilespmem:s9+$0x5720];
	v15 =	vshll.u32 v8, $0x10;
	v7 =	vmul.f32 v7, v0;
	v0 =	vand.u32 $0xFFFF0000, v8;
	[tilespmem:s9+$0x5710] =	vst v4  }
0x14c: {  	v2 =	vmul.f32 v15, v2;
	v4 =	vmul.f32 v0, v9;
	[tilespmem:s9+$0x5700] =	vst v3;
	v3 =	vld [tilespmem:s9+$0x57C0]  }
0x14d: {  	v1 =	vmul.f32 v11, v1;
	v0 =	vld [tilespmem:s25+$0x5670];
	v5 =	vmul.f32 v5, v10;
	[tilespmem:s9+$0x5750] =	vst v7  }
0x14e: {  	v7 =	vld [tilespmem:s25+$0x5620];
	[tilespmem:s9+$0x5760] =	vst v2  }
0x14f: {  	v8 =	vld [tilespmem:s25+$0x5600];
	[tilespmem:s9+$0x5740] =	vst v1  }
0x150: {  	v1 =	vmul.f32 v12, v14;
	[tilespmem:s9+$0x5770] =	vst v4;
	v2 =	vld [tilespmem:s9+$0x57A0]  }
0x151: {  	s15 =	sand.u32 $0xC00, s28;
	s28 =	smov.u32 s6;
	[tilespmem:s9+$0x5730] =	vst v5;
	v4 =	vld [tilespmem:s9+$0x5780]  }
0x152: {  	s6 =	sor.u32 s26, s15;
	s26 =	smov.u32 s16;
	[tilespmem:s9+$0x5720] =	vst v1;
	v5 =	vld [tilespmem:s9+$0x57D0]  }
0x153: {  	v1 =	vld [tilespmem:s6+$0x8640]  }
0x154: {  	v9 =	vld [tilespmem:s6+$0x8650]  }
0x155: {  	v10 =	vld [tilespmem:s6+$0x8660]  }
0x156: {  	v11 =	vld [tilespmem:s25+$0x5630]  }
0x157: {  	v12 =	vld [tilespmem:s6+$0x8670]  }
0x158: {  	v14 =	vld [tilespmem:s9+$0x57F0];
	v15 =	vshll.u32 v1, $0x10;
	v16 =	vand.u32 $0xFFFF0000, v1  }
0x159: {  	v17 =	vld [tilespmem:s9+$0x5790];
	v4 =	vmul.f32 v15, v4;
	v15 =	vshll.u32 v9, $0x10;
	v9 =	vand.u32 $0xFFFF0000, v9  }
0x15a: {  	v1 =	vld [tilespmem:s25+$0x5660];
	v18 =	vshll.u32 v10, $0x10;
	v9 =	vmul.f32 v9, v13;
	v10 =	vand.u32 $0xFFFF0000, v10  }
0x15b: {  	v3 =	vmul.f32 v18, v3;
	v5 =	vmul.f32 v10, v5;
	[tilespmem:s9+$0x5780] =	vst v4  }
0x15c: {  	v2 =	vmul.f32 v15, v2;
	v4 =	vshll.u32 v12, $0x10;
	v10 =	vand.u32 $0xFFFF0000, v12;
	[tilespmem:s9+$0x57B0] =	vst v9  }
0x15d: {  	v4 =	vmul.f32 v4, v6;
	v6 =	vmul.f32 v10, v14;
	[tilespmem:s9+$0x57C0] =	vst v3  }
0x15e: {  	v3 =	vmul.f32 v16, v17;
	[tilespmem:s9+$0x57D0] =	vst v5  }
0x15f: {  	[tilespmem:s9+$0x57E0] =	vst v4  }
0x160: {  	[tilespmem:s9+$0x57F0] =	vst v6  }
0x161: {  	[tilespmem:s9+$0x57A0] =	vst v2  }
0x162: {  	v5 =	vld [tilespmem:s25+$0x5650];
	[tilespmem:s9+$0x5790] =	vst v3;
	s9 =	smov.u32 s25  }
0x163: {  	v3 =	vld [tilespmem:s23+$0x8610]  }
0x164: {  	v4 =	vld [tilespmem:s23+$0x8600]  }
0x165: {  	v6 =	vld [tilespmem:s23+$0x8620]  }
0x166: {  	v9 =	vld [tilespmem:s9+$0x5640]  }
0x167: {  	v10 =	vld [tilespmem:s9+$0x5610]  }
.Ltmp1:
0x168: {  	v2 =	vld [tilespmem:s23+$0x8630];
	v12 =	vshll.u32 v3, $0x10;
	v13 =	vand.u32 $0xFFFF0000, v3;
	(pc) =	sbr.rel @p0 .LBB2_5-.Ltmp1, $4  }
0x169: {  	v3 =	vshll.u32 v4, $0x10;
	v7 =	vmul.f32 v12, v7;
	v12 =	vand.u32 $0xFFFF0000, v4  }
0x16a: {  	v8 =	vmul.f32 v3, v8;
	v3 =	vshll.u32 v6, $0x10;
	v6 =	vand.u32 $0xFFFF0000, v6  }
0x16b: {  	v4 =	vmul.f32 v3, v9;
	v6 =	vmul.f32 v6, v5;
	[tilespmem:s9+$0x5620] =	vst v7  }
0x16c: {  	s1 =	sadd.s32 $0x2000, s1;
	v5 =	vmul.f32 v13, v11;
	v3 =	vmul.f32 v12, v10;
	[tilespmem:s9+$0x5600] =	vst v8  }
0x16d: {  	[tilespmem:s9+$0x5650] =	vst v6  }
0x16e: {  	[tilespmem:s9+$0x5640] =	vst v4;
	v54 =	vand.u32 $0xFFFF0000, v2  }
0x16f: {  	v56 =	vshll.u32 v2, $0x10;
	[tilespmem:s9+$0x5630] =	vst v5;
	v0 =	vmul.f32 v54, v0  }
0x170: {  	v57 =	vld [tilespmem:s9+$0x56B0];
	[tilespmem:s9+$0x5610] =	vst v3;
	v1 =	vmul.f32 v56, v1  }
0x171: {  	v58 =	vld [tilespmem:s9+$0x5680];
	s0 =	sand.u32 $0x800, s31;
	[tilespmem:s9+$0x5670] =	vst v0  }
0x172: {  	v59 =	vld [tilespmem:s9+$0x56E0];
	s0 =	sor.u32 s26, s0;
	[tilespmem:s9+$0x5660] =	vst v1  }
0x173: {  	v60 =	vld [tilespmem:s0+$0x8670]  }
0x174: {  	v61 =	vld [tilespmem:s0+$0x8640]  }
0x175: {  	v7 =	vld [tilespmem:s0+$0x8650]  }
0x176: {  	v8 =	vld [tilespmem:s9+$0x5690]  }
0x177: {  	v9 =	vld [tilespmem:s0+$0x8660]  }
0x178: {  	v53 =	vld [tilespmem:s9+$0x56C0];
	v10 =	vshll.u32 v60, $0x10  }
0x179: {  	v11 =	vld [tilespmem:s9+$0x56A0];
	v12 =	vshll.u32 v61, $0x10;
	v1 =	vmul.f32 v10, v59  }
0x17a: {  	v62 =	vld [tilespmem:s9+$0x56F0];
	v63 =	vand.u32 $0xFFFF0000, v7;
	v0 =	vmul.f32 v12, v58  }
0x17b: {  	v55 =	vld [tilespmem:s9+$0x56D0];
	v5 =	vand.u32 $0xFFFF0000, v61;
	v3 =	vmul.f32 v63, v57;
	[tilespmem:s9+$0x56E0] =	vst v1  }
0x17c: {  	v15 =	vshll.u32 v9, $0x10;
	v14 =	vmul.f32 v5, v8;
	[tilespmem:s9+$0x5680] =	vst v0  }
0x17d: {  	v16 =	vshll.u32 v7, $0x10;
	[tilespmem:s9+$0x56B0] =	vst v3;
	v0 =	vmul.f32 v15, v53  }
0x17e: {  	v18 =	vand.u32 $0xFFFF0000, v60;
	[tilespmem:s9+$0x5690] =	vst v14;
	v1 =	vmul.f32 v16, v11  }
0x17f: {  	s25 =	sadd.s32 $0x1000, s29;
	v20 =	vand.u32 $0xFFFF0000, v9;
	[tilespmem:s9+$0x56C0] =	vst v0;
	v0 =	vmul.f32 v18, v62  }
0x180: {  	v21 =	vld [tilespmem:s9+$0x5750];
	s0 =	sand.u32 $0x3000, s25;
	[tilespmem:s9+$0x56A0] =	vst v1;
	v1 =	vmul.f32 v20, v55  }
0x181: {  	v22 =	vld [tilespmem:s9+$0x5700];
	s0 =	sshrl.u32 s0, $0x2;
	[tilespmem:s9+$0x56F0] =	vst v0  }
0x182: {  	v23 =	vld [tilespmem:s9+$0x5710];
	s0 =	sor.u32 s26, s0;
	[tilespmem:s9+$0x56D0] =	vst v1  }
0x183: {  	v24 =	vld [tilespmem:s0+$0x8600]  }
0x184: {  	v28 =	vld [tilespmem:s9+$0x5770]  }
0x185: {  	v26 =	vld [tilespmem:s0+$0x8620]  }
0x186: {  	v27 =	vld [tilespmem:s0+$0x8630]  }
0x187: {  	v25 =	vld [tilespmem:s0+$0x8610]  }
0x188: {  	v29 =	vld [tilespmem:s9+$0x5730];
	v30 =	vand.u32 $0xFFFF0000, v24  }
0x189: {  	v19 =	vld [tilespmem:s9+$0x5760];
	v5 =	vshll.u32 v24, $0x10;
	v1 =	vmul.f32 v30, v23  }
0x18a: {  	v17 =	vld [tilespmem:s9+$0x5740];
	v13 =	vand.u32 $0xFFFF0000, v26;
	v0 =	vmul.f32 v5, v22  }
0x18b: {  	v33 =	vld [tilespmem:s9+$0x5720];
	v37 =	vand.u32 $0xFFFF0000, v27;
	v4 =	vmul.f32 v13, v21;
	[tilespmem:s9+$0x5710] =	vst v1  }
0x18c: {  	v39 =	vand.u32 $0xFFFF0000, v25;
	v38 =	vmul.f32 v37, v28;
	[tilespmem:s9+$0x5700] =	vst v0  }
0x18d: {  	v34 =	vshll.u32 v27, $0x10;
	v40 =	vmul.f32 v39, v29;
	[tilespmem:s9+$0x5750] =	vst v4  }
0x18e: {  	v35 =	vshll.u32 v26, $0x10;
	v1 =	vmul.f32 v34, v19;
	[tilespmem:s9+$0x5770] =	vst v38  }
0x18f: {  	v41 =	vshll.u32 v25, $0x10;
	v0 =	vmul.f32 v35, v17;
	[tilespmem:s9+$0x5730] =	vst v40  }
0x190: {  	v32 =	vld [tilespmem:s9+$0x57B0];
	[tilespmem:s9+$0x5760] =	vst v1;
	v1 =	vmul.f32 v41, v33  }
0x191: {  	v36 =	vld [tilespmem:s9+$0x57C0];
	s28 =	sand.u32 $0xC00, s28;
	[tilespmem:s9+$0x5740] =	vst v0  }
0x192: {  	v43 =	vld [tilespmem:s9+$0x5780];
	s0 =	sor.u32 s26, s28;
	[tilespmem:s9+$0x5720] =	vst v1  }
0x193: {  	v1 =	vld [tilespmem:s0+$0x8640]  }
0x194: {  	v4 =	vld [tilespmem:s0+$0x8650]  }
0x195: {  	v44 =	vld [tilespmem:s0+$0x8660]  }
0x196: {  	v45 =	vld [tilespmem:s9+$0x57D0]  }
0x197: {  	v46 =	vld [tilespmem:s0+$0x8670]  }
0x198: {  	v31 =	vld [tilespmem:s9+$0x57E0];
	v47 =	vshll.u32 v1, $0x10  }
0x199: {  	v48 =	vld [tilespmem:s9+$0x57F0];
	v49 =	vand.u32 $0xFFFF0000, v4;
	v0 =	vmul.f32 v47, v43  }
0x19a: {  	v42 =	vld [tilespmem:s9+$0x57A0];
	v51 =	vshll.u32 v44, $0x10;
	v8 =	vmul.f32 v49, v32  }
0x19b: {  	v50 =	vld [tilespmem:s9+$0x5790];
	v5 =	vand.u32 $0xFFFF0000, v44;
	v2 =	vmul.f32 v51, v36;
	[tilespmem:s9+$0x5780] =	vst v0  }
0x19c: {  	v53 =	vshll.u32 v46, $0x10;
	v52 =	vmul.f32 v5, v45;
	[tilespmem:s9+$0x57B0] =	vst v8  }
0x19d: {  	v54 =	vand.u32 $0xFFFF0000, v46;
	v5 =	vmul.f32 v53, v31;
	[tilespmem:s9+$0x57C0] =	vst v2  }
0x19e: {  	v55 =	vshll.u32 v4, $0x10;
	v56 =	vmul.f32 v54, v48;
	[tilespmem:s9+$0x57D0] =	vst v52  }
0x19f: {  	v57 =	vand.u32 $0xFFFF0000, v1;
	v58 =	vmul.f32 v55, v42;
	[tilespmem:s9+$0x57E0] =	vst v5  }
0x1a0: {  	v0 =	vmul.f32 v57, v50;
	[tilespmem:s9+$0x57F0] =	vst v56  }
0x1a1: {  	[tilespmem:s9+$0x57A0] =	vst v58  }
0x1a2: {  	s29 =	simm.s32 $0x3580;
	s0 =	sadd.s32 $0x3, s8;
	[tilespmem:s9+$0x5790] =	vst v0  }
0x1a3: {  	[spmem:s3] =	stream.indirect.scatter.add.f32 [tilespmem:s19], [sflag:$0x3], $0x80, s29, s13, $0xb8;
	[tilespmem:$0x1D600] =	vst v63  }
0x1a4: {  	s1 =	smov.u32 s14;
	p0 =	slt.s32 s0, s14;
	_ =	swait.ge [sflag:s12], $0x2000  }
0x1a5: {  	s1 =	smov.u32 @p0 s0;
	[sflag:s12] =	ssyncset.done $0x0  }
0x1a6: {  	s0 =	sshll.u32 s1, $0x6;
	[sflag:s12] =	ssyncadd.s32 $0xFFFFE000  }
0x1a7: {  	v59 =	vld [tilespmem:s0+$0x0];
	_ =	sdelay $0x4  }
0x1a8: {  	v60 =	vshrl.u32 v59, $0x10  }
0x1a9: {  	v0 =	vand.u32 $0xFFFF, v59;
	[tilespmem:$0x3480] =	vst v60  }
0x1aa: {  	s1 =	sor.u32 $0x50, s0;
	[tilespmem:$0x3580] =	vst v0  }
0x1ab: {  	v0 =	vld [tilespmem:s1+$0x0];
	_ =	sdelay $0x4  }
0x1ac: {  	v61 =	vshrl.u32 v0, $0x10  }
0x1ad: {  	v0 =	vand.u32 $0xFFFF, v0;
	[tilespmem:$0x3490] =	vst v61  }
0x1ae: {  	s30 =	sor.u32 $0x60, s0;
	[tilespmem:$0x3590] =	vst v0  }
0x1af: {  	v0 =	vld [tilespmem:s30+$0x0];
	_ =	sdelay $0x4  }
0x1b0: {  	v62 =	vshrl.u32 v0, $0x10  }
0x1b1: {  	v0 =	vand.u32 $0xFFFF, v0;
	[tilespmem:$0x34A0] =	vst v62  }
0x1b2: {  	s31 =	sor.u32 $0x70, s0;
	[tilespmem:$0x35A0] =	vst v0  }
0x1b3: {  	v0 =	vld [tilespmem:s31+$0x0];
	_ =	sdelay $0x3  }
0x1b4: {  	s17 =	sadd.s32 $0x1, s17  }
0x1b5: {  	p0 =	sne.s32 s17, s20;
	v63 =	vshrl.u32 v0, $0x10  }
.Ltmp2:
0x1b6: {  	s0 =	sadd.s32 s11, s0;
	v0 =	vand.u32 $0xFFFF, v0;
	[tilespmem:$0x34B0] =	vst v63;
	(pc) =	sbr.rel @p0 .LBB2_2-.Ltmp2, $4  }
0x1b7: {  	s0 =	sshll.u32 s0, $0x3;
	[tilespmem:$0x35B0] =	vst v0  }
0x1b8: {  	[tilespmem:s19], [sflag:$0x2] =	stream.indirect.gather [hbm4b:s2+s13], $0x80, s18, s13, $0xb8;
	[tilespmem:$0x1D600] =	vst v63  }
0x1b9: {  	s0 =	sadd.s32 s5, s0  }
0x1ba: {  	[tilespmem:s21], [sflag:$0x2] =	stream.linear.gather [hbm4b:s0+s4], $0x1000, $0x38;
	[tilespmem:$0x1D600] =	vst v63  }
0x1bb: {  	_ =	swait.ge [sflag:s22], $0x2000  }
0x1bc: {  	[sflag:s22] =	ssyncset.done $0x0  }
0x1bd: {  	[sflag:s22] =	ssyncadd.s32 $0xFFFFE000  }
0x1be: {  	_ =	swait.ge [sflag:s22], $0x1000  }
0x1bf: {  	[sflag:s22] =	ssyncset.done $0x0  }
0x1c0: {  	[sflag:s22] =	ssyncadd.s32 $0xFFFFF000  }
0x1c1: {  	_ =	swait.ge [sflag:s24], $0x2000  }
0x1c2: {  	[sflag:s24] =	ssyncset.done $0x0  }
0x1c3: {  	[sflag:s24] =	ssyncadd.s32 $0xFFFFE000  }
0x1c4: {  	_ =	swait.ge [sflag:s24], $0x1000  }
0x1c5: {  	[sflag:s24] =	ssyncset.done $0x0  }
0x1c6: {  	[sflag:s24] =	ssyncadd.s32 $0xFFFFF000  }
0x1c7: {  	[bflag:$0x0] =	sbarrier.arrive $0xFFFF  }
0x1c8: {  	s15 =	rddreg [dreg:$0x5]  }
0x1c9: {  	[tilespmem:s10], [sflag:$0x3] =	stream.linear.gather [spmem:s15], $0x2000, $0x38;
	[tilespmem:$0x1D600] =	vst v63  }
0x1ca: {  	_ =	swait.ge [sflag:s12], $0x2000  }
0x1cb: {  	[sflag:s12] =	ssyncset.done $0x0  }
0x1cc: {  	s0 =	rddreg [dreg:$0x9];
	[sflag:s12] =	ssyncadd.s32 $0xFFFFE000  }
0x1cd: {  	[hbm4b:s0+s4] =	stream.linear.scatter [tilespmem:s10], [sflag:$0x3], $0x2000, $0x38;
	[tilespmem:$0x1D600] =	vst v63  }
0x1ce: {  	_ =	swait.ge [sflag:s12], $0x2000  }
0x1cf: {  	[sflag:s12] =	ssyncset.done $0x0  }
0x1d0: {  	s9 =	rddreg [dreg:$0x6];
	[sflag:s12] =	ssyncadd.s32 $0xFFFFE000  }
0x1d1: {  	[tilespmem:s10], [sflag:$0x3] =	stream.linear.gather [spmem:s9], $0x2000, $0x38;
	[tilespmem:$0x1D600] =	vst v63  }
0x1d2: {  	_ =	swait.ge [sflag:s12], $0x2000  }
0x1d3: {  	[sflag:s12] =	ssyncset.done $0x0  }
0x1d4: {  	s7 =	rddreg [dreg:$0xa];
	[sflag:s12] =	ssyncadd.s32 $0xFFFFE000  }
0x1d5: {  	[hbm4b:s7+s4] =	stream.linear.scatter [tilespmem:s10], [sflag:$0x3], $0x2000, $0x38;
	[tilespmem:$0x1D600] =	vst v63  }
0x1d6: {  	_ =	swait.ge [sflag:s12], $0x2000  }
0x1d7: {  	[sflag:s12] =	ssyncset.done $0x0  }
0x1d8: {  	s16 =	rddreg [dreg:$0x7];
	[sflag:s12] =	ssyncadd.s32 $0xFFFFE000  }
0x1d9: {  	[tilespmem:s10], [sflag:$0x3] =	stream.linear.gather [spmem:s16], $0x2000, $0x38;
	[tilespmem:$0x1D600] =	vst v63  }
0x1da: {  	_ =	swait.ge [sflag:s12], $0x2000  }
0x1db: {  	[sflag:s12] =	ssyncset.done $0x0  }
0x1dc: {  	s8 =	rddreg [dreg:$0xb];
	[sflag:s12] =	ssyncadd.s32 $0xFFFFE000  }
0x1dd: {  	[hbm4b:s8+s4] =	stream.linear.scatter [tilespmem:s10], [sflag:$0x3], $0x2000, $0x38;
	[tilespmem:$0x1D600] =	vst v63  }
0x1de: {  	_ =	swait.ge [sflag:s12], $0x2000  }
0x1df: {  	[sflag:s12] =	ssyncset.done $0x0  }
0x1e0: {  	s1 =	rddreg [dreg:$0x15];
	[sflag:s12] =	ssyncadd.s32 $0xFFFFE000  }
0x1e1: {  	[tilespmem:s10], [sflag:$0x3] =	stream.linear.gather [spmem:s1], $0x2000, $0x38;
	[tilespmem:$0x1D600] =	vst v63  }
0x1e2: {  	_ =	swait.ge [sflag:s12], $0x2000  }
0x1e3: {  	[sflag:s12] =	ssyncset.done $0x0  }
0x1e4: {  	s17 =	rddreg [dreg:$0xc];
	[sflag:s12] =	ssyncadd.s32 $0xFFFFE000  }
0x1e5: {  	[hbm4b:s17+s4] =	stream.linear.scatter [tilespmem:s10], [sflag:$0x3], $0x2000, $0x38;
	[tilespmem:$0x1D600] =	vst v63  }
0x1e6: {  	_ =	swait.ge [sflag:s12], $0x2000  }
0x1e7: {  	[sflag:s12] =	ssyncset.done $0x0  }
0x1e8: {  	s7 =	rddreg [dreg:$0x16];
	[sflag:s12] =	ssyncadd.s32 $0xFFFFE000  }
0x1e9: {  	[tilespmem:s10], [sflag:$0x3] =	stream.linear.gather [spmem:s7], $0x2000, $0x38;
	[tilespmem:$0x1D600] =	vst v63  }
0x1ea: {  	_ =	swait.ge [sflag:s12], $0x2000  }
0x1eb: {  	[sflag:s12] =	ssyncset.done $0x0  }
0x1ec: {  	s23 =	rddreg [dreg:$0xe];
	[sflag:s12] =	ssyncadd.s32 $0xFFFFE000  }
0x1ed: {  	[hbm4b:s23+s4] =	stream.linear.scatter [tilespmem:s10], [sflag:$0x3], $0x2000, $0x38;
	[tilespmem:$0x1D600] =	vst v63  }
0x1ee: {  	_ =	swait.ge [sflag:s12], $0x2000  }
0x1ef: {  	[sflag:s12] =	ssyncset.done $0x0  }
0x1f0: {  	s8 =	rddreg [dreg:$0x17];
	[sflag:s12] =	ssyncadd.s32 $0xFFFFE000  }
0x1f1: {  	[tilespmem:s10], [sflag:$0x3] =	stream.linear.gather [spmem:s8], $0x2000, $0x38;
	[tilespmem:$0x1D600] =	vst v63  }
0x1f2: {  	_ =	swait.ge [sflag:s12], $0x2000  }
0x1f3: {  	[sflag:s12] =	ssyncset.done $0x0  }
0x1f4: {  	s25 =	rddreg [dreg:$0xf];
	[sflag:s12] =	ssyncadd.s32 $0xFFFFE000  }
0x1f5: {  	[hbm4b:s25+s4] =	stream.linear.scatter [tilespmem:s10], [sflag:$0x3], $0x2000, $0x38;
	[tilespmem:$0x1D600] =	vst v63  }
0x1f6: {  	_ =	swait.ge [sflag:s12], $0x2000  }
0x1f7: {  	[sflag:s12] =	ssyncset.done $0x0  }
0x1f8: {  	s17 =	rddreg [dreg:$0x18];
	[sflag:s12] =	ssyncadd.s32 $0xFFFFE000  }
0x1f9: {  	[tilespmem:s10], [sflag:$0x3] =	stream.linear.gather [spmem:s17], $0x2000, $0x38;
	[tilespmem:$0x1D600] =	vst v63  }
0x1fa: {  	_ =	swait.ge [sflag:s12], $0x2000  }
0x1fb: {  	[sflag:s12] =	ssyncset.done $0x0  }
0x1fc: {  	s26 =	rddreg [dreg:$0x10];
	[sflag:s12] =	ssyncadd.s32 $0xFFFFE000  }
0x1fd: {  	[hbm4b:s26+s4] =	stream.linear.scatter [tilespmem:s10], [sflag:$0x3], $0x2000, $0x38;
	[tilespmem:$0x1D600] =	vst v63  }
0x1fe: {  	_ =	swait.ge [sflag:s12], $0x2000  }
0x1ff: {  	[sflag:s12] =	ssyncset.done $0x0  }
0x200: {  	s23 =	rddreg [dreg:$0x19];
	[sflag:s12] =	ssyncadd.s32 $0xFFFFE000  }
0x201: {  	[tilespmem:s10], [sflag:$0x3] =	stream.linear.gather [spmem:s23], $0x2000, $0x38;
	[tilespmem:$0x1D600] =	vst v63  }
0x202: {  	_ =	swait.ge [sflag:s12], $0x2000  }
0x203: {  	[sflag:s12] =	ssyncset.done $0x0  }
0x204: {  	s28 =	rddreg [dreg:$0x11];
	[sflag:s12] =	ssyncadd.s32 $0xFFFFE000  }
0x205: {  	[hbm4b:s28+s4] =	stream.linear.scatter [tilespmem:s10], [sflag:$0x3], $0x2000, $0x38;
	[tilespmem:$0x1D600] =	vst v63  }
0x206: {  	_ =	swait.ge [sflag:s12], $0x2000  }
0x207: {  	[sflag:s12] =	ssyncset.done $0x0  }
0x208: {  	s25 =	rddreg [dreg:$0x1a];
	[sflag:s12] =	ssyncadd.s32 $0xFFFFE000  }
0x209: {  	[tilespmem:s10], [sflag:$0x3] =	stream.linear.gather [spmem:s25], $0x2000, $0x38;
	[tilespmem:$0x1D600] =	vst v63  }
0x20a: {  	_ =	swait.ge [sflag:s12], $0x2000  }
0x20b: {  	[sflag:s12] =	ssyncset.done $0x0  }
0x20c: {  	s29 =	rddreg [dreg:$0x12];
	[sflag:s12] =	ssyncadd.s32 $0xFFFFE000  }
0x20d: {  	[hbm4b:s29+s4] =	stream.linear.scatter [tilespmem:s10], [sflag:$0x3], $0x2000, $0x38;
	[tilespmem:$0x1D600] =	vst v63  }
0x20e: {  	_ =	swait.ge [sflag:s12], $0x2000  }
0x20f: {  	[sflag:s12] =	ssyncset.done $0x0  }
0x210: {  	s26 =	rddreg [dreg:$0x1b];
	[sflag:s12] =	ssyncadd.s32 $0xFFFFE000  }
0x211: {  	[tilespmem:s10], [sflag:$0x3] =	stream.linear.gather [spmem:s26], $0x2000, $0x38;
	[tilespmem:$0x1D600] =	vst v63  }
0x212: {  	_ =	swait.ge [sflag:s12], $0x2000  }
0x213: {  	[sflag:s12] =	ssyncset.done $0x0  }
0x214: {  	s30 =	rddreg [dreg:$0x13];
	[sflag:s12] =	ssyncadd.s32 $0xFFFFE000  }
0x215: {  	[hbm4b:s30+s4] =	stream.linear.scatter [tilespmem:s10], [sflag:$0x3], $0x2000, $0x38;
	[tilespmem:$0x1D600] =	vst v63  }
0x216: {  	_ =	swait.ge [sflag:s12], $0x2000  }
0x217: {  	s6 =	rddreg [dreg:$0x1d]  }
0x218: {  	s31 =	rddreg [dreg:$0x14];
	s6 =	sadd.s32 $0x1, s6  }
0x219: {  	p0 =	sne.s32 s6, s31  }
.Ltmp3:
0x21a: {  	_ = 	snop;
	(pc) =	sbr.rel @p0 .LBB2_1-.Ltmp3, $3  }
0x21b: {  	_ =	sdelay $0x1  }
0x21c: {  	[sflag:s12] =	ssyncset.done $0x0  }
0x21d: {  	[sflag:s12] =	ssyncadd.s32 $0xFFFFE000  }
0x21e: {  	_ =	sfence.sel $0x180000  }
0x21f: {  	[bflag:$0x0] =	sbarrier.arrive $0xFFFF  }
0x220: {  	_ =	strace $0x90000047  }
0x221: {  	s0 =	stileid.u32;
	[bflag:$0x2] =	sbarrier.arrive $0xFFFF  }
0x222: {  	p0 =	sne.s32 s0, $0x0;
	s0 =	rddreg [dreg:$0x3]  }
0x223: {  	s0 =	sadd.s32 @!p0 $0x100000, s0  }
0x224: {  	[sflag:s0] =	ssyncadd.tile.s32 @!p0 $0x1;
	_ =	shalt  }
.Lfunc_end2:
_tile_overlayer_lowered:
.L_overlay_start_2:
0x225: {  	(tag) =	ssettag $0x2  }
0x226: {  	s0 =	rddreg [dreg:$0x0];
	s2 =	stileid.u32  }
0x227: {  	s1 =	rddreg [dreg:$0x1];
	p0 =	sne.s32 s2, $0x0  }
0x228: {  	s3 =	rddreg [dreg:$0x2];
	[bflag:$0x3] =	sbarrier.arrive $0xFFFF;
	s2 =	simm.s32 @!p0 $0x1C03  }
0x229: {  	[timem:s3], [sflag:s2] =	dma.local @!p0 [hbm:s0], s1  }
0x22a: {  	s0 =	simm.s32 @!p0 $0x3  }
0x22b: {  	_ =	swait.ge @!p0 [sflag:s0], s1  }
0x22c: {  	s1 =	ssub.s32 @!p0 $0x0, s1;
	[sflag:s0] =	ssyncset.done @!p0 $0x0  }
0x22d: {  	[sflag:s0] =	ssyncadd.s32 @!p0 s1  }
0x22e: {  	[bflag:$0x3] =	sbarrier.arrive $0xFFFF  }
0x22f: {  	_ =	shalt  }

</sc_bundles>
